<compile_context>
chip_gen: v7x
topology: tpu7x:2x2x1
jax: 0.10.2.dev20260603
libtpu: 0.0.44.dev20260713+nightly
codegen_flags: <defaults>
</compile_context>

<pallas_src>
import functools

import jax
import jax.numpy as jnp
from jax.experimental import pallas as pl
from jax.experimental.pallas import tpu as pltpu
from jax.experimental.pallas import tpu_sc as plsc

FPS_POINTS = 512
NEIGHBORS = 32
B, N, C = 8, 4096, 128

_NC, _NS = 2, 16
_NW = _NC * _NS
_ROWS = B * FPS_POINTS * NEIGHBORS
_ROWS_W = _ROWS // _NW
_CHUNK = 128
_NCHUNK = _ROWS_W // _CHUNK
_QPC = _CHUNK // NEIGHBORS


_FPS_NCH = 4
_FPS_W = N // _FPS_NCH


def _fps_body(far0_ref, xyz_ref, nxt_ref):
    nch, w = _FPS_NCH, _FPS_W
    xc = [[xyz_ref[c, :, j * w:(j + 1) * w] for j in range(nch)]
          for c in range(3)]
    lanes = [jax.lax.broadcasted_iota(jnp.int32, (B, w), 1) + j * w
             for j in range(nch)]
    lane_s = jax.lax.broadcasted_iota(jnp.int32, (B, FPS_POINTS), 1)

    def body(i, carry):
        dist = list(carry[:nch])
        far, a0, a1, a2 = carry[nch:]
        oh = [(lanes[j] == far).astype(jnp.float32) for j in range(nch)]
        cs = []
        for c in range(3):
            parts = [jnp.sum(xc[c][j] * oh[j], axis=1, keepdims=True)
                     for j in range(nch)]
            s = parts[0]
            for p in parts[1:]:
                s = s + p
            cs.append(s)
        c0, c1, c2 = cs
        sel = lane_s == i
        a0 = jnp.where(sel, c0, a0)
        a1 = jnp.where(sel, c1, a1)
        a2 = jnp.where(sel, c2, a2)
        ms = []
        for j in range(nch):
            d = ((xc[0][j] - c0) ** 2 + (xc[1][j] - c1) ** 2
                 + (xc[2][j] - c2) ** 2)
            dist[j] = jnp.minimum(dist[j], d)
            ms.append(jnp.max(dist[j], axis=1, keepdims=True))
        m = ms[0]
        for p in ms[1:]:
            m = jnp.maximum(m, p)
        idxs = [jnp.min(jnp.where(dist[j] == m, lanes[j], N),
                        axis=1, keepdims=True) for j in range(nch)]
        far = idxs[0]
        for p in idxs[1:]:
            far = jnp.minimum(far, p)
        return tuple(dist) + (far, a0, a1, a2)

    dist0 = tuple(jnp.full((B, w), 1e10, dtype=jnp.float32)
                  for _ in range(nch))
    zeros = jnp.zeros((B, FPS_POINTS), dtype=jnp.float32)
    out = jax.lax.fori_loop(
        0, FPS_POINTS, body, dist0 + (far0_ref[...], zeros, zeros, zeros))
    _, a0, a1, a2 = out[nch:]
    nxt_ref[0] = a0
    nxt_ref[1] = a1
    nxt_ref[2] = a2


def _fps_new_xyz(xyz, farthest0):
    xyz_t = jnp.transpose(xyz, (2, 0, 1))
    far0 = farthest0.astype(jnp.int32).reshape(B, 1)
    return pl.pallas_call(
        _fps_body,
        out_shape=jax.ShapeDtypeStruct((3, B, FPS_POINTS), jnp.float32),
    )(far0, xyz_t)


def _sc_gather_body(idx_hbm, xf_hbm, xyzp_hbm, qp_hbm, gp_hbm, gx_hbm,
                    idx_v, xrows_v, xyzrows_v, q_v, gxc_v, semx, semz):
    cid = jax.lax.axis_index("c")
    sid = jax.lax.axis_index("s")
    wid = sid * _NC + cid
    base = wid * _ROWS_W
    qwbase = wid * (_ROWS_W // NEIGHBORS)

    def start(ci, p):
        rbase = base + ci * _CHUNK
        pltpu.sync_copy(idx_hbm.at[pl.ds(rbase, _CHUNK)], idx_v[p])
        pltpu.async_copy(xf_hbm.at[idx_v[p]], xrows_v[p], semx[p])
        pltpu.async_copy(xyzp_hbm.at[idx_v[p]], xyzrows_v[p], semz[p])

    def finish(ci, p, half):
        rbase = base + ci * _CHUNK
        pltpu.make_async_copy(xyzp_hbm.at[idx_v[p]], xyzrows_v[p],
                              semz[p]).wait()
        for j in range(_QPC):
            qvec = q_v[half * _QPC + j, :16]
            for r in range(NEIGHBORS):
                row = j * NEIGHBORS + r
                gxc_v[row] = xyzrows_v[p][row, :16] - qvec
        pltpu.sync_copy(gxc_v, gx_hbm.at[pl.ds(rbase, _CHUNK)])
        pltpu.make_async_copy(xf_hbm.at[idx_v[p]], xrows_v[p], semx[p]).wait()
        pltpu.sync_copy(xrows_v[p], gp_hbm.at[pl.ds(rbase, _CHUNK)])

    start(0, 0)

    def pair_body(ci2, carry):
        pltpu.sync_copy(qp_hbm.at[pl.ds(qwbase + ci2 * 8, 8)], q_v)
        ci = ci2 * 2
        start(ci + 1, 1)
        finish(ci, 0, 0)

        @pl.when(ci2 < _NCHUNK // 2 - 1)
        def _():
            start(ci + 2, 0)

        finish(ci + 1, 1, 1)
        return carry

    jax.lax.fori_loop(0, _NCHUNK // 2, pair_body, 0)


def _sc_gather(idx_flat, xf, xyzp, qp):
    mesh = plsc.VectorSubcoreMesh(core_axis_name="c", subcore_axis_name="s")
    return pl.kernel(
        _sc_gather_body,
        out_type=(jax.ShapeDtypeStruct((_ROWS, C), jnp.float32),
                  jax.ShapeDtypeStruct((_ROWS, 16), jnp.float32)),
        mesh=mesh,
        scratch_types=[
            [pltpu.VMEM((_CHUNK,), jnp.int32)] * 2,
            [pltpu.VMEM((_CHUNK, C), jnp.float32)] * 2,
            [pltpu.VMEM((_CHUNK, 128), jnp.float32)] * 2,
            pltpu.VMEM((8, 128), jnp.float32),
            pltpu.VMEM((_CHUNK, 16), jnp.float32),
            [pltpu.SemaphoreType.DMA] * 2,
            [pltpu.SemaphoreType.DMA] * 2,
        ],
    )(idx_flat, xf, xyzp, qp)


def _knn_body(xyz_ref, q_ref, out_ref):
    b = pl.program_id(0)
    xs = xyz_ref[0]
    q = q_ref[0]
    xs2 = xs * xs
    xn = xs2[0:1] + xs2[1:2] + xs2[2:3]
    qn = jnp.sum(q * q, axis=1, keepdims=True)
    g = jax.lax.dot_general(q, xs, (((1,), (0,)), ((), ())),
                            precision=jax.lax.Precision.DEFAULT)
    d = (-2.0 * g + qn) + xn
    lane = jax.lax.broadcasted_iota(jnp.int32, (FPS_POINTS, N), 1)
    lane_k = jax.lax.broadcasted_iota(jnp.int32, (FPS_POINTS, NEIGHBORS), 1)
    big = jnp.float32(jnp.inf)

    del lane
    S = FPS_POINTS
    nblk, bw = 32, N // 32
    dblk = [d[:, j * bw:(j + 1) * bw] for j in range(nblk)]
    lane_w = jax.lax.broadcasted_iota(jnp.int32, (S, bw), 1)
    lane_b = jax.lax.broadcasted_iota(jnp.int32, (S, nblk), 1)
    bm = jnp.full((S, nblk), big, dtype=jnp.float32)
    for j in range(nblk):
        bm = jnp.where(lane_b == j,
                       jnp.min(dblk[j], axis=1, keepdims=True), bm)

    def sel(k, carry):
        bm, m_prev, i_prev, knn = carry
        mb = jnp.min(bm, axis=1, keepdims=True)
        j_star = jnp.min(jnp.where(bm == mb, lane_b, nblk),
                         axis=1, keepdims=True)
        acc = jnp.full((S, bw), big, dtype=jnp.float32)
        for j in range(nblk):
            acc = jnp.where(j_star == j, dblk[j], acc)
        gbase = j_star * bw
        glane = gbase + lane_w
        excl = (acc < m_prev) | ((acc == m_prev) & (glane <= i_prev))
        masked = jnp.where(excl, big, acc)
        m_cur = jnp.min(masked, axis=1, keepdims=True)
        w = jnp.min(jnp.where(masked == m_cur, lane_w, bw),
                    axis=1, keepdims=True)
        gidx = gbase + w
        knn = jnp.where(lane_k == k, gidx, knn)
        nb = jnp.min(jnp.where(lane_w == w, big, masked), axis=1, keepdims=True)
        bm = jnp.where(lane_b == j_star, nb, bm)
        return bm, m_cur, gidx, knn

    knn0 = jnp.zeros((S, NEIGHBORS), dtype=jnp.int32)
    m0 = jnp.full((S, 1), -jnp.inf, dtype=jnp.float32)
    i0 = jnp.full((S, 1), -1, dtype=jnp.int32)
    _, _, _, knn = jax.lax.fori_loop(0, NEIGHBORS, sel, (bm, m0, i0, knn0))
    out_ref[0] = knn + b * N


def _knn_flat_idx(xyz, new_xyz):
    xyz_t = jnp.transpose(xyz, (0, 2, 1))
    return pl.pallas_call(
        _knn_body,
        grid=(B,),
        in_specs=[
            pl.BlockSpec((1, 3, N), lambda b: (b, 0, 0)),
            pl.BlockSpec((1, FPS_POINTS, 3), lambda b: (b, 0, 0)),
        ],
        out_specs=pl.BlockSpec((1, FPS_POINTS, NEIGHBORS), lambda b: (b, 0, 0)),
        out_shape=jax.ShapeDtypeStruct((B, FPS_POINTS, NEIGHBORS), jnp.int32),
    )(xyz_t, new_xyz)


def kernel(xyz, x, farthest0):
    nxt = _fps_new_xyz(xyz, farthest0)
    new_xyz = jnp.transpose(nxt, (1, 2, 0))
    idx_flat = _knn_flat_idx(xyz, new_xyz).reshape(-1)
    xf = x.reshape(B * N, C)
    xyzp = jnp.pad(xyz, ((0, 0), (0, 0), (0, 125))).reshape(B * N, 128)
    qp = jnp.pad(new_xyz, ((0, 0), (0, 0), (0, 125))).reshape(B * FPS_POINTS, 128)
    gp, gx = _sc_gather(idx_flat, xf, xyzp, qp)
    grouped_points = gp.reshape(B, FPS_POINTS, NEIGHBORS, C)
    grouped_xyz = gx.reshape(B, FPS_POINTS, NEIGHBORS, 16)[..., :3]
    return jnp.concatenate([grouped_xyz, grouped_points], axis=-1)

# --- scband reference (transcript-rebuilt; emitter-appended) ---
"""Pipeline reference for scband-base-block-21534966022870 (READ-ONLY COPY).

The authoritative reference and input builder live on the scoring server;
editing this copy changes nothing except your own understanding.
"""

import jax, jax.numpy as jnp
import numpy as np

FPS_POINTS = 512
NEIGHBORS = 32
B, N, C = 8, 4096, 128

def farthest_point_sample(xyz, npoint, farthest0):
    Bb, Nn, _ = xyz.shape
    batch_idx = jnp.arange(Bb)
    def body(i, state):
        centroids, distance, farthest = state
        centroids = centroids.at[:, i].set(farthest)
        centroid = xyz[batch_idx, farthest, :].reshape(Bb, 1, 3)
        dist = jnp.sum((xyz - centroid) ** 2, -1)
        distance = jnp.minimum(distance, dist)
        farthest = jnp.argmax(distance, -1).astype(jnp.int32)
        return (centroids, distance, farthest)
    centroids0 = jnp.zeros((Bb, npoint), dtype=jnp.int32)
    distance0 = jnp.ones((Bb, Nn), dtype=jnp.float32) * 1e10
    centroids, _, _ = jax.lax.fori_loop(0, npoint, body, (centroids0, distance0, farthest0.astype(jnp.int32)))
    return centroids

def index_points(points, idx):
    Bb = points.shape[0]
    batch = jnp.arange(Bb).reshape((Bb,) + (1,) * (idx.ndim - 1))
    return points[batch, idx]

def square_distance(src, dst):
    dist = -2.0 * jnp.matmul(src, jnp.swapaxes(dst, 1, 2))
    dist = dist + jnp.sum(src ** 2, -1)[..., None]
    dist = dist + jnp.sum(dst ** 2, -1)[:, None, :]
    return dist

def setup_inputs(seed: int = 0):
    key = jax.random.key(seed)
    k1, k2, k3 = jax.random.split(key, 3)
    xyz = jax.random.normal(k1, (B, N, 3), dtype=jnp.float32)
    x = jax.random.normal(k2, (B, N, C), dtype=jnp.float32)
    farthest0 = jax.random.randint(k3, (B,), 0, N)
    return {"xyz": xyz, "x": x, "farthest0": farthest0}

def reference(xyz, x, farthest0):
    # FPS downsampling (sequential, like the torch buffer-seeded loop)
    fps_idx = farthest_point_sample(xyz, FPS_POINTS, farthest0)
    new_xyz = index_points(xyz, fps_idx)                    # [B, S, 3]
    new_points = index_points(x, fps_idx)                   # [B, S, C]
    # kNN grouping: exact squared-distance retrieval + top-k smallest
    dists = square_distance(new_xyz, xyz)                   # [B, S, N]
    _, knn_idx = jax.lax.top_k(-dists, NEIGHBORS)           # [B, S, K]
    grouped_xyz = index_points(xyz, knn_idx) - new_xyz[:, :, None, :]   # [B, S, K, 3]
    grouped_points = index_points(x, knn_idx)               # [B, S, K, C]
    out = jnp.concatenate([grouped_xyz, grouped_points], axis=-1)       # [B, S, K, 3+C]
    return out

if __name__ == "__main__":
    import jax
    _d = setup_inputs()
    print(jax.jit(kernel)(*tuple(_d.values())))

</pallas_src>

<mosaic_0001>
#map = affine_map<(d0, d1) -> (0)>
#map1 = affine_map<(d0, d1) -> (0, 0)>
module attributes {stable_mosaic.version = 14 : i64} {
  func.func @_sc_gather_body(%arg0: i32, %arg1: i32, %arg2: memref<131072xi32, #tpu.memory_space<hbm>>, %arg3: memref<32768x128xf32, #tpu.memory_space<hbm>>, %arg4: memref<32768x128xf32, #tpu.memory_space<hbm>>, %arg5: memref<4096x128xf32, #tpu.memory_space<hbm>>, %arg6: memref<131072x128xf32, #tpu.memory_space<hbm>>, %arg7: memref<131072x16xf32, #tpu.memory_space<hbm>>, %arg8: memref<128xi32, #tpu.memory_space<vmem>>, %arg9: memref<128xi32, #tpu.memory_space<vmem>>, %arg10: memref<128x128xf32, #tpu.memory_space<vmem>>, %arg11: memref<128x128xf32, #tpu.memory_space<vmem>>, %arg12: memref<128x128xf32, #tpu.memory_space<vmem>>, %arg13: memref<128x128xf32, #tpu.memory_space<vmem>>, %arg14: memref<8x128xf32, #tpu.memory_space<vmem>>, %arg15: memref<128x16xf32, #tpu.memory_space<vmem>>, %arg16: memref<!tpu.dma_semaphore, #tpu.memory_space<semaphore_mem>>, %arg17: memref<!tpu.dma_semaphore, #tpu.memory_space<semaphore_mem>>, %arg18: memref<!tpu.dma_semaphore, #tpu.memory_space<semaphore_mem>>, %arg19: memref<!tpu.dma_semaphore, #tpu.memory_space<semaphore_mem>>) attributes {dimension_semantics = [#tpu.dimension_semantics<core_parallel>, #tpu.dimension_semantics<subcore_parallel>], iteration_bounds = array<i64: 2, 16>, scalar_prefetch = 0 : i64, scratch_operands = 12 : i64, tpu.core_type = #tpu.core_type<sc_vector_subcore>, window_params = [{transform_indices = #map}, {transform_indices = #map1}, {transform_indices = #map1}, {transform_indices = #map1}, {transform_indices = #map1}, {transform_indices = #map1}]} {
    %mul3A = arith.constant 2 : i32
    %mul3A_0 = arith.muli %arg1, %mul3A : i32
    %add3A = arith.addi %mul3A_0, %arg0 : i32
    %mul3A_1 = arith.constant 4096 : i32
    %mul3A_2 = arith.muli %add3A, %mul3A_1 : i32
    %mul3A_3 = arith.constant 128 : i32
    %mul3A_4 = arith.muli %add3A, %mul3A_3 : i32
    %add3A_5 = arith.constant 0 : i32
    %add3A_6 = arith.addi %mul3A_2, %add3A_5 : i32
    "tpu.region"() ({
      %run_scoped3A = tpu.sem_alloc : memref<!tpu.dma_semaphore, #tpu.memory_space<semaphore_mem>>
      %dma_start3A_17 = tpu.memref_slice %arg2[%add3A_6] : memref<131072xi32, #tpu.memory_space<hbm>> -> memref<128xi32, #tpu.memory_space<hbm>>
      %dma_start3A_18 = tpu.memref_slice %arg2[%add3A_6] : memref<131072xi32, #tpu.memory_space<hbm>> -> memref<128xi32, #tpu.memory_space<hbm>>
      tpu.enqueue_dma source(%dma_start3A_18 : memref<128xi32, #tpu.memory_space<hbm>>) target(%arg8 : memref<128xi32, #tpu.memory_space<vmem>>) target_semaphore(%run_scoped3A : memref<!tpu.dma_semaphore, #tpu.memory_space<semaphore_mem>>)
      %dma_wait3A = tpu.memref_slice %arg2[%add3A_6] : memref<131072xi32, #tpu.memory_space<hbm>> -> memref<128xi32, #tpu.memory_space<hbm>>
      %dma_wait3A_19 = tpu.memref_slice %arg2[%add3A_6] : memref<131072xi32, #tpu.memory_space<hbm>> -> memref<128xi32, #tpu.memory_space<hbm>>
      tpu.wait_dma2 semaphore(%run_scoped3A : memref<!tpu.dma_semaphore, #tpu.memory_space<semaphore_mem>>) src(%dma_wait3A_19 : memref<128xi32, #tpu.memory_space<hbm>>) dst(%arg8 : memref<128xi32, #tpu.memory_space<vmem>>)
      tpu.yield
    }) : () -> ()
    %dma_start3A = arith.constant 0 : i32
    %dma_start3A_7 = arith.constant 0 : i32
    %dma_start3A_8 = tpu.memref_slice %arg3[%dma_start3A, %dma_start3A_7] : memref<32768x128xf32, #tpu.memory_space<hbm>> -> memref<32768x128xf32, #tpu.memory_space<hbm>>
    tpu.enqueue_indirect_dma source(%dma_start3A_8 : memref<32768x128xf32, #tpu.memory_space<hbm>>) target(%arg10 : memref<128x128xf32, #tpu.memory_space<vmem>>) offsets(%arg8 : memref<128xi32, #tpu.memory_space<vmem>>) semaphore(%arg16 : memref<!tpu.dma_semaphore, #tpu.memory_space<semaphore_mem>>)
    %dma_start3A_9 = arith.constant 0 : i32
    %dma_start3A_10 = arith.constant 0 : i32
    %dma_start3A_11 = tpu.memref_slice %arg4[%dma_start3A_9, %dma_start3A_10] : memref<32768x128xf32, #tpu.memory_space<hbm>> -> memref<32768x128xf32, #tpu.memory_space<hbm>>
    tpu.enqueue_indirect_dma source(%dma_start3A_11 : memref<32768x128xf32, #tpu.memory_space<hbm>>) target(%arg12 : memref<128x128xf32, #tpu.memory_space<vmem>>) offsets(%arg8 : memref<128xi32, #tpu.memory_space<vmem>>) semaphore(%arg18 : memref<!tpu.dma_semaphore, #tpu.memory_space<semaphore_mem>>)
    %scan3A = arith.constant 0 : i32
    %scan3A_12 = arith.constant 0 : i32
    %scan3A_13 = arith.constant 16 : i32
    %scan3A_14 = arith.addi %scan3A_12, %scan3A_13 : i32
    %scan3A_15 = arith.constant 1 : i32
    scf.for %scan3A_17 = %scan3A_12 to %scan3A_14 step %scan3A_15  : i32 {
      %mul3A_18 = arith.constant 8 : i32
      %mul3A_19 = arith.muli %scan3A_17, %mul3A_18 : i32
      %add3A_20 = arith.addi %mul3A_4, %mul3A_19 : i32
      "tpu.region"() ({
        %run_scoped3A = tpu.sem_alloc : memref<!tpu.dma_semaphore, #tpu.memory_space<semaphore_mem>>
        %dma_start3A_3164 = arith.constant 0 : i32
        %dma_start3A_3165 = tpu.memref_slice %arg5[%add3A_20, %dma_start3A_3164] : memref<4096x128xf32, #tpu.memory_space<hbm>> -> memref<8x128xf32, #tpu.memory_space<hbm>>
        %dma_start3A_3166 = arith.constant 0 : i32
        %dma_start3A_3167 = tpu.memref_slice %arg5[%add3A_20, %dma_start3A_3166] : memref<4096x128xf32, #tpu.memory_space<hbm>> -> memref<8x128xf32, #tpu.memory_space<hbm>>
        tpu.enqueue_dma source(%dma_start3A_3167 : memref<8x128xf32, #tpu.memory_space<hbm>>) target(%arg14 : memref<8x128xf32, #tpu.memory_space<vmem>>) target_semaphore(%run_scoped3A : memref<!tpu.dma_semaphore, #tpu.memory_space<semaphore_mem>>)
        %dma_wait3A_3168 = arith.constant 0 : i32
        %dma_wait3A_3169 = tpu.memref_slice %arg5[%add3A_20, %dma_wait3A_3168] : memref<4096x128xf32, #tpu.memory_space<hbm>> -> memref<8x128xf32, #tpu.memory_space<hbm>>
        %dma_wait3A_3170 = arith.constant 0 : i32
        %dma_wait3A_3171 = tpu.memref_slice %arg5[%add3A_20, %dma_wait3A_3170] : memref<4096x128xf32, #tpu.memory_space<hbm>> -> memref<8x128xf32, #tpu.memory_space<hbm>>
        tpu.wait_dma2 semaphore(%run_scoped3A : memref<!tpu.dma_semaphore, #tpu.memory_space<semaphore_mem>>) src(%dma_wait3A_3171 : memref<8x128xf32, #tpu.memory_space<hbm>>) dst(%arg14 : memref<8x128xf32, #tpu.memory_space<vmem>>)
        tpu.yield
      }) : () -> ()
      %mul3A_21 = arith.constant 2 : i32
      %mul3A_22 = arith.muli %scan3A_17, %mul3A_21 : i32
      %add3A_23 = arith.constant 1 : i32
      %add3A_24 = arith.addi %mul3A_22, %add3A_23 : i32
      %mul3A_25 = arith.constant 128 : i32
      %mul3A_26 = arith.muli %add3A_24, %mul3A_25 : i32
      %add3A_27 = arith.addi %mul3A_2, %mul3A_26 : i32
      "tpu.region"() ({
        %run_scoped3A = tpu.sem_alloc : memref<!tpu.dma_semaphore, #tpu.memory_space<semaphore_mem>>
        %dma_start3A_3164 = tpu.memref_slice %arg2[%add3A_27] : memref<131072xi32, #tpu.memory_space<hbm>> -> memref<128xi32, #tpu.memory_space<hbm>>
        %dma_start3A_3165 = tpu.memref_slice %arg2[%add3A_27] : memref<131072xi32, #tpu.memory_space<hbm>> -> memref<128xi32, #tpu.memory_space<hbm>>
        tpu.enqueue_dma source(%dma_start3A_3165 : memref<128xi32, #tpu.memory_space<hbm>>) target(%arg9 : memref<128xi32, #tpu.memory_space<vmem>>) target_semaphore(%run_scoped3A : memref<!tpu.dma_semaphore, #tpu.memory_space<semaphore_mem>>)
        %dma_wait3A_3166 = tpu.memref_slice %arg2[%add3A_27] : memref<131072xi32, #tpu.memory_space<hbm>> -> memref<128xi32, #tpu.memory_space<hbm>>
        %dma_wait3A_3167 = tpu.memref_slice %arg2[%add3A_27] : memref<131072xi32, #tpu.memory_space<hbm>> -> memref<128xi32, #tpu.memory_space<hbm>>
        tpu.wait_dma2 semaphore(%run_scoped3A : memref<!tpu.dma_semaphore, #tpu.memory_space<semaphore_mem>>) src(%dma_wait3A_3167 : memref<128xi32, #tpu.memory_space<hbm>>) dst(%arg9 : memref<128xi32, #tpu.memory_space<vmem>>)
        tpu.yield
      }) : () -> ()
      %dma_start3A_28 = arith.constant 0 : i32
      %dma_start3A_29 = arith.constant 0 : i32
      %dma_start3A_30 = tpu.memref_slice %arg3[%dma_start3A_28, %dma_start3A_29] : memref<32768x128xf32, #tpu.memory_space<hbm>> -> memref<32768x128xf32, #tpu.memory_space<hbm>>
      tpu.enqueue_indirect_dma source(%dma_start3A_30 : memref<32768x128xf32, #tpu.memory_space<hbm>>) target(%arg11 : memref<128x128xf32, #tpu.memory_space<vmem>>) offsets(%arg9 : memref<128xi32, #tpu.memory_space<vmem>>) semaphore(%arg17 : memref<!tpu.dma_semaphore, #tpu.memory_space<semaphore_mem>>)
      %dma_start3A_31 = arith.constant 0 : i32
      %dma_start3A_32 = arith.constant 0 : i32
      %dma_start3A_33 = tpu.memref_slice %arg4[%dma_start3A_31, %dma_start3A_32] : memref<32768x128xf32, #tpu.memory_space<hbm>> -> memref<32768x128xf32, #tpu.memory_space<hbm>>
      tpu.enqueue_indirect_dma source(%dma_start3A_33 : memref<32768x128xf32, #tpu.memory_space<hbm>>) target(%arg13 : memref<128x128xf32, #tpu.memory_space<vmem>>) offsets(%arg9 : memref<128xi32, #tpu.memory_space<vmem>>) semaphore(%arg19 : memref<!tpu.dma_semaphore, #tpu.memory_space<semaphore_mem>>)
      %mul3A_34 = arith.constant 128 : i32
      %mul3A_35 = arith.muli %mul3A_22, %mul3A_34 : i32
      %add3A_36 = arith.addi %mul3A_2, %mul3A_35 : i32
      %dma_wait3A = arith.constant 0 : i32
      %dma_wait3A_37 = arith.constant 0 : i32
      %dma_wait3A_38 = tpu.memref_slice %arg4[%dma_wait3A, %dma_wait3A_37] : memref<32768x128xf32, #tpu.memory_space<hbm>> -> memref<32768x128xf32, #tpu.memory_space<hbm>>
      tpu.wait_indirect_dma semaphore(%arg18 : memref<!tpu.dma_semaphore, #tpu.memory_space<semaphore_mem>>) src(%dma_wait3A_38 : memref<32768x128xf32, #tpu.memory_space<hbm>>) dst(%arg12 : memref<128x128xf32, #tpu.memory_space<vmem>>)
      %get3A = arith.constant 0 : i32
      %get3A_39 = arith.index_cast %get3A : i32 to index
      %get3A_40 = arith.constant 0 : index
      %get3A_41 = tpu.vector_load %arg14[%get3A_39, %get3A_40] {strides = array<i32>} : memref<8x128xf32, #tpu.memory_space<vmem>>, vector<1x16xf32>,
      %get3A_42 = vector.shape_cast %get3A_41 : vector<1x16xf32> to vector<16xf32>
      %get3A_43 = arith.constant 0 : i32
      %get3A_44 = arith.index_cast %get3A_43 : i32 to index
      %get3A_45 = arith.constant 0 : index
      %get3A_46 = tpu.vector_load %arg12[%get3A_44, %get3A_45] {strides = array<i32>} : memref<128x128xf32, #tpu.memory_space<vmem>>, vector<1x16xf32>,
      %get3A_47 = vector.shape_cast %get3A_46 : vector<1x16xf32> to vector<16xf32>
      %sub3A = arith.subf %get3A_47, %get3A_42 : vector<16xf32>
      %swap3A = arith.constant 0 : i32
      %swap3A_48 = arith.index_cast %swap3A : i32 to index
      %swap3A_49 = arith.constant 0 : index
      %swap3A_50 = tpu.vector_load %arg15[%swap3A_48, %swap3A_49] {strides = array<i32>} : memref<128x16xf32, #tpu.memory_space<vmem>>, vector<1x16xf32>,
      %swap3A_51 = vector.shape_cast %swap3A_50 : vector<1x16xf32> to vector<16xf32>
      %swap3A_52 = vector.shape_cast %sub3A : vector<16xf32> to vector<1x16xf32>
      tpu.vector_store %arg15[%swap3A_48, %swap3A_49], %swap3A_52 {strides = array<i32>} : memref<128x16xf32, #tpu.memory_space<vmem>>, vector<1x16xf32>,
      %get3A_53 = arith.constant 1 : i32
      %get3A_54 = arith.index_cast %get3A_53 : i32 to index
      %get3A_55 = arith.constant 0 : index
      %get3A_56 = tpu.vector_load %arg12[%get3A_54, %get3A_55] {strides = array<i32>} : memref<128x128xf32, #tpu.memory_space<vmem>>, vector<1x16xf32>,
      %get3A_57 = vector.shape_cast %get3A_56 : vector<1x16xf32> to vector<16xf32>
      %sub3A_58 = arith.subf %get3A_57, %get3A_42 : vector<16xf32>
      %swap3A_59 = arith.constant 1 : i32
      %swap3A_60 = arith.index_cast %swap3A_59 : i32 to index
      %swap3A_61 = arith.constant 0 : index
      %swap3A_62 = tpu.vector_load %arg15[%swap3A_60, %swap3A_61] {strides = array<i32>} : memref<128x16xf32, #tpu.memory_space<vmem>>, vector<1x16xf32>,
      %swap3A_63 = vector.shape_cast %swap3A_62 : vector<1x16xf32> to vector<16xf32>
      %swap3A_64 = vector.shape_cast %sub3A_58 : vector<16xf32> to vector<1x16xf32>
      tpu.vector_store %arg15[%swap3A_60, %swap3A_61], %swap3A_64 {strides = array<i32>} : memref<128x16xf32, #tpu.memory_space<vmem>>, vector<1x16xf32>,
      %get3A_65 = arith.constant 2 : i32
      %get3A_66 = arith.index_cast %get3A_65 : i32 to index
      %get3A_67 = arith.constant 0 : index
      %get3A_68 = tpu.vector_load %arg12[%get3A_66, %get3A_67] {strides = array<i32>} : memref<128x128xf32, #tpu.memory_space<vmem>>, vector<1x16xf32>,
      %get3A_69 = vector.shape_cast %get3A_68 : vector<1x16xf32> to vector<16xf32>
      %sub3A_70 = arith.subf %get3A_69, %get3A_42 : vector<16xf32>
      %swap3A_71 = arith.constant 2 : i32
      %swap3A_72 = arith.index_cast %swap3A_71 : i32 to index
      %swap3A_73 = arith.constant 0 : index
      %swap3A_74 = tpu.vector_load %arg15[%swap3A_72, %swap3A_73] {strides = array<i32>} : memref<128x16xf32, #tpu.memory_space<vmem>>, vector<1x16xf32>,
      %swap3A_75 = vector.shape_cast %swap3A_74 : vector<1x16xf32> to vector<16xf32>
      %swap3A_76 = vector.shape_cast %sub3A_70 : vector<16xf32> to vector<1x16xf32>
      tpu.vector_store %arg15[%swap3A_72, %swap3A_73], %swap3A_76 {strides = array<i32>} : memref<128x16xf32, #tpu.memory_space<vmem>>, vector<1x16xf32>,
      %get3A_77 = arith.constant 3 : i32
      %get3A_78 = arith.index_cast %get3A_77 : i32 to index
      %get3A_79 = arith.constant 0 : index
      %get3A_80 = tpu.vector_load %arg12[%get3A_78, %get3A_79] {strides = array<i32>} : memref<128x128xf32, #tpu.memory_space<vmem>>, vector<1x16xf32>,
      %get3A_81 = vector.shape_cast %get3A_80 : vector<1x16xf32> to vector<16xf32>
      %sub3A_82 = arith.subf %get3A_81, %get3A_42 : vector<16xf32>
      %swap3A_83 = arith.constant 3 : i32
      %swap3A_84 = arith.index_cast %swap3A_83 : i32 to index
      %swap3A_85 = arith.constant 0 : index
      %swap3A_86 = tpu.vector_load %arg15[%swap3A_84, %swap3A_85] {strides = array<i32>} : memref<128x16xf32, #tpu.memory_space<vmem>>, vector<1x16xf32>,
      %swap3A_87 = vector.shape_cast %swap3A_86 : vector<1x16xf32> to vector<16xf32>
      %swap3A_88 = vector.shape_cast %sub3A_82 : vector<16xf32> to vector<1x16xf32>
      tpu.vector_store %arg15[%swap3A_84, %swap3A_85], %swap3A_88 {strides = array<i32>} : memref<128x16xf32, #tpu.memory_space<vmem>>, vector<1x16xf32>,
      %get3A_89 = arith.constant 4 : i32
      %get3A_90 = arith.index_cast %get3A_89 : i32 to index
      %get3A_91 = arith.constant 0 : index
      %get3A_92 = tpu.vector_load %arg12[%get3A_90, %get3A_91] {strides = array<i32>} : memref<128x128xf32, #tpu.memory_space<vmem>>, vector<1x16xf32>,
      %get3A_93 = vector.shape_cast %get3A_92 : vector<1x16xf32> to vector<16xf32>
      %sub3A_94 = arith.subf %get3A_93, %get3A_42 : vector<16xf32>
      %swap3A_95 = arith.constant 4 : i32
      %swap3A_96 = arith.index_cast %swap3A_95 : i32 to index
      %swap3A_97 = arith.constant 0 : index
      %swap3A_98 = tpu.vector_load %arg15[%swap3A_96, %swap3A_97] {strides = array<i32>} : memref<128x16xf32, #tpu.memory_space<vmem>>, vector<1x16xf32>,
      %swap3A_99 = vector.shape_cast %swap3A_98 : vector<1x16xf32> to vector<16xf32>
      %swap3A_100 = vector.shape_cast %sub3A_94 : vector<16xf32> to vector<1x16xf32>
      tpu.vector_store %arg15[%swap3A_96, %swap3A_97], %swap3A_100 {strides = array<i32>} : memref<128x16xf32, #tpu.memory_space<vmem>>, vector<1x16xf32>,
      %get3A_101 = arith.constant 5 : i32
      %get3A_102 = arith.index_cast %get3A_101 : i32 to index
      %get3A_103 = arith.constant 0 : index
      %get3A_104 = tpu.vector_load %arg12[%get3A_102, %get3A_103] {strides = array<i32>} : memref<128x128xf32, #tpu.memory_space<vmem>>, vector<1x16xf32>,
      %get3A_105 = vector.shape_cast %get3A_104 : vector<1x16xf32> to vector<16xf32>
      %sub3A_106 = arith.subf %get3A_105, %get3A_42 : vector<16xf32>
      %swap3A_107 = arith.constant 5 : i32
      %swap3A_108 = arith.index_cast %swap3A_107 : i32 to index
      %swap3A_109 = arith.constant 0 : index
      %swap3A_110 = tpu.vector_load %arg15[%swap3A_108, %swap3A_109] {strides = array<i32>} : memref<128x16xf32, #tpu.memory_space<vmem>>, vector<1x16xf32>,
      %swap3A_111 = vector.shape_cast %swap3A_110 : vector<1x16xf32> to vector<16xf32>
      %swap3A_112 = vector.shape_cast %sub3A_106 : vector<16xf32> to vector<1x16xf32>
      tpu.vector_store %arg15[%swap3A_108, %swap3A_109], %swap3A_112 {strides = array<i32>} : memref<128x16xf32, #tpu.memory_space<vmem>>, vector<1x16xf32>,
      %get3A_113 = arith.constant 6 : i32
      %get3A_114 = arith.index_cast %get3A_113 : i32 to index
      %get3A_115 = arith.constant 0 : index
      %get3A_116 = tpu.vector_load %arg12[%get3A_114, %get3A_115] {strides = array<i32>} : memref<128x128xf32, #tpu.memory_space<vmem>>, vector<1x16xf32>,
      %get3A_117 = vector.shape_cast %get3A_116 : vector<1x16xf32> to vector<16xf32>
      %sub3A_118 = arith.subf %get3A_117, %get3A_42 : vector<16xf32>
      %swap3A_119 = arith.constant 6 : i32
      %swap3A_120 = arith.index_cast %swap3A_119 : i32 to index
      %swap3A_121 = arith.constant 0 : index
      %swap3A_122 = tpu.vector_load %arg15[%swap3A_120, %swap3A_121] {strides = array<i32>} : memref<128x16xf32, #tpu.memory_space<vmem>>, vector<1x16xf32>,
      %swap3A_123 = vector.shape_cast %swap3A_122 : vector<1x16xf32> to vector<16xf32>
      %swap3A_124 = vector.shape_cast %sub3A_118 : vector<16xf32> to vector<1x16xf32>
      tpu.vector_store %arg15[%swap3A_120, %swap3A_121], %swap3A_124 {strides = array<i32>} : memref<128x16xf32, #tpu.memory_space<vmem>>, vector<1x16xf32>,
      %get3A_125 = arith.constant 7 : i32
      %get3A_126 = arith.index_cast %get3A_125 : i32 to index
      %get3A_127 = arith.constant 0 : index
      %get3A_128 = tpu.vector_load %arg12[%get3A_126, %get3A_127] {strides = array<i32>} : memref<128x128xf32, #tpu.memory_space<vmem>>, vector<1x16xf32>,
      %get3A_129 = vector.shape_cast %get3A_128 : vector<1x16xf32> to vector<16xf32>
      %sub3A_130 = arith.subf %get3A_129, %get3A_42 : vector<16xf32>
      %swap3A_131 = arith.constant 7 : i32
      %swap3A_132 = arith.index_cast %swap3A_131 : i32 to index
      %swap3A_133 = arith.constant 0 : index
      %swap3A_134 = tpu.vector_load %arg15[%swap3A_132, %swap3A_133] {strides = array<i32>} : memref<128x16xf32, #tpu.memory_space<vmem>>, vector<1x16xf32>,
      %swap3A_135 = vector.shape_cast %swap3A_134 : vector<1x16xf32> to vector<16xf32>
      %swap3A_136 = vector.shape_cast %sub3A_130 : vector<16xf32> to vector<1x16xf32>
      tpu.vector_store %arg15[%swap3A_132, %swap3A_133], %swap3A_136 {strides = array<i32>} : memref<128x16xf32, #tpu.memory_space<vmem>>, vector<1x16xf32>,
      %get3A_137 = arith.constant 8 : i32
      %get3A_138 = arith.index_cast %get3A_137 : i32 to index
      %get3A_139 = arith.constant 0 : index
      %get3A_140 = tpu.vector_load %arg12[%get3A_138, %get3A_139] {strides = array<i32>} : memref<128x128xf32, #tpu.memory_space<vmem>>, vector<1x16xf32>,
      %get3A_141 = vector.shape_cast %get3A_140 : vector<1x16xf32> to vector<16xf32>
      %sub3A_142 = arith.subf %get3A_141, %get3A_42 : vector<16xf32>
      %swap3A_143 = arith.constant 8 : i32
      %swap3A_144 = arith.index_cast %swap3A_143 : i32 to index
      %swap3A_145 = arith.constant 0 : index
      %swap3A_146 = tpu.vector_load %arg15[%swap3A_144, %swap3A_145] {strides = array<i32>} : memref<128x16xf32, #tpu.memory_space<vmem>>, vector<1x16xf32>,
      %swap3A_147 = vector.shape_cast %swap3A_146 : vector<1x16xf32> to vector<16xf32>
      %swap3A_148 = vector.shape_cast %sub3A_142 : vector<16xf32> to vector<1x16xf32>
      tpu.vector_store %arg15[%swap3A_144, %swap3A_145], %swap3A_148 {strides = array<i32>} : memref<128x16xf32, #tpu.memory_space<vmem>>, vector<1x16xf32>,
      %get3A_149 = arith.constant 9 : i32
      %get3A_150 = arith.index_cast %get3A_149 : i32 to index
      %get3A_151 = arith.constant 0 : index
      %get3A_152 = tpu.vector_load %arg12[%get3A_150, %get3A_151] {strides = array<i32>} : memref<128x128xf32, #tpu.memory_space<vmem>>, vector<1x16xf32>,
      %get3A_153 = vector.shape_cast %get3A_152 : vector<1x16xf32> to vector<16xf32>
      %sub3A_154 = arith.subf %get3A_153, %get3A_42 : vector<16xf32>
      %swap3A_155 = arith.constant 9 : i32
      %swap3A_156 = arith.index_cast %swap3A_155 : i32 to index
      %swap3A_157 = arith.constant 0 : index
      %swap3A_158 = tpu.vector_load %arg15[%swap3A_156, %swap3A_157] {strides = array<i32>} : memref<128x16xf32, #tpu.memory_space<vmem>>, vector<1x16xf32>,
      %swap3A_159 = vector.shape_cast %swap3A_158 : vector<1x16xf32> to vector<16xf32>
      %swap3A_160 = vector.shape_cast %sub3A_154 : vector<16xf32> to vector<1x16xf32>
      tpu.vector_store %arg15[%swap3A_156, %swap3A_157], %swap3A_160 {strides = array<i32>} : memref<128x16xf32, #tpu.memory_space<vmem>>, vector<1x16xf32>,
      %get3A_161 = arith.constant 10 : i32
      %get3A_162 = arith.index_cast %get3A_161 : i32 to index
      %get3A_163 = arith.constant 0 : index
      %get3A_164 = tpu.vector_load %arg12[%get3A_162, %get3A_163] {strides = array<i32>} : memref<128x128xf32, #tpu.memory_space<vmem>>, vector<1x16xf32>,
      %get3A_165 = vector.shape_cast %get3A_164 : vector<1x16xf32> to vector<16xf32>
      %sub3A_166 = arith.subf %get3A_165, %get3A_42 : vector<16xf32>
      %swap3A_167 = arith.constant 10 : i32
      %swap3A_168 = arith.index_cast %swap3A_167 : i32 to index
      %swap3A_169 = arith.constant 0 : index
      %swap3A_170 = tpu.vector_load %arg15[%swap3A_168, %swap3A_169] {strides = array<i32>} : memref<128x16xf32, #tpu.memory_space<vmem>>, vector<1x16xf32>,
      %swap3A_171 = vector.shape_cast %swap3A_170 : vector<1x16xf32> to vector<16xf32>
      %swap3A_172 = vector.shape_cast %sub3A_166 : vector<16xf32> to vector<1x16xf32>
      tpu.vector_store %arg15[%swap3A_168, %swap3A_169], %swap3A_172 {strides = array<i32>} : memref<128x16xf32, #tpu.memory_space<vmem>>, vector<1x16xf32>,
      %get3A_173 = arith.constant 11 : i32
      %get3A_174 = arith.index_cast %get3A_173 : i32 to index
      %get3A_175 = arith.constant 0 : index
      %get3A_176 = tpu.vector_load %arg12[%get3A_174, %get3A_175] {strides = array<i32>} : memref<128x128xf32, #tpu.memory_space<vmem>>, vector<1x16xf32>,
      %get3A_177 = vector.shape_cast %get3A_176 : vector<1x16xf32> to vector<16xf32>
      %sub3A_178 = arith.subf %get3A_177, %get3A_42 : vector<16xf32>
      %swap3A_179 = arith.constant 11 : i32
      %swap3A_180 = arith.index_cast %swap3A_179 : i32 to index
      %swap3A_181 = arith.constant 0 : index
      %swap3A_182 = tpu.vector_load %arg15[%swap3A_180, %swap3A_181] {strides = array<i32>} : memref<128x16xf32, #tpu.memory_space<vmem>>, vector<1x16xf32>,
      %swap3A_183 = vector.shape_cast %swap3A_182 : vector<1x16xf32> to vector<16xf32>
      %swap3A_184 = vector.shape_cast %sub3A_178 : vector<16xf32> to vector<1x16xf32>
      tpu.vector_store %arg15[%swap3A_180, %swap3A_181], %swap3A_184 {strides = array<i32>} : memref<128x16xf32, #tpu.memory_space<vmem>>, vector<1x16xf32>,
      %get3A_185 = arith.constant 12 : i32
      %get3A_186 = arith.index_cast %get3A_185 : i32 to index
      %get3A_187 = arith.constant 0 : index
      %get3A_188 = tpu.vector_load %arg12[%get3A_186, %get3A_187] {strides = array<i32>} : memref<128x128xf32, #tpu.memory_space<vmem>>, vector<1x16xf32>,
      %get3A_189 = vector.shape_cast %get3A_188 : vector<1x16xf32> to vector<16xf32>
      %sub3A_190 = arith.subf %get3A_189, %get3A_42 : vector<16xf32>
      %swap3A_191 = arith.constant 12 : i32
      %swap3A_192 = arith.index_cast %swap3A_191 : i32 to index
      %swap3A_193 = arith.constant 0 : index
      %swap3A_194 = tpu.vector_load %arg15[%swap3A_192, %swap3A_193] {strides = array<i32>} : memref<128x16xf32, #tpu.memory_space<vmem>>, vector<1x16xf32>,
      %swap3A_195 = vector.shape_cast %swap3A_194 : vector<1x16xf32> to vector<16xf32>
      %swap3A_196 = vector.shape_cast %sub3A_190 : vector<16xf32> to vector<1x16xf32>
      tpu.vector_store %arg15[%swap3A_192, %swap3A_193], %swap3A_196 {strides = array<i32>} : memref<128x16xf32, #tpu.memory_space<vmem>>, vector<1x16xf32>,
      %get3A_197 = arith.constant 13 : i32
      %get3A_198 = arith.index_cast %get3A_197 : i32 to index
      %get3A_199 = arith.constant 0 : index
      %get3A_200 = tpu.vector_load %arg12[%get3A_198, %get3A_199] {strides = array<i32>} : memref<128x128xf32, #tpu.memory_space<vmem>>, vector<1x16xf32>,
      %get3A_201 = vector.shape_cast %get3A_200 : vector<1x16xf32> to vector<16xf32>
      %sub3A_202 = arith.subf %get3A_201, %get3A_42 : vector<16xf32>
      %swap3A_203 = arith.constant 13 : i32
      %swap3A_204 = arith.index_cast %swap3A_203 : i32 to index
      %swap3A_205 = arith.constant 0 : index
      %swap3A_206 = tpu.vector_load %arg15[%swap3A_204, %swap3A_205] {strides = array<i32>} : memref<128x16xf32, #tpu.memory_space<vmem>>, vector<1x16xf32>,
      %swap3A_207 = vector.shape_cast %swap3A_206 : vector<1x16xf32> to vector<16xf32>
      %swap3A_208 = vector.shape_cast %sub3A_202 : vector<16xf32> to vector<1x16xf32>
      tpu.vector_store %arg15[%swap3A_204, %swap3A_205], %swap3A_208 {strides = array<i32>} : memref<128x16xf32, #tpu.memory_space<vmem>>, vector<1x16xf32>,
      %get3A_209 = arith.constant 14 : i32
      %get3A_210 = arith.index_cast %get3A_209 : i32 to index
      %get3A_211 = arith.constant 0 : index
      %get3A_212 = tpu.vector_load %arg12[%get3A_210, %get3A_211] {strides = array<i32>} : memref<128x128xf32, #tpu.memory_space<vmem>>, vector<1x16xf32>,
      %get3A_213 = vector.shape_cast %get3A_212 : vector<1x16xf32> to vector<16xf32>
      %sub3A_214 = arith.subf %get3A_213, %get3A_42 : vector<16xf32>
      %swap3A_215 = arith.constant 14 : i32
      %swap3A_216 = arith.index_cast %swap3A_215 : i32 to index
      %swap3A_217 = arith.constant 0 : index
      %swap3A_218 = tpu.vector_load %arg15[%swap3A_216, %swap3A_217] {strides = array<i32>} : memref<128x16xf32, #tpu.memory_space<vmem>>, vector<1x16xf32>,
      %swap3A_219 = vector.shape_cast %swap3A_218 : vector<1x16xf32> to vector<16xf32>
      %swap3A_220 = vector.shape_cast %sub3A_214 : vector<16xf32> to vector<1x16xf32>
      tpu.vector_store %arg15[%swap3A_216, %swap3A_217], %swap3A_220 {strides = array<i32>} : memref<128x16xf32, #tpu.memory_space<vmem>>, vector<1x16xf32>,
      %get3A_221 = arith.constant 15 : i32
      %get3A_222 = arith.index_cast %get3A_221 : i32 to index
      %get3A_223 = arith.constant 0 : index
      %get3A_224 = tpu.vector_load %arg12[%get3A_222, %get3A_223] {strides = array<i32>} : memref<128x128xf32, #tpu.memory_space<vmem>>, vector<1x16xf32>,
      %get3A_225 = vector.shape_cast %get3A_224 : vector<1x16xf32> to vector<16xf32>
      %sub3A_226 = arith.subf %get3A_225, %get3A_42 : vector<16xf32>
      %swap3A_227 = arith.constant 15 : i32
      %swap3A_228 = arith.index_cast %swap3A_227 : i32 to index
      %swap3A_229 = arith.constant 0 : index
      %swap3A_230 = tpu.vector_load %arg15[%swap3A_228, %swap3A_229] {strides = array<i32>} : memref<128x16xf32, #tpu.memory_space<vmem>>, vector<1x16xf32>,
      %swap3A_231 = vector.shape_cast %swap3A_230 : vector<1x16xf32> to vector<16xf32>
      %swap3A_232 = vector.shape_cast %sub3A_226 : vector<16xf32> to vector<1x16xf32>
      tpu.vector_store %arg15[%swap3A_228, %swap3A_229], %swap3A_232 {strides = array<i32>} : memref<128x16xf32, #tpu.memory_space<vmem>>, vector<1x16xf32>,
      %get3A_233 = arith.constant 16 : i32
      %get3A_234 = arith.index_cast %get3A_233 : i32 to index
      %get3A_235 = arith.constant 0 : index
      %get3A_236 = tpu.vector_load %arg12[%get3A_234, %get3A_235] {strides = array<i32>} : memref<128x128xf32, #tpu.memory_space<vmem>>, vector<1x16xf32>,
      %get3A_237 = vector.shape_cast %get3A_236 : vector<1x16xf32> to vector<16xf32>
      %sub3A_238 = arith.subf %get3A_237, %get3A_42 : vector<16xf32>
      %swap3A_239 = arith.constant 16 : i32
      %swap3A_240 = arith.index_cast %swap3A_239 : i32 to index
      %swap3A_241 = arith.constant 0 : index
      %swap3A_242 = tpu.vector_load %arg15[%swap3A_240, %swap3A_241] {strides = array<i32>} : memref<128x16xf32, #tpu.memory_space<vmem>>, vector<1x16xf32>,
      %swap3A_243 = vector.shape_cast %swap3A_242 : vector<1x16xf32> to vector<16xf32>
      %swap3A_244 = vector.shape_cast %sub3A_238 : vector<16xf32> to vector<1x16xf32>
      tpu.vector_store %arg15[%swap3A_240, %swap3A_241], %swap3A_244 {strides = array<i32>} : memref<128x16xf32, #tpu.memory_space<vmem>>, vector<1x16xf32>,
      %get3A_245 = arith.constant 17 : i32
      %get3A_246 = arith.index_cast %get3A_245 : i32 to index
      %get3A_247 = arith.constant 0 : index
      %get3A_248 = tpu.vector_load %arg12[%get3A_246, %get3A_247] {strides = array<i32>} : memref<128x128xf32, #tpu.memory_space<vmem>>, vector<1x16xf32>,
      %get3A_249 = vector.shape_cast %get3A_248 : vector<1x16xf32> to vector<16xf32>
      %sub3A_250 = arith.subf %get3A_249, %get3A_42 : vector<16xf32>
      %swap3A_251 = arith.constant 17 : i32
      %swap3A_252 = arith.index_cast %swap3A_251 : i32 to index
      %swap3A_253 = arith.constant 0 : index
      %swap3A_254 = tpu.vector_load %arg15[%swap3A_252, %swap3A_253] {strides = array<i32>} : memref<128x16xf32, #tpu.memory_space<vmem>>, vector<1x16xf32>,
      %swap3A_255 = vector.shape_cast %swap3A_254 : vector<1x16xf32> to vector<16xf32>
      %swap3A_256 = vector.shape_cast %sub3A_250 : vector<16xf32> to vector<1x16xf32>
      tpu.vector_store %arg15[%swap3A_252, %swap3A_253], %swap3A_256 {strides = array<i32>} : memref<128x16xf32, #tpu.memory_space<vmem>>, vector<1x16xf32>,
      %get3A_257 = arith.constant 18 : i32
      %get3A_258 = arith.index_cast %get3A_257 : i32 to index
      %get3A_259 = arith.constant 0 : index
      %get3A_260 = tpu.vector_load %arg12[%get3A_258, %get3A_259] {strides = array<i32>} : memref<128x128xf32, #tpu.memory_space<vmem>>, vector<1x16xf32>,
      %get3A_261 = vector.shape_cast %get3A_260 : vector<1x16xf32> to vector<16xf32>
      %sub3A_262 = arith.subf %get3A_261, %get3A_42 : vector<16xf32>
      %swap3A_263 = arith.constant 18 : i32
      %swap3A_264 = arith.index_cast %swap3A_263 : i32 to index
      %swap3A_265 = arith.constant 0 : index
      %swap3A_266 = tpu.vector_load %arg15[%swap3A_264, %swap3A_265] {strides = array<i32>} : memref<128x16xf32, #tpu.memory_space<vmem>>, vector<1x16xf32>,
      %swap3A_267 = vector.shape_cast %swap3A_266 : vector<1x16xf32> to vector<16xf32>
      %swap3A_268 = vector.shape_cast %sub3A_262 : vector<16xf32> to vector<1x16xf32>
      tpu.vector_store %arg15[%swap3A_264, %swap3A_265], %swap3A_268 {strides = array<i32>} : memref<128x16xf32, #tpu.memory_space<vmem>>, vector<1x16xf32>,
      %get3A_269 = arith.constant 19 : i32
      %get3A_270 = arith.index_cast %get3A_269 : i32 to index
      %get3A_271 = arith.constant 0 : index
      %get3A_272 = tpu.vector_load %arg12[%get3A_270, %get3A_271] {strides = array<i32>} : memref<128x128xf32, #tpu.memory_space<vmem>>, vector<1x16xf32>,
      %get3A_273 = vector.shape_cast %get3A_272 : vector<1x16xf32> to vector<16xf32>
      %sub3A_274 = arith.subf %get3A_273, %get3A_42 : vector<16xf32>
      %swap3A_275 = arith.constant 19 : i32
      %swap3A_276 = arith.index_cast %swap3A_275 : i32 to index
      %swap3A_277 = arith.constant 0 : index
      %swap3A_278 = tpu.vector_load %arg15[%swap3A_276, %swap3A_277] {strides = array<i32>} : memref<128x16xf32, #tpu.memory_space<vmem>>, vector<1x16xf32>,
      %swap3A_279 = vector.shape_cast %swap3A_278 : vector<1x16xf32> to vector<16xf32>
      %swap3A_280 = vector.shape_cast %sub3A_274 : vector<16xf32> to vector<1x16xf32>
      tpu.vector_store %arg15[%swap3A_276, %swap3A_277], %swap3A_280 {strides = array<i32>} : memref<128x16xf32, #tpu.memory_space<vmem>>, vector<1x16xf32>,
      %get3A_281 = arith.constant 20 : i32
      %get3A_282 = arith.index_cast %get3A_281 : i32 to index
      %get3A_283 = arith.constant 0 : index
      %get3A_284 = tpu.vector_load %arg12[%get3A_282, %get3A_283] {strides = array<i32>} : memref<128x128xf32, #tpu.memory_space<vmem>>, vector<1x16xf32>,
      %get3A_285 = vector.shape_cast %get3A_284 : vector<1x16xf32> to vector<16xf32>
      %sub3A_286 = arith.subf %get3A_285, %get3A_42 : vector<16xf32>
      %swap3A_287 = arith.constant 20 : i32
      %swap3A_288 = arith.index_cast %swap3A_287 : i32 to index
      %swap3A_289 = arith.constant 0 : index
      %swap3A_290 = tpu.vector_load %arg15[%swap3A_288, %swap3A_289] {strides = array<i32>} : memref<128x16xf32, #tpu.memory_space<vmem>>, vector<1x16xf32>,
      %swap3A_291 = vector.shape_cast %swap3A_290 : vector<1x16xf32> to vector<16xf32>
      %swap3A_292 = vector.shape_cast %sub3A_286 : vector<16xf32> to vector<1x16xf32>
      tpu.vector_store %arg15[%swap3A_288, %swap3A_289], %swap3A_292 {strides = array<i32>} : memref<128x16xf32, #tpu.memory_space<vmem>>, vector<1x16xf32>,
      %get3A_293 = arith.constant 21 : i32
      %get3A_294 = arith.index_cast %get3A_293 : i32 to index
      %get3A_295 = arith.constant 0 : index
      %get3A_296 = tpu.vector_load %arg12[%get3A_294, %get3A_295] {strides = array<i32>} : memref<128x128xf32, #tpu.memory_space<vmem>>, vector<1x16xf32>,
      %get3A_297 = vector.shape_cast %get3A_296 : vector<1x16xf32> to vector<16xf32>
      %sub3A_298 = arith.subf %get3A_297, %get3A_42 : vector<16xf32>
      %swap3A_299 = arith.constant 21 : i32
      %swap3A_300 = arith.index_cast %swap3A_299 : i32 to index
      %swap3A_301 = arith.constant 0 : index
      %swap3A_302 = tpu.vector_load %arg15[%swap3A_300, %swap3A_301] {strides = array<i32>} : memref<128x16xf32, #tpu.memory_space<vmem>>, vector<1x16xf32>,
      %swap3A_303 = vector.shape_cast %swap3A_302 : vector<1x16xf32> to vector<16xf32>
      %swap3A_304 = vector.shape_cast %sub3A_298 : vector<16xf32> to vector<1x16xf32>
      tpu.vector_store %arg15[%swap3A_300, %swap3A_301], %swap3A_304 {strides = array<i32>} : memref<128x16xf32, #tpu.memory_space<vmem>>, vector<1x16xf32>,
      %get3A_305 = arith.constant 22 : i32
      %get3A_306 = arith.index_cast %get3A_305 : i32 to index
      %get3A_307 = arith.constant 0 : index
      %get3A_308 = tpu.vector_load %arg12[%get3A_306, %get3A_307] {strides = array<i32>} : memref<128x128xf32, #tpu.memory_space<vmem>>, vector<1x16xf32>,
      %get3A_309 = vector.shape_cast %get3A_308 : vector<1x16xf32> to vector<16xf32>
      %sub3A_310 = arith.subf %get3A_309, %get3A_42 : vector<16xf32>
      %swap3A_311 = arith.constant 22 : i32
      %swap3A_312 = arith.index_cast %swap3A_311 : i32 to index
      %swap3A_313 = arith.constant 0 : index
      %swap3A_314 = tpu.vector_load %arg15[%swap3A_312, %swap3A_313] {strides = array<i32>} : memref<128x16xf32, #tpu.memory_space<vmem>>, vector<1x16xf32>,
      %swap3A_315 = vector.shape_cast %swap3A_314 : vector<1x16xf32> to vector<16xf32>
      %swap3A_316 = vector.shape_cast %sub3A_310 : vector<16xf32> to vector<1x16xf32>
      tpu.vector_store %arg15[%swap3A_312, %swap3A_313], %swap3A_316 {strides = array<i32>} : memref<128x16xf32, #tpu.memory_space<vmem>>, vector<1x16xf32>,
      %get3A_317 = arith.constant 23 : i32
      %get3A_318 = arith.index_cast %get3A_317 : i32 to index
      %get3A_319 = arith.constant 0 : index
      %get3A_320 = tpu.vector_load %arg12[%get3A_318, %get3A_319] {strides = array<i32>} : memref<128x128xf32, #tpu.memory_space<vmem>>, vector<1x16xf32>,
      %get3A_321 = vector.shape_cast %get3A_320 : vector<1x16xf32> to vector<16xf32>
      %sub3A_322 = arith.subf %get3A_321, %get3A_42 : vector<16xf32>
      %swap3A_323 = arith.constant 23 : i32
      %swap3A_324 = arith.index_cast %swap3A_323 : i32 to index
      %swap3A_325 = arith.constant 0 : index
      %swap3A_326 = tpu.vector_load %arg15[%swap3A_324, %swap3A_325] {strides = array<i32>} : memref<128x16xf32, #tpu.memory_space<vmem>>, vector<1x16xf32>,
      %swap3A_327 = vector.shape_cast %swap3A_326 : vector<1x16xf32> to vector<16xf32>
      %swap3A_328 = vector.shape_cast %sub3A_322 : vector<16xf32> to vector<1x16xf32>
      tpu.vector_store %arg15[%swap3A_324, %swap3A_325], %swap3A_328 {strides = array<i32>} : memref<128x16xf32, #tpu.memory_space<vmem>>, vector<1x16xf32>,
      %get3A_329 = arith.constant 24 : i32
      %get3A_330 = arith.index_cast %get3A_329 : i32 to index
      %get3A_331 = arith.constant 0 : index
      %get3A_332 = tpu.vector_load %arg12[%get3A_330, %get3A_331] {strides = array<i32>} : memref<128x128xf32, #tpu.memory_space<vmem>>, vector<1x16xf32>,
      %get3A_333 = vector.shape_cast %get3A_332 : vector<1x16xf32> to vector<16xf32>
      %sub3A_334 = arith.subf %get3A_333, %get3A_42 : vector<16xf32>
      %swap3A_335 = arith.constant 24 : i32
      %swap3A_336 = arith.index_cast %swap3A_335 : i32 to index
      %swap3A_337 = arith.constant 0 : index
      %swap3A_338 = tpu.vector_load %arg15[%swap3A_336, %swap3A_337] {strides = array<i32>} : memref<128x16xf32, #tpu.memory_space<vmem>>, vector<1x16xf32>,
      %swap3A_339 = vector.shape_cast %swap3A_338 : vector<1x16xf32> to vector<16xf32>
      %swap3A_340 = vector.shape_cast %sub3A_334 : vector<16xf32> to vector<1x16xf32>
      tpu.vector_store %arg15[%swap3A_336, %swap3A_337], %swap3A_340 {strides = array<i32>} : memref<128x16xf32, #tpu.memory_space<vmem>>, vector<1x16xf32>,
      %get3A_341 = arith.constant 25 : i32
      %get3A_342 = arith.index_cast %get3A_341 : i32 to index
      %get3A_343 = arith.constant 0 : index
      %get3A_344 = tpu.vector_load %arg12[%get3A_342, %get3A_343] {strides = array<i32>} : memref<128x128xf32, #tpu.memory_space<vmem>>, vector<1x16xf32>,
      %get3A_345 = vector.shape_cast %get3A_344 : vector<1x16xf32> to vector<16xf32>
      %sub3A_346 = arith.subf %get3A_345, %get3A_42 : vector<16xf32>
      %swap3A_347 = arith.constant 25 : i32
      %swap3A_348 = arith.index_cast %swap3A_347 : i32 to index
      %swap3A_349 = arith.constant 0 : index
      %swap3A_350 = tpu.vector_load %arg15[%swap3A_348, %swap3A_349] {strides = array<i32>} : memref<128x16xf32, #tpu.memory_space<vmem>>, vector<1x16xf32>,
      %swap3A_351 = vector.shape_cast %swap3A_350 : vector<1x16xf32> to vector<16xf32>
      %swap3A_352 = vector.shape_cast %sub3A_346 : vector<16xf32> to vector<1x16xf32>
      tpu.vector_store %arg15[%swap3A_348, %swap3A_349], %swap3A_352 {strides = array<i32>} : memref<128x16xf32, #tpu.memory_space<vmem>>, vector<1x16xf32>,
      %get3A_353 = arith.constant 26 : i32
      %get3A_354 = arith.index_cast %get3A_353 : i32 to index
      %get3A_355 = arith.constant 0 : index
      %get3A_356 = tpu.vector_load %arg12[%get3A_354, %get3A_355] {strides = array<i32>} : memref<128x128xf32, #tpu.memory_space<vmem>>, vector<1x16xf32>,
      %get3A_357 = vector.shape_cast %get3A_356 : vector<1x16xf32> to vector<16xf32>
      %sub3A_358 = arith.subf %get3A_357, %get3A_42 : vector<16xf32>
      %swap3A_359 = arith.constant 26 : i32
      %swap3A_360 = arith.index_cast %swap3A_359 : i32 to index
      %swap3A_361 = arith.constant 0 : index
      %swap3A_362 = tpu.vector_load %arg15[%swap3A_360, %swap3A_361] {strides = array<i32>} : memref<128x16xf32, #tpu.memory_space<vmem>>, vector<1x16xf32>,
      %swap3A_363 = vector.shape_cast %swap3A_362 : vector<1x16xf32> to vector<16xf32>
      %swap3A_364 = vector.shape_cast %sub3A_358 : vector<16xf32> to vector<1x16xf32>
      tpu.vector_store %arg15[%swap3A_360, %swap3A_361], %swap3A_364 {strides = array<i32>} : memref<128x16xf32, #tpu.memory_space<vmem>>, vector<1x16xf32>,
      %get3A_365 = arith.constant 27 : i32
      %get3A_366 = arith.index_cast %get3A_365 : i32 to index
      %get3A_367 = arith.constant 0 : index
      %get3A_368 = tpu.vector_load %arg12[%get3A_366, %get3A_367] {strides = array<i32>} : memref<128x128xf32, #tpu.memory_space<vmem>>, vector<1x16xf32>,
      %get3A_369 = vector.shape_cast %get3A_368 : vector<1x16xf32> to vector<16xf32>
      %sub3A_370 = arith.subf %get3A_369, %get3A_42 : vector<16xf32>
      %swap3A_371 = arith.constant 27 : i32
      %swap3A_372 = arith.index_cast %swap3A_371 : i32 to index
      %swap3A_373 = arith.constant 0 : index
      %swap3A_374 = tpu.vector_load %arg15[%swap3A_372, %swap3A_373] {strides = array<i32>} : memref<128x16xf32, #tpu.memory_space<vmem>>, vector<1x16xf32>,
      %swap3A_375 = vector.shape_cast %swap3A_374 : vector<1x16xf32> to vector<16xf32>
      %swap3A_376 = vector.shape_cast %sub3A_370 : vector<16xf32> to vector<1x16xf32>
      tpu.vector_store %arg15[%swap3A_372, %swap3A_373], %swap3A_376 {strides = array<i32>} : memref<128x16xf32, #tpu.memory_space<vmem>>, vector<1x16xf32>,
      %get3A_377 = arith.constant 28 : i32
      %get3A_378 = arith.index_cast %get3A_377 : i32 to index
      %get3A_379 = arith.constant 0 : index
      %get3A_380 = tpu.vector_load %arg12[%get3A_378, %get3A_379] {strides = array<i32>} : memref<128x128xf32, #tpu.memory_space<vmem>>, vector<1x16xf32>,
      %get3A_381 = vector.shape_cast %get3A_380 : vector<1x16xf32> to vector<16xf32>
      %sub3A_382 = arith.subf %get3A_381, %get3A_42 : vector<16xf32>
      %swap3A_383 = arith.constant 28 : i32
      %swap3A_384 = arith.index_cast %swap3A_383 : i32 to index
      %swap3A_385 = arith.constant 0 : index
      %swap3A_386 = tpu.vector_load %arg15[%swap3A_384, %swap3A_385] {strides = array<i32>} : memref<128x16xf32, #tpu.memory_space<vmem>>, vector<1x16xf32>,
      %swap3A_387 = vector.shape_cast %swap3A_386 : vector<1x16xf32> to vector<16xf32>
      %swap3A_388 = vector.shape_cast %sub3A_382 : vector<16xf32> to vector<1x16xf32>
      tpu.vector_store %arg15[%swap3A_384, %swap3A_385], %swap3A_388 {strides = array<i32>} : memref<128x16xf32, #tpu.memory_space<vmem>>, vector<1x16xf32>,
      %get3A_389 = arith.constant 29 : i32
      %get3A_390 = arith.index_cast %get3A_389 : i32 to index
      %get3A_391 = arith.constant 0 : index
      %get3A_392 = tpu.vector_load %arg12[%get3A_390, %get3A_391] {strides = array<i32>} : memref<128x128xf32, #tpu.memory_space<vmem>>, vector<1x16xf32>,
      %get3A_393 = vector.shape_cast %get3A_392 : vector<1x16xf32> to vector<16xf32>
      %sub3A_394 = arith.subf %get3A_393, %get3A_42 : vector<16xf32>
      %swap3A_395 = arith.constant 29 : i32
      %swap3A_396 = arith.index_cast %swap3A_395 : i32 to index
      %swap3A_397 = arith.constant 0 : index
      %swap3A_398 = tpu.vector_load %arg15[%swap3A_396, %swap3A_397] {strides = array<i32>} : memref<128x16xf32, #tpu.memory_space<vmem>>, vector<1x16xf32>,
      %swap3A_399 = vector.shape_cast %swap3A_398 : vector<1x16xf32> to vector<16xf32>
      %swap3A_400 = vector.shape_cast %sub3A_394 : vector<16xf32> to vector<1x16xf32>
      tpu.vector_store %arg15[%swap3A_396, %swap3A_397], %swap3A_400 {strides = array<i32>} : memref<128x16xf32, #tpu.memory_space<vmem>>, vector<1x16xf32>,
      %get3A_401 = arith.constant 30 : i32
      %get3A_402 = arith.index_cast %get3A_401 : i32 to index
      %get3A_403 = arith.constant 0 : index
      %get3A_404 = tpu.vector_load %arg12[%get3A_402, %get3A_403] {strides = array<i32>} : memref<128x128xf32, #tpu.memory_space<vmem>>, vector<1x16xf32>,
      %get3A_405 = vector.shape_cast %get3A_404 : vector<1x16xf32> to vector<16xf32>
      %sub3A_406 = arith.subf %get3A_405, %get3A_42 : vector<16xf32>
      %swap3A_407 = arith.constant 30 : i32
      %swap3A_408 = arith.index_cast %swap3A_407 : i32 to index
      %swap3A_409 = arith.constant 0 : index
      %swap3A_410 = tpu.vector_load %arg15[%swap3A_408, %swap3A_409] {strides = array<i32>} : memref<128x16xf32, #tpu.memory_space<vmem>>, vector<1x16xf32>,
      %swap3A_411 = vector.shape_cast %swap3A_410 : vector<1x16xf32> to vector<16xf32>
      %swap3A_412 = vector.shape_cast %sub3A_406 : vector<16xf32> to vector<1x16xf32>
      tpu.vector_store %arg15[%swap3A_408, %swap3A_409], %swap3A_412 {strides = array<i32>} : memref<128x16xf32, #tpu.memory_space<vmem>>, vector<1x16xf32>,
      %get3A_413 = arith.constant 31 : i32
      %get3A_414 = arith.index_cast %get3A_413 : i32 to index
      %get3A_415 = arith.constant 0 : index
      %get3A_416 = tpu.vector_load %arg12[%get3A_414, %get3A_415] {strides = array<i32>} : memref<128x128xf32, #tpu.memory_space<vmem>>, vector<1x16xf32>,
      %get3A_417 = vector.shape_cast %get3A_416 : vector<1x16xf32> to vector<16xf32>
      %sub3A_418 = arith.subf %get3A_417, %get3A_42 : vector<16xf32>
      %swap3A_419 = arith.constant 31 : i32
      %swap3A_420 = arith.index_cast %swap3A_419 : i32 to index
      %swap3A_421 = arith.constant 0 : index
      %swap3A_422 = tpu.vector_load %arg15[%swap3A_420, %swap3A_421] {strides = array<i32>} : memref<128x16xf32, #tpu.memory_space<vmem>>, vector<1x16xf32>,
      %swap3A_423 = vector.shape_cast %swap3A_422 : vector<1x16xf32> to vector<16xf32>
      %swap3A_424 = vector.shape_cast %sub3A_418 : vector<16xf32> to vector<1x16xf32>
      tpu.vector_store %arg15[%swap3A_420, %swap3A_421], %swap3A_424 {strides = array<i32>} : memref<128x16xf32, #tpu.memory_space<vmem>>, vector<1x16xf32>,
      %get3A_425 = arith.constant 1 : i32
      %get3A_426 = arith.index_cast %get3A_425 : i32 to index
      %get3A_427 = arith.constant 0 : index
      %get3A_428 = tpu.vector_load %arg14[%get3A_426, %get3A_427] {strides = array<i32>} : memref<8x128xf32, #tpu.memory_space<vmem>>, vector<1x16xf32>,
      %get3A_429 = vector.shape_cast %get3A_428 : vector<1x16xf32> to vector<16xf32>
      %get3A_430 = arith.constant 32 : i32
      %get3A_431 = arith.index_cast %get3A_430 : i32 to index
      %get3A_432 = arith.constant 0 : index
      %get3A_433 = tpu.vector_load %arg12[%get3A_431, %get3A_432] {strides = array<i32>} : memref<128x128xf32, #tpu.memory_space<vmem>>, vector<1x16xf32>,
      %get3A_434 = vector.shape_cast %get3A_433 : vector<1x16xf32> to vector<16xf32>
      %sub3A_435 = arith.subf %get3A_434, %get3A_429 : vector<16xf32>
      %swap3A_436 = arith.constant 32 : i32
      %swap3A_437 = arith.index_cast %swap3A_436 : i32 to index
      %swap3A_438 = arith.constant 0 : index
      %swap3A_439 = tpu.vector_load %arg15[%swap3A_437, %swap3A_438] {strides = array<i32>} : memref<128x16xf32, #tpu.memory_space<vmem>>, vector<1x16xf32>,
      %swap3A_440 = vector.shape_cast %swap3A_439 : vector<1x16xf32> to vector<16xf32>
      %swap3A_441 = vector.shape_cast %sub3A_435 : vector<16xf32> to vector<1x16xf32>
      tpu.vector_store %arg15[%swap3A_437, %swap3A_438], %swap3A_441 {strides = array<i32>} : memref<128x16xf32, #tpu.memory_space<vmem>>, vector<1x16xf32>,
      %get3A_442 = arith.constant 33 : i32
      %get3A_443 = arith.index_cast %get3A_442 : i32 to index
      %get3A_444 = arith.constant 0 : index
      %get3A_445 = tpu.vector_load %arg12[%get3A_443, %get3A_444] {strides = array<i32>} : memref<128x128xf32, #tpu.memory_space<vmem>>, vector<1x16xf32>,
      %get3A_446 = vector.shape_cast %get3A_445 : vector<1x16xf32> to vector<16xf32>
      %sub3A_447 = arith.subf %get3A_446, %get3A_429 : vector<16xf32>
      %swap3A_448 = arith.constant 33 : i32
      %swap3A_449 = arith.index_cast %swap3A_448 : i32 to index
      %swap3A_450 = arith.constant 0 : index
      %swap3A_451 = tpu.vector_load %arg15[%swap3A_449, %swap3A_450] {strides = array<i32>} : memref<128x16xf32, #tpu.memory_space<vmem>>, vector<1x16xf32>,
      %swap3A_452 = vector.shape_cast %swap3A_451 : vector<1x16xf32> to vector<16xf32>
      %swap3A_453 = vector.shape_cast %sub3A_447 : vector<16xf32> to vector<1x16xf32>
      tpu.vector_store %arg15[%swap3A_449, %swap3A_450], %swap3A_453 {strides = array<i32>} : memref<128x16xf32, #tpu.memory_space<vmem>>, vector<1x16xf32>,
      %get3A_454 = arith.constant 34 : i32
      %get3A_455 = arith.index_cast %get3A_454 : i32 to index
      %get3A_456 = arith.constant 0 : index
      %get3A_457 = tpu.vector_load %arg12[%get3A_455, %get3A_456] {strides = array<i32>} : memref<128x128xf32, #tpu.memory_space<vmem>>, vector<1x16xf32>,
      %get3A_458 = vector.shape_cast %get3A_457 : vector<1x16xf32> to vector<16xf32>
      %sub3A_459 = arith.subf %get3A_458, %get3A_429 : vector<16xf32>
      %swap3A_460 = arith.constant 34 : i32
      %swap3A_461 = arith.index_cast %swap3A_460 : i32 to index
      %swap3A_462 = arith.constant 0 : index
      %swap3A_463 = tpu.vector_load %arg15[%swap3A_461, %swap3A_462] {strides = array<i32>} : memref<128x16xf32, #tpu.memory_space<vmem>>, vector<1x16xf32>,
      %swap3A_464 = vector.shape_cast %swap3A_463 : vector<1x16xf32> to vector<16xf32>
      %swap3A_465 = vector.shape_cast %sub3A_459 : vector<16xf32> to vector<1x16xf32>
      tpu.vector_store %arg15[%swap3A_461, %swap3A_462], %swap3A_465 {strides = array<i32>} : memref<128x16xf32, #tpu.memory_space<vmem>>, vector<1x16xf32>,
      %get3A_466 = arith.constant 35 : i32
      %get3A_467 = arith.index_cast %get3A_466 : i32 to index
      %get3A_468 = arith.constant 0 : index
      %get3A_469 = tpu.vector_load %arg12[%get3A_467, %get3A_468] {strides = array<i32>} : memref<128x128xf32, #tpu.memory_space<vmem>>, vector<1x16xf32>,
      %get3A_470 = vector.shape_cast %get3A_469 : vector<1x16xf32> to vector<16xf32>
      %sub3A_471 = arith.subf %get3A_470, %get3A_429 : vector<16xf32>
      %swap3A_472 = arith.constant 35 : i32
      %swap3A_473 = arith.index_cast %swap3A_472 : i32 to index
      %swap3A_474 = arith.constant 0 : index
      %swap3A_475 = tpu.vector_load %arg15[%swap3A_473, %swap3A_474] {strides = array<i32>} : memref<128x16xf32, #tpu.memory_space<vmem>>, vector<1x16xf32>,
      %swap3A_476 = vector.shape_cast %swap3A_475 : vector<1x16xf32> to vector<16xf32>
      %swap3A_477 = vector.shape_cast %sub3A_471 : vector<16xf32> to vector<1x16xf32>
      tpu.vector_store %arg15[%swap3A_473, %swap3A_474], %swap3A_477 {strides = array<i32>} : memref<128x16xf32, #tpu.memory_space<vmem>>, vector<1x16xf32>,
      %get3A_478 = arith.constant 36 : i32
      %get3A_479 = arith.index_cast %get3A_478 : i32 to index
      %get3A_480 = arith.constant 0 : index
      %get3A_481 = tpu.vector_load %arg12[%get3A_479, %get3A_480] {strides = array<i32>} : memref<128x128xf32, #tpu.memory_space<vmem>>, vector<1x16xf32>,
      %get3A_482 = vector.shape_cast %get3A_481 : vector<1x16xf32> to vector<16xf32>
      %sub3A_483 = arith.subf %get3A_482, %get3A_429 : vector<16xf32>
      %swap3A_484 = arith.constant 36 : i32
      %swap3A_485 = arith.index_cast %swap3A_484 : i32 to index
      %swap3A_486 = arith.constant 0 : index
      %swap3A_487 = tpu.vector_load %arg15[%swap3A_485, %swap3A_486] {strides = array<i32>} : memref<128x16xf32, #tpu.memory_space<vmem>>, vector<1x16xf32>,
      %swap3A_488 = vector.shape_cast %swap3A_487 : vector<1x16xf32> to vector<16xf32>
      %swap3A_489 = vector.shape_cast %sub3A_483 : vector<16xf32> to vector<1x16xf32>
      tpu.vector_store %arg15[%swap3A_485, %swap3A_486], %swap3A_489 {strides = array<i32>} : memref<128x16xf32, #tpu.memory_space<vmem>>, vector<1x16xf32>,
      %get3A_490 = arith.constant 37 : i32
      %get3A_491 = arith.index_cast %get3A_490 : i32 to index
      %get3A_492 = arith.constant 0 : index
      %get3A_493 = tpu.vector_load %arg12[%get3A_491, %get3A_492] {strides = array<i32>} : memref<128x128xf32, #tpu.memory_space<vmem>>, vector<1x16xf32>,
      %get3A_494 = vector.shape_cast %get3A_493 : vector<1x16xf32> to vector<16xf32>
      %sub3A_495 = arith.subf %get3A_494, %get3A_429 : vector<16xf32>
      %swap3A_496 = arith.constant 37 : i32
      %swap3A_497 = arith.index_cast %swap3A_496 : i32 to index
      %swap3A_498 = arith.constant 0 : index
      %swap3A_499 = tpu.vector_load %arg15[%swap3A_497, %swap3A_498] {strides = array<i32>} : memref<128x16xf32, #tpu.memory_space<vmem>>, vector<1x16xf32>,
      %swap3A_500 = vector.shape_cast %swap3A_499 : vector<1x16xf32> to vector<16xf32>
      %swap3A_501 = vector.shape_cast %sub3A_495 : vector<16xf32> to vector<1x16xf32>
      tpu.vector_store %arg15[%swap3A_497, %swap3A_498], %swap3A_501 {strides = array<i32>} : memref<128x16xf32, #tpu.memory_space<vmem>>, vector<1x16xf32>,
      %get3A_502 = arith.constant 38 : i32
      %get3A_503 = arith.index_cast %get3A_502 : i32 to index
      %get3A_504 = arith.constant 0 : index
      %get3A_505 = tpu.vector_load %arg12[%get3A_503, %get3A_504] {strides = array<i32>} : memref<128x128xf32, #tpu.memory_space<vmem>>, vector<1x16xf32>,
      %get3A_506 = vector.shape_cast %get3A_505 : vector<1x16xf32> to vector<16xf32>
      %sub3A_507 = arith.subf %get3A_506, %get3A_429 : vector<16xf32>
      %swap3A_508 = arith.constant 38 : i32
      %swap3A_509 = arith.index_cast %swap3A_508 : i32 to index
      %swap3A_510 = arith.constant 0 : index
      %swap3A_511 = tpu.vector_load %arg15[%swap3A_509, %swap3A_510] {strides = array<i32>} : memref<128x16xf32, #tpu.memory_space<vmem>>, vector<1x16xf32>,
      %swap3A_512 = vector.shape_cast %swap3A_511 : vector<1x16xf32> to vector<16xf32>
      %swap3A_513 = vector.shape_cast %sub3A_507 : vector<16xf32> to vector<1x16xf32>
      tpu.vector_store %arg15[%swap3A_509, %swap3A_510], %swap3A_513 {strides = array<i32>} : memref<128x16xf32, #tpu.memory_space<vmem>>, vector<1x16xf32>,
      %get3A_514 = arith.constant 39 : i32
      %get3A_515 = arith.index_cast %get3A_514 : i32 to index
      %get3A_516 = arith.constant 0 : index
      %get3A_517 = tpu.vector_load %arg12[%get3A_515, %get3A_516] {strides = array<i32>} : memref<128x128xf32, #tpu.memory_space<vmem>>, vector<1x16xf32>,
      %get3A_518 = vector.shape_cast %get3A_517 : vector<1x16xf32> to vector<16xf32>
      %sub3A_519 = arith.subf %get3A_518, %get3A_429 : vector<16xf32>
      %swap3A_520 = arith.constant 39 : i32
      %swap3A_521 = arith.index_cast %swap3A_520 : i32 to index
      %swap3A_522 = arith.constant 0 : index
      %swap3A_523 = tpu.vector_load %arg15[%swap3A_521, %swap3A_522] {strides = array<i32>} : memref<128x16xf32, #tpu.memory_space<vmem>>, vector<1x16xf32>,
      %swap3A_524 = vector.shape_cast %swap3A_523 : vector<1x16xf32> to vector<16xf32>
      %swap3A_525 = vector.shape_cast %sub3A_519 : vector<16xf32> to vector<1x16xf32>
      tpu.vector_store %arg15[%swap3A_521, %swap3A_522], %swap3A_525 {strides = array<i32>} : memref<128x16xf32, #tpu.memory_space<vmem>>, vector<1x16xf32>,
      %get3A_526 = arith.constant 40 : i32
      %get3A_527 = arith.index_cast %get3A_526 : i32 to index
      %get3A_528 = arith.constant 0 : index
      %get3A_529 = tpu.vector_load %arg12[%get3A_527, %get3A_528] {strides = array<i32>} : memref<128x128xf32, #tpu.memory_space<vmem>>, vector<1x16xf32>,
      %get3A_530 = vector.shape_cast %get3A_529 : vector<1x16xf32> to vector<16xf32>
      %sub3A_531 = arith.subf %get3A_530, %get3A_429 : vector<16xf32>
      %swap3A_532 = arith.constant 40 : i32
      %swap3A_533 = arith.index_cast %swap3A_532 : i32 to index
      %swap3A_534 = arith.constant 0 : index
      %swap3A_535 = tpu.vector_load %arg15[%swap3A_533, %swap3A_534] {strides = array<i32>} : memref<128x16xf32, #tpu.memory_space<vmem>>, vector<1x16xf32>,
      %swap3A_536 = vector.shape_cast %swap3A_535 : vector<1x16xf32> to vector<16xf32>
      %swap3A_537 = vector.shape_cast %sub3A_531 : vector<16xf32> to vector<1x16xf32>
      tpu.vector_store %arg15[%swap3A_533, %swap3A_534], %swap3A_537 {strides = array<i32>} : memref<128x16xf32, #tpu.memory_space<vmem>>, vector<1x16xf32>,
      %get3A_538 = arith.constant 41 : i32
      %get3A_539 = arith.index_cast %get3A_538 : i32 to index
      %get3A_540 = arith.constant 0 : index
      %get3A_541 = tpu.vector_load %arg12[%get3A_539, %get3A_540] {strides = array<i32>} : memref<128x128xf32, #tpu.memory_space<vmem>>, vector<1x16xf32>,
      %get3A_542 = vector.shape_cast %get3A_541 : vector<1x16xf32> to vector<16xf32>
      %sub3A_543 = arith.subf %get3A_542, %get3A_429 : vector<16xf32>
      %swap3A_544 = arith.constant 41 : i32
      %swap3A_545 = arith.index_cast %swap3A_544 : i32 to index
      %swap3A_546 = arith.constant 0 : index
      %swap3A_547 = tpu.vector_load %arg15[%swap3A_545, %swap3A_546] {strides = array<i32>} : memref<128x16xf32, #tpu.memory_space<vmem>>, vector<1x16xf32>,
      %swap3A_548 = vector.shape_cast %swap3A_547 : vector<1x16xf32> to vector<16xf32>
      %swap3A_549 = vector.shape_cast %sub3A_543 : vector<16xf32> to vector<1x16xf32>
      tpu.vector_store %arg15[%swap3A_545, %swap3A_546], %swap3A_549 {strides = array<i32>} : memref<128x16xf32, #tpu.memory_space<vmem>>, vector<1x16xf32>,
      %get3A_550 = arith.constant 42 : i32
      %get3A_551 = arith.index_cast %get3A_550 : i32 to index
      %get3A_552 = arith.constant 0 : index
      %get3A_553 = tpu.vector_load %arg12[%get3A_551, %get3A_552] {strides = array<i32>} : memref<128x128xf32, #tpu.memory_space<vmem>>, vector<1x16xf32>,
      %get3A_554 = vector.shape_cast %get3A_553 : vector<1x16xf32> to vector<16xf32>
      %sub3A_555 = arith.subf %get3A_554, %get3A_429 : vector<16xf32>
      %swap3A_556 = arith.constant 42 : i32
      %swap3A_557 = arith.index_cast %swap3A_556 : i32 to index
      %swap3A_558 = arith.constant 0 : index
      %swap3A_559 = tpu.vector_load %arg15[%swap3A_557, %swap3A_558] {strides = array<i32>} : memref<128x16xf32, #tpu.memory_space<vmem>>, vector<1x16xf32>,
      %swap3A_560 = vector.shape_cast %swap3A_559 : vector<1x16xf32> to vector<16xf32>
      %swap3A_561 = vector.shape_cast %sub3A_555 : vector<16xf32> to vector<1x16xf32>
      tpu.vector_store %arg15[%swap3A_557, %swap3A_558], %swap3A_561 {strides = array<i32>} : memref<128x16xf32, #tpu.memory_space<vmem>>, vector<1x16xf32>,
      %get3A_562 = arith.constant 43 : i32
      %get3A_563 = arith.index_cast %get3A_562 : i32 to index
      %get3A_564 = arith.constant 0 : index
      %get3A_565 = tpu.vector_load %arg12[%get3A_563, %get3A_564] {strides = array<i32>} : memref<128x128xf32, #tpu.memory_space<vmem>>, vector<1x16xf32>,
      %get3A_566 = vector.shape_cast %get3A_565 : vector<1x16xf32> to vector<16xf32>
      %sub3A_567 = arith.subf %get3A_566, %get3A_429 : vector<16xf32>
      %swap3A_568 = arith.constant 43 : i32
      %swap3A_569 = arith.index_cast %swap3A_568 : i32 to index
      %swap3A_570 = arith.constant 0 : index
      %swap3A_571 = tpu.vector_load %arg15[%swap3A_569, %swap3A_570] {strides = array<i32>} : memref<128x16xf32, #tpu.memory_space<vmem>>, vector<1x16xf32>,
      %swap3A_572 = vector.shape_cast %swap3A_571 : vector<1x16xf32> to vector<16xf32>
      %swap3A_573 = vector.shape_cast %sub3A_567 : vector<16xf32> to vector<1x16xf32>
      tpu.vector_store %arg15[%swap3A_569, %swap3A_570], %swap3A_573 {strides = array<i32>} : memref<128x16xf32, #tpu.memory_space<vmem>>, vector<1x16xf32>,
      %get3A_574 = arith.constant 44 : i32
      %get3A_575 = arith.index_cast %get3A_574 : i32 to index
      %get3A_576 = arith.constant 0 : index
      %get3A_577 = tpu.vector_load %arg12[%get3A_575, %get3A_576] {strides = array<i32>} : memref<128x128xf32, #tpu.memory_space<vmem>>, vector<1x16xf32>,
      %get3A_578 = vector.shape_cast %get3A_577 : vector<1x16xf32> to vector<16xf32>
      %sub3A_579 = arith.subf %get3A_578, %get3A_429 : vector<16xf32>
      %swap3A_580 = arith.constant 44 : i32
      %swap3A_581 = arith.index_cast %swap3A_580 : i32 to index
      %swap3A_582 = arith.constant 0 : index
      %swap3A_583 = tpu.vector_load %arg15[%swap3A_581, %swap3A_582] {strides = array<i32>} : memref<128x16xf32, #tpu.memory_space<vmem>>, vector<1x16xf32>,
      %swap3A_584 = vector.shape_cast %swap3A_583 : vector<1x16xf32> to vector<16xf32>
      %swap3A_585 = vector.shape_cast %sub3A_579 : vector<16xf32> to vector<1x16xf32>
      tpu.vector_store %arg15[%swap3A_581, %swap3A_582], %swap3A_585 {strides = array<i32>} : memref<128x16xf32, #tpu.memory_space<vmem>>, vector<1x16xf32>,
      %get3A_586 = arith.constant 45 : i32
      %get3A_587 = arith.index_cast %get3A_586 : i32 to index
      %get3A_588 = arith.constant 0 : index
      %get3A_589 = tpu.vector_load %arg12[%get3A_587, %get3A_588] {strides = array<i32>} : memref<128x128xf32, #tpu.memory_space<vmem>>, vector<1x16xf32>,
      %get3A_590 = vector.shape_cast %get3A_589 : vector<1x16xf32> to vector<16xf32>
      %sub3A_591 = arith.subf %get3A_590, %get3A_429 : vector<16xf32>
      %swap3A_592 = arith.constant 45 : i32
      %swap3A_593 = arith.index_cast %swap3A_592 : i32 to index
      %swap3A_594 = arith.constant 0 : index
      %swap3A_595 = tpu.vector_load %arg15[%swap3A_593, %swap3A_594] {strides = array<i32>} : memref<128x16xf32, #tpu.memory_space<vmem>>, vector<1x16xf32>,
      %swap3A_596 = vector.shape_cast %swap3A_595 : vector<1x16xf32> to vector<16xf32>
      %swap3A_597 = vector.shape_cast %sub3A_591 : vector<16xf32> to vector<1x16xf32>
      tpu.vector_store %arg15[%swap3A_593, %swap3A_594], %swap3A_597 {strides = array<i32>} : memref<128x16xf32, #tpu.memory_space<vmem>>, vector<1x16xf32>,
      %get3A_598 = arith.constant 46 : i32
      %get3A_599 = arith.index_cast %get3A_598 : i32 to index
      %get3A_600 = arith.constant 0 : index
      %get3A_601 = tpu.vector_load %arg12[%get3A_599, %get3A_600] {strides = array<i32>} : memref<128x128xf32, #tpu.memory_space<vmem>>, vector<1x16xf32>,
      %get3A_602 = vector.shape_cast %get3A_601 : vector<1x16xf32> to vector<16xf32>
      %sub3A_603 = arith.subf %get3A_602, %get3A_429 : vector<16xf32>
      %swap3A_604 = arith.constant 46 : i32
      %swap3A_605 = arith.index_cast %swap3A_604 : i32 to index
      %swap3A_606 = arith.constant 0 : index
      %swap3A_607 = tpu.vector_load %arg15[%swap3A_605, %swap3A_606] {strides = array<i32>} : memref<128x16xf32, #tpu.memory_space<vmem>>, vector<1x16xf32>,
      %swap3A_608 = vector.shape_cast %swap3A_607 : vector<1x16xf32> to vector<16xf32>
      %swap3A_609 = vector.shape_cast %sub3A_603 : vector<16xf32> to vector<1x16xf32>
      tpu.vector_store %arg15[%swap3A_605, %swap3A_606], %swap3A_609 {strides = array<i32>} : memref<128x16xf32, #tpu.memory_space<vmem>>, vector<1x16xf32>,
      %get3A_610 = arith.constant 47 : i32
      %get3A_611 = arith.index_cast %get3A_610 : i32 to index
      %get3A_612 = arith.constant 0 : index
      %get3A_613 = tpu.vector_load %arg12[%get3A_611, %get3A_612] {strides = array<i32>} : memref<128x128xf32, #tpu.memory_space<vmem>>, vector<1x16xf32>,
      %get3A_614 = vector.shape_cast %get3A_613 : vector<1x16xf32> to vector<16xf32>
      %sub3A_615 = arith.subf %get3A_614, %get3A_429 : vector<16xf32>
      %swap3A_616 = arith.constant 47 : i32
      %swap3A_617 = arith.index_cast %swap3A_616 : i32 to index
      %swap3A_618 = arith.constant 0 : index
      %swap3A_619 = tpu.vector_load %arg15[%swap3A_617, %swap3A_618] {strides = array<i32>} : memref<128x16xf32, #tpu.memory_space<vmem>>, vector<1x16xf32>,
      %swap3A_620 = vector.shape_cast %swap3A_619 : vector<1x16xf32> to vector<16xf32>
      %swap3A_621 = vector.shape_cast %sub3A_615 : vector<16xf32> to vector<1x16xf32>
      tpu.vector_store %arg15[%swap3A_617, %swap3A_618], %swap3A_621 {strides = array<i32>} : memref<128x16xf32, #tpu.memory_space<vmem>>, vector<1x16xf32>,
      %get3A_622 = arith.constant 48 : i32
      %get3A_623 = arith.index_cast %get3A_622 : i32 to index
      %get3A_624 = arith.constant 0 : index
      %get3A_625 = tpu.vector_load %arg12[%get3A_623, %get3A_624] {strides = array<i32>} : memref<128x128xf32, #tpu.memory_space<vmem>>, vector<1x16xf32>,
      %get3A_626 = vector.shape_cast %get3A_625 : vector<1x16xf32> to vector<16xf32>
      %sub3A_627 = arith.subf %get3A_626, %get3A_429 : vector<16xf32>
      %swap3A_628 = arith.constant 48 : i32
      %swap3A_629 = arith.index_cast %swap3A_628 : i32 to index
      %swap3A_630 = arith.constant 0 : index
      %swap3A_631 = tpu.vector_load %arg15[%swap3A_629, %swap3A_630] {strides = array<i32>} : memref<128x16xf32, #tpu.memory_space<vmem>>, vector<1x16xf32>,
      %swap3A_632 = vector.shape_cast %swap3A_631 : vector<1x16xf32> to vector<16xf32>
      %swap3A_633 = vector.shape_cast %sub3A_627 : vector<16xf32> to vector<1x16xf32>
      tpu.vector_store %arg15[%swap3A_629, %swap3A_630], %swap3A_633 {strides = array<i32>} : memref<128x16xf32, #tpu.memory_space<vmem>>, vector<1x16xf32>,
      %get3A_634 = arith.constant 49 : i32
      %get3A_635 = arith.index_cast %get3A_634 : i32 to index
      %get3A_636 = arith.constant 0 : index
      %get3A_637 = tpu.vector_load %arg12[%get3A_635, %get3A_636] {strides = array<i32>} : memref<128x128xf32, #tpu.memory_space<vmem>>, vector<1x16xf32>,
      %get3A_638 = vector.shape_cast %get3A_637 : vector<1x16xf32> to vector<16xf32>
      %sub3A_639 = arith.subf %get3A_638, %get3A_429 : vector<16xf32>
      %swap3A_640 = arith.constant 49 : i32
      %swap3A_641 = arith.index_cast %swap3A_640 : i32 to index
      %swap3A_642 = arith.constant 0 : index
      %swap3A_643 = tpu.vector_load %arg15[%swap3A_641, %swap3A_642] {strides = array<i32>} : memref<128x16xf32, #tpu.memory_space<vmem>>, vector<1x16xf32>,
      %swap3A_644 = vector.shape_cast %swap3A_643 : vector<1x16xf32> to vector<16xf32>
      %swap3A_645 = vector.shape_cast %sub3A_639 : vector<16xf32> to vector<1x16xf32>
      tpu.vector_store %arg15[%swap3A_641, %swap3A_642], %swap3A_645 {strides = array<i32>} : memref<128x16xf32, #tpu.memory_space<vmem>>, vector<1x16xf32>,
      %get3A_646 = arith.constant 50 : i32
      %get3A_647 = arith.index_cast %get3A_646 : i32 to index
      %get3A_648 = arith.constant 0 : index
      %get3A_649 = tpu.vector_load %arg12[%get3A_647, %get3A_648] {strides = array<i32>} : memref<128x128xf32, #tpu.memory_space<vmem>>, vector<1x16xf32>,
      %get3A_650 = vector.shape_cast %get3A_649 : vector<1x16xf32> to vector<16xf32>
      %sub3A_651 = arith.subf %get3A_650, %get3A_429 : vector<16xf32>
      %swap3A_652 = arith.constant 50 : i32
      %swap3A_653 = arith.index_cast %swap3A_652 : i32 to index
      %swap3A_654 = arith.constant 0 : index
      %swap3A_655 = tpu.vector_load %arg15[%swap3A_653, %swap3A_654] {strides = array<i32>} : memref<128x16xf32, #tpu.memory_space<vmem>>, vector<1x16xf32>,
      %swap3A_656 = vector.shape_cast %swap3A_655 : vector<1x16xf32> to vector<16xf32>
      %swap3A_657 = vector.shape_cast %sub3A_651 : vector<16xf32> to vector<1x16xf32>
      tpu.vector_store %arg15[%swap3A_653, %swap3A_654], %swap3A_657 {strides = array<i32>} : memref<128x16xf32, #tpu.memory_space<vmem>>, vector<1x16xf32>,
      %get3A_658 = arith.constant 51 : i32
      %get3A_659 = arith.index_cast %get3A_658 : i32 to index
      %get3A_660 = arith.constant 0 : index
      %get3A_661 = tpu.vector_load %arg12[%get3A_659, %get3A_660] {strides = array<i32>} : memref<128x128xf32, #tpu.memory_space<vmem>>, vector<1x16xf32>,
      %get3A_662 = vector.shape_cast %get3A_661 : vector<1x16xf32> to vector<16xf32>
      %sub3A_663 = arith.subf %get3A_662, %get3A_429 : vector<16xf32>
      %swap3A_664 = arith.constant 51 : i32
      %swap3A_665 = arith.index_cast %swap3A_664 : i32 to index
      %swap3A_666 = arith.constant 0 : index
      %swap3A_667 = tpu.vector_load %arg15[%swap3A_665, %swap3A_666] {strides = array<i32>} : memref<128x16xf32, #tpu.memory_space<vmem>>, vector<1x16xf32>,
      %swap3A_668 = vector.shape_cast %swap3A_667 : vector<1x16xf32> to vector<16xf32>
      %swap3A_669 = vector.shape_cast %sub3A_663 : vector<16xf32> to vector<1x16xf32>
      tpu.vector_store %arg15[%swap3A_665, %swap3A_666], %swap3A_669 {strides = array<i32>} : memref<128x16xf32, #tpu.memory_space<vmem>>, vector<1x16xf32>,
      %get3A_670 = arith.constant 52 : i32
      %get3A_671 = arith.index_cast %get3A_670 : i32 to index
      %get3A_672 = arith.constant 0 : index
      %get3A_673 = tpu.vector_load %arg12[%get3A_671, %get3A_672] {strides = array<i32>} : memref<128x128xf32, #tpu.memory_space<vmem>>, vector<1x16xf32>,
      %get3A_674 = vector.shape_cast %get3A_673 : vector<1x16xf32> to vector<16xf32>
      %sub3A_675 = arith.subf %get3A_674, %get3A_429 : vector<16xf32>
      %swap3A_676 = arith.constant 52 : i32
      %swap3A_677 = arith.index_cast %swap3A_676 : i32 to index
      %swap3A_678 = arith.constant 0 : index
      %swap3A_679 = tpu.vector_load %arg15[%swap3A_677, %swap3A_678] {strides = array<i32>} : memref<128x16xf32, #tpu.memory_space<vmem>>, vector<1x16xf32>,
      %swap3A_680 = vector.shape_cast %swap3A_679 : vector<1x16xf32> to vector<16xf32>
      %swap3A_681 = vector.shape_cast %sub3A_675 : vector<16xf32> to vector<1x16xf32>
      tpu.vector_store %arg15[%swap3A_677, %swap3A_678], %swap3A_681 {strides = array<i32>} : memref<128x16xf32, #tpu.memory_space<vmem>>, vector<1x16xf32>,
      %get3A_682 = arith.constant 53 : i32
      %get3A_683 = arith.index_cast %get3A_682 : i32 to index
      %get3A_684 = arith.constant 0 : index
      %get3A_685 = tpu.vector_load %arg12[%get3A_683, %get3A_684] {strides = array<i32>} : memref<128x128xf32, #tpu.memory_space<vmem>>, vector<1x16xf32>,
      %get3A_686 = vector.shape_cast %get3A_685 : vector<1x16xf32> to vector<16xf32>
      %sub3A_687 = arith.subf %get3A_686, %get3A_429 : vector<16xf32>
      %swap3A_688 = arith.constant 53 : i32
      %swap3A_689 = arith.index_cast %swap3A_688 : i32 to index
      %swap3A_690 = arith.constant 0 : index
      %swap3A_691 = tpu.vector_load %arg15[%swap3A_689, %swap3A_690] {strides = array<i32>} : memref<128x16xf32, #tpu.memory_space<vmem>>, vector<1x16xf32>,
      %swap3A_692 = vector.shape_cast %swap3A_691 : vector<1x16xf32> to vector<16xf32>
      %swap3A_693 = vector.shape_cast %sub3A_687 : vector<16xf32> to vector<1x16xf32>
      tpu.vector_store %arg15[%swap3A_689, %swap3A_690], %swap3A_693 {strides = array<i32>} : memref<128x16xf32, #tpu.memory_space<vmem>>, vector<1x16xf32>,
      %get3A_694 = arith.constant 54 : i32
      %get3A_695 = arith.index_cast %get3A_694 : i32 to index
      %get3A_696 = arith.constant 0 : index
      %get3A_697 = tpu.vector_load %arg12[%get3A_695, %get3A_696] {strides = array<i32>} : memref<128x128xf32, #tpu.memory_space<vmem>>, vector<1x16xf32>,
      %get3A_698 = vector.shape_cast %get3A_697 : vector<1x16xf32> to vector<16xf32>
      %sub3A_699 = arith.subf %get3A_698, %get3A_429 : vector<16xf32>
      %swap3A_700 = arith.constant 54 : i32
      %swap3A_701 = arith.index_cast %swap3A_700 : i32 to index
      %swap3A_702 = arith.constant 0 : index
      %swap3A_703 = tpu.vector_load %arg15[%swap3A_701, %swap3A_702] {strides = array<i32>} : memref<128x16xf32, #tpu.memory_space<vmem>>, vector<1x16xf32>,
      %swap3A_704 = vector.shape_cast %swap3A_703 : vector<1x16xf32> to vector<16xf32>
      %swap3A_705 = vector.shape_cast %sub3A_699 : vector<16xf32> to vector<1x16xf32>
      tpu.vector_store %arg15[%swap3A_701, %swap3A_702], %swap3A_705 {strides = array<i32>} : memref<128x16xf32, #tpu.memory_space<vmem>>, vector<1x16xf32>,
      %get3A_706 = arith.constant 55 : i32
      %get3A_707 = arith.index_cast %get3A_706 : i32 to index
      %get3A_708 = arith.constant 0 : index
      %get3A_709 = tpu.vector_load %arg12[%get3A_707, %get3A_708] {strides = array<i32>} : memref<128x128xf32, #tpu.memory_space<vmem>>, vector<1x16xf32>,
      %get3A_710 = vector.shape_cast %get3A_709 : vector<1x16xf32> to vector<16xf32>
      %sub3A_711 = arith.subf %get3A_710, %get3A_429 : vector<16xf32>
      %swap3A_712 = arith.constant 55 : i32
      %swap3A_713 = arith.index_cast %swap3A_712 : i32 to index
      %swap3A_714 = arith.constant 0 : index
      %swap3A_715 = tpu.vector_load %arg15[%swap3A_713, %swap3A_714] {strides = array<i32>} : memref<128x16xf32, #tpu.memory_space<vmem>>, vector<1x16xf32>,
      %swap3A_716 = vector.shape_cast %swap3A_715 : vector<1x16xf32> to vector<16xf32>
      %swap3A_717 = vector.shape_cast %sub3A_711 : vector<16xf32> to vector<1x16xf32>
      tpu.vector_store %arg15[%swap3A_713, %swap3A_714], %swap3A_717 {strides = array<i32>} : memref<128x16xf32, #tpu.memory_space<vmem>>, vector<1x16xf32>,
      %get3A_718 = arith.constant 56 : i32
      %get3A_719 = arith.index_cast %get3A_718 : i32 to index
      %get3A_720 = arith.constant 0 : index
      %get3A_721 = tpu.vector_load %arg12[%get3A_719, %get3A_720] {strides = array<i32>} : memref<128x128xf32, #tpu.memory_space<vmem>>, vector<1x16xf32>,
      %get3A_722 = vector.shape_cast %get3A_721 : vector<1x16xf32> to vector<16xf32>
      %sub3A_723 = arith.subf %get3A_722, %get3A_429 : vector<16xf32>
      %swap3A_724 = arith.constant 56 : i32
      %swap3A_725 = arith.index_cast %swap3A_724 : i32 to index
      %swap3A_726 = arith.constant 0 : index
      %swap3A_727 = tpu.vector_load %arg15[%swap3A_725, %swap3A_726] {strides = array<i32>} : memref<128x16xf32, #tpu.memory_space<vmem>>, vector<1x16xf32>,
      %swap3A_728 = vector.shape_cast %swap3A_727 : vector<1x16xf32> to vector<16xf32>
      %swap3A_729 = vector.shape_cast %sub3A_723 : vector<16xf32> to vector<1x16xf32>
      tpu.vector_store %arg15[%swap3A_725, %swap3A_726], %swap3A_729 {strides = array<i32>} : memref<128x16xf32, #tpu.memory_space<vmem>>, vector<1x16xf32>,
      %get3A_730 = arith.constant 57 : i32
      %get3A_731 = arith.index_cast %get3A_730 : i32 to index
      %get3A_732 = arith.constant 0 : index
      %get3A_733 = tpu.vector_load %arg12[%get3A_731, %get3A_732] {strides = array<i32>} : memref<128x128xf32, #tpu.memory_space<vmem>>, vector<1x16xf32>,
      %get3A_734 = vector.shape_cast %get3A_733 : vector<1x16xf32> to vector<16xf32>
      %sub3A_735 = arith.subf %get3A_734, %get3A_429 : vector<16xf32>
      %swap3A_736 = arith.constant 57 : i32
      %swap3A_737 = arith.index_cast %swap3A_736 : i32 to index
      %swap3A_738 = arith.constant 0 : index
      %swap3A_739 = tpu.vector_load %arg15[%swap3A_737, %swap3A_738] {strides = array<i32>} : memref<128x16xf32, #tpu.memory_space<vmem>>, vector<1x16xf32>,
      %swap3A_740 = vector.shape_cast %swap3A_739 : vector<1x16xf32> to vector<16xf32>
      %swap3A_741 = vector.shape_cast %sub3A_735 : vector<16xf32> to vector<1x16xf32>
      tpu.vector_store %arg15[%swap3A_737, %swap3A_738], %swap3A_741 {strides = array<i32>} : memref<128x16xf32, #tpu.memory_space<vmem>>, vector<1x16xf32>,
      %get3A_742 = arith.constant 58 : i32
      %get3A_743 = arith.index_cast %get3A_742 : i32 to index
      %get3A_744 = arith.constant 0 : index
      %get3A_745 = tpu.vector_load %arg12[%get3A_743, %get3A_744] {strides = array<i32>} : memref<128x128xf32, #tpu.memory_space<vmem>>, vector<1x16xf32>,
      %get3A_746 = vector.shape_cast %get3A_745 : vector<1x16xf32> to vector<16xf32>
      %sub3A_747 = arith.subf %get3A_746, %get3A_429 : vector<16xf32>
      %swap3A_748 = arith.constant 58 : i32
      %swap3A_749 = arith.index_cast %swap3A_748 : i32 to index
      %swap3A_750 = arith.constant 0 : index
      %swap3A_751 = tpu.vector_load %arg15[%swap3A_749, %swap3A_750] {strides = array<i32>} : memref<128x16xf32, #tpu.memory_space<vmem>>, vector<1x16xf32>,
      %swap3A_752 = vector.shape_cast %swap3A_751 : vector<1x16xf32> to vector<16xf32>
      %swap3A_753 = vector.shape_cast %sub3A_747 : vector<16xf32> to vector<1x16xf32>
      tpu.vector_store %arg15[%swap3A_749, %swap3A_750], %swap3A_753 {strides = array<i32>} : memref<128x16xf32, #tpu.memory_space<vmem>>, vector<1x16xf32>,
      %get3A_754 = arith.constant 59 : i32
      %get3A_755 = arith.index_cast %get3A_754 : i32 to index
      %get3A_756 = arith.constant 0 : index
      %get3A_757 = tpu.vector_load %arg12[%get3A_755, %get3A_756] {strides = array<i32>} : memref<128x128xf32, #tpu.memory_space<vmem>>, vector<1x16xf32>,
      %get3A_758 = vector.shape_cast %get3A_757 : vector<1x16xf32> to vector<16xf32>
      %sub3A_759 = arith.subf %get3A_758, %get3A_429 : vector<16xf32>
      %swap3A_760 = arith.constant 59 : i32
      %swap3A_761 = arith.index_cast %swap3A_760 : i32 to index
      %swap3A_762 = arith.constant 0 : index
      %swap3A_763 = tpu.vector_load %arg15[%swap3A_761, %swap3A_762] {strides = array<i32>} : memref<128x16xf32, #tpu.memory_space<vmem>>, vector<1x16xf32>,
      %swap3A_764 = vector.shape_cast %swap3A_763 : vector<1x16xf32> to vector<16xf32>
      %swap3A_765 = vector.shape_cast %sub3A_759 : vector<16xf32> to vector<1x16xf32>
      tpu.vector_store %arg15[%swap3A_761, %swap3A_762], %swap3A_765 {strides = array<i32>} : memref<128x16xf32, #tpu.memory_space<vmem>>, vector<1x16xf32>,
      %get3A_766 = arith.constant 60 : i32
      %get3A_767 = arith.index_cast %get3A_766 : i32 to index
      %get3A_768 = arith.constant 0 : index
      %get3A_769 = tpu.vector_load %arg12[%get3A_767, %get3A_768] {strides = array<i32>} : memref<128x128xf32, #tpu.memory_space<vmem>>, vector<1x16xf32>,
      %get3A_770 = vector.shape_cast %get3A_769 : vector<1x16xf32> to vector<16xf32>
      %sub3A_771 = arith.subf %get3A_770, %get3A_429 : vector<16xf32>
      %swap3A_772 = arith.constant 60 : i32
      %swap3A_773 = arith.index_cast %swap3A_772 : i32 to index
      %swap3A_774 = arith.constant 0 : index
      %swap3A_775 = tpu.vector_load %arg15[%swap3A_773, %swap3A_774] {strides = array<i32>} : memref<128x16xf32, #tpu.memory_space<vmem>>, vector<1x16xf32>,
      %swap3A_776 = vector.shape_cast %swap3A_775 : vector<1x16xf32> to vector<16xf32>
      %swap3A_777 = vector.shape_cast %sub3A_771 : vector<16xf32> to vector<1x16xf32>
      tpu.vector_store %arg15[%swap3A_773, %swap3A_774], %swap3A_777 {strides = array<i32>} : memref<128x16xf32, #tpu.memory_space<vmem>>, vector<1x16xf32>,
      %get3A_778 = arith.constant 61 : i32
      %get3A_779 = arith.index_cast %get3A_778 : i32 to index
      %get3A_780 = arith.constant 0 : index
      %get3A_781 = tpu.vector_load %arg12[%get3A_779, %get3A_780] {strides = array<i32>} : memref<128x128xf32, #tpu.memory_space<vmem>>, vector<1x16xf32>,
      %get3A_782 = vector.shape_cast %get3A_781 : vector<1x16xf32> to vector<16xf32>
      %sub3A_783 = arith.subf %get3A_782, %get3A_429 : vector<16xf32>
      %swap3A_784 = arith.constant 61 : i32
      %swap3A_785 = arith.index_cast %swap3A_784 : i32 to index
      %swap3A_786 = arith.constant 0 : index
      %swap3A_787 = tpu.vector_load %arg15[%swap3A_785, %swap3A_786] {strides = array<i32>} : memref<128x16xf32, #tpu.memory_space<vmem>>, vector<1x16xf32>,
      %swap3A_788 = vector.shape_cast %swap3A_787 : vector<1x16xf32> to vector<16xf32>
      %swap3A_789 = vector.shape_cast %sub3A_783 : vector<16xf32> to vector<1x16xf32>
      tpu.vector_store %arg15[%swap3A_785, %swap3A_786], %swap3A_789 {strides = array<i32>} : memref<128x16xf32, #tpu.memory_space<vmem>>, vector<1x16xf32>,
      %get3A_790 = arith.constant 62 : i32
      %get3A_791 = arith.index_cast %get3A_790 : i32 to index
      %get3A_792 = arith.constant 0 : index
      %get3A_793 = tpu.vector_load %arg12[%get3A_791, %get3A_792] {strides = array<i32>} : memref<128x128xf32, #tpu.memory_space<vmem>>, vector<1x16xf32>,
      %get3A_794 = vector.shape_cast %get3A_793 : vector<1x16xf32> to vector<16xf32>
      %sub3A_795 = arith.subf %get3A_794, %get3A_429 : vector<16xf32>
      %swap3A_796 = arith.constant 62 : i32
      %swap3A_797 = arith.index_cast %swap3A_796 : i32 to index
      %swap3A_798 = arith.constant 0 : index
      %swap3A_799 = tpu.vector_load %arg15[%swap3A_797, %swap3A_798] {strides = array<i32>} : memref<128x16xf32, #tpu.memory_space<vmem>>, vector<1x16xf32>,
      %swap3A_800 = vector.shape_cast %swap3A_799 : vector<1x16xf32> to vector<16xf32>
      %swap3A_801 = vector.shape_cast %sub3A_795 : vector<16xf32> to vector<1x16xf32>
      tpu.vector_store %arg15[%swap3A_797, %swap3A_798], %swap3A_801 {strides = array<i32>} : memref<128x16xf32, #tpu.memory_space<vmem>>, vector<1x16xf32>,
      %get3A_802 = arith.constant 63 : i32
      %get3A_803 = arith.index_cast %get3A_802 : i32 to index
      %get3A_804 = arith.constant 0 : index
      %get3A_805 = tpu.vector_load %arg12[%get3A_803, %get3A_804] {strides = array<i32>} : memref<128x128xf32, #tpu.memory_space<vmem>>, vector<1x16xf32>,
      %get3A_806 = vector.shape_cast %get3A_805 : vector<1x16xf32> to vector<16xf32>
      %sub3A_807 = arith.subf %get3A_806, %get3A_429 : vector<16xf32>
      %swap3A_808 = arith.constant 63 : i32
      %swap3A_809 = arith.index_cast %swap3A_808 : i32 to index
      %swap3A_810 = arith.constant 0 : index
      %swap3A_811 = tpu.vector_load %arg15[%swap3A_809, %swap3A_810] {strides = array<i32>} : memref<128x16xf32, #tpu.memory_space<vmem>>, vector<1x16xf32>,
      %swap3A_812 = vector.shape_cast %swap3A_811 : vector<1x16xf32> to vector<16xf32>
      %swap3A_813 = vector.shape_cast %sub3A_807 : vector<16xf32> to vector<1x16xf32>
      tpu.vector_store %arg15[%swap3A_809, %swap3A_810], %swap3A_813 {strides = array<i32>} : memref<128x16xf32, #tpu.memory_space<vmem>>, vector<1x16xf32>,
      %get3A_814 = arith.constant 2 : i32
      %get3A_815 = arith.index_cast %get3A_814 : i32 to index
      %get3A_816 = arith.constant 0 : index
      %get3A_817 = tpu.vector_load %arg14[%get3A_815, %get3A_816] {strides = array<i32>} : memref<8x128xf32, #tpu.memory_space<vmem>>, vector<1x16xf32>,
      %get3A_818 = vector.shape_cast %get3A_817 : vector<1x16xf32> to vector<16xf32>
      %get3A_819 = arith.constant 64 : i32
      %get3A_820 = arith.index_cast %get3A_819 : i32 to index
      %get3A_821 = arith.constant 0 : index
      %get3A_822 = tpu.vector_load %arg12[%get3A_820, %get3A_821] {strides = array<i32>} : memref<128x128xf32, #tpu.memory_space<vmem>>, vector<1x16xf32>,
      %get3A_823 = vector.shape_cast %get3A_822 : vector<1x16xf32> to vector<16xf32>
      %sub3A_824 = arith.subf %get3A_823, %get3A_818 : vector<16xf32>
      %swap3A_825 = arith.constant 64 : i32
      %swap3A_826 = arith.index_cast %swap3A_825 : i32 to index
      %swap3A_827 = arith.constant 0 : index
      %swap3A_828 = tpu.vector_load %arg15[%swap3A_826, %swap3A_827] {strides = array<i32>} : memref<128x16xf32, #tpu.memory_space<vmem>>, vector<1x16xf32>,
      %swap3A_829 = vector.shape_cast %swap3A_828 : vector<1x16xf32> to vector<16xf32>
      %swap3A_830 = vector.shape_cast %sub3A_824 : vector<16xf32> to vector<1x16xf32>
      tpu.vector_store %arg15[%swap3A_826, %swap3A_827], %swap3A_830 {strides = array<i32>} : memref<128x16xf32, #tpu.memory_space<vmem>>, vector<1x16xf32>,
      %get3A_831 = arith.constant 65 : i32
      %get3A_832 = arith.index_cast %get3A_831 : i32 to index
      %get3A_833 = arith.constant 0 : index
      %get3A_834 = tpu.vector_load %arg12[%get3A_832, %get3A_833] {strides = array<i32>} : memref<128x128xf32, #tpu.memory_space<vmem>>, vector<1x16xf32>,
      %get3A_835 = vector.shape_cast %get3A_834 : vector<1x16xf32> to vector<16xf32>
      %sub3A_836 = arith.subf %get3A_835, %get3A_818 : vector<16xf32>
      %swap3A_837 = arith.constant 65 : i32
      %swap3A_838 = arith.index_cast %swap3A_837 : i32 to index
      %swap3A_839 = arith.constant 0 : index
      %swap3A_840 = tpu.vector_load %arg15[%swap3A_838, %swap3A_839] {strides = array<i32>} : memref<128x16xf32, #tpu.memory_space<vmem>>, vector<1x16xf32>,
      %swap3A_841 = vector.shape_cast %swap3A_840 : vector<1x16xf32> to vector<16xf32>
      %swap3A_842 = vector.shape_cast %sub3A_836 : vector<16xf32> to vector<1x16xf32>
      tpu.vector_store %arg15[%swap3A_838, %swap3A_839], %swap3A_842 {strides = array<i32>} : memref<128x16xf32, #tpu.memory_space<vmem>>, vector<1x16xf32>,
      %get3A_843 = arith.constant 66 : i32
      %get3A_844 = arith.index_cast %get3A_843 : i32 to index
      %get3A_845 = arith.constant 0 : index
      %get3A_846 = tpu.vector_load %arg12[%get3A_844, %get3A_845] {strides = array<i32>} : memref<128x128xf32, #tpu.memory_space<vmem>>, vector<1x16xf32>,
      %get3A_847 = vector.shape_cast %get3A_846 : vector<1x16xf32> to vector<16xf32>
      %sub3A_848 = arith.subf %get3A_847, %get3A_818 : vector<16xf32>
      %swap3A_849 = arith.constant 66 : i32
      %swap3A_850 = arith.index_cast %swap3A_849 : i32 to index
      %swap3A_851 = arith.constant 0 : index
      %swap3A_852 = tpu.vector_load %arg15[%swap3A_850, %swap3A_851] {strides = array<i32>} : memref<128x16xf32, #tpu.memory_space<vmem>>, vector<1x16xf32>,
      %swap3A_853 = vector.shape_cast %swap3A_852 : vector<1x16xf32> to vector<16xf32>
      %swap3A_854 = vector.shape_cast %sub3A_848 : vector<16xf32> to vector<1x16xf32>
      tpu.vector_store %arg15[%swap3A_850, %swap3A_851], %swap3A_854 {strides = array<i32>} : memref<128x16xf32, #tpu.memory_space<vmem>>, vector<1x16xf32>,
      %get3A_855 = arith.constant 67 : i32
      %get3A_856 = arith.index_cast %get3A_855 : i32 to index
      %get3A_857 = arith.constant 0 : index
      %get3A_858 = tpu.vector_load %arg12[%get3A_856, %get3A_857] {strides = array<i32>} : memref<128x128xf32, #tpu.memory_space<vmem>>, vector<1x16xf32>,
      %get3A_859 = vector.shape_cast %get3A_858 : vector<1x16xf32> to vector<16xf32>
      %sub3A_860 = arith.subf %get3A_859, %get3A_818 : vector<16xf32>
      %swap3A_861 = arith.constant 67 : i32
      %swap3A_862 = arith.index_cast %swap3A_861 : i32 to index
      %swap3A_863 = arith.constant 0 : index
      %swap3A_864 = tpu.vector_load %arg15[%swap3A_862, %swap3A_863] {strides = array<i32>} : memref<128x16xf32, #tpu.memory_space<vmem>>, vector<1x16xf32>,
      %swap3A_865 = vector.shape_cast %swap3A_864 : vector<1x16xf32> to vector<16xf32>
      %swap3A_866 = vector.shape_cast %sub3A_860 : vector<16xf32> to vector<1x16xf32>
      tpu.vector_store %arg15[%swap3A_862, %swap3A_863], %swap3A_866 {strides = array<i32>} : memref<128x16xf32, #tpu.memory_space<vmem>>, vector<1x16xf32>,
      %get3A_867 = arith.constant 68 : i32
      %get3A_868 = arith.index_cast %get3A_867 : i32 to index
      %get3A_869 = arith.constant 0 : index
      %get3A_870 = tpu.vector_load %arg12[%get3A_868, %get3A_869] {strides = array<i32>} : memref<128x128xf32, #tpu.memory_space<vmem>>, vector<1x16xf32>,
      %get3A_871 = vector.shape_cast %get3A_870 : vector<1x16xf32> to vector<16xf32>
      %sub3A_872 = arith.subf %get3A_871, %get3A_818 : vector<16xf32>
      %swap3A_873 = arith.constant 68 : i32
      %swap3A_874 = arith.index_cast %swap3A_873 : i32 to index
      %swap3A_875 = arith.constant 0 : index
      %swap3A_876 = tpu.vector_load %arg15[%swap3A_874, %swap3A_875] {strides = array<i32>} : memref<128x16xf32, #tpu.memory_space<vmem>>, vector<1x16xf32>,
      %swap3A_877 = vector.shape_cast %swap3A_876 : vector<1x16xf32> to vector<16xf32>
      %swap3A_878 = vector.shape_cast %sub3A_872 : vector<16xf32> to vector<1x16xf32>
      tpu.vector_store %arg15[%swap3A_874, %swap3A_875], %swap3A_878 {strides = array<i32>} : memref<128x16xf32, #tpu.memory_space<vmem>>, vector<1x16xf32>,
      %get3A_879 = arith.constant 69 : i32
      %get3A_880 = arith.index_cast %get3A_879 : i32 to index
      %get3A_881 = arith.constant 0 : index
      %get3A_882 = tpu.vector_load %arg12[%get3A_880, %get3A_881] {strides = array<i32>} : memref<128x128xf32, #tpu.memory_space<vmem>>, vector<1x16xf32>,
      %get3A_883 = vector.shape_cast %get3A_882 : vector<1x16xf32> to vector<16xf32>
      %sub3A_884 = arith.subf %get3A_883, %get3A_818 : vector<16xf32>
      %swap3A_885 = arith.constant 69 : i32
      %swap3A_886 = arith.index_cast %swap3A_885 : i32 to index
      %swap3A_887 = arith.constant 0 : index
      %swap3A_888 = tpu.vector_load %arg15[%swap3A_886, %swap3A_887] {strides = array<i32>} : memref<128x16xf32, #tpu.memory_space<vmem>>, vector<1x16xf32>,
      %swap3A_889 = vector.shape_cast %swap3A_888 : vector<1x16xf32> to vector<16xf32>
      %swap3A_890 = vector.shape_cast %sub3A_884 : vector<16xf32> to vector<1x16xf32>
      tpu.vector_store %arg15[%swap3A_886, %swap3A_887], %swap3A_890 {strides = array<i32>} : memref<128x16xf32, #tpu.memory_space<vmem>>, vector<1x16xf32>,
      %get3A_891 = arith.constant 70 : i32
      %get3A_892 = arith.index_cast %get3A_891 : i32 to index
      %get3A_893 = arith.constant 0 : index
      %get3A_894 = tpu.vector_load %arg12[%get3A_892, %get3A_893] {strides = array<i32>} : memref<128x128xf32, #tpu.memory_space<vmem>>, vector<1x16xf32>,
      %get3A_895 = vector.shape_cast %get3A_894 : vector<1x16xf32> to vector<16xf32>
      %sub3A_896 = arith.subf %get3A_895, %get3A_818 : vector<16xf32>
      %swap3A_897 = arith.constant 70 : i32
      %swap3A_898 = arith.index_cast %swap3A_897 : i32 to index
      %swap3A_899 = arith.constant 0 : index
      %swap3A_900 = tpu.vector_load %arg15[%swap3A_898, %swap3A_899] {strides = array<i32>} : memref<128x16xf32, #tpu.memory_space<vmem>>, vector<1x16xf32>,
      %swap3A_901 = vector.shape_cast %swap3A_900 : vector<1x16xf32> to vector<16xf32>
      %swap3A_902 = vector.shape_cast %sub3A_896 : vector<16xf32> to vector<1x16xf32>
      tpu.vector_store %arg15[%swap3A_898, %swap3A_899], %swap3A_902 {strides = array<i32>} : memref<128x16xf32, #tpu.memory_space<vmem>>, vector<1x16xf32>,
      %get3A_903 = arith.constant 71 : i32
      %get3A_904 = arith.index_cast %get3A_903 : i32 to index
      %get3A_905 = arith.constant 0 : index
      %get3A_906 = tpu.vector_load %arg12[%get3A_904, %get3A_905] {strides = array<i32>} : memref<128x128xf32, #tpu.memory_space<vmem>>, vector<1x16xf32>,
      %get3A_907 = vector.shape_cast %get3A_906 : vector<1x16xf32> to vector<16xf32>
      %sub3A_908 = arith.subf %get3A_907, %get3A_818 : vector<16xf32>
      %swap3A_909 = arith.constant 71 : i32
      %swap3A_910 = arith.index_cast %swap3A_909 : i32 to index
      %swap3A_911 = arith.constant 0 : index
      %swap3A_912 = tpu.vector_load %arg15[%swap3A_910, %swap3A_911] {strides = array<i32>} : memref<128x16xf32, #tpu.memory_space<vmem>>, vector<1x16xf32>,
      %swap3A_913 = vector.shape_cast %swap3A_912 : vector<1x16xf32> to vector<16xf32>
      %swap3A_914 = vector.shape_cast %sub3A_908 : vector<16xf32> to vector<1x16xf32>
      tpu.vector_store %arg15[%swap3A_910, %swap3A_911], %swap3A_914 {strides = array<i32>} : memref<128x16xf32, #tpu.memory_space<vmem>>, vector<1x16xf32>,
      %get3A_915 = arith.constant 72 : i32
      %get3A_916 = arith.index_cast %get3A_915 : i32 to index
      %get3A_917 = arith.constant 0 : index
      %get3A_918 = tpu.vector_load %arg12[%get3A_916, %get3A_917] {strides = array<i32>} : memref<128x128xf32, #tpu.memory_space<vmem>>, vector<1x16xf32>,
      %get3A_919 = vector.shape_cast %get3A_918 : vector<1x16xf32> to vector<16xf32>
      %sub3A_920 = arith.subf %get3A_919, %get3A_818 : vector<16xf32>
      %swap3A_921 = arith.constant 72 : i32
      %swap3A_922 = arith.index_cast %swap3A_921 : i32 to index
      %swap3A_923 = arith.constant 0 : index
      %swap3A_924 = tpu.vector_load %arg15[%swap3A_922, %swap3A_923] {strides = array<i32>} : memref<128x16xf32, #tpu.memory_space<vmem>>, vector<1x16xf32>,
      %swap3A_925 = vector.shape_cast %swap3A_924 : vector<1x16xf32> to vector<16xf32>
      %swap3A_926 = vector.shape_cast %sub3A_920 : vector<16xf32> to vector<1x16xf32>
      tpu.vector_store %arg15[%swap3A_922, %swap3A_923], %swap3A_926 {strides = array<i32>} : memref<128x16xf32, #tpu.memory_space<vmem>>, vector<1x16xf32>,
      %get3A_927 = arith.constant 73 : i32
      %get3A_928 = arith.index_cast %get3A_927 : i32 to index
      %get3A_929 = arith.constant 0 : index
      %get3A_930 = tpu.vector_load %arg12[%get3A_928, %get3A_929] {strides = array<i32>} : memref<128x128xf32, #tpu.memory_space<vmem>>, vector<1x16xf32>,
      %get3A_931 = vector.shape_cast %get3A_930 : vector<1x16xf32> to vector<16xf32>
      %sub3A_932 = arith.subf %get3A_931, %get3A_818 : vector<16xf32>
      %swap3A_933 = arith.constant 73 : i32
      %swap3A_934 = arith.index_cast %swap3A_933 : i32 to index
      %swap3A_935 = arith.constant 0 : index
      %swap3A_936 = tpu.vector_load %arg15[%swap3A_934, %swap3A_935] {strides = array<i32>} : memref<128x16xf32, #tpu.memory_space<vmem>>, vector<1x16xf32>,
      %swap3A_937 = vector.shape_cast %swap3A_936 : vector<1x16xf32> to vector<16xf32>
      %swap3A_938 = vector.shape_cast %sub3A_932 : vector<16xf32> to vector<1x16xf32>
      tpu.vector_store %arg15[%swap3A_934, %swap3A_935], %swap3A_938 {strides = array<i32>} : memref<128x16xf32, #tpu.memory_space<vmem>>, vector<1x16xf32>,
      %get3A_939 = arith.constant 74 : i32
      %get3A_940 = arith.index_cast %get3A_939 : i32 to index
      %get3A_941 = arith.constant 0 : index
      %get3A_942 = tpu.vector_load %arg12[%get3A_940, %get3A_941] {strides = array<i32>} : memref<128x128xf32, #tpu.memory_space<vmem>>, vector<1x16xf32>,
      %get3A_943 = vector.shape_cast %get3A_942 : vector<1x16xf32> to vector<16xf32>
      %sub3A_944 = arith.subf %get3A_943, %get3A_818 : vector<16xf32>
      %swap3A_945 = arith.constant 74 : i32
      %swap3A_946 = arith.index_cast %swap3A_945 : i32 to index
      %swap3A_947 = arith.constant 0 : index
      %swap3A_948 = tpu.vector_load %arg15[%swap3A_946, %swap3A_947] {strides = array<i32>} : memref<128x16xf32, #tpu.memory_space<vmem>>, vector<1x16xf32>,
      %swap3A_949 = vector.shape_cast %swap3A_948 : vector<1x16xf32> to vector<16xf32>
      %swap3A_950 = vector.shape_cast %sub3A_944 : vector<16xf32> to vector<1x16xf32>
      tpu.vector_store %arg15[%swap3A_946, %swap3A_947], %swap3A_950 {strides = array<i32>} : memref<128x16xf32, #tpu.memory_space<vmem>>, vector<1x16xf32>,
      %get3A_951 = arith.constant 75 : i32
      %get3A_952 = arith.index_cast %get3A_951 : i32 to index
      %get3A_953 = arith.constant 0 : index
      %get3A_954 = tpu.vector_load %arg12[%get3A_952, %get3A_953] {strides = array<i32>} : memref<128x128xf32, #tpu.memory_space<vmem>>, vector<1x16xf32>,
      %get3A_955 = vector.shape_cast %get3A_954 : vector<1x16xf32> to vector<16xf32>
      %sub3A_956 = arith.subf %get3A_955, %get3A_818 : vector<16xf32>
      %swap3A_957 = arith.constant 75 : i32
      %swap3A_958 = arith.index_cast %swap3A_957 : i32 to index
      %swap3A_959 = arith.constant 0 : index
      %swap3A_960 = tpu.vector_load %arg15[%swap3A_958, %swap3A_959] {strides = array<i32>} : memref<128x16xf32, #tpu.memory_space<vmem>>, vector<1x16xf32>,
      %swap3A_961 = vector.shape_cast %swap3A_960 : vector<1x16xf32> to vector<16xf32>
      %swap3A_962 = vector.shape_cast %sub3A_956 : vector<16xf32> to vector<1x16xf32>
      tpu.vector_store %arg15[%swap3A_958, %swap3A_959], %swap3A_962 {strides = array<i32>} : memref<128x16xf32, #tpu.memory_space<vmem>>, vector<1x16xf32>,
      %get3A_963 = arith.constant 76 : i32
      %get3A_964 = arith.index_cast %get3A_963 : i32 to index
      %get3A_965 = arith.constant 0 : index
      %get3A_966 = tpu.vector_load %arg12[%get3A_964, %get3A_965] {strides = array<i32>} : memref<128x128xf32, #tpu.memory_space<vmem>>, vector<1x16xf32>,
      %get3A_967 = vector.shape_cast %get3A_966 : vector<1x16xf32> to vector<16xf32>
      %sub3A_968 = arith.subf %get3A_967, %get3A_818 : vector<16xf32>
      %swap3A_969 = arith.constant 76 : i32
      %swap3A_970 = arith.index_cast %swap3A_969 : i32 to index
      %swap3A_971 = arith.constant 0 : index
      %swap3A_972 = tpu.vector_load %arg15[%swap3A_970, %swap3A_971] {strides = array<i32>} : memref<128x16xf32, #tpu.memory_space<vmem>>, vector<1x16xf32>,
      %swap3A_973 = vector.shape_cast %swap3A_972 : vector<1x16xf32> to vector<16xf32>
      %swap3A_974 = vector.shape_cast %sub3A_968 : vector<16xf32> to vector<1x16xf32>
      tpu.vector_store %arg15[%swap3A_970, %swap3A_971], %swap3A_974 {strides = array<i32>} : memref<128x16xf32, #tpu.memory_space<vmem>>, vector<1x16xf32>,
      %get3A_975 = arith.constant 77 : i32
      %get3A_976 = arith.index_cast %get3A_975 : i32 to index
      %get3A_977 = arith.constant 0 : index
      %get3A_978 = tpu.vector_load %arg12[%get3A_976, %get3A_977] {strides = array<i32>} : memref<128x128xf32, #tpu.memory_space<vmem>>, vector<1x16xf32>,
      %get3A_979 = vector.shape_cast %get3A_978 : vector<1x16xf32> to vector<16xf32>
      %sub3A_980 = arith.subf %get3A_979, %get3A_818 : vector<16xf32>
      %swap3A_981 = arith.constant 77 : i32
      %swap3A_982 = arith.index_cast %swap3A_981 : i32 to index
      %swap3A_983 = arith.constant 0 : index
      %swap3A_984 = tpu.vector_load %arg15[%swap3A_982, %swap3A_983] {strides = array<i32>} : memref<128x16xf32, #tpu.memory_space<vmem>>, vector<1x16xf32>,
      %swap3A_985 = vector.shape_cast %swap3A_984 : vector<1x16xf32> to vector<16xf32>
      %swap3A_986 = vector.shape_cast %sub3A_980 : vector<16xf32> to vector<1x16xf32>
      tpu.vector_store %arg15[%swap3A_982, %swap3A_983], %swap3A_986 {strides = array<i32>} : memref<128x16xf32, #tpu.memory_space<vmem>>, vector<1x16xf32>,
      %get3A_987 = arith.constant 78 : i32
      %get3A_988 = arith.index_cast %get3A_987 : i32 to index
      %get3A_989 = arith.constant 0 : index
      %get3A_990 = tpu.vector_load %arg12[%get3A_988, %get3A_989] {strides = array<i32>} : memref<128x128xf32, #tpu.memory_space<vmem>>, vector<1x16xf32>,
      %get3A_991 = vector.shape_cast %get3A_990 : vector<1x16xf32> to vector<16xf32>
      %sub3A_992 = arith.subf %get3A_991, %get3A_818 : vector<16xf32>
      %swap3A_993 = arith.constant 78 : i32
      %swap3A_994 = arith.index_cast %swap3A_993 : i32 to index
      %swap3A_995 = arith.constant 0 : index
      %swap3A_996 = tpu.vector_load %arg15[%swap3A_994, %swap3A_995] {strides = array<i32>} : memref<128x16xf32, #tpu.memory_space<vmem>>, vector<1x16xf32>,
      %swap3A_997 = vector.shape_cast %swap3A_996 : vector<1x16xf32> to vector<16xf32>
      %swap3A_998 = vector.shape_cast %sub3A_992 : vector<16xf32> to vector<1x16xf32>
      tpu.vector_store %arg15[%swap3A_994, %swap3A_995], %swap3A_998 {strides = array<i32>} : memref<128x16xf32, #tpu.memory_space<vmem>>, vector<1x16xf32>,
      %get3A_999 = arith.constant 79 : i32
      %get3A_1000 = arith.index_cast %get3A_999 : i32 to index
      %get3A_1001 = arith.constant 0 : index
      %get3A_1002 = tpu.vector_load %arg12[%get3A_1000, %get3A_1001] {strides = array<i32>} : memref<128x128xf32, #tpu.memory_space<vmem>>, vector<1x16xf32>,
      %get3A_1003 = vector.shape_cast %get3A_1002 : vector<1x16xf32> to vector<16xf32>
      %sub3A_1004 = arith.subf %get3A_1003, %get3A_818 : vector<16xf32>
      %swap3A_1005 = arith.constant 79 : i32
      %swap3A_1006 = arith.index_cast %swap3A_1005 : i32 to index
      %swap3A_1007 = arith.constant 0 : index
      %swap3A_1008 = tpu.vector_load %arg15[%swap3A_1006, %swap3A_1007] {strides = array<i32>} : memref<128x16xf32, #tpu.memory_space<vmem>>, vector<1x16xf32>,
      %swap3A_1009 = vector.shape_cast %swap3A_1008 : vector<1x16xf32> to vector<16xf32>
      %swap3A_1010 = vector.shape_cast %sub3A_1004 : vector<16xf32> to vector<1x16xf32>
      tpu.vector_store %arg15[%swap3A_1006, %swap3A_1007], %swap3A_1010 {strides = array<i32>} : memref<128x16xf32, #tpu.memory_space<vmem>>, vector<1x16xf32>,
      %get3A_1011 = arith.constant 80 : i32
      %get3A_1012 = arith.index_cast %get3A_1011 : i32 to index
      %get3A_1013 = arith.constant 0 : index
      %get3A_1014 = tpu.vector_load %arg12[%get3A_1012, %get3A_1013] {strides = array<i32>} : memref<128x128xf32, #tpu.memory_space<vmem>>, vector<1x16xf32>,
      %get3A_1015 = vector.shape_cast %get3A_1014 : vector<1x16xf32> to vector<16xf32>
      %sub3A_1016 = arith.subf %get3A_1015, %get3A_818 : vector<16xf32>
      %swap3A_1017 = arith.constant 80 : i32
      %swap3A_1018 = arith.index_cast %swap3A_1017 : i32 to index
      %swap3A_1019 = arith.constant 0 : index
      %swap3A_1020 = tpu.vector_load %arg15[%swap3A_1018, %swap3A_1019] {strides = array<i32>} : memref<128x16xf32, #tpu.memory_space<vmem>>, vector<1x16xf32>,
      %swap3A_1021 = vector.shape_cast %swap3A_1020 : vector<1x16xf32> to vector<16xf32>
      %swap3A_1022 = vector.shape_cast %sub3A_1016 : vector<16xf32> to vector<1x16xf32>
      tpu.vector_store %arg15[%swap3A_1018, %swap3A_1019], %swap3A_1022 {strides = array<i32>} : memref<128x16xf32, #tpu.memory_space<vmem>>, vector<1x16xf32>,
      %get3A_1023 = arith.constant 81 : i32
      %get3A_1024 = arith.index_cast %get3A_1023 : i32 to index
      %get3A_1025 = arith.constant 0 : index
      %get3A_1026 = tpu.vector_load %arg12[%get3A_1024, %get3A_1025] {strides = array<i32>} : memref<128x128xf32, #tpu.memory_space<vmem>>, vector<1x16xf32>,
      %get3A_1027 = vector.shape_cast %get3A_1026 : vector<1x16xf32> to vector<16xf32>
      %sub3A_1028 = arith.subf %get3A_1027, %get3A_818 : vector<16xf32>
      %swap3A_1029 = arith.constant 81 : i32
      %swap3A_1030 = arith.index_cast %swap3A_1029 : i32 to index
      %swap3A_1031 = arith.constant 0 : index
      %swap3A_1032 = tpu.vector_load %arg15[%swap3A_1030, %swap3A_1031] {strides = array<i32>} : memref<128x16xf32, #tpu.memory_space<vmem>>, vector<1x16xf32>,
      %swap3A_1033 = vector.shape_cast %swap3A_1032 : vector<1x16xf32> to vector<16xf32>
      %swap3A_1034 = vector.shape_cast %sub3A_1028 : vector<16xf32> to vector<1x16xf32>
      tpu.vector_store %arg15[%swap3A_1030, %swap3A_1031], %swap3A_1034 {strides = array<i32>} : memref<128x16xf32, #tpu.memory_space<vmem>>, vector<1x16xf32>,
      %get3A_1035 = arith.constant 82 : i32
      %get3A_1036 = arith.index_cast %get3A_1035 : i32 to index
      %get3A_1037 = arith.constant 0 : index
      %get3A_1038 = tpu.vector_load %arg12[%get3A_1036, %get3A_1037] {strides = array<i32>} : memref<128x128xf32, #tpu.memory_space<vmem>>, vector<1x16xf32>,
      %get3A_1039 = vector.shape_cast %get3A_1038 : vector<1x16xf32> to vector<16xf32>
      %sub3A_1040 = arith.subf %get3A_1039, %get3A_818 : vector<16xf32>
      %swap3A_1041 = arith.constant 82 : i32
      %swap3A_1042 = arith.index_cast %swap3A_1041 : i32 to index
      %swap3A_1043 = arith.constant 0 : index
      %swap3A_1044 = tpu.vector_load %arg15[%swap3A_1042, %swap3A_1043] {strides = array<i32>} : memref<128x16xf32, #tpu.memory_space<vmem>>, vector<1x16xf32>,
      %swap3A_1045 = vector.shape_cast %swap3A_1044 : vector<1x16xf32> to vector<16xf32>
      %swap3A_1046 = vector.shape_cast %sub3A_1040 : vector<16xf32> to vector<1x16xf32>
      tpu.vector_store %arg15[%swap3A_1042, %swap3A_1043], %swap3A_1046 {strides = array<i32>} : memref<128x16xf32, #tpu.memory_space<vmem>>, vector<1x16xf32>,
      %get3A_1047 = arith.constant 83 : i32
      %get3A_1048 = arith.index_cast %get3A_1047 : i32 to index
      %get3A_1049 = arith.constant 0 : index
      %get3A_1050 = tpu.vector_load %arg12[%get3A_1048, %get3A_1049] {strides = array<i32>} : memref<128x128xf32, #tpu.memory_space<vmem>>, vector<1x16xf32>,
      %get3A_1051 = vector.shape_cast %get3A_1050 : vector<1x16xf32> to vector<16xf32>
      %sub3A_1052 = arith.subf %get3A_1051, %get3A_818 : vector<16xf32>
      %swap3A_1053 = arith.constant 83 : i32
      %swap3A_1054 = arith.index_cast %swap3A_1053 : i32 to index
      %swap3A_1055 = arith.constant 0 : index
      %swap3A_1056 = tpu.vector_load %arg15[%swap3A_1054, %swap3A_1055] {strides = array<i32>} : memref<128x16xf32, #tpu.memory_space<vmem>>, vector<1x16xf32>,
      %swap3A_1057 = vector.shape_cast %swap3A_1056 : vector<1x16xf32> to vector<16xf32>
      %swap3A_1058 = vector.shape_cast %sub3A_1052 : vector<16xf32> to vector<1x16xf32>
      tpu.vector_store %arg15[%swap3A_1054, %swap3A_1055], %swap3A_1058 {strides = array<i32>} : memref<128x16xf32, #tpu.memory_space<vmem>>, vector<1x16xf32>,
      %get3A_1059 = arith.constant 84 : i32
      %get3A_1060 = arith.index_cast %get3A_1059 : i32 to index
      %get3A_1061 = arith.constant 0 : index
      %get3A_1062 = tpu.vector_load %arg12[%get3A_1060, %get3A_1061] {strides = array<i32>} : memref<128x128xf32, #tpu.memory_space<vmem>>, vector<1x16xf32>,
      %get3A_1063 = vector.shape_cast %get3A_1062 : vector<1x16xf32> to vector<16xf32>
      %sub3A_1064 = arith.subf %get3A_1063, %get3A_818 : vector<16xf32>
      %swap3A_1065 = arith.constant 84 : i32
      %swap3A_1066 = arith.index_cast %swap3A_1065 : i32 to index
      %swap3A_1067 = arith.constant 0 : index
      %swap3A_1068 = tpu.vector_load %arg15[%swap3A_1066, %swap3A_1067] {strides = array<i32>} : memref<128x16xf32, #tpu.memory_space<vmem>>, vector<1x16xf32>,
      %swap3A_1069 = vector.shape_cast %swap3A_1068 : vector<1x16xf32> to vector<16xf32>
      %swap3A_1070 = vector.shape_cast %sub3A_1064 : vector<16xf32> to vector<1x16xf32>
      tpu.vector_store %arg15[%swap3A_1066, %swap3A_1067], %swap3A_1070 {strides = array<i32>} : memref<128x16xf32, #tpu.memory_space<vmem>>, vector<1x16xf32>,
      %get3A_1071 = arith.constant 85 : i32
      %get3A_1072 = arith.index_cast %get3A_1071 : i32 to index
      %get3A_1073 = arith.constant 0 : index
      %get3A_1074 = tpu.vector_load %arg12[%get3A_1072, %get3A_1073] {strides = array<i32>} : memref<128x128xf32, #tpu.memory_space<vmem>>, vector<1x16xf32>,
      %get3A_1075 = vector.shape_cast %get3A_1074 : vector<1x16xf32> to vector<16xf32>
      %sub3A_1076 = arith.subf %get3A_1075, %get3A_818 : vector<16xf32>
      %swap3A_1077 = arith.constant 85 : i32
      %swap3A_1078 = arith.index_cast %swap3A_1077 : i32 to index
      %swap3A_1079 = arith.constant 0 : index
      %swap3A_1080 = tpu.vector_load %arg15[%swap3A_1078, %swap3A_1079] {strides = array<i32>} : memref<128x16xf32, #tpu.memory_space<vmem>>, vector<1x16xf32>,
      %swap3A_1081 = vector.shape_cast %swap3A_1080 : vector<1x16xf32> to vector<16xf32>
      %swap3A_1082 = vector.shape_cast %sub3A_1076 : vector<16xf32> to vector<1x16xf32>
      tpu.vector_store %arg15[%swap3A_1078, %swap3A_1079], %swap3A_1082 {strides = array<i32>} : memref<128x16xf32, #tpu.memory_space<vmem>>, vector<1x16xf32>,
      %get3A_1083 = arith.constant 86 : i32
      %get3A_1084 = arith.index_cast %get3A_1083 : i32 to index
      %get3A_1085 = arith.constant 0 : index
      %get3A_1086 = tpu.vector_load %arg12[%get3A_1084, %get3A_1085] {strides = array<i32>} : memref<128x128xf32, #tpu.memory_space<vmem>>, vector<1x16xf32>,
      %get3A_1087 = vector.shape_cast %get3A_1086 : vector<1x16xf32> to vector<16xf32>
      %sub3A_1088 = arith.subf %get3A_1087, %get3A_818 : vector<16xf32>
      %swap3A_1089 = arith.constant 86 : i32
      %swap3A_1090 = arith.index_cast %swap3A_1089 : i32 to index
      %swap3A_1091 = arith.constant 0 : index
      %swap3A_1092 = tpu.vector_load %arg15[%swap3A_1090, %swap3A_1091] {strides = array<i32>} : memref<128x16xf32, #tpu.memory_space<vmem>>, vector<1x16xf32>,
      %swap3A_1093 = vector.shape_cast %swap3A_1092 : vector<1x16xf32> to vector<16xf32>
      %swap3A_1094 = vector.shape_cast %sub3A_1088 : vector<16xf32> to vector<1x16xf32>
      tpu.vector_store %arg15[%swap3A_1090, %swap3A_1091], %swap3A_1094 {strides = array<i32>} : memref<128x16xf32, #tpu.memory_space<vmem>>, vector<1x16xf32>,
      %get3A_1095 = arith.constant 87 : i32
      %get3A_1096 = arith.index_cast %get3A_1095 : i32 to index
      %get3A_1097 = arith.constant 0 : index
      %get3A_1098 = tpu.vector_load %arg12[%get3A_1096, %get3A_1097] {strides = array<i32>} : memref<128x128xf32, #tpu.memory_space<vmem>>, vector<1x16xf32>,
      %get3A_1099 = vector.shape_cast %get3A_1098 : vector<1x16xf32> to vector<16xf32>
      %sub3A_1100 = arith.subf %get3A_1099, %get3A_818 : vector<16xf32>
      %swap3A_1101 = arith.constant 87 : i32
      %swap3A_1102 = arith.index_cast %swap3A_1101 : i32 to index
      %swap3A_1103 = arith.constant 0 : index
      %swap3A_1104 = tpu.vector_load %arg15[%swap3A_1102, %swap3A_1103] {strides = array<i32>} : memref<128x16xf32, #tpu.memory_space<vmem>>, vector<1x16xf32>,
      %swap3A_1105 = vector.shape_cast %swap3A_1104 : vector<1x16xf32> to vector<16xf32>
      %swap3A_1106 = vector.shape_cast %sub3A_1100 : vector<16xf32> to vector<1x16xf32>
      tpu.vector_store %arg15[%swap3A_1102, %swap3A_1103], %swap3A_1106 {strides = array<i32>} : memref<128x16xf32, #tpu.memory_space<vmem>>, vector<1x16xf32>,
      %get3A_1107 = arith.constant 88 : i32
      %get3A_1108 = arith.index_cast %get3A_1107 : i32 to index
      %get3A_1109 = arith.constant 0 : index
      %get3A_1110 = tpu.vector_load %arg12[%get3A_1108, %get3A_1109] {strides = array<i32>} : memref<128x128xf32, #tpu.memory_space<vmem>>, vector<1x16xf32>,
      %get3A_1111 = vector.shape_cast %get3A_1110 : vector<1x16xf32> to vector<16xf32>
      %sub3A_1112 = arith.subf %get3A_1111, %get3A_818 : vector<16xf32>
      %swap3A_1113 = arith.constant 88 : i32
      %swap3A_1114 = arith.index_cast %swap3A_1113 : i32 to index
      %swap3A_1115 = arith.constant 0 : index
      %swap3A_1116 = tpu.vector_load %arg15[%swap3A_1114, %swap3A_1115] {strides = array<i32>} : memref<128x16xf32, #tpu.memory_space<vmem>>, vector<1x16xf32>,
      %swap3A_1117 = vector.shape_cast %swap3A_1116 : vector<1x16xf32> to vector<16xf32>
      %swap3A_1118 = vector.shape_cast %sub3A_1112 : vector<16xf32> to vector<1x16xf32>
      tpu.vector_store %arg15[%swap3A_1114, %swap3A_1115], %swap3A_1118 {strides = array<i32>} : memref<128x16xf32, #tpu.memory_space<vmem>>, vector<1x16xf32>,
      %get3A_1119 = arith.constant 89 : i32
      %get3A_1120 = arith.index_cast %get3A_1119 : i32 to index
      %get3A_1121 = arith.constant 0 : index
      %get3A_1122 = tpu.vector_load %arg12[%get3A_1120, %get3A_1121] {strides = array<i32>} : memref<128x128xf32, #tpu.memory_space<vmem>>, vector<1x16xf32>,
      %get3A_1123 = vector.shape_cast %get3A_1122 : vector<1x16xf32> to vector<16xf32>
      %sub3A_1124 = arith.subf %get3A_1123, %get3A_818 : vector<16xf32>
      %swap3A_1125 = arith.constant 89 : i32
      %swap3A_1126 = arith.index_cast %swap3A_1125 : i32 to index
      %swap3A_1127 = arith.constant 0 : index
      %swap3A_1128 = tpu.vector_load %arg15[%swap3A_1126, %swap3A_1127] {strides = array<i32>} : memref<128x16xf32, #tpu.memory_space<vmem>>, vector<1x16xf32>,
      %swap3A_1129 = vector.shape_cast %swap3A_1128 : vector<1x16xf32> to vector<16xf32>
      %swap3A_1130 = vector.shape_cast %sub3A_1124 : vector<16xf32> to vector<1x16xf32>
      tpu.vector_store %arg15[%swap3A_1126, %swap3A_1127], %swap3A_1130 {strides = array<i32>} : memref<128x16xf32, #tpu.memory_space<vmem>>, vector<1x16xf32>,
      %get3A_1131 = arith.constant 90 : i32
      %get3A_1132 = arith.index_cast %get3A_1131 : i32 to index
      %get3A_1133 = arith.constant 0 : index
      %get3A_1134 = tpu.vector_load %arg12[%get3A_1132, %get3A_1133] {strides = array<i32>} : memref<128x128xf32, #tpu.memory_space<vmem>>, vector<1x16xf32>,
      %get3A_1135 = vector.shape_cast %get3A_1134 : vector<1x16xf32> to vector<16xf32>
      %sub3A_1136 = arith.subf %get3A_1135, %get3A_818 : vector<16xf32>
      %swap3A_1137 = arith.constant 90 : i32
      %swap3A_1138 = arith.index_cast %swap3A_1137 : i32 to index
      %swap3A_1139 = arith.constant 0 : index
      %swap3A_1140 = tpu.vector_load %arg15[%swap3A_1138, %swap3A_1139] {strides = array<i32>} : memref<128x16xf32, #tpu.memory_space<vmem>>, vector<1x16xf32>,
      %swap3A_1141 = vector.shape_cast %swap3A_1140 : vector<1x16xf32> to vector<16xf32>
      %swap3A_1142 = vector.shape_cast %sub3A_1136 : vector<16xf32> to vector<1x16xf32>
      tpu.vector_store %arg15[%swap3A_1138, %swap3A_1139], %swap3A_1142 {strides = array<i32>} : memref<128x16xf32, #tpu.memory_space<vmem>>, vector<1x16xf32>,
      %get3A_1143 = arith.constant 91 : i32
      %get3A_1144 = arith.index_cast %get3A_1143 : i32 to index
      %get3A_1145 = arith.constant 0 : index
      %get3A_1146 = tpu.vector_load %arg12[%get3A_1144, %get3A_1145] {strides = array<i32>} : memref<128x128xf32, #tpu.memory_space<vmem>>, vector<1x16xf32>,
      %get3A_1147 = vector.shape_cast %get3A_1146 : vector<1x16xf32> to vector<16xf32>
      %sub3A_1148 = arith.subf %get3A_1147, %get3A_818 : vector<16xf32>
      %swap3A_1149 = arith.constant 91 : i32
      %swap3A_1150 = arith.index_cast %swap3A_1149 : i32 to index
      %swap3A_1151 = arith.constant 0 : index
      %swap3A_1152 = tpu.vector_load %arg15[%swap3A_1150, %swap3A_1151] {strides = array<i32>} : memref<128x16xf32, #tpu.memory_space<vmem>>, vector<1x16xf32>,
      %swap3A_1153 = vector.shape_cast %swap3A_1152 : vector<1x16xf32> to vector<16xf32>
      %swap3A_1154 = vector.shape_cast %sub3A_1148 : vector<16xf32> to vector<1x16xf32>
      tpu.vector_store %arg15[%swap3A_1150, %swap3A_1151], %swap3A_1154 {strides = array<i32>} : memref<128x16xf32, #tpu.memory_space<vmem>>, vector<1x16xf32>,
      %get3A_1155 = arith.constant 92 : i32
      %get3A_1156 = arith.index_cast %get3A_1155 : i32 to index
      %get3A_1157 = arith.constant 0 : index
      %get3A_1158 = tpu.vector_load %arg12[%get3A_1156, %get3A_1157] {strides = array<i32>} : memref<128x128xf32, #tpu.memory_space<vmem>>, vector<1x16xf32>,
      %get3A_1159 = vector.shape_cast %get3A_1158 : vector<1x16xf32> to vector<16xf32>
      %sub3A_1160 = arith.subf %get3A_1159, %get3A_818 : vector<16xf32>
      %swap3A_1161 = arith.constant 92 : i32
      %swap3A_1162 = arith.index_cast %swap3A_1161 : i32 to index
      %swap3A_1163 = arith.constant 0 : index
      %swap3A_1164 = tpu.vector_load %arg15[%swap3A_1162, %swap3A_1163] {strides = array<i32>} : memref<128x16xf32, #tpu.memory_space<vmem>>, vector<1x16xf32>,
      %swap3A_1165 = vector.shape_cast %swap3A_1164 : vector<1x16xf32> to vector<16xf32>
      %swap3A_1166 = vector.shape_cast %sub3A_1160 : vector<16xf32> to vector<1x16xf32>
      tpu.vector_store %arg15[%swap3A_1162, %swap3A_1163], %swap3A_1166 {strides = array<i32>} : memref<128x16xf32, #tpu.memory_space<vmem>>, vector<1x16xf32>,
      %get3A_1167 = arith.constant 93 : i32
      %get3A_1168 = arith.index_cast %get3A_1167 : i32 to index
      %get3A_1169 = arith.constant 0 : index
      %get3A_1170 = tpu.vector_load %arg12[%get3A_1168, %get3A_1169] {strides = array<i32>} : memref<128x128xf32, #tpu.memory_space<vmem>>, vector<1x16xf32>,
      %get3A_1171 = vector.shape_cast %get3A_1170 : vector<1x16xf32> to vector<16xf32>
      %sub3A_1172 = arith.subf %get3A_1171, %get3A_818 : vector<16xf32>
      %swap3A_1173 = arith.constant 93 : i32
      %swap3A_1174 = arith.index_cast %swap3A_1173 : i32 to index
      %swap3A_1175 = arith.constant 0 : index
      %swap3A_1176 = tpu.vector_load %arg15[%swap3A_1174, %swap3A_1175] {strides = array<i32>} : memref<128x16xf32, #tpu.memory_space<vmem>>, vector<1x16xf32>,
      %swap3A_1177 = vector.shape_cast %swap3A_1176 : vector<1x16xf32> to vector<16xf32>
      %swap3A_1178 = vector.shape_cast %sub3A_1172 : vector<16xf32> to vector<1x16xf32>
      tpu.vector_store %arg15[%swap3A_1174, %swap3A_1175], %swap3A_1178 {strides = array<i32>} : memref<128x16xf32, #tpu.memory_space<vmem>>, vector<1x16xf32>,
      %get3A_1179 = arith.constant 94 : i32
      %get3A_1180 = arith.index_cast %get3A_1179 : i32 to index
      %get3A_1181 = arith.constant 0 : index
      %get3A_1182 = tpu.vector_load %arg12[%get3A_1180, %get3A_1181] {strides = array<i32>} : memref<128x128xf32, #tpu.memory_space<vmem>>, vector<1x16xf32>,
      %get3A_1183 = vector.shape_cast %get3A_1182 : vector<1x16xf32> to vector<16xf32>
      %sub3A_1184 = arith.subf %get3A_1183, %get3A_818 : vector<16xf32>
      %swap3A_1185 = arith.constant 94 : i32
      %swap3A_1186 = arith.index_cast %swap3A_1185 : i32 to index
      %swap3A_1187 = arith.constant 0 : index
      %swap3A_1188 = tpu.vector_load %arg15[%swap3A_1186, %swap3A_1187] {strides = array<i32>} : memref<128x16xf32, #tpu.memory_space<vmem>>, vector<1x16xf32>,
      %swap3A_1189 = vector.shape_cast %swap3A_1188 : vector<1x16xf32> to vector<16xf32>
      %swap3A_1190 = vector.shape_cast %sub3A_1184 : vector<16xf32> to vector<1x16xf32>
      tpu.vector_store %arg15[%swap3A_1186, %swap3A_1187], %swap3A_1190 {strides = array<i32>} : memref<128x16xf32, #tpu.memory_space<vmem>>, vector<1x16xf32>,
      %get3A_1191 = arith.constant 95 : i32
      %get3A_1192 = arith.index_cast %get3A_1191 : i32 to index
      %get3A_1193 = arith.constant 0 : index
      %get3A_1194 = tpu.vector_load %arg12[%get3A_1192, %get3A_1193] {strides = array<i32>} : memref<128x128xf32, #tpu.memory_space<vmem>>, vector<1x16xf32>,
      %get3A_1195 = vector.shape_cast %get3A_1194 : vector<1x16xf32> to vector<16xf32>
      %sub3A_1196 = arith.subf %get3A_1195, %get3A_818 : vector<16xf32>
      %swap3A_1197 = arith.constant 95 : i32
      %swap3A_1198 = arith.index_cast %swap3A_1197 : i32 to index
      %swap3A_1199 = arith.constant 0 : index
      %swap3A_1200 = tpu.vector_load %arg15[%swap3A_1198, %swap3A_1199] {strides = array<i32>} : memref<128x16xf32, #tpu.memory_space<vmem>>, vector<1x16xf32>,
      %swap3A_1201 = vector.shape_cast %swap3A_1200 : vector<1x16xf32> to vector<16xf32>
      %swap3A_1202 = vector.shape_cast %sub3A_1196 : vector<16xf32> to vector<1x16xf32>
      tpu.vector_store %arg15[%swap3A_1198, %swap3A_1199], %swap3A_1202 {strides = array<i32>} : memref<128x16xf32, #tpu.memory_space<vmem>>, vector<1x16xf32>,
      %get3A_1203 = arith.constant 3 : i32
      %get3A_1204 = arith.index_cast %get3A_1203 : i32 to index
      %get3A_1205 = arith.constant 0 : index
      %get3A_1206 = tpu.vector_load %arg14[%get3A_1204, %get3A_1205] {strides = array<i32>} : memref<8x128xf32, #tpu.memory_space<vmem>>, vector<1x16xf32>,
      %get3A_1207 = vector.shape_cast %get3A_1206 : vector<1x16xf32> to vector<16xf32>
      %get3A_1208 = arith.constant 96 : i32
      %get3A_1209 = arith.index_cast %get3A_1208 : i32 to index
      %get3A_1210 = arith.constant 0 : index
      %get3A_1211 = tpu.vector_load %arg12[%get3A_1209, %get3A_1210] {strides = array<i32>} : memref<128x128xf32, #tpu.memory_space<vmem>>, vector<1x16xf32>,
      %get3A_1212 = vector.shape_cast %get3A_1211 : vector<1x16xf32> to vector<16xf32>
      %sub3A_1213 = arith.subf %get3A_1212, %get3A_1207 : vector<16xf32>
      %swap3A_1214 = arith.constant 96 : i32
      %swap3A_1215 = arith.index_cast %swap3A_1214 : i32 to index
      %swap3A_1216 = arith.constant 0 : index
      %swap3A_1217 = tpu.vector_load %arg15[%swap3A_1215, %swap3A_1216] {strides = array<i32>} : memref<128x16xf32, #tpu.memory_space<vmem>>, vector<1x16xf32>,
      %swap3A_1218 = vector.shape_cast %swap3A_1217 : vector<1x16xf32> to vector<16xf32>
      %swap3A_1219 = vector.shape_cast %sub3A_1213 : vector<16xf32> to vector<1x16xf32>
      tpu.vector_store %arg15[%swap3A_1215, %swap3A_1216], %swap3A_1219 {strides = array<i32>} : memref<128x16xf32, #tpu.memory_space<vmem>>, vector<1x16xf32>,
      %get3A_1220 = arith.constant 97 : i32
      %get3A_1221 = arith.index_cast %get3A_1220 : i32 to index
      %get3A_1222 = arith.constant 0 : index
      %get3A_1223 = tpu.vector_load %arg12[%get3A_1221, %get3A_1222] {strides = array<i32>} : memref<128x128xf32, #tpu.memory_space<vmem>>, vector<1x16xf32>,
      %get3A_1224 = vector.shape_cast %get3A_1223 : vector<1x16xf32> to vector<16xf32>
      %sub3A_1225 = arith.subf %get3A_1224, %get3A_1207 : vector<16xf32>
      %swap3A_1226 = arith.constant 97 : i32
      %swap3A_1227 = arith.index_cast %swap3A_1226 : i32 to index
      %swap3A_1228 = arith.constant 0 : index
      %swap3A_1229 = tpu.vector_load %arg15[%swap3A_1227, %swap3A_1228] {strides = array<i32>} : memref<128x16xf32, #tpu.memory_space<vmem>>, vector<1x16xf32>,
      %swap3A_1230 = vector.shape_cast %swap3A_1229 : vector<1x16xf32> to vector<16xf32>
      %swap3A_1231 = vector.shape_cast %sub3A_1225 : vector<16xf32> to vector<1x16xf32>
      tpu.vector_store %arg15[%swap3A_1227, %swap3A_1228], %swap3A_1231 {strides = array<i32>} : memref<128x16xf32, #tpu.memory_space<vmem>>, vector<1x16xf32>,
      %get3A_1232 = arith.constant 98 : i32
      %get3A_1233 = arith.index_cast %get3A_1232 : i32 to index
      %get3A_1234 = arith.constant 0 : index
      %get3A_1235 = tpu.vector_load %arg12[%get3A_1233, %get3A_1234] {strides = array<i32>} : memref<128x128xf32, #tpu.memory_space<vmem>>, vector<1x16xf32>,
      %get3A_1236 = vector.shape_cast %get3A_1235 : vector<1x16xf32> to vector<16xf32>
      %sub3A_1237 = arith.subf %get3A_1236, %get3A_1207 : vector<16xf32>
      %swap3A_1238 = arith.constant 98 : i32
      %swap3A_1239 = arith.index_cast %swap3A_1238 : i32 to index
      %swap3A_1240 = arith.constant 0 : index
      %swap3A_1241 = tpu.vector_load %arg15[%swap3A_1239, %swap3A_1240] {strides = array<i32>} : memref<128x16xf32, #tpu.memory_space<vmem>>, vector<1x16xf32>,
      %swap3A_1242 = vector.shape_cast %swap3A_1241 : vector<1x16xf32> to vector<16xf32>
      %swap3A_1243 = vector.shape_cast %sub3A_1237 : vector<16xf32> to vector<1x16xf32>
      tpu.vector_store %arg15[%swap3A_1239, %swap3A_1240], %swap3A_1243 {strides = array<i32>} : memref<128x16xf32, #tpu.memory_space<vmem>>, vector<1x16xf32>,
      %get3A_1244 = arith.constant 99 : i32
      %get3A_1245 = arith.index_cast %get3A_1244 : i32 to index
      %get3A_1246 = arith.constant 0 : index
      %get3A_1247 = tpu.vector_load %arg12[%get3A_1245, %get3A_1246] {strides = array<i32>} : memref<128x128xf32, #tpu.memory_space<vmem>>, vector<1x16xf32>,
      %get3A_1248 = vector.shape_cast %get3A_1247 : vector<1x16xf32> to vector<16xf32>
      %sub3A_1249 = arith.subf %get3A_1248, %get3A_1207 : vector<16xf32>
      %swap3A_1250 = arith.constant 99 : i32
      %swap3A_1251 = arith.index_cast %swap3A_1250 : i32 to index
      %swap3A_1252 = arith.constant 0 : index
      %swap3A_1253 = tpu.vector_load %arg15[%swap3A_1251, %swap3A_1252] {strides = array<i32>} : memref<128x16xf32, #tpu.memory_space<vmem>>, vector<1x16xf32>,
      %swap3A_1254 = vector.shape_cast %swap3A_1253 : vector<1x16xf32> to vector<16xf32>
      %swap3A_1255 = vector.shape_cast %sub3A_1249 : vector<16xf32> to vector<1x16xf32>
      tpu.vector_store %arg15[%swap3A_1251, %swap3A_1252], %swap3A_1255 {strides = array<i32>} : memref<128x16xf32, #tpu.memory_space<vmem>>, vector<1x16xf32>,
      %get3A_1256 = arith.constant 100 : i32
      %get3A_1257 = arith.index_cast %get3A_1256 : i32 to index
      %get3A_1258 = arith.constant 0 : index
      %get3A_1259 = tpu.vector_load %arg12[%get3A_1257, %get3A_1258] {strides = array<i32>} : memref<128x128xf32, #tpu.memory_space<vmem>>, vector<1x16xf32>,
      %get3A_1260 = vector.shape_cast %get3A_1259 : vector<1x16xf32> to vector<16xf32>
      %sub3A_1261 = arith.subf %get3A_1260, %get3A_1207 : vector<16xf32>
      %swap3A_1262 = arith.constant 100 : i32
      %swap3A_1263 = arith.index_cast %swap3A_1262 : i32 to index
      %swap3A_1264 = arith.constant 0 : index
      %swap3A_1265 = tpu.vector_load %arg15[%swap3A_1263, %swap3A_1264] {strides = array<i32>} : memref<128x16xf32, #tpu.memory_space<vmem>>, vector<1x16xf32>,
      %swap3A_1266 = vector.shape_cast %swap3A_1265 : vector<1x16xf32> to vector<16xf32>
      %swap3A_1267 = vector.shape_cast %sub3A_1261 : vector<16xf32> to vector<1x16xf32>
      tpu.vector_store %arg15[%swap3A_1263, %swap3A_1264], %swap3A_1267 {strides = array<i32>} : memref<128x16xf32, #tpu.memory_space<vmem>>, vector<1x16xf32>,
      %get3A_1268 = arith.constant 101 : i32
      %get3A_1269 = arith.index_cast %get3A_1268 : i32 to index
      %get3A_1270 = arith.constant 0 : index
      %get3A_1271 = tpu.vector_load %arg12[%get3A_1269, %get3A_1270] {strides = array<i32>} : memref<128x128xf32, #tpu.memory_space<vmem>>, vector<1x16xf32>,
      %get3A_1272 = vector.shape_cast %get3A_1271 : vector<1x16xf32> to vector<16xf32>
      %sub3A_1273 = arith.subf %get3A_1272, %get3A_1207 : vector<16xf32>
      %swap3A_1274 = arith.constant 101 : i32
      %swap3A_1275 = arith.index_cast %swap3A_1274 : i32 to index
      %swap3A_1276 = arith.constant 0 : index
      %swap3A_1277 = tpu.vector_load %arg15[%swap3A_1275, %swap3A_1276] {strides = array<i32>} : memref<128x16xf32, #tpu.memory_space<vmem>>, vector<1x16xf32>,
      %swap3A_1278 = vector.shape_cast %swap3A_1277 : vector<1x16xf32> to vector<16xf32>
      %swap3A_1279 = vector.shape_cast %sub3A_1273 : vector<16xf32> to vector<1x16xf32>
      tpu.vector_store %arg15[%swap3A_1275, %swap3A_1276], %swap3A_1279 {strides = array<i32>} : memref<128x16xf32, #tpu.memory_space<vmem>>, vector<1x16xf32>,
      %get3A_1280 = arith.constant 102 : i32
      %get3A_1281 = arith.index_cast %get3A_1280 : i32 to index
      %get3A_1282 = arith.constant 0 : index
      %get3A_1283 = tpu.vector_load %arg12[%get3A_1281, %get3A_1282] {strides = array<i32>} : memref<128x128xf32, #tpu.memory_space<vmem>>, vector<1x16xf32>,
      %get3A_1284 = vector.shape_cast %get3A_1283 : vector<1x16xf32> to vector<16xf32>
      %sub3A_1285 = arith.subf %get3A_1284, %get3A_1207 : vector<16xf32>
      %swap3A_1286 = arith.constant 102 : i32
      %swap3A_1287 = arith.index_cast %swap3A_1286 : i32 to index
      %swap3A_1288 = arith.constant 0 : index
      %swap3A_1289 = tpu.vector_load %arg15[%swap3A_1287, %swap3A_1288] {strides = array<i32>} : memref<128x16xf32, #tpu.memory_space<vmem>>, vector<1x16xf32>,
      %swap3A_1290 = vector.shape_cast %swap3A_1289 : vector<1x16xf32> to vector<16xf32>
      %swap3A_1291 = vector.shape_cast %sub3A_1285 : vector<16xf32> to vector<1x16xf32>
      tpu.vector_store %arg15[%swap3A_1287, %swap3A_1288], %swap3A_1291 {strides = array<i32>} : memref<128x16xf32, #tpu.memory_space<vmem>>, vector<1x16xf32>,
      %get3A_1292 = arith.constant 103 : i32
      %get3A_1293 = arith.index_cast %get3A_1292 : i32 to index
      %get3A_1294 = arith.constant 0 : index
      %get3A_1295 = tpu.vector_load %arg12[%get3A_1293, %get3A_1294] {strides = array<i32>} : memref<128x128xf32, #tpu.memory_space<vmem>>, vector<1x16xf32>,
      %get3A_1296 = vector.shape_cast %get3A_1295 : vector<1x16xf32> to vector<16xf32>
      %sub3A_1297 = arith.subf %get3A_1296, %get3A_1207 : vector<16xf32>
      %swap3A_1298 = arith.constant 103 : i32
      %swap3A_1299 = arith.index_cast %swap3A_1298 : i32 to index
      %swap3A_1300 = arith.constant 0 : index
      %swap3A_1301 = tpu.vector_load %arg15[%swap3A_1299, %swap3A_1300] {strides = array<i32>} : memref<128x16xf32, #tpu.memory_space<vmem>>, vector<1x16xf32>,
      %swap3A_1302 = vector.shape_cast %swap3A_1301 : vector<1x16xf32> to vector<16xf32>
      %swap3A_1303 = vector.shape_cast %sub3A_1297 : vector<16xf32> to vector<1x16xf32>
      tpu.vector_store %arg15[%swap3A_1299, %swap3A_1300], %swap3A_1303 {strides = array<i32>} : memref<128x16xf32, #tpu.memory_space<vmem>>, vector<1x16xf32>,
      %get3A_1304 = arith.constant 104 : i32
      %get3A_1305 = arith.index_cast %get3A_1304 : i32 to index
      %get3A_1306 = arith.constant 0 : index
      %get3A_1307 = tpu.vector_load %arg12[%get3A_1305, %get3A_1306] {strides = array<i32>} : memref<128x128xf32, #tpu.memory_space<vmem>>, vector<1x16xf32>,
      %get3A_1308 = vector.shape_cast %get3A_1307 : vector<1x16xf32> to vector<16xf32>
      %sub3A_1309 = arith.subf %get3A_1308, %get3A_1207 : vector<16xf32>
      %swap3A_1310 = arith.constant 104 : i32
      %swap3A_1311 = arith.index_cast %swap3A_1310 : i32 to index
      %swap3A_1312 = arith.constant 0 : index
      %swap3A_1313 = tpu.vector_load %arg15[%swap3A_1311, %swap3A_1312] {strides = array<i32>} : memref<128x16xf32, #tpu.memory_space<vmem>>, vector<1x16xf32>,
      %swap3A_1314 = vector.shape_cast %swap3A_1313 : vector<1x16xf32> to vector<16xf32>
      %swap3A_1315 = vector.shape_cast %sub3A_1309 : vector<16xf32> to vector<1x16xf32>
      tpu.vector_store %arg15[%swap3A_1311, %swap3A_1312], %swap3A_1315 {strides = array<i32>} : memref<128x16xf32, #tpu.memory_space<vmem>>, vector<1x16xf32>,
      %get3A_1316 = arith.constant 105 : i32
      %get3A_1317 = arith.index_cast %get3A_1316 : i32 to index
      %get3A_1318 = arith.constant 0 : index
      %get3A_1319 = tpu.vector_load %arg12[%get3A_1317, %get3A_1318] {strides = array<i32>} : memref<128x128xf32, #tpu.memory_space<vmem>>, vector<1x16xf32>,
      %get3A_1320 = vector.shape_cast %get3A_1319 : vector<1x16xf32> to vector<16xf32>
      %sub3A_1321 = arith.subf %get3A_1320, %get3A_1207 : vector<16xf32>
      %swap3A_1322 = arith.constant 105 : i32
      %swap3A_1323 = arith.index_cast %swap3A_1322 : i32 to index
      %swap3A_1324 = arith.constant 0 : index
      %swap3A_1325 = tpu.vector_load %arg15[%swap3A_1323, %swap3A_1324] {strides = array<i32>} : memref<128x16xf32, #tpu.memory_space<vmem>>, vector<1x16xf32>,
      %swap3A_1326 = vector.shape_cast %swap3A_1325 : vector<1x16xf32> to vector<16xf32>
      %swap3A_1327 = vector.shape_cast %sub3A_1321 : vector<16xf32> to vector<1x16xf32>
      tpu.vector_store %arg15[%swap3A_1323, %swap3A_1324], %swap3A_1327 {strides = array<i32>} : memref<128x16xf32, #tpu.memory_space<vmem>>, vector<1x16xf32>,
      %get3A_1328 = arith.constant 106 : i32
      %get3A_1329 = arith.index_cast %get3A_1328 : i32 to index
      %get3A_1330 = arith.constant 0 : index
      %get3A_1331 = tpu.vector_load %arg12[%get3A_1329, %get3A_1330] {strides = array<i32>} : memref<128x128xf32, #tpu.memory_space<vmem>>, vector<1x16xf32>,
      %get3A_1332 = vector.shape_cast %get3A_1331 : vector<1x16xf32> to vector<16xf32>
      %sub3A_1333 = arith.subf %get3A_1332, %get3A_1207 : vector<16xf32>
      %swap3A_1334 = arith.constant 106 : i32
      %swap3A_1335 = arith.index_cast %swap3A_1334 : i32 to index
      %swap3A_1336 = arith.constant 0 : index
      %swap3A_1337 = tpu.vector_load %arg15[%swap3A_1335, %swap3A_1336] {strides = array<i32>} : memref<128x16xf32, #tpu.memory_space<vmem>>, vector<1x16xf32>,
      %swap3A_1338 = vector.shape_cast %swap3A_1337 : vector<1x16xf32> to vector<16xf32>
      %swap3A_1339 = vector.shape_cast %sub3A_1333 : vector<16xf32> to vector<1x16xf32>
      tpu.vector_store %arg15[%swap3A_1335, %swap3A_1336], %swap3A_1339 {strides = array<i32>} : memref<128x16xf32, #tpu.memory_space<vmem>>, vector<1x16xf32>,
      %get3A_1340 = arith.constant 107 : i32
      %get3A_1341 = arith.index_cast %get3A_1340 : i32 to index
      %get3A_1342 = arith.constant 0 : index
      %get3A_1343 = tpu.vector_load %arg12[%get3A_1341, %get3A_1342] {strides = array<i32>} : memref<128x128xf32, #tpu.memory_space<vmem>>, vector<1x16xf32>,
      %get3A_1344 = vector.shape_cast %get3A_1343 : vector<1x16xf32> to vector<16xf32>
      %sub3A_1345 = arith.subf %get3A_1344, %get3A_1207 : vector<16xf32>
      %swap3A_1346 = arith.constant 107 : i32
      %swap3A_1347 = arith.index_cast %swap3A_1346 : i32 to index
      %swap3A_1348 = arith.constant 0 : index
      %swap3A_1349 = tpu.vector_load %arg15[%swap3A_1347, %swap3A_1348] {strides = array<i32>} : memref<128x16xf32, #tpu.memory_space<vmem>>, vector<1x16xf32>,
      %swap3A_1350 = vector.shape_cast %swap3A_1349 : vector<1x16xf32> to vector<16xf32>
      %swap3A_1351 = vector.shape_cast %sub3A_1345 : vector<16xf32> to vector<1x16xf32>
      tpu.vector_store %arg15[%swap3A_1347, %swap3A_1348], %swap3A_1351 {strides = array<i32>} : memref<128x16xf32, #tpu.memory_space<vmem>>, vector<1x16xf32>,
      %get3A_1352 = arith.constant 108 : i32
      %get3A_1353 = arith.index_cast %get3A_1352 : i32 to index
      %get3A_1354 = arith.constant 0 : index
      %get3A_1355 = tpu.vector_load %arg12[%get3A_1353, %get3A_1354] {strides = array<i32>} : memref<128x128xf32, #tpu.memory_space<vmem>>, vector<1x16xf32>,
      %get3A_1356 = vector.shape_cast %get3A_1355 : vector<1x16xf32> to vector<16xf32>
      %sub3A_1357 = arith.subf %get3A_1356, %get3A_1207 : vector<16xf32>
      %swap3A_1358 = arith.constant 108 : i32
      %swap3A_1359 = arith.index_cast %swap3A_1358 : i32 to index
      %swap3A_1360 = arith.constant 0 : index
      %swap3A_1361 = tpu.vector_load %arg15[%swap3A_1359, %swap3A_1360] {strides = array<i32>} : memref<128x16xf32, #tpu.memory_space<vmem>>, vector<1x16xf32>,
      %swap3A_1362 = vector.shape_cast %swap3A_1361 : vector<1x16xf32> to vector<16xf32>
      %swap3A_1363 = vector.shape_cast %sub3A_1357 : vector<16xf32> to vector<1x16xf32>
      tpu.vector_store %arg15[%swap3A_1359, %swap3A_1360], %swap3A_1363 {strides = array<i32>} : memref<128x16xf32, #tpu.memory_space<vmem>>, vector<1x16xf32>,
      %get3A_1364 = arith.constant 109 : i32
      %get3A_1365 = arith.index_cast %get3A_1364 : i32 to index
      %get3A_1366 = arith.constant 0 : index
      %get3A_1367 = tpu.vector_load %arg12[%get3A_1365, %get3A_1366] {strides = array<i32>} : memref<128x128xf32, #tpu.memory_space<vmem>>, vector<1x16xf32>,
      %get3A_1368 = vector.shape_cast %get3A_1367 : vector<1x16xf32> to vector<16xf32>
      %sub3A_1369 = arith.subf %get3A_1368, %get3A_1207 : vector<16xf32>
      %swap3A_1370 = arith.constant 109 : i32
      %swap3A_1371 = arith.index_cast %swap3A_1370 : i32 to index
      %swap3A_1372 = arith.constant 0 : index
      %swap3A_1373 = tpu.vector_load %arg15[%swap3A_1371, %swap3A_1372] {strides = array<i32>} : memref<128x16xf32, #tpu.memory_space<vmem>>, vector<1x16xf32>,
      %swap3A_1374 = vector.shape_cast %swap3A_1373 : vector<1x16xf32> to vector<16xf32>
      %swap3A_1375 = vector.shape_cast %sub3A_1369 : vector<16xf32> to vector<1x16xf32>
      tpu.vector_store %arg15[%swap3A_1371, %swap3A_1372], %swap3A_1375 {strides = array<i32>} : memref<128x16xf32, #tpu.memory_space<vmem>>, vector<1x16xf32>,
      %get3A_1376 = arith.constant 110 : i32
      %get3A_1377 = arith.index_cast %get3A_1376 : i32 to index
      %get3A_1378 = arith.constant 0 : index
      %get3A_1379 = tpu.vector_load %arg12[%get3A_1377, %get3A_1378] {strides = array<i32>} : memref<128x128xf32, #tpu.memory_space<vmem>>, vector<1x16xf32>,
      %get3A_1380 = vector.shape_cast %get3A_1379 : vector<1x16xf32> to vector<16xf32>
      %sub3A_1381 = arith.subf %get3A_1380, %get3A_1207 : vector<16xf32>
      %swap3A_1382 = arith.constant 110 : i32
      %swap3A_1383 = arith.index_cast %swap3A_1382 : i32 to index
      %swap3A_1384 = arith.constant 0 : index
      %swap3A_1385 = tpu.vector_load %arg15[%swap3A_1383, %swap3A_1384] {strides = array<i32>} : memref<128x16xf32, #tpu.memory_space<vmem>>, vector<1x16xf32>,
      %swap3A_1386 = vector.shape_cast %swap3A_1385 : vector<1x16xf32> to vector<16xf32>
      %swap3A_1387 = vector.shape_cast %sub3A_1381 : vector<16xf32> to vector<1x16xf32>
      tpu.vector_store %arg15[%swap3A_1383, %swap3A_1384], %swap3A_1387 {strides = array<i32>} : memref<128x16xf32, #tpu.memory_space<vmem>>, vector<1x16xf32>,
      %get3A_1388 = arith.constant 111 : i32
      %get3A_1389 = arith.index_cast %get3A_1388 : i32 to index
      %get3A_1390 = arith.constant 0 : index
      %get3A_1391 = tpu.vector_load %arg12[%get3A_1389, %get3A_1390] {strides = array<i32>} : memref<128x128xf32, #tpu.memory_space<vmem>>, vector<1x16xf32>,
      %get3A_1392 = vector.shape_cast %get3A_1391 : vector<1x16xf32> to vector<16xf32>
      %sub3A_1393 = arith.subf %get3A_1392, %get3A_1207 : vector<16xf32>
      %swap3A_1394 = arith.constant 111 : i32
      %swap3A_1395 = arith.index_cast %swap3A_1394 : i32 to index
      %swap3A_1396 = arith.constant 0 : index
      %swap3A_1397 = tpu.vector_load %arg15[%swap3A_1395, %swap3A_1396] {strides = array<i32>} : memref<128x16xf32, #tpu.memory_space<vmem>>, vector<1x16xf32>,
      %swap3A_1398 = vector.shape_cast %swap3A_1397 : vector<1x16xf32> to vector<16xf32>
      %swap3A_1399 = vector.shape_cast %sub3A_1393 : vector<16xf32> to vector<1x16xf32>
      tpu.vector_store %arg15[%swap3A_1395, %swap3A_1396], %swap3A_1399 {strides = array<i32>} : memref<128x16xf32, #tpu.memory_space<vmem>>, vector<1x16xf32>,
      %get3A_1400 = arith.constant 112 : i32
      %get3A_1401 = arith.index_cast %get3A_1400 : i32 to index
      %get3A_1402 = arith.constant 0 : index
      %get3A_1403 = tpu.vector_load %arg12[%get3A_1401, %get3A_1402] {strides = array<i32>} : memref<128x128xf32, #tpu.memory_space<vmem>>, vector<1x16xf32>,
      %get3A_1404 = vector.shape_cast %get3A_1403 : vector<1x16xf32> to vector<16xf32>
      %sub3A_1405 = arith.subf %get3A_1404, %get3A_1207 : vector<16xf32>
      %swap3A_1406 = arith.constant 112 : i32
      %swap3A_1407 = arith.index_cast %swap3A_1406 : i32 to index
      %swap3A_1408 = arith.constant 0 : index
      %swap3A_1409 = tpu.vector_load %arg15[%swap3A_1407, %swap3A_1408] {strides = array<i32>} : memref<128x16xf32, #tpu.memory_space<vmem>>, vector<1x16xf32>,
      %swap3A_1410 = vector.shape_cast %swap3A_1409 : vector<1x16xf32> to vector<16xf32>
      %swap3A_1411 = vector.shape_cast %sub3A_1405 : vector<16xf32> to vector<1x16xf32>
      tpu.vector_store %arg15[%swap3A_1407, %swap3A_1408], %swap3A_1411 {strides = array<i32>} : memref<128x16xf32, #tpu.memory_space<vmem>>, vector<1x16xf32>,
      %get3A_1412 = arith.constant 113 : i32
      %get3A_1413 = arith.index_cast %get3A_1412 : i32 to index
      %get3A_1414 = arith.constant 0 : index
      %get3A_1415 = tpu.vector_load %arg12[%get3A_1413, %get3A_1414] {strides = array<i32>} : memref<128x128xf32, #tpu.memory_space<vmem>>, vector<1x16xf32>,
      %get3A_1416 = vector.shape_cast %get3A_1415 : vector<1x16xf32> to vector<16xf32>
      %sub3A_1417 = arith.subf %get3A_1416, %get3A_1207 : vector<16xf32>
      %swap3A_1418 = arith.constant 113 : i32
      %swap3A_1419 = arith.index_cast %swap3A_1418 : i32 to index
      %swap3A_1420 = arith.constant 0 : index
      %swap3A_1421 = tpu.vector_load %arg15[%swap3A_1419, %swap3A_1420] {strides = array<i32>} : memref<128x16xf32, #tpu.memory_space<vmem>>, vector<1x16xf32>,
      %swap3A_1422 = vector.shape_cast %swap3A_1421 : vector<1x16xf32> to vector<16xf32>
      %swap3A_1423 = vector.shape_cast %sub3A_1417 : vector<16xf32> to vector<1x16xf32>
      tpu.vector_store %arg15[%swap3A_1419, %swap3A_1420], %swap3A_1423 {strides = array<i32>} : memref<128x16xf32, #tpu.memory_space<vmem>>, vector<1x16xf32>,
      %get3A_1424 = arith.constant 114 : i32
      %get3A_1425 = arith.index_cast %get3A_1424 : i32 to index
      %get3A_1426 = arith.constant 0 : index
      %get3A_1427 = tpu.vector_load %arg12[%get3A_1425, %get3A_1426] {strides = array<i32>} : memref<128x128xf32, #tpu.memory_space<vmem>>, vector<1x16xf32>,
      %get3A_1428 = vector.shape_cast %get3A_1427 : vector<1x16xf32> to vector<16xf32>
      %sub3A_1429 = arith.subf %get3A_1428, %get3A_1207 : vector<16xf32>
      %swap3A_1430 = arith.constant 114 : i32
      %swap3A_1431 = arith.index_cast %swap3A_1430 : i32 to index
      %swap3A_1432 = arith.constant 0 : index
      %swap3A_1433 = tpu.vector_load %arg15[%swap3A_1431, %swap3A_1432] {strides = array<i32>} : memref<128x16xf32, #tpu.memory_space<vmem>>, vector<1x16xf32>,
      %swap3A_1434 = vector.shape_cast %swap3A_1433 : vector<1x16xf32> to vector<16xf32>
      %swap3A_1435 = vector.shape_cast %sub3A_1429 : vector<16xf32> to vector<1x16xf32>
      tpu.vector_store %arg15[%swap3A_1431, %swap3A_1432], %swap3A_1435 {strides = array<i32>} : memref<128x16xf32, #tpu.memory_space<vmem>>, vector<1x16xf32>,
      %get3A_1436 = arith.constant 115 : i32
      %get3A_1437 = arith.index_cast %get3A_1436 : i32 to index
      %get3A_1438 = arith.constant 0 : index
      %get3A_1439 = tpu.vector_load %arg12[%get3A_1437, %get3A_1438] {strides = array<i32>} : memref<128x128xf32, #tpu.memory_space<vmem>>, vector<1x16xf32>,
      %get3A_1440 = vector.shape_cast %get3A_1439 : vector<1x16xf32> to vector<16xf32>
      %sub3A_1441 = arith.subf %get3A_1440, %get3A_1207 : vector<16xf32>
      %swap3A_1442 = arith.constant 115 : i32
      %swap3A_1443 = arith.index_cast %swap3A_1442 : i32 to index
      %swap3A_1444 = arith.constant 0 : index
      %swap3A_1445 = tpu.vector_load %arg15[%swap3A_1443, %swap3A_1444] {strides = array<i32>} : memref<128x16xf32, #tpu.memory_space<vmem>>, vector<1x16xf32>,
      %swap3A_1446 = vector.shape_cast %swap3A_1445 : vector<1x16xf32> to vector<16xf32>
      %swap3A_1447 = vector.shape_cast %sub3A_1441 : vector<16xf32> to vector<1x16xf32>
      tpu.vector_store %arg15[%swap3A_1443, %swap3A_1444], %swap3A_1447 {strides = array<i32>} : memref<128x16xf32, #tpu.memory_space<vmem>>, vector<1x16xf32>,
      %get3A_1448 = arith.constant 116 : i32
      %get3A_1449 = arith.index_cast %get3A_1448 : i32 to index
      %get3A_1450 = arith.constant 0 : index
      %get3A_1451 = tpu.vector_load %arg12[%get3A_1449, %get3A_1450] {strides = array<i32>} : memref<128x128xf32, #tpu.memory_space<vmem>>, vector<1x16xf32>,
      %get3A_1452 = vector.shape_cast %get3A_1451 : vector<1x16xf32> to vector<16xf32>
      %sub3A_1453 = arith.subf %get3A_1452, %get3A_1207 : vector<16xf32>
      %swap3A_1454 = arith.constant 116 : i32
      %swap3A_1455 = arith.index_cast %swap3A_1454 : i32 to index
      %swap3A_1456 = arith.constant 0 : index
      %swap3A_1457 = tpu.vector_load %arg15[%swap3A_1455, %swap3A_1456] {strides = array<i32>} : memref<128x16xf32, #tpu.memory_space<vmem>>, vector<1x16xf32>,
      %swap3A_1458 = vector.shape_cast %swap3A_1457 : vector<1x16xf32> to vector<16xf32>
      %swap3A_1459 = vector.shape_cast %sub3A_1453 : vector<16xf32> to vector<1x16xf32>
      tpu.vector_store %arg15[%swap3A_1455, %swap3A_1456], %swap3A_1459 {strides = array<i32>} : memref<128x16xf32, #tpu.memory_space<vmem>>, vector<1x16xf32>,
      %get3A_1460 = arith.constant 117 : i32
      %get3A_1461 = arith.index_cast %get3A_1460 : i32 to index
      %get3A_1462 = arith.constant 0 : index
      %get3A_1463 = tpu.vector_load %arg12[%get3A_1461, %get3A_1462] {strides = array<i32>} : memref<128x128xf32, #tpu.memory_space<vmem>>, vector<1x16xf32>,
      %get3A_1464 = vector.shape_cast %get3A_1463 : vector<1x16xf32> to vector<16xf32>
      %sub3A_1465 = arith.subf %get3A_1464, %get3A_1207 : vector<16xf32>
      %swap3A_1466 = arith.constant 117 : i32
      %swap3A_1467 = arith.index_cast %swap3A_1466 : i32 to index
      %swap3A_1468 = arith.constant 0 : index
      %swap3A_1469 = tpu.vector_load %arg15[%swap3A_1467, %swap3A_1468] {strides = array<i32>} : memref<128x16xf32, #tpu.memory_space<vmem>>, vector<1x16xf32>,
      %swap3A_1470 = vector.shape_cast %swap3A_1469 : vector<1x16xf32> to vector<16xf32>
      %swap3A_1471 = vector.shape_cast %sub3A_1465 : vector<16xf32> to vector<1x16xf32>
      tpu.vector_store %arg15[%swap3A_1467, %swap3A_1468], %swap3A_1471 {strides = array<i32>} : memref<128x16xf32, #tpu.memory_space<vmem>>, vector<1x16xf32>,
      %get3A_1472 = arith.constant 118 : i32
      %get3A_1473 = arith.index_cast %get3A_1472 : i32 to index
      %get3A_1474 = arith.constant 0 : index
      %get3A_1475 = tpu.vector_load %arg12[%get3A_1473, %get3A_1474] {strides = array<i32>} : memref<128x128xf32, #tpu.memory_space<vmem>>, vector<1x16xf32>,
      %get3A_1476 = vector.shape_cast %get3A_1475 : vector<1x16xf32> to vector<16xf32>
      %sub3A_1477 = arith.subf %get3A_1476, %get3A_1207 : vector<16xf32>
      %swap3A_1478 = arith.constant 118 : i32
      %swap3A_1479 = arith.index_cast %swap3A_1478 : i32 to index
      %swap3A_1480 = arith.constant 0 : index
      %swap3A_1481 = tpu.vector_load %arg15[%swap3A_1479, %swap3A_1480] {strides = array<i32>} : memref<128x16xf32, #tpu.memory_space<vmem>>, vector<1x16xf32>,
      %swap3A_1482 = vector.shape_cast %swap3A_1481 : vector<1x16xf32> to vector<16xf32>
      %swap3A_1483 = vector.shape_cast %sub3A_1477 : vector<16xf32> to vector<1x16xf32>
      tpu.vector_store %arg15[%swap3A_1479, %swap3A_1480], %swap3A_1483 {strides = array<i32>} : memref<128x16xf32, #tpu.memory_space<vmem>>, vector<1x16xf32>,
      %get3A_1484 = arith.constant 119 : i32
      %get3A_1485 = arith.index_cast %get3A_1484 : i32 to index
      %get3A_1486 = arith.constant 0 : index
      %get3A_1487 = tpu.vector_load %arg12[%get3A_1485, %get3A_1486] {strides = array<i32>} : memref<128x128xf32, #tpu.memory_space<vmem>>, vector<1x16xf32>,
      %get3A_1488 = vector.shape_cast %get3A_1487 : vector<1x16xf32> to vector<16xf32>
      %sub3A_1489 = arith.subf %get3A_1488, %get3A_1207 : vector<16xf32>
      %swap3A_1490 = arith.constant 119 : i32
      %swap3A_1491 = arith.index_cast %swap3A_1490 : i32 to index
      %swap3A_1492 = arith.constant 0 : index
      %swap3A_1493 = tpu.vector_load %arg15[%swap3A_1491, %swap3A_1492] {strides = array<i32>} : memref<128x16xf32, #tpu.memory_space<vmem>>, vector<1x16xf32>,
      %swap3A_1494 = vector.shape_cast %swap3A_1493 : vector<1x16xf32> to vector<16xf32>
      %swap3A_1495 = vector.shape_cast %sub3A_1489 : vector<16xf32> to vector<1x16xf32>
      tpu.vector_store %arg15[%swap3A_1491, %swap3A_1492], %swap3A_1495 {strides = array<i32>} : memref<128x16xf32, #tpu.memory_space<vmem>>, vector<1x16xf32>,
      %get3A_1496 = arith.constant 120 : i32
      %get3A_1497 = arith.index_cast %get3A_1496 : i32 to index
      %get3A_1498 = arith.constant 0 : index
      %get3A_1499 = tpu.vector_load %arg12[%get3A_1497, %get3A_1498] {strides = array<i32>} : memref<128x128xf32, #tpu.memory_space<vmem>>, vector<1x16xf32>,
      %get3A_1500 = vector.shape_cast %get3A_1499 : vector<1x16xf32> to vector<16xf32>
      %sub3A_1501 = arith.subf %get3A_1500, %get3A_1207 : vector<16xf32>
      %swap3A_1502 = arith.constant 120 : i32
      %swap3A_1503 = arith.index_cast %swap3A_1502 : i32 to index
      %swap3A_1504 = arith.constant 0 : index
      %swap3A_1505 = tpu.vector_load %arg15[%swap3A_1503, %swap3A_1504] {strides = array<i32>} : memref<128x16xf32, #tpu.memory_space<vmem>>, vector<1x16xf32>,
      %swap3A_1506 = vector.shape_cast %swap3A_1505 : vector<1x16xf32> to vector<16xf32>
      %swap3A_1507 = vector.shape_cast %sub3A_1501 : vector<16xf32> to vector<1x16xf32>
      tpu.vector_store %arg15[%swap3A_1503, %swap3A_1504], %swap3A_1507 {strides = array<i32>} : memref<128x16xf32, #tpu.memory_space<vmem>>, vector<1x16xf32>,
      %get3A_1508 = arith.constant 121 : i32
      %get3A_1509 = arith.index_cast %get3A_1508 : i32 to index
      %get3A_1510 = arith.constant 0 : index
      %get3A_1511 = tpu.vector_load %arg12[%get3A_1509, %get3A_1510] {strides = array<i32>} : memref<128x128xf32, #tpu.memory_space<vmem>>, vector<1x16xf32>,
      %get3A_1512 = vector.shape_cast %get3A_1511 : vector<1x16xf32> to vector<16xf32>
      %sub3A_1513 = arith.subf %get3A_1512, %get3A_1207 : vector<16xf32>
      %swap3A_1514 = arith.constant 121 : i32
      %swap3A_1515 = arith.index_cast %swap3A_1514 : i32 to index
      %swap3A_1516 = arith.constant 0 : index
      %swap3A_1517 = tpu.vector_load %arg15[%swap3A_1515, %swap3A_1516] {strides = array<i32>} : memref<128x16xf32, #tpu.memory_space<vmem>>, vector<1x16xf32>,
      %swap3A_1518 = vector.shape_cast %swap3A_1517 : vector<1x16xf32> to vector<16xf32>
      %swap3A_1519 = vector.shape_cast %sub3A_1513 : vector<16xf32> to vector<1x16xf32>
      tpu.vector_store %arg15[%swap3A_1515, %swap3A_1516], %swap3A_1519 {strides = array<i32>} : memref<128x16xf32, #tpu.memory_space<vmem>>, vector<1x16xf32>,
      %get3A_1520 = arith.constant 122 : i32
      %get3A_1521 = arith.index_cast %get3A_1520 : i32 to index
      %get3A_1522 = arith.constant 0 : index
      %get3A_1523 = tpu.vector_load %arg12[%get3A_1521, %get3A_1522] {strides = array<i32>} : memref<128x128xf32, #tpu.memory_space<vmem>>, vector<1x16xf32>,
      %get3A_1524 = vector.shape_cast %get3A_1523 : vector<1x16xf32> to vector<16xf32>
      %sub3A_1525 = arith.subf %get3A_1524, %get3A_1207 : vector<16xf32>
      %swap3A_1526 = arith.constant 122 : i32
      %swap3A_1527 = arith.index_cast %swap3A_1526 : i32 to index
      %swap3A_1528 = arith.constant 0 : index
      %swap3A_1529 = tpu.vector_load %arg15[%swap3A_1527, %swap3A_1528] {strides = array<i32>} : memref<128x16xf32, #tpu.memory_space<vmem>>, vector<1x16xf32>,
      %swap3A_1530 = vector.shape_cast %swap3A_1529 : vector<1x16xf32> to vector<16xf32>
      %swap3A_1531 = vector.shape_cast %sub3A_1525 : vector<16xf32> to vector<1x16xf32>
      tpu.vector_store %arg15[%swap3A_1527, %swap3A_1528], %swap3A_1531 {strides = array<i32>} : memref<128x16xf32, #tpu.memory_space<vmem>>, vector<1x16xf32>,
      %get3A_1532 = arith.constant 123 : i32
      %get3A_1533 = arith.index_cast %get3A_1532 : i32 to index
      %get3A_1534 = arith.constant 0 : index
      %get3A_1535 = tpu.vector_load %arg12[%get3A_1533, %get3A_1534] {strides = array<i32>} : memref<128x128xf32, #tpu.memory_space<vmem>>, vector<1x16xf32>,
      %get3A_1536 = vector.shape_cast %get3A_1535 : vector<1x16xf32> to vector<16xf32>
      %sub3A_1537 = arith.subf %get3A_1536, %get3A_1207 : vector<16xf32>
      %swap3A_1538 = arith.constant 123 : i32
      %swap3A_1539 = arith.index_cast %swap3A_1538 : i32 to index
      %swap3A_1540 = arith.constant 0 : index
      %swap3A_1541 = tpu.vector_load %arg15[%swap3A_1539, %swap3A_1540] {strides = array<i32>} : memref<128x16xf32, #tpu.memory_space<vmem>>, vector<1x16xf32>,
      %swap3A_1542 = vector.shape_cast %swap3A_1541 : vector<1x16xf32> to vector<16xf32>
      %swap3A_1543 = vector.shape_cast %sub3A_1537 : vector<16xf32> to vector<1x16xf32>
      tpu.vector_store %arg15[%swap3A_1539, %swap3A_1540], %swap3A_1543 {strides = array<i32>} : memref<128x16xf32, #tpu.memory_space<vmem>>, vector<1x16xf32>,
      %get3A_1544 = arith.constant 124 : i32
      %get3A_1545 = arith.index_cast %get3A_1544 : i32 to index
      %get3A_1546 = arith.constant 0 : index
      %get3A_1547 = tpu.vector_load %arg12[%get3A_1545, %get3A_1546] {strides = array<i32>} : memref<128x128xf32, #tpu.memory_space<vmem>>, vector<1x16xf32>,
      %get3A_1548 = vector.shape_cast %get3A_1547 : vector<1x16xf32> to vector<16xf32>
      %sub3A_1549 = arith.subf %get3A_1548, %get3A_1207 : vector<16xf32>
      %swap3A_1550 = arith.constant 124 : i32
      %swap3A_1551 = arith.index_cast %swap3A_1550 : i32 to index
      %swap3A_1552 = arith.constant 0 : index
      %swap3A_1553 = tpu.vector_load %arg15[%swap3A_1551, %swap3A_1552] {strides = array<i32>} : memref<128x16xf32, #tpu.memory_space<vmem>>, vector<1x16xf32>,
      %swap3A_1554 = vector.shape_cast %swap3A_1553 : vector<1x16xf32> to vector<16xf32>
      %swap3A_1555 = vector.shape_cast %sub3A_1549 : vector<16xf32> to vector<1x16xf32>
      tpu.vector_store %arg15[%swap3A_1551, %swap3A_1552], %swap3A_1555 {strides = array<i32>} : memref<128x16xf32, #tpu.memory_space<vmem>>, vector<1x16xf32>,
      %get3A_1556 = arith.constant 125 : i32
      %get3A_1557 = arith.index_cast %get3A_1556 : i32 to index
      %get3A_1558 = arith.constant 0 : index
      %get3A_1559 = tpu.vector_load %arg12[%get3A_1557, %get3A_1558] {strides = array<i32>} : memref<128x128xf32, #tpu.memory_space<vmem>>, vector<1x16xf32>,
      %get3A_1560 = vector.shape_cast %get3A_1559 : vector<1x16xf32> to vector<16xf32>
      %sub3A_1561 = arith.subf %get3A_1560, %get3A_1207 : vector<16xf32>
      %swap3A_1562 = arith.constant 125 : i32
      %swap3A_1563 = arith.index_cast %swap3A_1562 : i32 to index
      %swap3A_1564 = arith.constant 0 : index
      %swap3A_1565 = tpu.vector_load %arg15[%swap3A_1563, %swap3A_1564] {strides = array<i32>} : memref<128x16xf32, #tpu.memory_space<vmem>>, vector<1x16xf32>,
      %swap3A_1566 = vector.shape_cast %swap3A_1565 : vector<1x16xf32> to vector<16xf32>
      %swap3A_1567 = vector.shape_cast %sub3A_1561 : vector<16xf32> to vector<1x16xf32>
      tpu.vector_store %arg15[%swap3A_1563, %swap3A_1564], %swap3A_1567 {strides = array<i32>} : memref<128x16xf32, #tpu.memory_space<vmem>>, vector<1x16xf32>,
      %get3A_1568 = arith.constant 126 : i32
      %get3A_1569 = arith.index_cast %get3A_1568 : i32 to index
      %get3A_1570 = arith.constant 0 : index
      %get3A_1571 = tpu.vector_load %arg12[%get3A_1569, %get3A_1570] {strides = array<i32>} : memref<128x128xf32, #tpu.memory_space<vmem>>, vector<1x16xf32>,
      %get3A_1572 = vector.shape_cast %get3A_1571 : vector<1x16xf32> to vector<16xf32>
      %sub3A_1573 = arith.subf %get3A_1572, %get3A_1207 : vector<16xf32>
      %swap3A_1574 = arith.constant 126 : i32
      %swap3A_1575 = arith.index_cast %swap3A_1574 : i32 to index
      %swap3A_1576 = arith.constant 0 : index
      %swap3A_1577 = tpu.vector_load %arg15[%swap3A_1575, %swap3A_1576] {strides = array<i32>} : memref<128x16xf32, #tpu.memory_space<vmem>>, vector<1x16xf32>,
      %swap3A_1578 = vector.shape_cast %swap3A_1577 : vector<1x16xf32> to vector<16xf32>
      %swap3A_1579 = vector.shape_cast %sub3A_1573 : vector<16xf32> to vector<1x16xf32>
      tpu.vector_store %arg15[%swap3A_1575, %swap3A_1576], %swap3A_1579 {strides = array<i32>} : memref<128x16xf32, #tpu.memory_space<vmem>>, vector<1x16xf32>,
      %get3A_1580 = arith.constant 127 : i32
      %get3A_1581 = arith.index_cast %get3A_1580 : i32 to index
      %get3A_1582 = arith.constant 0 : index
      %get3A_1583 = tpu.vector_load %arg12[%get3A_1581, %get3A_1582] {strides = array<i32>} : memref<128x128xf32, #tpu.memory_space<vmem>>, vector<1x16xf32>,
      %get3A_1584 = vector.shape_cast %get3A_1583 : vector<1x16xf32> to vector<16xf32>
      %sub3A_1585 = arith.subf %get3A_1584, %get3A_1207 : vector<16xf32>
      %swap3A_1586 = arith.constant 127 : i32
      %swap3A_1587 = arith.index_cast %swap3A_1586 : i32 to index
      %swap3A_1588 = arith.constant 0 : index
      %swap3A_1589 = tpu.vector_load %arg15[%swap3A_1587, %swap3A_1588] {strides = array<i32>} : memref<128x16xf32, #tpu.memory_space<vmem>>, vector<1x16xf32>,
      %swap3A_1590 = vector.shape_cast %swap3A_1589 : vector<1x16xf32> to vector<16xf32>
      %swap3A_1591 = vector.shape_cast %sub3A_1585 : vector<16xf32> to vector<1x16xf32>
      tpu.vector_store %arg15[%swap3A_1587, %swap3A_1588], %swap3A_1591 {strides = array<i32>} : memref<128x16xf32, #tpu.memory_space<vmem>>, vector<1x16xf32>,
      "tpu.region"() ({
        %run_scoped3A = tpu.sem_alloc : memref<!tpu.dma_semaphore, #tpu.memory_space<semaphore_mem>>
        %dma_start3A_3164 = arith.constant 0 : i32
        %dma_start3A_3165 = tpu.memref_slice %arg7[%add3A_36, %dma_start3A_3164] : memref<131072x16xf32, #tpu.memory_space<hbm>> -> memref<128x16xf32, #tpu.memory_space<hbm>>
        %dma_start3A_3166 = arith.constant 0 : i32
        %dma_start3A_3167 = tpu.memref_slice %arg7[%add3A_36, %dma_start3A_3166] : memref<131072x16xf32, #tpu.memory_space<hbm>> -> memref<128x16xf32, #tpu.memory_space<hbm>>
        tpu.enqueue_dma source(%arg15 : memref<128x16xf32, #tpu.memory_space<vmem>>) target(%dma_start3A_3167 : memref<128x16xf32, #tpu.memory_space<hbm>>) target_semaphore(%run_scoped3A : memref<!tpu.dma_semaphore, #tpu.memory_space<semaphore_mem>>)
        %dma_wait3A_3168 = arith.constant 0 : i32
        %dma_wait3A_3169 = tpu.memref_slice %arg7[%add3A_36, %dma_wait3A_3168] : memref<131072x16xf32, #tpu.memory_space<hbm>> -> memref<128x16xf32, #tpu.memory_space<hbm>>
        %dma_wait3A_3170 = arith.constant 0 : i32
        %dma_wait3A_3171 = tpu.memref_slice %arg7[%add3A_36, %dma_wait3A_3170] : memref<131072x16xf32, #tpu.memory_space<hbm>> -> memref<128x16xf32, #tpu.memory_space<hbm>>
        tpu.wait_dma2 semaphore(%run_scoped3A : memref<!tpu.dma_semaphore, #tpu.memory_space<semaphore_mem>>) src(%arg15 : memref<128x16xf32, #tpu.memory_space<vmem>>) dst(%dma_wait3A_3171 : memref<128x16xf32, #tpu.memory_space<hbm>>)
        tpu.yield
      }) : () -> ()
      %dma_wait3A_1592 = arith.constant 0 : i32
      %dma_wait3A_1593 = arith.constant 0 : i32
      %dma_wait3A_1594 = tpu.memref_slice %arg3[%dma_wait3A_1592, %dma_wait3A_1593] : memref<32768x128xf32, #tpu.memory_space<hbm>> -> memref<32768x128xf32, #tpu.memory_space<hbm>>
      tpu.wait_indirect_dma semaphore(%arg16 : memref<!tpu.dma_semaphore, #tpu.memory_space<semaphore_mem>>) src(%dma_wait3A_1594 : memref<32768x128xf32, #tpu.memory_space<hbm>>) dst(%arg10 : memref<128x128xf32, #tpu.memory_space<vmem>>)
      "tpu.region"() ({
        %run_scoped3A = tpu.sem_alloc : memref<!tpu.dma_semaphore, #tpu.memory_space<semaphore_mem>>
        %dma_start3A_3164 = arith.constant 0 : i32
        %dma_start3A_3165 = tpu.memref_slice %arg6[%add3A_36, %dma_start3A_3164] : memref<131072x128xf32, #tpu.memory_space<hbm>> -> memref<128x128xf32, #tpu.memory_space<hbm>>
        %dma_start3A_3166 = arith.constant 0 : i32
        %dma_start3A_3167 = tpu.memref_slice %arg6[%add3A_36, %dma_start3A_3166] : memref<131072x128xf32, #tpu.memory_space<hbm>> -> memref<128x128xf32, #tpu.memory_space<hbm>>
        tpu.enqueue_dma source(%arg10 : memref<128x128xf32, #tpu.memory_space<vmem>>) target(%dma_start3A_3167 : memref<128x128xf32, #tpu.memory_space<hbm>>) target_semaphore(%run_scoped3A : memref<!tpu.dma_semaphore, #tpu.memory_space<semaphore_mem>>)
        %dma_wait3A_3168 = arith.constant 0 : i32
        %dma_wait3A_3169 = tpu.memref_slice %arg6[%add3A_36, %dma_wait3A_3168] : memref<131072x128xf32, #tpu.memory_space<hbm>> -> memref<128x128xf32, #tpu.memory_space<hbm>>
        %dma_wait3A_3170 = arith.constant 0 : i32
        %dma_wait3A_3171 = tpu.memref_slice %arg6[%add3A_36, %dma_wait3A_3170] : memref<131072x128xf32, #tpu.memory_space<hbm>> -> memref<128x128xf32, #tpu.memory_space<hbm>>
        tpu.wait_dma2 semaphore(%run_scoped3A : memref<!tpu.dma_semaphore, #tpu.memory_space<semaphore_mem>>) src(%arg10 : memref<128x128xf32, #tpu.memory_space<vmem>>) dst(%dma_wait3A_3171 : memref<128x128xf32, #tpu.memory_space<hbm>>)
        tpu.yield
      }) : () -> ()
      %lt3A = arith.constant 15 : i32
      %lt3A_1595 = arith.cmpi slt, %scan3A_17, %lt3A : i32
      %convert_element_type3A = arith.extui %lt3A_1595 : i1 to i32
      %cond3A = arith.constant 0 : i32
      %cond3A_1596 = arith.cmpi ne, %convert_element_type3A, %cond3A : i32
      scf.if %cond3A_1596 {
        %add3A_3164 = arith.constant 2 : i32
        %add3A_3165 = arith.addi %mul3A_22, %add3A_3164 : i32
        %mul3A_3166 = arith.constant 128 : i32
        %mul3A_3167 = arith.muli %add3A_3165, %mul3A_3166 : i32
        %add3A_3168 = arith.addi %mul3A_2, %mul3A_3167 : i32
        "tpu.region"() ({
          %run_scoped3A = tpu.sem_alloc : memref<!tpu.dma_semaphore, #tpu.memory_space<semaphore_mem>>
          %dma_start3A_3175 = tpu.memref_slice %arg2[%add3A_3168] : memref<131072xi32, #tpu.memory_space<hbm>> -> memref<128xi32, #tpu.memory_space<hbm>>
          %dma_start3A_3176 = tpu.memref_slice %arg2[%add3A_3168] : memref<131072xi32, #tpu.memory_space<hbm>> -> memref<128xi32, #tpu.memory_space<hbm>>
          tpu.enqueue_dma source(%dma_start3A_3176 : memref<128xi32, #tpu.memory_space<hbm>>) target(%arg8 : memref<128xi32, #tpu.memory_space<vmem>>) target_semaphore(%run_scoped3A : memref<!tpu.dma_semaphore, #tpu.memory_space<semaphore_mem>>)
          %dma_wait3A_3177 = tpu.memref_slice %arg2[%add3A_3168] : memref<131072xi32, #tpu.memory_space<hbm>> -> memref<128xi32, #tpu.memory_space<hbm>>
          %dma_wait3A_3178 = tpu.memref_slice %arg2[%add3A_3168] : memref<131072xi32, #tpu.memory_space<hbm>> -> memref<128xi32, #tpu.memory_space<hbm>>
          tpu.wait_dma2 semaphore(%run_scoped3A : memref<!tpu.dma_semaphore, #tpu.memory_space<semaphore_mem>>) src(%dma_wait3A_3178 : memref<128xi32, #tpu.memory_space<hbm>>) dst(%arg8 : memref<128xi32, #tpu.memory_space<vmem>>)
          tpu.yield
        }) : () -> ()
        %dma_start3A_3169 = arith.constant 0 : i32
        %dma_start3A_3170 = arith.constant 0 : i32
        %dma_start3A_3171 = tpu.memref_slice %arg3[%dma_start3A_3169, %dma_start3A_3170] : memref<32768x128xf32, #tpu.memory_space<hbm>> -> memref<32768x128xf32, #tpu.memory_space<hbm>>
        tpu.enqueue_indirect_dma source(%dma_start3A_3171 : memref<32768x128xf32, #tpu.memory_space<hbm>>) target(%arg10 : memref<128x128xf32, #tpu.memory_space<vmem>>) offsets(%arg8 : memref<128xi32, #tpu.memory_space<vmem>>) semaphore(%arg16 : memref<!tpu.dma_semaphore, #tpu.memory_space<semaphore_mem>>)
        %dma_start3A_3172 = arith.constant 0 : i32
        %dma_start3A_3173 = arith.constant 0 : i32
        %dma_start3A_3174 = tpu.memref_slice %arg4[%dma_start3A_3172, %dma_start3A_3173] : memref<32768x128xf32, #tpu.memory_space<hbm>> -> memref<32768x128xf32, #tpu.memory_space<hbm>>
        tpu.enqueue_indirect_dma source(%dma_start3A_3174 : memref<32768x128xf32, #tpu.memory_space<hbm>>) target(%arg12 : memref<128x128xf32, #tpu.memory_space<vmem>>) offsets(%arg8 : memref<128xi32, #tpu.memory_space<vmem>>) semaphore(%arg18 : memref<!tpu.dma_semaphore, #tpu.memory_space<semaphore_mem>>)
      } else {
      }
      %add3A_1597 = arith.constant 1 : i32
      %add3A_1598 = arith.addi %mul3A_22, %add3A_1597 : i32
      %mul3A_1599 = arith.constant 128 : i32
      %mul3A_1600 = arith.muli %add3A_1598, %mul3A_1599 : i32
      %add3A_1601 = arith.addi %mul3A_2, %mul3A_1600 : i32
      %dma_wait3A_1602 = arith.constant 0 : i32
      %dma_wait3A_1603 = arith.constant 0 : i32
      %dma_wait3A_1604 = tpu.memref_slice %arg4[%dma_wait3A_1602, %dma_wait3A_1603] : memref<32768x128xf32, #tpu.memory_space<hbm>> -> memref<32768x128xf32, #tpu.memory_space<hbm>>
      tpu.wait_indirect_dma semaphore(%arg19 : memref<!tpu.dma_semaphore, #tpu.memory_space<semaphore_mem>>) src(%dma_wait3A_1604 : memref<32768x128xf32, #tpu.memory_space<hbm>>) dst(%arg13 : memref<128x128xf32, #tpu.memory_space<vmem>>)
      %get3A_1605 = arith.constant 4 : i32
      %get3A_1606 = arith.index_cast %get3A_1605 : i32 to index
      %get3A_1607 = arith.constant 0 : index
      %get3A_1608 = tpu.vector_load %arg14[%get3A_1606, %get3A_1607] {strides = array<i32>} : memref<8x128xf32, #tpu.memory_space<vmem>>, vector<1x16xf32>,
      %get3A_1609 = vector.shape_cast %get3A_1608 : vector<1x16xf32> to vector<16xf32>
      %get3A_1610 = arith.constant 0 : i32
      %get3A_1611 = arith.index_cast %get3A_1610 : i32 to index
      %get3A_1612 = arith.constant 0 : index
      %get3A_1613 = tpu.vector_load %arg13[%get3A_1611, %get3A_1612] {strides = array<i32>} : memref<128x128xf32, #tpu.memory_space<vmem>>, vector<1x16xf32>,
      %get3A_1614 = vector.shape_cast %get3A_1613 : vector<1x16xf32> to vector<16xf32>
      %sub3A_1615 = arith.subf %get3A_1614, %get3A_1609 : vector<16xf32>
      %swap3A_1616 = arith.constant 0 : i32
      %swap3A_1617 = arith.index_cast %swap3A_1616 : i32 to index
      %swap3A_1618 = arith.constant 0 : index
      %swap3A_1619 = tpu.vector_load %arg15[%swap3A_1617, %swap3A_1618] {strides = array<i32>} : memref<128x16xf32, #tpu.memory_space<vmem>>, vector<1x16xf32>,
      %swap3A_1620 = vector.shape_cast %swap3A_1619 : vector<1x16xf32> to vector<16xf32>
      %swap3A_1621 = vector.shape_cast %sub3A_1615 : vector<16xf32> to vector<1x16xf32>
      tpu.vector_store %arg15[%swap3A_1617, %swap3A_1618], %swap3A_1621 {strides = array<i32>} : memref<128x16xf32, #tpu.memory_space<vmem>>, vector<1x16xf32>,
      %get3A_1622 = arith.constant 1 : i32
      %get3A_1623 = arith.index_cast %get3A_1622 : i32 to index
      %get3A_1624 = arith.constant 0 : index
      %get3A_1625 = tpu.vector_load %arg13[%get3A_1623, %get3A_1624] {strides = array<i32>} : memref<128x128xf32, #tpu.memory_space<vmem>>, vector<1x16xf32>,
      %get3A_1626 = vector.shape_cast %get3A_1625 : vector<1x16xf32> to vector<16xf32>
      %sub3A_1627 = arith.subf %get3A_1626, %get3A_1609 : vector<16xf32>
      %swap3A_1628 = arith.constant 1 : i32
      %swap3A_1629 = arith.index_cast %swap3A_1628 : i32 to index
      %swap3A_1630 = arith.constant 0 : index
      %swap3A_1631 = tpu.vector_load %arg15[%swap3A_1629, %swap3A_1630] {strides = array<i32>} : memref<128x16xf32, #tpu.memory_space<vmem>>, vector<1x16xf32>,
      %swap3A_1632 = vector.shape_cast %swap3A_1631 : vector<1x16xf32> to vector<16xf32>
      %swap3A_1633 = vector.shape_cast %sub3A_1627 : vector<16xf32> to vector<1x16xf32>
      tpu.vector_store %arg15[%swap3A_1629, %swap3A_1630], %swap3A_1633 {strides = array<i32>} : memref<128x16xf32, #tpu.memory_space<vmem>>, vector<1x16xf32>,
      %get3A_1634 = arith.constant 2 : i32
      %get3A_1635 = arith.index_cast %get3A_1634 : i32 to index
      %get3A_1636 = arith.constant 0 : index
      %get3A_1637 = tpu.vector_load %arg13[%get3A_1635, %get3A_1636] {strides = array<i32>} : memref<128x128xf32, #tpu.memory_space<vmem>>, vector<1x16xf32>,
      %get3A_1638 = vector.shape_cast %get3A_1637 : vector<1x16xf32> to vector<16xf32>
      %sub3A_1639 = arith.subf %get3A_1638, %get3A_1609 : vector<16xf32>
      %swap3A_1640 = arith.constant 2 : i32
      %swap3A_1641 = arith.index_cast %swap3A_1640 : i32 to index
      %swap3A_1642 = arith.constant 0 : index
      %swap3A_1643 = tpu.vector_load %arg15[%swap3A_1641, %swap3A_1642] {strides = array<i32>} : memref<128x16xf32, #tpu.memory_space<vmem>>, vector<1x16xf32>,
      %swap3A_1644 = vector.shape_cast %swap3A_1643 : vector<1x16xf32> to vector<16xf32>
      %swap3A_1645 = vector.shape_cast %sub3A_1639 : vector<16xf32> to vector<1x16xf32>
      tpu.vector_store %arg15[%swap3A_1641, %swap3A_1642], %swap3A_1645 {strides = array<i32>} : memref<128x16xf32, #tpu.memory_space<vmem>>, vector<1x16xf32>,
      %get3A_1646 = arith.constant 3 : i32
      %get3A_1647 = arith.index_cast %get3A_1646 : i32 to index
      %get3A_1648 = arith.constant 0 : index
      %get3A_1649 = tpu.vector_load %arg13[%get3A_1647, %get3A_1648] {strides = array<i32>} : memref<128x128xf32, #tpu.memory_space<vmem>>, vector<1x16xf32>,
      %get3A_1650 = vector.shape_cast %get3A_1649 : vector<1x16xf32> to vector<16xf32>
      %sub3A_1651 = arith.subf %get3A_1650, %get3A_1609 : vector<16xf32>
      %swap3A_1652 = arith.constant 3 : i32
      %swap3A_1653 = arith.index_cast %swap3A_1652 : i32 to index
      %swap3A_1654 = arith.constant 0 : index
      %swap3A_1655 = tpu.vector_load %arg15[%swap3A_1653, %swap3A_1654] {strides = array<i32>} : memref<128x16xf32, #tpu.memory_space<vmem>>, vector<1x16xf32>,
      %swap3A_1656 = vector.shape_cast %swap3A_1655 : vector<1x16xf32> to vector<16xf32>
      %swap3A_1657 = vector.shape_cast %sub3A_1651 : vector<16xf32> to vector<1x16xf32>
      tpu.vector_store %arg15[%swap3A_1653, %swap3A_1654], %swap3A_1657 {strides = array<i32>} : memref<128x16xf32, #tpu.memory_space<vmem>>, vector<1x16xf32>,
      %get3A_1658 = arith.constant 4 : i32
      %get3A_1659 = arith.index_cast %get3A_1658 : i32 to index
      %get3A_1660 = arith.constant 0 : index
      %get3A_1661 = tpu.vector_load %arg13[%get3A_1659, %get3A_1660] {strides = array<i32>} : memref<128x128xf32, #tpu.memory_space<vmem>>, vector<1x16xf32>,
      %get3A_1662 = vector.shape_cast %get3A_1661 : vector<1x16xf32> to vector<16xf32>
      %sub3A_1663 = arith.subf %get3A_1662, %get3A_1609 : vector<16xf32>
      %swap3A_1664 = arith.constant 4 : i32
      %swap3A_1665 = arith.index_cast %swap3A_1664 : i32 to index
      %swap3A_1666 = arith.constant 0 : index
      %swap3A_1667 = tpu.vector_load %arg15[%swap3A_1665, %swap3A_1666] {strides = array<i32>} : memref<128x16xf32, #tpu.memory_space<vmem>>, vector<1x16xf32>,
      %swap3A_1668 = vector.shape_cast %swap3A_1667 : vector<1x16xf32> to vector<16xf32>
      %swap3A_1669 = vector.shape_cast %sub3A_1663 : vector<16xf32> to vector<1x16xf32>
      tpu.vector_store %arg15[%swap3A_1665, %swap3A_1666], %swap3A_1669 {strides = array<i32>} : memref<128x16xf32, #tpu.memory_space<vmem>>, vector<1x16xf32>,
      %get3A_1670 = arith.constant 5 : i32
      %get3A_1671 = arith.index_cast %get3A_1670 : i32 to index
      %get3A_1672 = arith.constant 0 : index
      %get3A_1673 = tpu.vector_load %arg13[%get3A_1671, %get3A_1672] {strides = array<i32>} : memref<128x128xf32, #tpu.memory_space<vmem>>, vector<1x16xf32>,
      %get3A_1674 = vector.shape_cast %get3A_1673 : vector<1x16xf32> to vector<16xf32>
      %sub3A_1675 = arith.subf %get3A_1674, %get3A_1609 : vector<16xf32>
      %swap3A_1676 = arith.constant 5 : i32
      %swap3A_1677 = arith.index_cast %swap3A_1676 : i32 to index
      %swap3A_1678 = arith.constant 0 : index
      %swap3A_1679 = tpu.vector_load %arg15[%swap3A_1677, %swap3A_1678] {strides = array<i32>} : memref<128x16xf32, #tpu.memory_space<vmem>>, vector<1x16xf32>,
      %swap3A_1680 = vector.shape_cast %swap3A_1679 : vector<1x16xf32> to vector<16xf32>
      %swap3A_1681 = vector.shape_cast %sub3A_1675 : vector<16xf32> to vector<1x16xf32>
      tpu.vector_store %arg15[%swap3A_1677, %swap3A_1678], %swap3A_1681 {strides = array<i32>} : memref<128x16xf32, #tpu.memory_space<vmem>>, vector<1x16xf32>,
      %get3A_1682 = arith.constant 6 : i32
      %get3A_1683 = arith.index_cast %get3A_1682 : i32 to index
      %get3A_1684 = arith.constant 0 : index
      %get3A_1685 = tpu.vector_load %arg13[%get3A_1683, %get3A_1684] {strides = array<i32>} : memref<128x128xf32, #tpu.memory_space<vmem>>, vector<1x16xf32>,
      %get3A_1686 = vector.shape_cast %get3A_1685 : vector<1x16xf32> to vector<16xf32>
      %sub3A_1687 = arith.subf %get3A_1686, %get3A_1609 : vector<16xf32>
      %swap3A_1688 = arith.constant 6 : i32
      %swap3A_1689 = arith.index_cast %swap3A_1688 : i32 to index
      %swap3A_1690 = arith.constant 0 : index
      %swap3A_1691 = tpu.vector_load %arg15[%swap3A_1689, %swap3A_1690] {strides = array<i32>} : memref<128x16xf32, #tpu.memory_space<vmem>>, vector<1x16xf32>,
      %swap3A_1692 = vector.shape_cast %swap3A_1691 : vector<1x16xf32> to vector<16xf32>
      %swap3A_1693 = vector.shape_cast %sub3A_1687 : vector<16xf32> to vector<1x16xf32>
      tpu.vector_store %arg15[%swap3A_1689, %swap3A_1690], %swap3A_1693 {strides = array<i32>} : memref<128x16xf32, #tpu.memory_space<vmem>>, vector<1x16xf32>,
      %get3A_1694 = arith.constant 7 : i32
      %get3A_1695 = arith.index_cast %get3A_1694 : i32 to index
      %get3A_1696 = arith.constant 0 : index
      %get3A_1697 = tpu.vector_load %arg13[%get3A_1695, %get3A_1696] {strides = array<i32>} : memref<128x128xf32, #tpu.memory_space<vmem>>, vector<1x16xf32>,
      %get3A_1698 = vector.shape_cast %get3A_1697 : vector<1x16xf32> to vector<16xf32>
      %sub3A_1699 = arith.subf %get3A_1698, %get3A_1609 : vector<16xf32>
      %swap3A_1700 = arith.constant 7 : i32
      %swap3A_1701 = arith.index_cast %swap3A_1700 : i32 to index
      %swap3A_1702 = arith.constant 0 : index
      %swap3A_1703 = tpu.vector_load %arg15[%swap3A_1701, %swap3A_1702] {strides = array<i32>} : memref<128x16xf32, #tpu.memory_space<vmem>>, vector<1x16xf32>,
      %swap3A_1704 = vector.shape_cast %swap3A_1703 : vector<1x16xf32> to vector<16xf32>
      %swap3A_1705 = vector.shape_cast %sub3A_1699 : vector<16xf32> to vector<1x16xf32>
      tpu.vector_store %arg15[%swap3A_1701, %swap3A_1702], %swap3A_1705 {strides = array<i32>} : memref<128x16xf32, #tpu.memory_space<vmem>>, vector<1x16xf32>,
      %get3A_1706 = arith.constant 8 : i32
      %get3A_1707 = arith.index_cast %get3A_1706 : i32 to index
      %get3A_1708 = arith.constant 0 : index
      %get3A_1709 = tpu.vector_load %arg13[%get3A_1707, %get3A_1708] {strides = array<i32>} : memref<128x128xf32, #tpu.memory_space<vmem>>, vector<1x16xf32>,
      %get3A_1710 = vector.shape_cast %get3A_1709 : vector<1x16xf32> to vector<16xf32>
      %sub3A_1711 = arith.subf %get3A_1710, %get3A_1609 : vector<16xf32>
      %swap3A_1712 = arith.constant 8 : i32
      %swap3A_1713 = arith.index_cast %swap3A_1712 : i32 to index
      %swap3A_1714 = arith.constant 0 : index
      %swap3A_1715 = tpu.vector_load %arg15[%swap3A_1713, %swap3A_1714] {strides = array<i32>} : memref<128x16xf32, #tpu.memory_space<vmem>>, vector<1x16xf32>,
      %swap3A_1716 = vector.shape_cast %swap3A_1715 : vector<1x16xf32> to vector<16xf32>
      %swap3A_1717 = vector.shape_cast %sub3A_1711 : vector<16xf32> to vector<1x16xf32>
      tpu.vector_store %arg15[%swap3A_1713, %swap3A_1714], %swap3A_1717 {strides = array<i32>} : memref<128x16xf32, #tpu.memory_space<vmem>>, vector<1x16xf32>,
      %get3A_1718 = arith.constant 9 : i32
      %get3A_1719 = arith.index_cast %get3A_1718 : i32 to index
      %get3A_1720 = arith.constant 0 : index
      %get3A_1721 = tpu.vector_load %arg13[%get3A_1719, %get3A_1720] {strides = array<i32>} : memref<128x128xf32, #tpu.memory_space<vmem>>, vector<1x16xf32>,
      %get3A_1722 = vector.shape_cast %get3A_1721 : vector<1x16xf32> to vector<16xf32>
      %sub3A_1723 = arith.subf %get3A_1722, %get3A_1609 : vector<16xf32>
      %swap3A_1724 = arith.constant 9 : i32
      %swap3A_1725 = arith.index_cast %swap3A_1724 : i32 to index
      %swap3A_1726 = arith.constant 0 : index
      %swap3A_1727 = tpu.vector_load %arg15[%swap3A_1725, %swap3A_1726] {strides = array<i32>} : memref<128x16xf32, #tpu.memory_space<vmem>>, vector<1x16xf32>,
      %swap3A_1728 = vector.shape_cast %swap3A_1727 : vector<1x16xf32> to vector<16xf32>
      %swap3A_1729 = vector.shape_cast %sub3A_1723 : vector<16xf32> to vector<1x16xf32>
      tpu.vector_store %arg15[%swap3A_1725, %swap3A_1726], %swap3A_1729 {strides = array<i32>} : memref<128x16xf32, #tpu.memory_space<vmem>>, vector<1x16xf32>,
      %get3A_1730 = arith.constant 10 : i32
      %get3A_1731 = arith.index_cast %get3A_1730 : i32 to index
      %get3A_1732 = arith.constant 0 : index
      %get3A_1733 = tpu.vector_load %arg13[%get3A_1731, %get3A_1732] {strides = array<i32>} : memref<128x128xf32, #tpu.memory_space<vmem>>, vector<1x16xf32>,
      %get3A_1734 = vector.shape_cast %get3A_1733 : vector<1x16xf32> to vector<16xf32>
      %sub3A_1735 = arith.subf %get3A_1734, %get3A_1609 : vector<16xf32>
      %swap3A_1736 = arith.constant 10 : i32
      %swap3A_1737 = arith.index_cast %swap3A_1736 : i32 to index
      %swap3A_1738 = arith.constant 0 : index
      %swap3A_1739 = tpu.vector_load %arg15[%swap3A_1737, %swap3A_1738] {strides = array<i32>} : memref<128x16xf32, #tpu.memory_space<vmem>>, vector<1x16xf32>,
      %swap3A_1740 = vector.shape_cast %swap3A_1739 : vector<1x16xf32> to vector<16xf32>
      %swap3A_1741 = vector.shape_cast %sub3A_1735 : vector<16xf32> to vector<1x16xf32>
      tpu.vector_store %arg15[%swap3A_1737, %swap3A_1738], %swap3A_1741 {strides = array<i32>} : memref<128x16xf32, #tpu.memory_space<vmem>>, vector<1x16xf32>,
      %get3A_1742 = arith.constant 11 : i32
      %get3A_1743 = arith.index_cast %get3A_1742 : i32 to index
      %get3A_1744 = arith.constant 0 : index
      %get3A_1745 = tpu.vector_load %arg13[%get3A_1743, %get3A_1744] {strides = array<i32>} : memref<128x128xf32, #tpu.memory_space<vmem>>, vector<1x16xf32>,
      %get3A_1746 = vector.shape_cast %get3A_1745 : vector<1x16xf32> to vector<16xf32>
      %sub3A_1747 = arith.subf %get3A_1746, %get3A_1609 : vector<16xf32>
      %swap3A_1748 = arith.constant 11 : i32
      %swap3A_1749 = arith.index_cast %swap3A_1748 : i32 to index
      %swap3A_1750 = arith.constant 0 : index
      %swap3A_1751 = tpu.vector_load %arg15[%swap3A_1749, %swap3A_1750] {strides = array<i32>} : memref<128x16xf32, #tpu.memory_space<vmem>>, vector<1x16xf32>,
      %swap3A_1752 = vector.shape_cast %swap3A_1751 : vector<1x16xf32> to vector<16xf32>
      %swap3A_1753 = vector.shape_cast %sub3A_1747 : vector<16xf32> to vector<1x16xf32>
      tpu.vector_store %arg15[%swap3A_1749, %swap3A_1750], %swap3A_1753 {strides = array<i32>} : memref<128x16xf32, #tpu.memory_space<vmem>>, vector<1x16xf32>,
      %get3A_1754 = arith.constant 12 : i32
      %get3A_1755 = arith.index_cast %get3A_1754 : i32 to index
      %get3A_1756 = arith.constant 0 : index
      %get3A_1757 = tpu.vector_load %arg13[%get3A_1755, %get3A_1756] {strides = array<i32>} : memref<128x128xf32, #tpu.memory_space<vmem>>, vector<1x16xf32>,
      %get3A_1758 = vector.shape_cast %get3A_1757 : vector<1x16xf32> to vector<16xf32>
      %sub3A_1759 = arith.subf %get3A_1758, %get3A_1609 : vector<16xf32>
      %swap3A_1760 = arith.constant 12 : i32
      %swap3A_1761 = arith.index_cast %swap3A_1760 : i32 to index
      %swap3A_1762 = arith.constant 0 : index
      %swap3A_1763 = tpu.vector_load %arg15[%swap3A_1761, %swap3A_1762] {strides = array<i32>} : memref<128x16xf32, #tpu.memory_space<vmem>>, vector<1x16xf32>,
      %swap3A_1764 = vector.shape_cast %swap3A_1763 : vector<1x16xf32> to vector<16xf32>
      %swap3A_1765 = vector.shape_cast %sub3A_1759 : vector<16xf32> to vector<1x16xf32>
      tpu.vector_store %arg15[%swap3A_1761, %swap3A_1762], %swap3A_1765 {strides = array<i32>} : memref<128x16xf32, #tpu.memory_space<vmem>>, vector<1x16xf32>,
      %get3A_1766 = arith.constant 13 : i32
      %get3A_1767 = arith.index_cast %get3A_1766 : i32 to index
      %get3A_1768 = arith.constant 0 : index
      %get3A_1769 = tpu.vector_load %arg13[%get3A_1767, %get3A_1768] {strides = array<i32>} : memref<128x128xf32, #tpu.memory_space<vmem>>, vector<1x16xf32>,
      %get3A_1770 = vector.shape_cast %get3A_1769 : vector<1x16xf32> to vector<16xf32>
      %sub3A_1771 = arith.subf %get3A_1770, %get3A_1609 : vector<16xf32>
      %swap3A_1772 = arith.constant 13 : i32
      %swap3A_1773 = arith.index_cast %swap3A_1772 : i32 to index
      %swap3A_1774 = arith.constant 0 : index
      %swap3A_1775 = tpu.vector_load %arg15[%swap3A_1773, %swap3A_1774] {strides = array<i32>} : memref<128x16xf32, #tpu.memory_space<vmem>>, vector<1x16xf32>,
      %swap3A_1776 = vector.shape_cast %swap3A_1775 : vector<1x16xf32> to vector<16xf32>
      %swap3A_1777 = vector.shape_cast %sub3A_1771 : vector<16xf32> to vector<1x16xf32>
      tpu.vector_store %arg15[%swap3A_1773, %swap3A_1774], %swap3A_1777 {strides = array<i32>} : memref<128x16xf32, #tpu.memory_space<vmem>>, vector<1x16xf32>,
      %get3A_1778 = arith.constant 14 : i32
      %get3A_1779 = arith.index_cast %get3A_1778 : i32 to index
      %get3A_1780 = arith.constant 0 : index
      %get3A_1781 = tpu.vector_load %arg13[%get3A_1779, %get3A_1780] {strides = array<i32>} : memref<128x128xf32, #tpu.memory_space<vmem>>, vector<1x16xf32>,
      %get3A_1782 = vector.shape_cast %get3A_1781 : vector<1x16xf32> to vector<16xf32>
      %sub3A_1783 = arith.subf %get3A_1782, %get3A_1609 : vector<16xf32>
      %swap3A_1784 = arith.constant 14 : i32
      %swap3A_1785 = arith.index_cast %swap3A_1784 : i32 to index
      %swap3A_1786 = arith.constant 0 : index
      %swap3A_1787 = tpu.vector_load %arg15[%swap3A_1785, %swap3A_1786] {strides = array<i32>} : memref<128x16xf32, #tpu.memory_space<vmem>>, vector<1x16xf32>,
      %swap3A_1788 = vector.shape_cast %swap3A_1787 : vector<1x16xf32> to vector<16xf32>
      %swap3A_1789 = vector.shape_cast %sub3A_1783 : vector<16xf32> to vector<1x16xf32>
      tpu.vector_store %arg15[%swap3A_1785, %swap3A_1786], %swap3A_1789 {strides = array<i32>} : memref<128x16xf32, #tpu.memory_space<vmem>>, vector<1x16xf32>,
      %get3A_1790 = arith.constant 15 : i32
      %get3A_1791 = arith.index_cast %get3A_1790 : i32 to index
      %get3A_1792 = arith.constant 0 : index
      %get3A_1793 = tpu.vector_load %arg13[%get3A_1791, %get3A_1792] {strides = array<i32>} : memref<128x128xf32, #tpu.memory_space<vmem>>, vector<1x16xf32>,
      %get3A_1794 = vector.shape_cast %get3A_1793 : vector<1x16xf32> to vector<16xf32>
      %sub3A_1795 = arith.subf %get3A_1794, %get3A_1609 : vector<16xf32>
      %swap3A_1796 = arith.constant 15 : i32
      %swap3A_1797 = arith.index_cast %swap3A_1796 : i32 to index
      %swap3A_1798 = arith.constant 0 : index
      %swap3A_1799 = tpu.vector_load %arg15[%swap3A_1797, %swap3A_1798] {strides = array<i32>} : memref<128x16xf32, #tpu.memory_space<vmem>>, vector<1x16xf32>,
      %swap3A_1800 = vector.shape_cast %swap3A_1799 : vector<1x16xf32> to vector<16xf32>
      %swap3A_1801 = vector.shape_cast %sub3A_1795 : vector<16xf32> to vector<1x16xf32>
      tpu.vector_store %arg15[%swap3A_1797, %swap3A_1798], %swap3A_1801 {strides = array<i32>} : memref<128x16xf32, #tpu.memory_space<vmem>>, vector<1x16xf32>,
      %get3A_1802 = arith.constant 16 : i32
      %get3A_1803 = arith.index_cast %get3A_1802 : i32 to index
      %get3A_1804 = arith.constant 0 : index
      %get3A_1805 = tpu.vector_load %arg13[%get3A_1803, %get3A_1804] {strides = array<i32>} : memref<128x128xf32, #tpu.memory_space<vmem>>, vector<1x16xf32>,
      %get3A_1806 = vector.shape_cast %get3A_1805 : vector<1x16xf32> to vector<16xf32>
      %sub3A_1807 = arith.subf %get3A_1806, %get3A_1609 : vector<16xf32>
      %swap3A_1808 = arith.constant 16 : i32
      %swap3A_1809 = arith.index_cast %swap3A_1808 : i32 to index
      %swap3A_1810 = arith.constant 0 : index
      %swap3A_1811 = tpu.vector_load %arg15[%swap3A_1809, %swap3A_1810] {strides = array<i32>} : memref<128x16xf32, #tpu.memory_space<vmem>>, vector<1x16xf32>,
      %swap3A_1812 = vector.shape_cast %swap3A_1811 : vector<1x16xf32> to vector<16xf32>
      %swap3A_1813 = vector.shape_cast %sub3A_1807 : vector<16xf32> to vector<1x16xf32>
      tpu.vector_store %arg15[%swap3A_1809, %swap3A_1810], %swap3A_1813 {strides = array<i32>} : memref<128x16xf32, #tpu.memory_space<vmem>>, vector<1x16xf32>,
      %get3A_1814 = arith.constant 17 : i32
      %get3A_1815 = arith.index_cast %get3A_1814 : i32 to index
      %get3A_1816 = arith.constant 0 : index
      %get3A_1817 = tpu.vector_load %arg13[%get3A_1815, %get3A_1816] {strides = array<i32>} : memref<128x128xf32, #tpu.memory_space<vmem>>, vector<1x16xf32>,
      %get3A_1818 = vector.shape_cast %get3A_1817 : vector<1x16xf32> to vector<16xf32>
      %sub3A_1819 = arith.subf %get3A_1818, %get3A_1609 : vector<16xf32>
      %swap3A_1820 = arith.constant 17 : i32
      %swap3A_1821 = arith.index_cast %swap3A_1820 : i32 to index
      %swap3A_1822 = arith.constant 0 : index
      %swap3A_1823 = tpu.vector_load %arg15[%swap3A_1821, %swap3A_1822] {strides = array<i32>} : memref<128x16xf32, #tpu.memory_space<vmem>>, vector<1x16xf32>,
      %swap3A_1824 = vector.shape_cast %swap3A_1823 : vector<1x16xf32> to vector<16xf32>
      %swap3A_1825 = vector.shape_cast %sub3A_1819 : vector<16xf32> to vector<1x16xf32>
      tpu.vector_store %arg15[%swap3A_1821, %swap3A_1822], %swap3A_1825 {strides = array<i32>} : memref<128x16xf32, #tpu.memory_space<vmem>>, vector<1x16xf32>,
      %get3A_1826 = arith.constant 18 : i32
      %get3A_1827 = arith.index_cast %get3A_1826 : i32 to index
      %get3A_1828 = arith.constant 0 : index
      %get3A_1829 = tpu.vector_load %arg13[%get3A_1827, %get3A_1828] {strides = array<i32>} : memref<128x128xf32, #tpu.memory_space<vmem>>, vector<1x16xf32>,
      %get3A_1830 = vector.shape_cast %get3A_1829 : vector<1x16xf32> to vector<16xf32>
      %sub3A_1831 = arith.subf %get3A_1830, %get3A_1609 : vector<16xf32>
      %swap3A_1832 = arith.constant 18 : i32
      %swap3A_1833 = arith.index_cast %swap3A_1832 : i32 to index
      %swap3A_1834 = arith.constant 0 : index
      %swap3A_1835 = tpu.vector_load %arg15[%swap3A_1833, %swap3A_1834] {strides = array<i32>} : memref<128x16xf32, #tpu.memory_space<vmem>>, vector<1x16xf32>,
      %swap3A_1836 = vector.shape_cast %swap3A_1835 : vector<1x16xf32> to vector<16xf32>
      %swap3A_1837 = vector.shape_cast %sub3A_1831 : vector<16xf32> to vector<1x16xf32>
      tpu.vector_store %arg15[%swap3A_1833, %swap3A_1834], %swap3A_1837 {strides = array<i32>} : memref<128x16xf32, #tpu.memory_space<vmem>>, vector<1x16xf32>,
      %get3A_1838 = arith.constant 19 : i32
      %get3A_1839 = arith.index_cast %get3A_1838 : i32 to index
      %get3A_1840 = arith.constant 0 : index
      %get3A_1841 = tpu.vector_load %arg13[%get3A_1839, %get3A_1840] {strides = array<i32>} : memref<128x128xf32, #tpu.memory_space<vmem>>, vector<1x16xf32>,
      %get3A_1842 = vector.shape_cast %get3A_1841 : vector<1x16xf32> to vector<16xf32>
      %sub3A_1843 = arith.subf %get3A_1842, %get3A_1609 : vector<16xf32>
      %swap3A_1844 = arith.constant 19 : i32
      %swap3A_1845 = arith.index_cast %swap3A_1844 : i32 to index
      %swap3A_1846 = arith.constant 0 : index
      %swap3A_1847 = tpu.vector_load %arg15[%swap3A_1845, %swap3A_1846] {strides = array<i32>} : memref<128x16xf32, #tpu.memory_space<vmem>>, vector<1x16xf32>,
      %swap3A_1848 = vector.shape_cast %swap3A_1847 : vector<1x16xf32> to vector<16xf32>
      %swap3A_1849 = vector.shape_cast %sub3A_1843 : vector<16xf32> to vector<1x16xf32>
      tpu.vector_store %arg15[%swap3A_1845, %swap3A_1846], %swap3A_1849 {strides = array<i32>} : memref<128x16xf32, #tpu.memory_space<vmem>>, vector<1x16xf32>,
      %get3A_1850 = arith.constant 20 : i32
      %get3A_1851 = arith.index_cast %get3A_1850 : i32 to index
      %get3A_1852 = arith.constant 0 : index
      %get3A_1853 = tpu.vector_load %arg13[%get3A_1851, %get3A_1852] {strides = array<i32>} : memref<128x128xf32, #tpu.memory_space<vmem>>, vector<1x16xf32>,
      %get3A_1854 = vector.shape_cast %get3A_1853 : vector<1x16xf32> to vector<16xf32>
      %sub3A_1855 = arith.subf %get3A_1854, %get3A_1609 : vector<16xf32>
      %swap3A_1856 = arith.constant 20 : i32
      %swap3A_1857 = arith.index_cast %swap3A_1856 : i32 to index
      %swap3A_1858 = arith.constant 0 : index
      %swap3A_1859 = tpu.vector_load %arg15[%swap3A_1857, %swap3A_1858] {strides = array<i32>} : memref<128x16xf32, #tpu.memory_space<vmem>>, vector<1x16xf32>,
      %swap3A_1860 = vector.shape_cast %swap3A_1859 : vector<1x16xf32> to vector<16xf32>
      %swap3A_1861 = vector.shape_cast %sub3A_1855 : vector<16xf32> to vector<1x16xf32>
      tpu.vector_store %arg15[%swap3A_1857, %swap3A_1858], %swap3A_1861 {strides = array<i32>} : memref<128x16xf32, #tpu.memory_space<vmem>>, vector<1x16xf32>,
      %get3A_1862 = arith.constant 21 : i32
      %get3A_1863 = arith.index_cast %get3A_1862 : i32 to index
      %get3A_1864 = arith.constant 0 : index
      %get3A_1865 = tpu.vector_load %arg13[%get3A_1863, %get3A_1864] {strides = array<i32>} : memref<128x128xf32, #tpu.memory_space<vmem>>, vector<1x16xf32>,
      %get3A_1866 = vector.shape_cast %get3A_1865 : vector<1x16xf32> to vector<16xf32>
      %sub3A_1867 = arith.subf %get3A_1866, %get3A_1609 : vector<16xf32>
      %swap3A_1868 = arith.constant 21 : i32
      %swap3A_1869 = arith.index_cast %swap3A_1868 : i32 to index
      %swap3A_1870 = arith.constant 0 : index
      %swap3A_1871 = tpu.vector_load %arg15[%swap3A_1869, %swap3A_1870] {strides = array<i32>} : memref<128x16xf32, #tpu.memory_space<vmem>>, vector<1x16xf32>,
      %swap3A_1872 = vector.shape_cast %swap3A_1871 : vector<1x16xf32> to vector<16xf32>
      %swap3A_1873 = vector.shape_cast %sub3A_1867 : vector<16xf32> to vector<1x16xf32>
      tpu.vector_store %arg15[%swap3A_1869, %swap3A_1870], %swap3A_1873 {strides = array<i32>} : memref<128x16xf32, #tpu.memory_space<vmem>>, vector<1x16xf32>,
      %get3A_1874 = arith.constant 22 : i32
      %get3A_1875 = arith.index_cast %get3A_1874 : i32 to index
      %get3A_1876 = arith.constant 0 : index
      %get3A_1877 = tpu.vector_load %arg13[%get3A_1875, %get3A_1876] {strides = array<i32>} : memref<128x128xf32, #tpu.memory_space<vmem>>, vector<1x16xf32>,
      %get3A_1878 = vector.shape_cast %get3A_1877 : vector<1x16xf32> to vector<16xf32>
      %sub3A_1879 = arith.subf %get3A_1878, %get3A_1609 : vector<16xf32>
      %swap3A_1880 = arith.constant 22 : i32
      %swap3A_1881 = arith.index_cast %swap3A_1880 : i32 to index
      %swap3A_1882 = arith.constant 0 : index
      %swap3A_1883 = tpu.vector_load %arg15[%swap3A_1881, %swap3A_1882] {strides = array<i32>} : memref<128x16xf32, #tpu.memory_space<vmem>>, vector<1x16xf32>,
      %swap3A_1884 = vector.shape_cast %swap3A_1883 : vector<1x16xf32> to vector<16xf32>
      %swap3A_1885 = vector.shape_cast %sub3A_1879 : vector<16xf32> to vector<1x16xf32>
      tpu.vector_store %arg15[%swap3A_1881, %swap3A_1882], %swap3A_1885 {strides = array<i32>} : memref<128x16xf32, #tpu.memory_space<vmem>>, vector<1x16xf32>,
      %get3A_1886 = arith.constant 23 : i32
      %get3A_1887 = arith.index_cast %get3A_1886 : i32 to index
      %get3A_1888 = arith.constant 0 : index
      %get3A_1889 = tpu.vector_load %arg13[%get3A_1887, %get3A_1888] {strides = array<i32>} : memref<128x128xf32, #tpu.memory_space<vmem>>, vector<1x16xf32>,
      %get3A_1890 = vector.shape_cast %get3A_1889 : vector<1x16xf32> to vector<16xf32>
      %sub3A_1891 = arith.subf %get3A_1890, %get3A_1609 : vector<16xf32>
      %swap3A_1892 = arith.constant 23 : i32
      %swap3A_1893 = arith.index_cast %swap3A_1892 : i32 to index
      %swap3A_1894 = arith.constant 0 : index
      %swap3A_1895 = tpu.vector_load %arg15[%swap3A_1893, %swap3A_1894] {strides = array<i32>} : memref<128x16xf32, #tpu.memory_space<vmem>>, vector<1x16xf32>,
      %swap3A_1896 = vector.shape_cast %swap3A_1895 : vector<1x16xf32> to vector<16xf32>
      %swap3A_1897 = vector.shape_cast %sub3A_1891 : vector<16xf32> to vector<1x16xf32>
      tpu.vector_store %arg15[%swap3A_1893, %swap3A_1894], %swap3A_1897 {strides = array<i32>} : memref<128x16xf32, #tpu.memory_space<vmem>>, vector<1x16xf32>,
      %get3A_1898 = arith.constant 24 : i32
      %get3A_1899 = arith.index_cast %get3A_1898 : i32 to index
      %get3A_1900 = arith.constant 0 : index
      %get3A_1901 = tpu.vector_load %arg13[%get3A_1899, %get3A_1900] {strides = array<i32>} : memref<128x128xf32, #tpu.memory_space<vmem>>, vector<1x16xf32>,
      %get3A_1902 = vector.shape_cast %get3A_1901 : vector<1x16xf32> to vector<16xf32>
      %sub3A_1903 = arith.subf %get3A_1902, %get3A_1609 : vector<16xf32>
      %swap3A_1904 = arith.constant 24 : i32
      %swap3A_1905 = arith.index_cast %swap3A_1904 : i32 to index
      %swap3A_1906 = arith.constant 0 : index
      %swap3A_1907 = tpu.vector_load %arg15[%swap3A_1905, %swap3A_1906] {strides = array<i32>} : memref<128x16xf32, #tpu.memory_space<vmem>>, vector<1x16xf32>,
      %swap3A_1908 = vector.shape_cast %swap3A_1907 : vector<1x16xf32> to vector<16xf32>
      %swap3A_1909 = vector.shape_cast %sub3A_1903 : vector<16xf32> to vector<1x16xf32>
      tpu.vector_store %arg15[%swap3A_1905, %swap3A_1906], %swap3A_1909 {strides = array<i32>} : memref<128x16xf32, #tpu.memory_space<vmem>>, vector<1x16xf32>,
      %get3A_1910 = arith.constant 25 : i32
      %get3A_1911 = arith.index_cast %get3A_1910 : i32 to index
      %get3A_1912 = arith.constant 0 : index
      %get3A_1913 = tpu.vector_load %arg13[%get3A_1911, %get3A_1912] {strides = array<i32>} : memref<128x128xf32, #tpu.memory_space<vmem>>, vector<1x16xf32>,
      %get3A_1914 = vector.shape_cast %get3A_1913 : vector<1x16xf32> to vector<16xf32>
      %sub3A_1915 = arith.subf %get3A_1914, %get3A_1609 : vector<16xf32>
      %swap3A_1916 = arith.constant 25 : i32
      %swap3A_1917 = arith.index_cast %swap3A_1916 : i32 to index
      %swap3A_1918 = arith.constant 0 : index
      %swap3A_1919 = tpu.vector_load %arg15[%swap3A_1917, %swap3A_1918] {strides = array<i32>} : memref<128x16xf32, #tpu.memory_space<vmem>>, vector<1x16xf32>,
      %swap3A_1920 = vector.shape_cast %swap3A_1919 : vector<1x16xf32> to vector<16xf32>
      %swap3A_1921 = vector.shape_cast %sub3A_1915 : vector<16xf32> to vector<1x16xf32>
      tpu.vector_store %arg15[%swap3A_1917, %swap3A_1918], %swap3A_1921 {strides = array<i32>} : memref<128x16xf32, #tpu.memory_space<vmem>>, vector<1x16xf32>,
      %get3A_1922 = arith.constant 26 : i32
      %get3A_1923 = arith.index_cast %get3A_1922 : i32 to index
      %get3A_1924 = arith.constant 0 : index
      %get3A_1925 = tpu.vector_load %arg13[%get3A_1923, %get3A_1924] {strides = array<i32>} : memref<128x128xf32, #tpu.memory_space<vmem>>, vector<1x16xf32>,
      %get3A_1926 = vector.shape_cast %get3A_1925 : vector<1x16xf32> to vector<16xf32>
      %sub3A_1927 = arith.subf %get3A_1926, %get3A_1609 : vector<16xf32>
      %swap3A_1928 = arith.constant 26 : i32
      %swap3A_1929 = arith.index_cast %swap3A_1928 : i32 to index
      %swap3A_1930 = arith.constant 0 : index
      %swap3A_1931 = tpu.vector_load %arg15[%swap3A_1929, %swap3A_1930] {strides = array<i32>} : memref<128x16xf32, #tpu.memory_space<vmem>>, vector<1x16xf32>,
      %swap3A_1932 = vector.shape_cast %swap3A_1931 : vector<1x16xf32> to vector<16xf32>
      %swap3A_1933 = vector.shape_cast %sub3A_1927 : vector<16xf32> to vector<1x16xf32>
      tpu.vector_store %arg15[%swap3A_1929, %swap3A_1930], %swap3A_1933 {strides = array<i32>} : memref<128x16xf32, #tpu.memory_space<vmem>>, vector<1x16xf32>,
      %get3A_1934 = arith.constant 27 : i32
      %get3A_1935 = arith.index_cast %get3A_1934 : i32 to index
      %get3A_1936 = arith.constant 0 : index
      %get3A_1937 = tpu.vector_load %arg13[%get3A_1935, %get3A_1936] {strides = array<i32>} : memref<128x128xf32, #tpu.memory_space<vmem>>, vector<1x16xf32>,
      %get3A_1938 = vector.shape_cast %get3A_1937 : vector<1x16xf32> to vector<16xf32>
      %sub3A_1939 = arith.subf %get3A_1938, %get3A_1609 : vector<16xf32>
      %swap3A_1940 = arith.constant 27 : i32
      %swap3A_1941 = arith.index_cast %swap3A_1940 : i32 to index
      %swap3A_1942 = arith.constant 0 : index
      %swap3A_1943 = tpu.vector_load %arg15[%swap3A_1941, %swap3A_1942] {strides = array<i32>} : memref<128x16xf32, #tpu.memory_space<vmem>>, vector<1x16xf32>,
      %swap3A_1944 = vector.shape_cast %swap3A_1943 : vector<1x16xf32> to vector<16xf32>
      %swap3A_1945 = vector.shape_cast %sub3A_1939 : vector<16xf32> to vector<1x16xf32>
      tpu.vector_store %arg15[%swap3A_1941, %swap3A_1942], %swap3A_1945 {strides = array<i32>} : memref<128x16xf32, #tpu.memory_space<vmem>>, vector<1x16xf32>,
      %get3A_1946 = arith.constant 28 : i32
      %get3A_1947 = arith.index_cast %get3A_1946 : i32 to index
      %get3A_1948 = arith.constant 0 : index
      %get3A_1949 = tpu.vector_load %arg13[%get3A_1947, %get3A_1948] {strides = array<i32>} : memref<128x128xf32, #tpu.memory_space<vmem>>, vector<1x16xf32>,
      %get3A_1950 = vector.shape_cast %get3A_1949 : vector<1x16xf32> to vector<16xf32>
      %sub3A_1951 = arith.subf %get3A_1950, %get3A_1609 : vector<16xf32>
      %swap3A_1952 = arith.constant 28 : i32
      %swap3A_1953 = arith.index_cast %swap3A_1952 : i32 to index
      %swap3A_1954 = arith.constant 0 : index
      %swap3A_1955 = tpu.vector_load %arg15[%swap3A_1953, %swap3A_1954] {strides = array<i32>} : memref<128x16xf32, #tpu.memory_space<vmem>>, vector<1x16xf32>,
      %swap3A_1956 = vector.shape_cast %swap3A_1955 : vector<1x16xf32> to vector<16xf32>
      %swap3A_1957 = vector.shape_cast %sub3A_1951 : vector<16xf32> to vector<1x16xf32>
      tpu.vector_store %arg15[%swap3A_1953, %swap3A_1954], %swap3A_1957 {strides = array<i32>} : memref<128x16xf32, #tpu.memory_space<vmem>>, vector<1x16xf32>,
      %get3A_1958 = arith.constant 29 : i32
      %get3A_1959 = arith.index_cast %get3A_1958 : i32 to index
      %get3A_1960 = arith.constant 0 : index
      %get3A_1961 = tpu.vector_load %arg13[%get3A_1959, %get3A_1960] {strides = array<i32>} : memref<128x128xf32, #tpu.memory_space<vmem>>, vector<1x16xf32>,
      %get3A_1962 = vector.shape_cast %get3A_1961 : vector<1x16xf32> to vector<16xf32>
      %sub3A_1963 = arith.subf %get3A_1962, %get3A_1609 : vector<16xf32>
      %swap3A_1964 = arith.constant 29 : i32
      %swap3A_1965 = arith.index_cast %swap3A_1964 : i32 to index
      %swap3A_1966 = arith.constant 0 : index
      %swap3A_1967 = tpu.vector_load %arg15[%swap3A_1965, %swap3A_1966] {strides = array<i32>} : memref<128x16xf32, #tpu.memory_space<vmem>>, vector<1x16xf32>,
      %swap3A_1968 = vector.shape_cast %swap3A_1967 : vector<1x16xf32> to vector<16xf32>
      %swap3A_1969 = vector.shape_cast %sub3A_1963 : vector<16xf32> to vector<1x16xf32>
      tpu.vector_store %arg15[%swap3A_1965, %swap3A_1966], %swap3A_1969 {strides = array<i32>} : memref<128x16xf32, #tpu.memory_space<vmem>>, vector<1x16xf32>,
      %get3A_1970 = arith.constant 30 : i32
      %get3A_1971 = arith.index_cast %get3A_1970 : i32 to index
      %get3A_1972 = arith.constant 0 : index
      %get3A_1973 = tpu.vector_load %arg13[%get3A_1971, %get3A_1972] {strides = array<i32>} : memref<128x128xf32, #tpu.memory_space<vmem>>, vector<1x16xf32>,
      %get3A_1974 = vector.shape_cast %get3A_1973 : vector<1x16xf32> to vector<16xf32>
      %sub3A_1975 = arith.subf %get3A_1974, %get3A_1609 : vector<16xf32>
      %swap3A_1976 = arith.constant 30 : i32
      %swap3A_1977 = arith.index_cast %swap3A_1976 : i32 to index
      %swap3A_1978 = arith.constant 0 : index
      %swap3A_1979 = tpu.vector_load %arg15[%swap3A_1977, %swap3A_1978] {strides = array<i32>} : memref<128x16xf32, #tpu.memory_space<vmem>>, vector<1x16xf32>,
      %swap3A_1980 = vector.shape_cast %swap3A_1979 : vector<1x16xf32> to vector<16xf32>
      %swap3A_1981 = vector.shape_cast %sub3A_1975 : vector<16xf32> to vector<1x16xf32>
      tpu.vector_store %arg15[%swap3A_1977, %swap3A_1978], %swap3A_1981 {strides = array<i32>} : memref<128x16xf32, #tpu.memory_space<vmem>>, vector<1x16xf32>,
      %get3A_1982 = arith.constant 31 : i32
      %get3A_1983 = arith.index_cast %get3A_1982 : i32 to index
      %get3A_1984 = arith.constant 0 : index
      %get3A_1985 = tpu.vector_load %arg13[%get3A_1983, %get3A_1984] {strides = array<i32>} : memref<128x128xf32, #tpu.memory_space<vmem>>, vector<1x16xf32>,
      %get3A_1986 = vector.shape_cast %get3A_1985 : vector<1x16xf32> to vector<16xf32>
      %sub3A_1987 = arith.subf %get3A_1986, %get3A_1609 : vector<16xf32>
      %swap3A_1988 = arith.constant 31 : i32
      %swap3A_1989 = arith.index_cast %swap3A_1988 : i32 to index
      %swap3A_1990 = arith.constant 0 : index
      %swap3A_1991 = tpu.vector_load %arg15[%swap3A_1989, %swap3A_1990] {strides = array<i32>} : memref<128x16xf32, #tpu.memory_space<vmem>>, vector<1x16xf32>,
      %swap3A_1992 = vector.shape_cast %swap3A_1991 : vector<1x16xf32> to vector<16xf32>
      %swap3A_1993 = vector.shape_cast %sub3A_1987 : vector<16xf32> to vector<1x16xf32>
      tpu.vector_store %arg15[%swap3A_1989, %swap3A_1990], %swap3A_1993 {strides = array<i32>} : memref<128x16xf32, #tpu.memory_space<vmem>>, vector<1x16xf32>,
      %get3A_1994 = arith.constant 5 : i32
      %get3A_1995 = arith.index_cast %get3A_1994 : i32 to index
      %get3A_1996 = arith.constant 0 : index
      %get3A_1997 = tpu.vector_load %arg14[%get3A_1995, %get3A_1996] {strides = array<i32>} : memref<8x128xf32, #tpu.memory_space<vmem>>, vector<1x16xf32>,
      %get3A_1998 = vector.shape_cast %get3A_1997 : vector<1x16xf32> to vector<16xf32>
      %get3A_1999 = arith.constant 32 : i32
      %get3A_2000 = arith.index_cast %get3A_1999 : i32 to index
      %get3A_2001 = arith.constant 0 : index
      %get3A_2002 = tpu.vector_load %arg13[%get3A_2000, %get3A_2001] {strides = array<i32>} : memref<128x128xf32, #tpu.memory_space<vmem>>, vector<1x16xf32>,
      %get3A_2003 = vector.shape_cast %get3A_2002 : vector<1x16xf32> to vector<16xf32>
      %sub3A_2004 = arith.subf %get3A_2003, %get3A_1998 : vector<16xf32>
      %swap3A_2005 = arith.constant 32 : i32
      %swap3A_2006 = arith.index_cast %swap3A_2005 : i32 to index
      %swap3A_2007 = arith.constant 0 : index
      %swap3A_2008 = tpu.vector_load %arg15[%swap3A_2006, %swap3A_2007] {strides = array<i32>} : memref<128x16xf32, #tpu.memory_space<vmem>>, vector<1x16xf32>,
      %swap3A_2009 = vector.shape_cast %swap3A_2008 : vector<1x16xf32> to vector<16xf32>
      %swap3A_2010 = vector.shape_cast %sub3A_2004 : vector<16xf32> to vector<1x16xf32>
      tpu.vector_store %arg15[%swap3A_2006, %swap3A_2007], %swap3A_2010 {strides = array<i32>} : memref<128x16xf32, #tpu.memory_space<vmem>>, vector<1x16xf32>,
      %get3A_2011 = arith.constant 33 : i32
      %get3A_2012 = arith.index_cast %get3A_2011 : i32 to index
      %get3A_2013 = arith.constant 0 : index
      %get3A_2014 = tpu.vector_load %arg13[%get3A_2012, %get3A_2013] {strides = array<i32>} : memref<128x128xf32, #tpu.memory_space<vmem>>, vector<1x16xf32>,
      %get3A_2015 = vector.shape_cast %get3A_2014 : vector<1x16xf32> to vector<16xf32>
      %sub3A_2016 = arith.subf %get3A_2015, %get3A_1998 : vector<16xf32>
      %swap3A_2017 = arith.constant 33 : i32
      %swap3A_2018 = arith.index_cast %swap3A_2017 : i32 to index
      %swap3A_2019 = arith.constant 0 : index
      %swap3A_2020 = tpu.vector_load %arg15[%swap3A_2018, %swap3A_2019] {strides = array<i32>} : memref<128x16xf32, #tpu.memory_space<vmem>>, vector<1x16xf32>,
      %swap3A_2021 = vector.shape_cast %swap3A_2020 : vector<1x16xf32> to vector<16xf32>
      %swap3A_2022 = vector.shape_cast %sub3A_2016 : vector<16xf32> to vector<1x16xf32>
      tpu.vector_store %arg15[%swap3A_2018, %swap3A_2019], %swap3A_2022 {strides = array<i32>} : memref<128x16xf32, #tpu.memory_space<vmem>>, vector<1x16xf32>,
      %get3A_2023 = arith.constant 34 : i32
      %get3A_2024 = arith.index_cast %get3A_2023 : i32 to index
      %get3A_2025 = arith.constant 0 : index
      %get3A_2026 = tpu.vector_load %arg13[%get3A_2024, %get3A_2025] {strides = array<i32>} : memref<128x128xf32, #tpu.memory_space<vmem>>, vector<1x16xf32>,
      %get3A_2027 = vector.shape_cast %get3A_2026 : vector<1x16xf32> to vector<16xf32>
      %sub3A_2028 = arith.subf %get3A_2027, %get3A_1998 : vector<16xf32>
      %swap3A_2029 = arith.constant 34 : i32
      %swap3A_2030 = arith.index_cast %swap3A_2029 : i32 to index
      %swap3A_2031 = arith.constant 0 : index
      %swap3A_2032 = tpu.vector_load %arg15[%swap3A_2030, %swap3A_2031] {strides = array<i32>} : memref<128x16xf32, #tpu.memory_space<vmem>>, vector<1x16xf32>,
      %swap3A_2033 = vector.shape_cast %swap3A_2032 : vector<1x16xf32> to vector<16xf32>
      %swap3A_2034 = vector.shape_cast %sub3A_2028 : vector<16xf32> to vector<1x16xf32>
      tpu.vector_store %arg15[%swap3A_2030, %swap3A_2031], %swap3A_2034 {strides = array<i32>} : memref<128x16xf32, #tpu.memory_space<vmem>>, vector<1x16xf32>,
      %get3A_2035 = arith.constant 35 : i32
      %get3A_2036 = arith.index_cast %get3A_2035 : i32 to index
      %get3A_2037 = arith.constant 0 : index
      %get3A_2038 = tpu.vector_load %arg13[%get3A_2036, %get3A_2037] {strides = array<i32>} : memref<128x128xf32, #tpu.memory_space<vmem>>, vector<1x16xf32>,
      %get3A_2039 = vector.shape_cast %get3A_2038 : vector<1x16xf32> to vector<16xf32>
      %sub3A_2040 = arith.subf %get3A_2039, %get3A_1998 : vector<16xf32>
      %swap3A_2041 = arith.constant 35 : i32
      %swap3A_2042 = arith.index_cast %swap3A_2041 : i32 to index
      %swap3A_2043 = arith.constant 0 : index
      %swap3A_2044 = tpu.vector_load %arg15[%swap3A_2042, %swap3A_2043] {strides = array<i32>} : memref<128x16xf32, #tpu.memory_space<vmem>>, vector<1x16xf32>,
      %swap3A_2045 = vector.shape_cast %swap3A_2044 : vector<1x16xf32> to vector<16xf32>
      %swap3A_2046 = vector.shape_cast %sub3A_2040 : vector<16xf32> to vector<1x16xf32>
      tpu.vector_store %arg15[%swap3A_2042, %swap3A_2043], %swap3A_2046 {strides = array<i32>} : memref<128x16xf32, #tpu.memory_space<vmem>>, vector<1x16xf32>,
      %get3A_2047 = arith.constant 36 : i32
      %get3A_2048 = arith.index_cast %get3A_2047 : i32 to index
      %get3A_2049 = arith.constant 0 : index
      %get3A_2050 = tpu.vector_load %arg13[%get3A_2048, %get3A_2049] {strides = array<i32>} : memref<128x128xf32, #tpu.memory_space<vmem>>, vector<1x16xf32>,
      %get3A_2051 = vector.shape_cast %get3A_2050 : vector<1x16xf32> to vector<16xf32>
      %sub3A_2052 = arith.subf %get3A_2051, %get3A_1998 : vector<16xf32>
      %swap3A_2053 = arith.constant 36 : i32
      %swap3A_2054 = arith.index_cast %swap3A_2053 : i32 to index
      %swap3A_2055 = arith.constant 0 : index
      %swap3A_2056 = tpu.vector_load %arg15[%swap3A_2054, %swap3A_2055] {strides = array<i32>} : memref<128x16xf32, #tpu.memory_space<vmem>>, vector<1x16xf32>,
      %swap3A_2057 = vector.shape_cast %swap3A_2056 : vector<1x16xf32> to vector<16xf32>
      %swap3A_2058 = vector.shape_cast %sub3A_2052 : vector<16xf32> to vector<1x16xf32>
      tpu.vector_store %arg15[%swap3A_2054, %swap3A_2055], %swap3A_2058 {strides = array<i32>} : memref<128x16xf32, #tpu.memory_space<vmem>>, vector<1x16xf32>,
      %get3A_2059 = arith.constant 37 : i32
      %get3A_2060 = arith.index_cast %get3A_2059 : i32 to index
      %get3A_2061 = arith.constant 0 : index
      %get3A_2062 = tpu.vector_load %arg13[%get3A_2060, %get3A_2061] {strides = array<i32>} : memref<128x128xf32, #tpu.memory_space<vmem>>, vector<1x16xf32>,
      %get3A_2063 = vector.shape_cast %get3A_2062 : vector<1x16xf32> to vector<16xf32>
      %sub3A_2064 = arith.subf %get3A_2063, %get3A_1998 : vector<16xf32>
      %swap3A_2065 = arith.constant 37 : i32
      %swap3A_2066 = arith.index_cast %swap3A_2065 : i32 to index
      %swap3A_2067 = arith.constant 0 : index
      %swap3A_2068 = tpu.vector_load %arg15[%swap3A_2066, %swap3A_2067] {strides = array<i32>} : memref<128x16xf32, #tpu.memory_space<vmem>>, vector<1x16xf32>,
      %swap3A_2069 = vector.shape_cast %swap3A_2068 : vector<1x16xf32> to vector<16xf32>
      %swap3A_2070 = vector.shape_cast %sub3A_2064 : vector<16xf32> to vector<1x16xf32>
      tpu.vector_store %arg15[%swap3A_2066, %swap3A_2067], %swap3A_2070 {strides = array<i32>} : memref<128x16xf32, #tpu.memory_space<vmem>>, vector<1x16xf32>,
      %get3A_2071 = arith.constant 38 : i32
      %get3A_2072 = arith.index_cast %get3A_2071 : i32 to index
      %get3A_2073 = arith.constant 0 : index
      %get3A_2074 = tpu.vector_load %arg13[%get3A_2072, %get3A_2073] {strides = array<i32>} : memref<128x128xf32, #tpu.memory_space<vmem>>, vector<1x16xf32>,
      %get3A_2075 = vector.shape_cast %get3A_2074 : vector<1x16xf32> to vector<16xf32>
      %sub3A_2076 = arith.subf %get3A_2075, %get3A_1998 : vector<16xf32>
      %swap3A_2077 = arith.constant 38 : i32
      %swap3A_2078 = arith.index_cast %swap3A_2077 : i32 to index
      %swap3A_2079 = arith.constant 0 : index
      %swap3A_2080 = tpu.vector_load %arg15[%swap3A_2078, %swap3A_2079] {strides = array<i32>} : memref<128x16xf32, #tpu.memory_space<vmem>>, vector<1x16xf32>,
      %swap3A_2081 = vector.shape_cast %swap3A_2080 : vector<1x16xf32> to vector<16xf32>
      %swap3A_2082 = vector.shape_cast %sub3A_2076 : vector<16xf32> to vector<1x16xf32>
      tpu.vector_store %arg15[%swap3A_2078, %swap3A_2079], %swap3A_2082 {strides = array<i32>} : memref<128x16xf32, #tpu.memory_space<vmem>>, vector<1x16xf32>,
      %get3A_2083 = arith.constant 39 : i32
      %get3A_2084 = arith.index_cast %get3A_2083 : i32 to index
      %get3A_2085 = arith.constant 0 : index
      %get3A_2086 = tpu.vector_load %arg13[%get3A_2084, %get3A_2085] {strides = array<i32>} : memref<128x128xf32, #tpu.memory_space<vmem>>, vector<1x16xf32>,
      %get3A_2087 = vector.shape_cast %get3A_2086 : vector<1x16xf32> to vector<16xf32>
      %sub3A_2088 = arith.subf %get3A_2087, %get3A_1998 : vector<16xf32>
      %swap3A_2089 = arith.constant 39 : i32
      %swap3A_2090 = arith.index_cast %swap3A_2089 : i32 to index
      %swap3A_2091 = arith.constant 0 : index
      %swap3A_2092 = tpu.vector_load %arg15[%swap3A_2090, %swap3A_2091] {strides = array<i32>} : memref<128x16xf32, #tpu.memory_space<vmem>>, vector<1x16xf32>,
      %swap3A_2093 = vector.shape_cast %swap3A_2092 : vector<1x16xf32> to vector<16xf32>
      %swap3A_2094 = vector.shape_cast %sub3A_2088 : vector<16xf32> to vector<1x16xf32>
      tpu.vector_store %arg15[%swap3A_2090, %swap3A_2091], %swap3A_2094 {strides = array<i32>} : memref<128x16xf32, #tpu.memory_space<vmem>>, vector<1x16xf32>,
      %get3A_2095 = arith.constant 40 : i32
      %get3A_2096 = arith.index_cast %get3A_2095 : i32 to index
      %get3A_2097 = arith.constant 0 : index
      %get3A_2098 = tpu.vector_load %arg13[%get3A_2096, %get3A_2097] {strides = array<i32>} : memref<128x128xf32, #tpu.memory_space<vmem>>, vector<1x16xf32>,
      %get3A_2099 = vector.shape_cast %get3A_2098 : vector<1x16xf32> to vector<16xf32>
      %sub3A_2100 = arith.subf %get3A_2099, %get3A_1998 : vector<16xf32>
      %swap3A_2101 = arith.constant 40 : i32
      %swap3A_2102 = arith.index_cast %swap3A_2101 : i32 to index
      %swap3A_2103 = arith.constant 0 : index
      %swap3A_2104 = tpu.vector_load %arg15[%swap3A_2102, %swap3A_2103] {strides = array<i32>} : memref<128x16xf32, #tpu.memory_space<vmem>>, vector<1x16xf32>,
      %swap3A_2105 = vector.shape_cast %swap3A_2104 : vector<1x16xf32> to vector<16xf32>
      %swap3A_2106 = vector.shape_cast %sub3A_2100 : vector<16xf32> to vector<1x16xf32>
      tpu.vector_store %arg15[%swap3A_2102, %swap3A_2103], %swap3A_2106 {strides = array<i32>} : memref<128x16xf32, #tpu.memory_space<vmem>>, vector<1x16xf32>,
      %get3A_2107 = arith.constant 41 : i32
      %get3A_2108 = arith.index_cast %get3A_2107 : i32 to index
      %get3A_2109 = arith.constant 0 : index
      %get3A_2110 = tpu.vector_load %arg13[%get3A_2108, %get3A_2109] {strides = array<i32>} : memref<128x128xf32, #tpu.memory_space<vmem>>, vector<1x16xf32>,
      %get3A_2111 = vector.shape_cast %get3A_2110 : vector<1x16xf32> to vector<16xf32>
      %sub3A_2112 = arith.subf %get3A_2111, %get3A_1998 : vector<16xf32>
      %swap3A_2113 = arith.constant 41 : i32
      %swap3A_2114 = arith.index_cast %swap3A_2113 : i32 to index
      %swap3A_2115 = arith.constant 0 : index
      %swap3A_2116 = tpu.vector_load %arg15[%swap3A_2114, %swap3A_2115] {strides = array<i32>} : memref<128x16xf32, #tpu.memory_space<vmem>>, vector<1x16xf32>,
      %swap3A_2117 = vector.shape_cast %swap3A_2116 : vector<1x16xf32> to vector<16xf32>
      %swap3A_2118 = vector.shape_cast %sub3A_2112 : vector<16xf32> to vector<1x16xf32>
      tpu.vector_store %arg15[%swap3A_2114, %swap3A_2115], %swap3A_2118 {strides = array<i32>} : memref<128x16xf32, #tpu.memory_space<vmem>>, vector<1x16xf32>,
      %get3A_2119 = arith.constant 42 : i32
      %get3A_2120 = arith.index_cast %get3A_2119 : i32 to index
      %get3A_2121 = arith.constant 0 : index
      %get3A_2122 = tpu.vector_load %arg13[%get3A_2120, %get3A_2121] {strides = array<i32>} : memref<128x128xf32, #tpu.memory_space<vmem>>, vector<1x16xf32>,
      %get3A_2123 = vector.shape_cast %get3A_2122 : vector<1x16xf32> to vector<16xf32>
      %sub3A_2124 = arith.subf %get3A_2123, %get3A_1998 : vector<16xf32>
      %swap3A_2125 = arith.constant 42 : i32
      %swap3A_2126 = arith.index_cast %swap3A_2125 : i32 to index
      %swap3A_2127 = arith.constant 0 : index
      %swap3A_2128 = tpu.vector_load %arg15[%swap3A_2126, %swap3A_2127] {strides = array<i32>} : memref<128x16xf32, #tpu.memory_space<vmem>>, vector<1x16xf32>,
      %swap3A_2129 = vector.shape_cast %swap3A_2128 : vector<1x16xf32> to vector<16xf32>
      %swap3A_2130 = vector.shape_cast %sub3A_2124 : vector<16xf32> to vector<1x16xf32>
      tpu.vector_store %arg15[%swap3A_2126, %swap3A_2127], %swap3A_2130 {strides = array<i32>} : memref<128x16xf32, #tpu.memory_space<vmem>>, vector<1x16xf32>,
      %get3A_2131 = arith.constant 43 : i32
      %get3A_2132 = arith.index_cast %get3A_2131 : i32 to index
      %get3A_2133 = arith.constant 0 : index
      %get3A_2134 = tpu.vector_load %arg13[%get3A_2132, %get3A_2133] {strides = array<i32>} : memref<128x128xf32, #tpu.memory_space<vmem>>, vector<1x16xf32>,
      %get3A_2135 = vector.shape_cast %get3A_2134 : vector<1x16xf32> to vector<16xf32>
      %sub3A_2136 = arith.subf %get3A_2135, %get3A_1998 : vector<16xf32>
      %swap3A_2137 = arith.constant 43 : i32
      %swap3A_2138 = arith.index_cast %swap3A_2137 : i32 to index
      %swap3A_2139 = arith.constant 0 : index
      %swap3A_2140 = tpu.vector_load %arg15[%swap3A_2138, %swap3A_2139] {strides = array<i32>} : memref<128x16xf32, #tpu.memory_space<vmem>>, vector<1x16xf32>,
      %swap3A_2141 = vector.shape_cast %swap3A_2140 : vector<1x16xf32> to vector<16xf32>
      %swap3A_2142 = vector.shape_cast %sub3A_2136 : vector<16xf32> to vector<1x16xf32>
      tpu.vector_store %arg15[%swap3A_2138, %swap3A_2139], %swap3A_2142 {strides = array<i32>} : memref<128x16xf32, #tpu.memory_space<vmem>>, vector<1x16xf32>,
      %get3A_2143 = arith.constant 44 : i32
      %get3A_2144 = arith.index_cast %get3A_2143 : i32 to index
      %get3A_2145 = arith.constant 0 : index
      %get3A_2146 = tpu.vector_load %arg13[%get3A_2144, %get3A_2145] {strides = array<i32>} : memref<128x128xf32, #tpu.memory_space<vmem>>, vector<1x16xf32>,
      %get3A_2147 = vector.shape_cast %get3A_2146 : vector<1x16xf32> to vector<16xf32>
      %sub3A_2148 = arith.subf %get3A_2147, %get3A_1998 : vector<16xf32>
      %swap3A_2149 = arith.constant 44 : i32
      %swap3A_2150 = arith.index_cast %swap3A_2149 : i32 to index
      %swap3A_2151 = arith.constant 0 : index
      %swap3A_2152 = tpu.vector_load %arg15[%swap3A_2150, %swap3A_2151] {strides = array<i32>} : memref<128x16xf32, #tpu.memory_space<vmem>>, vector<1x16xf32>,
      %swap3A_2153 = vector.shape_cast %swap3A_2152 : vector<1x16xf32> to vector<16xf32>
      %swap3A_2154 = vector.shape_cast %sub3A_2148 : vector<16xf32> to vector<1x16xf32>
      tpu.vector_store %arg15[%swap3A_2150, %swap3A_2151], %swap3A_2154 {strides = array<i32>} : memref<128x16xf32, #tpu.memory_space<vmem>>, vector<1x16xf32>,
      %get3A_2155 = arith.constant 45 : i32
      %get3A_2156 = arith.index_cast %get3A_2155 : i32 to index
      %get3A_2157 = arith.constant 0 : index
      %get3A_2158 = tpu.vector_load %arg13[%get3A_2156, %get3A_2157] {strides = array<i32>} : memref<128x128xf32, #tpu.memory_space<vmem>>, vector<1x16xf32>,
      %get3A_2159 = vector.shape_cast %get3A_2158 : vector<1x16xf32> to vector<16xf32>
      %sub3A_2160 = arith.subf %get3A_2159, %get3A_1998 : vector<16xf32>
      %swap3A_2161 = arith.constant 45 : i32
      %swap3A_2162 = arith.index_cast %swap3A_2161 : i32 to index
      %swap3A_2163 = arith.constant 0 : index
      %swap3A_2164 = tpu.vector_load %arg15[%swap3A_2162, %swap3A_2163] {strides = array<i32>} : memref<128x16xf32, #tpu.memory_space<vmem>>, vector<1x16xf32>,
      %swap3A_2165 = vector.shape_cast %swap3A_2164 : vector<1x16xf32> to vector<16xf32>
      %swap3A_2166 = vector.shape_cast %sub3A_2160 : vector<16xf32> to vector<1x16xf32>
      tpu.vector_store %arg15[%swap3A_2162, %swap3A_2163], %swap3A_2166 {strides = array<i32>} : memref<128x16xf32, #tpu.memory_space<vmem>>, vector<1x16xf32>,
      %get3A_2167 = arith.constant 46 : i32
      %get3A_2168 = arith.index_cast %get3A_2167 : i32 to index
      %get3A_2169 = arith.constant 0 : index
      %get3A_2170 = tpu.vector_load %arg13[%get3A_2168, %get3A_2169] {strides = array<i32>} : memref<128x128xf32, #tpu.memory_space<vmem>>, vector<1x16xf32>,
      %get3A_2171 = vector.shape_cast %get3A_2170 : vector<1x16xf32> to vector<16xf32>
      %sub3A_2172 = arith.subf %get3A_2171, %get3A_1998 : vector<16xf32>
      %swap3A_2173 = arith.constant 46 : i32
      %swap3A_2174 = arith.index_cast %swap3A_2173 : i32 to index
      %swap3A_2175 = arith.constant 0 : index
      %swap3A_2176 = tpu.vector_load %arg15[%swap3A_2174, %swap3A_2175] {strides = array<i32>} : memref<128x16xf32, #tpu.memory_space<vmem>>, vector<1x16xf32>,
      %swap3A_2177 = vector.shape_cast %swap3A_2176 : vector<1x16xf32> to vector<16xf32>
      %swap3A_2178 = vector.shape_cast %sub3A_2172 : vector<16xf32> to vector<1x16xf32>
      tpu.vector_store %arg15[%swap3A_2174, %swap3A_2175], %swap3A_2178 {strides = array<i32>} : memref<128x16xf32, #tpu.memory_space<vmem>>, vector<1x16xf32>,
      %get3A_2179 = arith.constant 47 : i32
      %get3A_2180 = arith.index_cast %get3A_2179 : i32 to index
      %get3A_2181 = arith.constant 0 : index
      %get3A_2182 = tpu.vector_load %arg13[%get3A_2180, %get3A_2181] {strides = array<i32>} : memref<128x128xf32, #tpu.memory_space<vmem>>, vector<1x16xf32>,
      %get3A_2183 = vector.shape_cast %get3A_2182 : vector<1x16xf32> to vector<16xf32>
      %sub3A_2184 = arith.subf %get3A_2183, %get3A_1998 : vector<16xf32>
      %swap3A_2185 = arith.constant 47 : i32
      %swap3A_2186 = arith.index_cast %swap3A_2185 : i32 to index
      %swap3A_2187 = arith.constant 0 : index
      %swap3A_2188 = tpu.vector_load %arg15[%swap3A_2186, %swap3A_2187] {strides = array<i32>} : memref<128x16xf32, #tpu.memory_space<vmem>>, vector<1x16xf32>,
      %swap3A_2189 = vector.shape_cast %swap3A_2188 : vector<1x16xf32> to vector<16xf32>
      %swap3A_2190 = vector.shape_cast %sub3A_2184 : vector<16xf32> to vector<1x16xf32>
      tpu.vector_store %arg15[%swap3A_2186, %swap3A_2187], %swap3A_2190 {strides = array<i32>} : memref<128x16xf32, #tpu.memory_space<vmem>>, vector<1x16xf32>,
      %get3A_2191 = arith.constant 48 : i32
      %get3A_2192 = arith.index_cast %get3A_2191 : i32 to index
      %get3A_2193 = arith.constant 0 : index
      %get3A_2194 = tpu.vector_load %arg13[%get3A_2192, %get3A_2193] {strides = array<i32>} : memref<128x128xf32, #tpu.memory_space<vmem>>, vector<1x16xf32>,
      %get3A_2195 = vector.shape_cast %get3A_2194 : vector<1x16xf32> to vector<16xf32>
      %sub3A_2196 = arith.subf %get3A_2195, %get3A_1998 : vector<16xf32>
      %swap3A_2197 = arith.constant 48 : i32
      %swap3A_2198 = arith.index_cast %swap3A_2197 : i32 to index
      %swap3A_2199 = arith.constant 0 : index
      %swap3A_2200 = tpu.vector_load %arg15[%swap3A_2198, %swap3A_2199] {strides = array<i32>} : memref<128x16xf32, #tpu.memory_space<vmem>>, vector<1x16xf32>,
      %swap3A_2201 = vector.shape_cast %swap3A_2200 : vector<1x16xf32> to vector<16xf32>
      %swap3A_2202 = vector.shape_cast %sub3A_2196 : vector<16xf32> to vector<1x16xf32>
      tpu.vector_store %arg15[%swap3A_2198, %swap3A_2199], %swap3A_2202 {strides = array<i32>} : memref<128x16xf32, #tpu.memory_space<vmem>>, vector<1x16xf32>,
      %get3A_2203 = arith.constant 49 : i32
      %get3A_2204 = arith.index_cast %get3A_2203 : i32 to index
      %get3A_2205 = arith.constant 0 : index
      %get3A_2206 = tpu.vector_load %arg13[%get3A_2204, %get3A_2205] {strides = array<i32>} : memref<128x128xf32, #tpu.memory_space<vmem>>, vector<1x16xf32>,
      %get3A_2207 = vector.shape_cast %get3A_2206 : vector<1x16xf32> to vector<16xf32>
      %sub3A_2208 = arith.subf %get3A_2207, %get3A_1998 : vector<16xf32>
      %swap3A_2209 = arith.constant 49 : i32
      %swap3A_2210 = arith.index_cast %swap3A_2209 : i32 to index
      %swap3A_2211 = arith.constant 0 : index
      %swap3A_2212 = tpu.vector_load %arg15[%swap3A_2210, %swap3A_2211] {strides = array<i32>} : memref<128x16xf32, #tpu.memory_space<vmem>>, vector<1x16xf32>,
      %swap3A_2213 = vector.shape_cast %swap3A_2212 : vector<1x16xf32> to vector<16xf32>
      %swap3A_2214 = vector.shape_cast %sub3A_2208 : vector<16xf32> to vector<1x16xf32>
      tpu.vector_store %arg15[%swap3A_2210, %swap3A_2211], %swap3A_2214 {strides = array<i32>} : memref<128x16xf32, #tpu.memory_space<vmem>>, vector<1x16xf32>,
      %get3A_2215 = arith.constant 50 : i32
      %get3A_2216 = arith.index_cast %get3A_2215 : i32 to index
      %get3A_2217 = arith.constant 0 : index
      %get3A_2218 = tpu.vector_load %arg13[%get3A_2216, %get3A_2217] {strides = array<i32>} : memref<128x128xf32, #tpu.memory_space<vmem>>, vector<1x16xf32>,
      %get3A_2219 = vector.shape_cast %get3A_2218 : vector<1x16xf32> to vector<16xf32>
      %sub3A_2220 = arith.subf %get3A_2219, %get3A_1998 : vector<16xf32>
      %swap3A_2221 = arith.constant 50 : i32
      %swap3A_2222 = arith.index_cast %swap3A_2221 : i32 to index
      %swap3A_2223 = arith.constant 0 : index
      %swap3A_2224 = tpu.vector_load %arg15[%swap3A_2222, %swap3A_2223] {strides = array<i32>} : memref<128x16xf32, #tpu.memory_space<vmem>>, vector<1x16xf32>,
      %swap3A_2225 = vector.shape_cast %swap3A_2224 : vector<1x16xf32> to vector<16xf32>
      %swap3A_2226 = vector.shape_cast %sub3A_2220 : vector<16xf32> to vector<1x16xf32>
      tpu.vector_store %arg15[%swap3A_2222, %swap3A_2223], %swap3A_2226 {strides = array<i32>} : memref<128x16xf32, #tpu.memory_space<vmem>>, vector<1x16xf32>,
      %get3A_2227 = arith.constant 51 : i32
      %get3A_2228 = arith.index_cast %get3A_2227 : i32 to index
      %get3A_2229 = arith.constant 0 : index
      %get3A_2230 = tpu.vector_load %arg13[%get3A_2228, %get3A_2229] {strides = array<i32>} : memref<128x128xf32, #tpu.memory_space<vmem>>, vector<1x16xf32>,
      %get3A_2231 = vector.shape_cast %get3A_2230 : vector<1x16xf32> to vector<16xf32>
      %sub3A_2232 = arith.subf %get3A_2231, %get3A_1998 : vector<16xf32>
      %swap3A_2233 = arith.constant 51 : i32
      %swap3A_2234 = arith.index_cast %swap3A_2233 : i32 to index
      %swap3A_2235 = arith.constant 0 : index
      %swap3A_2236 = tpu.vector_load %arg15[%swap3A_2234, %swap3A_2235] {strides = array<i32>} : memref<128x16xf32, #tpu.memory_space<vmem>>, vector<1x16xf32>,
      %swap3A_2237 = vector.shape_cast %swap3A_2236 : vector<1x16xf32> to vector<16xf32>
      %swap3A_2238 = vector.shape_cast %sub3A_2232 : vector<16xf32> to vector<1x16xf32>
      tpu.vector_store %arg15[%swap3A_2234, %swap3A_2235], %swap3A_2238 {strides = array<i32>} : memref<128x16xf32, #tpu.memory_space<vmem>>, vector<1x16xf32>,
      %get3A_2239 = arith.constant 52 : i32
      %get3A_2240 = arith.index_cast %get3A_2239 : i32 to index
      %get3A_2241 = arith.constant 0 : index
      %get3A_2242 = tpu.vector_load %arg13[%get3A_2240, %get3A_2241] {strides = array<i32>} : memref<128x128xf32, #tpu.memory_space<vmem>>, vector<1x16xf32>,
      %get3A_2243 = vector.shape_cast %get3A_2242 : vector<1x16xf32> to vector<16xf32>
      %sub3A_2244 = arith.subf %get3A_2243, %get3A_1998 : vector<16xf32>
      %swap3A_2245 = arith.constant 52 : i32
      %swap3A_2246 = arith.index_cast %swap3A_2245 : i32 to index
      %swap3A_2247 = arith.constant 0 : index
      %swap3A_2248 = tpu.vector_load %arg15[%swap3A_2246, %swap3A_2247] {strides = array<i32>} : memref<128x16xf32, #tpu.memory_space<vmem>>, vector<1x16xf32>,
      %swap3A_2249 = vector.shape_cast %swap3A_2248 : vector<1x16xf32> to vector<16xf32>
      %swap3A_2250 = vector.shape_cast %sub3A_2244 : vector<16xf32> to vector<1x16xf32>
      tpu.vector_store %arg15[%swap3A_2246, %swap3A_2247], %swap3A_2250 {strides = array<i32>} : memref<128x16xf32, #tpu.memory_space<vmem>>, vector<1x16xf32>,
      %get3A_2251 = arith.constant 53 : i32
      %get3A_2252 = arith.index_cast %get3A_2251 : i32 to index
      %get3A_2253 = arith.constant 0 : index
      %get3A_2254 = tpu.vector_load %arg13[%get3A_2252, %get3A_2253] {strides = array<i32>} : memref<128x128xf32, #tpu.memory_space<vmem>>, vector<1x16xf32>,
      %get3A_2255 = vector.shape_cast %get3A_2254 : vector<1x16xf32> to vector<16xf32>
      %sub3A_2256 = arith.subf %get3A_2255, %get3A_1998 : vector<16xf32>
      %swap3A_2257 = arith.constant 53 : i32
      %swap3A_2258 = arith.index_cast %swap3A_2257 : i32 to index
      %swap3A_2259 = arith.constant 0 : index
      %swap3A_2260 = tpu.vector_load %arg15[%swap3A_2258, %swap3A_2259] {strides = array<i32>} : memref<128x16xf32, #tpu.memory_space<vmem>>, vector<1x16xf32>,
      %swap3A_2261 = vector.shape_cast %swap3A_2260 : vector<1x16xf32> to vector<16xf32>
      %swap3A_2262 = vector.shape_cast %sub3A_2256 : vector<16xf32> to vector<1x16xf32>
      tpu.vector_store %arg15[%swap3A_2258, %swap3A_2259], %swap3A_2262 {strides = array<i32>} : memref<128x16xf32, #tpu.memory_space<vmem>>, vector<1x16xf32>,
      %get3A_2263 = arith.constant 54 : i32
      %get3A_2264 = arith.index_cast %get3A_2263 : i32 to index
      %get3A_2265 = arith.constant 0 : index
      %get3A_2266 = tpu.vector_load %arg13[%get3A_2264, %get3A_2265] {strides = array<i32>} : memref<128x128xf32, #tpu.memory_space<vmem>>, vector<1x16xf32>,
      %get3A_2267 = vector.shape_cast %get3A_2266 : vector<1x16xf32> to vector<16xf32>
      %sub3A_2268 = arith.subf %get3A_2267, %get3A_1998 : vector<16xf32>
      %swap3A_2269 = arith.constant 54 : i32
      %swap3A_2270 = arith.index_cast %swap3A_2269 : i32 to index
      %swap3A_2271 = arith.constant 0 : index
      %swap3A_2272 = tpu.vector_load %arg15[%swap3A_2270, %swap3A_2271] {strides = array<i32>} : memref<128x16xf32, #tpu.memory_space<vmem>>, vector<1x16xf32>,
      %swap3A_2273 = vector.shape_cast %swap3A_2272 : vector<1x16xf32> to vector<16xf32>
      %swap3A_2274 = vector.shape_cast %sub3A_2268 : vector<16xf32> to vector<1x16xf32>
      tpu.vector_store %arg15[%swap3A_2270, %swap3A_2271], %swap3A_2274 {strides = array<i32>} : memref<128x16xf32, #tpu.memory_space<vmem>>, vector<1x16xf32>,
      %get3A_2275 = arith.constant 55 : i32
      %get3A_2276 = arith.index_cast %get3A_2275 : i32 to index
      %get3A_2277 = arith.constant 0 : index
      %get3A_2278 = tpu.vector_load %arg13[%get3A_2276, %get3A_2277] {strides = array<i32>} : memref<128x128xf32, #tpu.memory_space<vmem>>, vector<1x16xf32>,
      %get3A_2279 = vector.shape_cast %get3A_2278 : vector<1x16xf32> to vector<16xf32>
      %sub3A_2280 = arith.subf %get3A_2279, %get3A_1998 : vector<16xf32>
      %swap3A_2281 = arith.constant 55 : i32
      %swap3A_2282 = arith.index_cast %swap3A_2281 : i32 to index
      %swap3A_2283 = arith.constant 0 : index
      %swap3A_2284 = tpu.vector_load %arg15[%swap3A_2282, %swap3A_2283] {strides = array<i32>} : memref<128x16xf32, #tpu.memory_space<vmem>>, vector<1x16xf32>,
      %swap3A_2285 = vector.shape_cast %swap3A_2284 : vector<1x16xf32> to vector<16xf32>
      %swap3A_2286 = vector.shape_cast %sub3A_2280 : vector<16xf32> to vector<1x16xf32>
      tpu.vector_store %arg15[%swap3A_2282, %swap3A_2283], %swap3A_2286 {strides = array<i32>} : memref<128x16xf32, #tpu.memory_space<vmem>>, vector<1x16xf32>,
      %get3A_2287 = arith.constant 56 : i32
      %get3A_2288 = arith.index_cast %get3A_2287 : i32 to index
      %get3A_2289 = arith.constant 0 : index
      %get3A_2290 = tpu.vector_load %arg13[%get3A_2288, %get3A_2289] {strides = array<i32>} : memref<128x128xf32, #tpu.memory_space<vmem>>, vector<1x16xf32>,
      %get3A_2291 = vector.shape_cast %get3A_2290 : vector<1x16xf32> to vector<16xf32>
      %sub3A_2292 = arith.subf %get3A_2291, %get3A_1998 : vector<16xf32>
      %swap3A_2293 = arith.constant 56 : i32
      %swap3A_2294 = arith.index_cast %swap3A_2293 : i32 to index
      %swap3A_2295 = arith.constant 0 : index
      %swap3A_2296 = tpu.vector_load %arg15[%swap3A_2294, %swap3A_2295] {strides = array<i32>} : memref<128x16xf32, #tpu.memory_space<vmem>>, vector<1x16xf32>,
      %swap3A_2297 = vector.shape_cast %swap3A_2296 : vector<1x16xf32> to vector<16xf32>
      %swap3A_2298 = vector.shape_cast %sub3A_2292 : vector<16xf32> to vector<1x16xf32>
      tpu.vector_store %arg15[%swap3A_2294, %swap3A_2295], %swap3A_2298 {strides = array<i32>} : memref<128x16xf32, #tpu.memory_space<vmem>>, vector<1x16xf32>,
      %get3A_2299 = arith.constant 57 : i32
      %get3A_2300 = arith.index_cast %get3A_2299 : i32 to index
      %get3A_2301 = arith.constant 0 : index
      %get3A_2302 = tpu.vector_load %arg13[%get3A_2300, %get3A_2301] {strides = array<i32>} : memref<128x128xf32, #tpu.memory_space<vmem>>, vector<1x16xf32>,
      %get3A_2303 = vector.shape_cast %get3A_2302 : vector<1x16xf32> to vector<16xf32>
      %sub3A_2304 = arith.subf %get3A_2303, %get3A_1998 : vector<16xf32>
      %swap3A_2305 = arith.constant 57 : i32
      %swap3A_2306 = arith.index_cast %swap3A_2305 : i32 to index
      %swap3A_2307 = arith.constant 0 : index
      %swap3A_2308 = tpu.vector_load %arg15[%swap3A_2306, %swap3A_2307] {strides = array<i32>} : memref<128x16xf32, #tpu.memory_space<vmem>>, vector<1x16xf32>,
      %swap3A_2309 = vector.shape_cast %swap3A_2308 : vector<1x16xf32> to vector<16xf32>
      %swap3A_2310 = vector.shape_cast %sub3A_2304 : vector<16xf32> to vector<1x16xf32>
      tpu.vector_store %arg15[%swap3A_2306, %swap3A_2307], %swap3A_2310 {strides = array<i32>} : memref<128x16xf32, #tpu.memory_space<vmem>>, vector<1x16xf32>,
      %get3A_2311 = arith.constant 58 : i32
      %get3A_2312 = arith.index_cast %get3A_2311 : i32 to index
      %get3A_2313 = arith.constant 0 : index
      %get3A_2314 = tpu.vector_load %arg13[%get3A_2312, %get3A_2313] {strides = array<i32>} : memref<128x128xf32, #tpu.memory_space<vmem>>, vector<1x16xf32>,
      %get3A_2315 = vector.shape_cast %get3A_2314 : vector<1x16xf32> to vector<16xf32>
      %sub3A_2316 = arith.subf %get3A_2315, %get3A_1998 : vector<16xf32>
      %swap3A_2317 = arith.constant 58 : i32
      %swap3A_2318 = arith.index_cast %swap3A_2317 : i32 to index
      %swap3A_2319 = arith.constant 0 : index
      %swap3A_2320 = tpu.vector_load %arg15[%swap3A_2318, %swap3A_2319] {strides = array<i32>} : memref<128x16xf32, #tpu.memory_space<vmem>>, vector<1x16xf32>,
      %swap3A_2321 = vector.shape_cast %swap3A_2320 : vector<1x16xf32> to vector<16xf32>
      %swap3A_2322 = vector.shape_cast %sub3A_2316 : vector<16xf32> to vector<1x16xf32>
      tpu.vector_store %arg15[%swap3A_2318, %swap3A_2319], %swap3A_2322 {strides = array<i32>} : memref<128x16xf32, #tpu.memory_space<vmem>>, vector<1x16xf32>,
      %get3A_2323 = arith.constant 59 : i32
      %get3A_2324 = arith.index_cast %get3A_2323 : i32 to index
      %get3A_2325 = arith.constant 0 : index
      %get3A_2326 = tpu.vector_load %arg13[%get3A_2324, %get3A_2325] {strides = array<i32>} : memref<128x128xf32, #tpu.memory_space<vmem>>, vector<1x16xf32>,
      %get3A_2327 = vector.shape_cast %get3A_2326 : vector<1x16xf32> to vector<16xf32>
      %sub3A_2328 = arith.subf %get3A_2327, %get3A_1998 : vector<16xf32>
      %swap3A_2329 = arith.constant 59 : i32
      %swap3A_2330 = arith.index_cast %swap3A_2329 : i32 to index
      %swap3A_2331 = arith.constant 0 : index
      %swap3A_2332 = tpu.vector_load %arg15[%swap3A_2330, %swap3A_2331] {strides = array<i32>} : memref<128x16xf32, #tpu.memory_space<vmem>>, vector<1x16xf32>,
      %swap3A_2333 = vector.shape_cast %swap3A_2332 : vector<1x16xf32> to vector<16xf32>
      %swap3A_2334 = vector.shape_cast %sub3A_2328 : vector<16xf32> to vector<1x16xf32>
      tpu.vector_store %arg15[%swap3A_2330, %swap3A_2331], %swap3A_2334 {strides = array<i32>} : memref<128x16xf32, #tpu.memory_space<vmem>>, vector<1x16xf32>,
      %get3A_2335 = arith.constant 60 : i32
      %get3A_2336 = arith.index_cast %get3A_2335 : i32 to index
      %get3A_2337 = arith.constant 0 : index
      %get3A_2338 = tpu.vector_load %arg13[%get3A_2336, %get3A_2337] {strides = array<i32>} : memref<128x128xf32, #tpu.memory_space<vmem>>, vector<1x16xf32>,
      %get3A_2339 = vector.shape_cast %get3A_2338 : vector<1x16xf32> to vector<16xf32>
      %sub3A_2340 = arith.subf %get3A_2339, %get3A_1998 : vector<16xf32>
      %swap3A_2341 = arith.constant 60 : i32
      %swap3A_2342 = arith.index_cast %swap3A_2341 : i32 to index
      %swap3A_2343 = arith.constant 0 : index
      %swap3A_2344 = tpu.vector_load %arg15[%swap3A_2342, %swap3A_2343] {strides = array<i32>} : memref<128x16xf32, #tpu.memory_space<vmem>>, vector<1x16xf32>,
      %swap3A_2345 = vector.shape_cast %swap3A_2344 : vector<1x16xf32> to vector<16xf32>
      %swap3A_2346 = vector.shape_cast %sub3A_2340 : vector<16xf32> to vector<1x16xf32>
      tpu.vector_store %arg15[%swap3A_2342, %swap3A_2343], %swap3A_2346 {strides = array<i32>} : memref<128x16xf32, #tpu.memory_space<vmem>>, vector<1x16xf32>,
      %get3A_2347 = arith.constant 61 : i32
      %get3A_2348 = arith.index_cast %get3A_2347 : i32 to index
      %get3A_2349 = arith.constant 0 : index
      %get3A_2350 = tpu.vector_load %arg13[%get3A_2348, %get3A_2349] {strides = array<i32>} : memref<128x128xf32, #tpu.memory_space<vmem>>, vector<1x16xf32>,
      %get3A_2351 = vector.shape_cast %get3A_2350 : vector<1x16xf32> to vector<16xf32>
      %sub3A_2352 = arith.subf %get3A_2351, %get3A_1998 : vector<16xf32>
      %swap3A_2353 = arith.constant 61 : i32
      %swap3A_2354 = arith.index_cast %swap3A_2353 : i32 to index
      %swap3A_2355 = arith.constant 0 : index
      %swap3A_2356 = tpu.vector_load %arg15[%swap3A_2354, %swap3A_2355] {strides = array<i32>} : memref<128x16xf32, #tpu.memory_space<vmem>>, vector<1x16xf32>,
      %swap3A_2357 = vector.shape_cast %swap3A_2356 : vector<1x16xf32> to vector<16xf32>
      %swap3A_2358 = vector.shape_cast %sub3A_2352 : vector<16xf32> to vector<1x16xf32>
      tpu.vector_store %arg15[%swap3A_2354, %swap3A_2355], %swap3A_2358 {strides = array<i32>} : memref<128x16xf32, #tpu.memory_space<vmem>>, vector<1x16xf32>,
      %get3A_2359 = arith.constant 62 : i32
      %get3A_2360 = arith.index_cast %get3A_2359 : i32 to index
      %get3A_2361 = arith.constant 0 : index
      %get3A_2362 = tpu.vector_load %arg13[%get3A_2360, %get3A_2361] {strides = array<i32>} : memref<128x128xf32, #tpu.memory_space<vmem>>, vector<1x16xf32>,
      %get3A_2363 = vector.shape_cast %get3A_2362 : vector<1x16xf32> to vector<16xf32>
      %sub3A_2364 = arith.subf %get3A_2363, %get3A_1998 : vector<16xf32>
      %swap3A_2365 = arith.constant 62 : i32
      %swap3A_2366 = arith.index_cast %swap3A_2365 : i32 to index
      %swap3A_2367 = arith.constant 0 : index
      %swap3A_2368 = tpu.vector_load %arg15[%swap3A_2366, %swap3A_2367] {strides = array<i32>} : memref<128x16xf32, #tpu.memory_space<vmem>>, vector<1x16xf32>,
      %swap3A_2369 = vector.shape_cast %swap3A_2368 : vector<1x16xf32> to vector<16xf32>
      %swap3A_2370 = vector.shape_cast %sub3A_2364 : vector<16xf32> to vector<1x16xf32>
      tpu.vector_store %arg15[%swap3A_2366, %swap3A_2367], %swap3A_2370 {strides = array<i32>} : memref<128x16xf32, #tpu.memory_space<vmem>>, vector<1x16xf32>,
      %get3A_2371 = arith.constant 63 : i32
      %get3A_2372 = arith.index_cast %get3A_2371 : i32 to index
      %get3A_2373 = arith.constant 0 : index
      %get3A_2374 = tpu.vector_load %arg13[%get3A_2372, %get3A_2373] {strides = array<i32>} : memref<128x128xf32, #tpu.memory_space<vmem>>, vector<1x16xf32>,
      %get3A_2375 = vector.shape_cast %get3A_2374 : vector<1x16xf32> to vector<16xf32>
      %sub3A_2376 = arith.subf %get3A_2375, %get3A_1998 : vector<16xf32>
      %swap3A_2377 = arith.constant 63 : i32
      %swap3A_2378 = arith.index_cast %swap3A_2377 : i32 to index
      %swap3A_2379 = arith.constant 0 : index
      %swap3A_2380 = tpu.vector_load %arg15[%swap3A_2378, %swap3A_2379] {strides = array<i32>} : memref<128x16xf32, #tpu.memory_space<vmem>>, vector<1x16xf32>,
      %swap3A_2381 = vector.shape_cast %swap3A_2380 : vector<1x16xf32> to vector<16xf32>
      %swap3A_2382 = vector.shape_cast %sub3A_2376 : vector<16xf32> to vector<1x16xf32>
      tpu.vector_store %arg15[%swap3A_2378, %swap3A_2379], %swap3A_2382 {strides = array<i32>} : memref<128x16xf32, #tpu.memory_space<vmem>>, vector<1x16xf32>,
      %get3A_2383 = arith.constant 6 : i32
      %get3A_2384 = arith.index_cast %get3A_2383 : i32 to index
      %get3A_2385 = arith.constant 0 : index
      %get3A_2386 = tpu.vector_load %arg14[%get3A_2384, %get3A_2385] {strides = array<i32>} : memref<8x128xf32, #tpu.memory_space<vmem>>, vector<1x16xf32>,
      %get3A_2387 = vector.shape_cast %get3A_2386 : vector<1x16xf32> to vector<16xf32>
      %get3A_2388 = arith.constant 64 : i32
      %get3A_2389 = arith.index_cast %get3A_2388 : i32 to index
      %get3A_2390 = arith.constant 0 : index
      %get3A_2391 = tpu.vector_load %arg13[%get3A_2389, %get3A_2390] {strides = array<i32>} : memref<128x128xf32, #tpu.memory_space<vmem>>, vector<1x16xf32>,
      %get3A_2392 = vector.shape_cast %get3A_2391 : vector<1x16xf32> to vector<16xf32>
      %sub3A_2393 = arith.subf %get3A_2392, %get3A_2387 : vector<16xf32>
      %swap3A_2394 = arith.constant 64 : i32
      %swap3A_2395 = arith.index_cast %swap3A_2394 : i32 to index
      %swap3A_2396 = arith.constant 0 : index
      %swap3A_2397 = tpu.vector_load %arg15[%swap3A_2395, %swap3A_2396] {strides = array<i32>} : memref<128x16xf32, #tpu.memory_space<vmem>>, vector<1x16xf32>,
      %swap3A_2398 = vector.shape_cast %swap3A_2397 : vector<1x16xf32> to vector<16xf32>
      %swap3A_2399 = vector.shape_cast %sub3A_2393 : vector<16xf32> to vector<1x16xf32>
      tpu.vector_store %arg15[%swap3A_2395, %swap3A_2396], %swap3A_2399 {strides = array<i32>} : memref<128x16xf32, #tpu.memory_space<vmem>>, vector<1x16xf32>,
      %get3A_2400 = arith.constant 65 : i32
      %get3A_2401 = arith.index_cast %get3A_2400 : i32 to index
      %get3A_2402 = arith.constant 0 : index
      %get3A_2403 = tpu.vector_load %arg13[%get3A_2401, %get3A_2402] {strides = array<i32>} : memref<128x128xf32, #tpu.memory_space<vmem>>, vector<1x16xf32>,
      %get3A_2404 = vector.shape_cast %get3A_2403 : vector<1x16xf32> to vector<16xf32>
      %sub3A_2405 = arith.subf %get3A_2404, %get3A_2387 : vector<16xf32>
      %swap3A_2406 = arith.constant 65 : i32
      %swap3A_2407 = arith.index_cast %swap3A_2406 : i32 to index
      %swap3A_2408 = arith.constant 0 : index
      %swap3A_2409 = tpu.vector_load %arg15[%swap3A_2407, %swap3A_2408] {strides = array<i32>} : memref<128x16xf32, #tpu.memory_space<vmem>>, vector<1x16xf32>,
      %swap3A_2410 = vector.shape_cast %swap3A_2409 : vector<1x16xf32> to vector<16xf32>
      %swap3A_2411 = vector.shape_cast %sub3A_2405 : vector<16xf32> to vector<1x16xf32>
      tpu.vector_store %arg15[%swap3A_2407, %swap3A_2408], %swap3A_2411 {strides = array<i32>} : memref<128x16xf32, #tpu.memory_space<vmem>>, vector<1x16xf32>,
      %get3A_2412 = arith.constant 66 : i32
      %get3A_2413 = arith.index_cast %get3A_2412 : i32 to index
      %get3A_2414 = arith.constant 0 : index
      %get3A_2415 = tpu.vector_load %arg13[%get3A_2413, %get3A_2414] {strides = array<i32>} : memref<128x128xf32, #tpu.memory_space<vmem>>, vector<1x16xf32>,
      %get3A_2416 = vector.shape_cast %get3A_2415 : vector<1x16xf32> to vector<16xf32>
      %sub3A_2417 = arith.subf %get3A_2416, %get3A_2387 : vector<16xf32>
      %swap3A_2418 = arith.constant 66 : i32
      %swap3A_2419 = arith.index_cast %swap3A_2418 : i32 to index
      %swap3A_2420 = arith.constant 0 : index
      %swap3A_2421 = tpu.vector_load %arg15[%swap3A_2419, %swap3A_2420] {strides = array<i32>} : memref<128x16xf32, #tpu.memory_space<vmem>>, vector<1x16xf32>,
      %swap3A_2422 = vector.shape_cast %swap3A_2421 : vector<1x16xf32> to vector<16xf32>
      %swap3A_2423 = vector.shape_cast %sub3A_2417 : vector<16xf32> to vector<1x16xf32>
      tpu.vector_store %arg15[%swap3A_2419, %swap3A_2420], %swap3A_2423 {strides = array<i32>} : memref<128x16xf32, #tpu.memory_space<vmem>>, vector<1x16xf32>,
      %get3A_2424 = arith.constant 67 : i32
      %get3A_2425 = arith.index_cast %get3A_2424 : i32 to index
      %get3A_2426 = arith.constant 0 : index
      %get3A_2427 = tpu.vector_load %arg13[%get3A_2425, %get3A_2426] {strides = array<i32>} : memref<128x128xf32, #tpu.memory_space<vmem>>, vector<1x16xf32>,
      %get3A_2428 = vector.shape_cast %get3A_2427 : vector<1x16xf32> to vector<16xf32>
      %sub3A_2429 = arith.subf %get3A_2428, %get3A_2387 : vector<16xf32>
      %swap3A_2430 = arith.constant 67 : i32
      %swap3A_2431 = arith.index_cast %swap3A_2430 : i32 to index
      %swap3A_2432 = arith.constant 0 : index
      %swap3A_2433 = tpu.vector_load %arg15[%swap3A_2431, %swap3A_2432] {strides = array<i32>} : memref<128x16xf32, #tpu.memory_space<vmem>>, vector<1x16xf32>,
      %swap3A_2434 = vector.shape_cast %swap3A_2433 : vector<1x16xf32> to vector<16xf32>
      %swap3A_2435 = vector.shape_cast %sub3A_2429 : vector<16xf32> to vector<1x16xf32>
      tpu.vector_store %arg15[%swap3A_2431, %swap3A_2432], %swap3A_2435 {strides = array<i32>} : memref<128x16xf32, #tpu.memory_space<vmem>>, vector<1x16xf32>,
      %get3A_2436 = arith.constant 68 : i32
      %get3A_2437 = arith.index_cast %get3A_2436 : i32 to index
      %get3A_2438 = arith.constant 0 : index
      %get3A_2439 = tpu.vector_load %arg13[%get3A_2437, %get3A_2438] {strides = array<i32>} : memref<128x128xf32, #tpu.memory_space<vmem>>, vector<1x16xf32>,
      %get3A_2440 = vector.shape_cast %get3A_2439 : vector<1x16xf32> to vector<16xf32>
      %sub3A_2441 = arith.subf %get3A_2440, %get3A_2387 : vector<16xf32>
      %swap3A_2442 = arith.constant 68 : i32
      %swap3A_2443 = arith.index_cast %swap3A_2442 : i32 to index
      %swap3A_2444 = arith.constant 0 : index
      %swap3A_2445 = tpu.vector_load %arg15[%swap3A_2443, %swap3A_2444] {strides = array<i32>} : memref<128x16xf32, #tpu.memory_space<vmem>>, vector<1x16xf32>,
      %swap3A_2446 = vector.shape_cast %swap3A_2445 : vector<1x16xf32> to vector<16xf32>
      %swap3A_2447 = vector.shape_cast %sub3A_2441 : vector<16xf32> to vector<1x16xf32>
      tpu.vector_store %arg15[%swap3A_2443, %swap3A_2444], %swap3A_2447 {strides = array<i32>} : memref<128x16xf32, #tpu.memory_space<vmem>>, vector<1x16xf32>,
      %get3A_2448 = arith.constant 69 : i32
      %get3A_2449 = arith.index_cast %get3A_2448 : i32 to index
      %get3A_2450 = arith.constant 0 : index
      %get3A_2451 = tpu.vector_load %arg13[%get3A_2449, %get3A_2450] {strides = array<i32>} : memref<128x128xf32, #tpu.memory_space<vmem>>, vector<1x16xf32>,
      %get3A_2452 = vector.shape_cast %get3A_2451 : vector<1x16xf32> to vector<16xf32>
      %sub3A_2453 = arith.subf %get3A_2452, %get3A_2387 : vector<16xf32>
      %swap3A_2454 = arith.constant 69 : i32
      %swap3A_2455 = arith.index_cast %swap3A_2454 : i32 to index
      %swap3A_2456 = arith.constant 0 : index
      %swap3A_2457 = tpu.vector_load %arg15[%swap3A_2455, %swap3A_2456] {strides = array<i32>} : memref<128x16xf32, #tpu.memory_space<vmem>>, vector<1x16xf32>,
      %swap3A_2458 = vector.shape_cast %swap3A_2457 : vector<1x16xf32> to vector<16xf32>
      %swap3A_2459 = vector.shape_cast %sub3A_2453 : vector<16xf32> to vector<1x16xf32>
      tpu.vector_store %arg15[%swap3A_2455, %swap3A_2456], %swap3A_2459 {strides = array<i32>} : memref<128x16xf32, #tpu.memory_space<vmem>>, vector<1x16xf32>,
      %get3A_2460 = arith.constant 70 : i32
      %get3A_2461 = arith.index_cast %get3A_2460 : i32 to index
      %get3A_2462 = arith.constant 0 : index
      %get3A_2463 = tpu.vector_load %arg13[%get3A_2461, %get3A_2462] {strides = array<i32>} : memref<128x128xf32, #tpu.memory_space<vmem>>, vector<1x16xf32>,
      %get3A_2464 = vector.shape_cast %get3A_2463 : vector<1x16xf32> to vector<16xf32>
      %sub3A_2465 = arith.subf %get3A_2464, %get3A_2387 : vector<16xf32>
      %swap3A_2466 = arith.constant 70 : i32
      %swap3A_2467 = arith.index_cast %swap3A_2466 : i32 to index
      %swap3A_2468 = arith.constant 0 : index
      %swap3A_2469 = tpu.vector_load %arg15[%swap3A_2467, %swap3A_2468] {strides = array<i32>} : memref<128x16xf32, #tpu.memory_space<vmem>>, vector<1x16xf32>,
      %swap3A_2470 = vector.shape_cast %swap3A_2469 : vector<1x16xf32> to vector<16xf32>
      %swap3A_2471 = vector.shape_cast %sub3A_2465 : vector<16xf32> to vector<1x16xf32>
      tpu.vector_store %arg15[%swap3A_2467, %swap3A_2468], %swap3A_2471 {strides = array<i32>} : memref<128x16xf32, #tpu.memory_space<vmem>>, vector<1x16xf32>,
      %get3A_2472 = arith.constant 71 : i32
      %get3A_2473 = arith.index_cast %get3A_2472 : i32 to index
      %get3A_2474 = arith.constant 0 : index
      %get3A_2475 = tpu.vector_load %arg13[%get3A_2473, %get3A_2474] {strides = array<i32>} : memref<128x128xf32, #tpu.memory_space<vmem>>, vector<1x16xf32>,
      %get3A_2476 = vector.shape_cast %get3A_2475 : vector<1x16xf32> to vector<16xf32>
      %sub3A_2477 = arith.subf %get3A_2476, %get3A_2387 : vector<16xf32>
      %swap3A_2478 = arith.constant 71 : i32
      %swap3A_2479 = arith.index_cast %swap3A_2478 : i32 to index
      %swap3A_2480 = arith.constant 0 : index
      %swap3A_2481 = tpu.vector_load %arg15[%swap3A_2479, %swap3A_2480] {strides = array<i32>} : memref<128x16xf32, #tpu.memory_space<vmem>>, vector<1x16xf32>,
      %swap3A_2482 = vector.shape_cast %swap3A_2481 : vector<1x16xf32> to vector<16xf32>
      %swap3A_2483 = vector.shape_cast %sub3A_2477 : vector<16xf32> to vector<1x16xf32>
      tpu.vector_store %arg15[%swap3A_2479, %swap3A_2480], %swap3A_2483 {strides = array<i32>} : memref<128x16xf32, #tpu.memory_space<vmem>>, vector<1x16xf32>,
      %get3A_2484 = arith.constant 72 : i32
      %get3A_2485 = arith.index_cast %get3A_2484 : i32 to index
      %get3A_2486 = arith.constant 0 : index
      %get3A_2487 = tpu.vector_load %arg13[%get3A_2485, %get3A_2486] {strides = array<i32>} : memref<128x128xf32, #tpu.memory_space<vmem>>, vector<1x16xf32>,
      %get3A_2488 = vector.shape_cast %get3A_2487 : vector<1x16xf32> to vector<16xf32>
      %sub3A_2489 = arith.subf %get3A_2488, %get3A_2387 : vector<16xf32>
      %swap3A_2490 = arith.constant 72 : i32
      %swap3A_2491 = arith.index_cast %swap3A_2490 : i32 to index
      %swap3A_2492 = arith.constant 0 : index
      %swap3A_2493 = tpu.vector_load %arg15[%swap3A_2491, %swap3A_2492] {strides = array<i32>} : memref<128x16xf32, #tpu.memory_space<vmem>>, vector<1x16xf32>,
      %swap3A_2494 = vector.shape_cast %swap3A_2493 : vector<1x16xf32> to vector<16xf32>
      %swap3A_2495 = vector.shape_cast %sub3A_2489 : vector<16xf32> to vector<1x16xf32>
      tpu.vector_store %arg15[%swap3A_2491, %swap3A_2492], %swap3A_2495 {strides = array<i32>} : memref<128x16xf32, #tpu.memory_space<vmem>>, vector<1x16xf32>,
      %get3A_2496 = arith.constant 73 : i32
      %get3A_2497 = arith.index_cast %get3A_2496 : i32 to index
      %get3A_2498 = arith.constant 0 : index
      %get3A_2499 = tpu.vector_load %arg13[%get3A_2497, %get3A_2498] {strides = array<i32>} : memref<128x128xf32, #tpu.memory_space<vmem>>, vector<1x16xf32>,
      %get3A_2500 = vector.shape_cast %get3A_2499 : vector<1x16xf32> to vector<16xf32>
      %sub3A_2501 = arith.subf %get3A_2500, %get3A_2387 : vector<16xf32>
      %swap3A_2502 = arith.constant 73 : i32
      %swap3A_2503 = arith.index_cast %swap3A_2502 : i32 to index
      %swap3A_2504 = arith.constant 0 : index
      %swap3A_2505 = tpu.vector_load %arg15[%swap3A_2503, %swap3A_2504] {strides = array<i32>} : memref<128x16xf32, #tpu.memory_space<vmem>>, vector<1x16xf32>,
      %swap3A_2506 = vector.shape_cast %swap3A_2505 : vector<1x16xf32> to vector<16xf32>
      %swap3A_2507 = vector.shape_cast %sub3A_2501 : vector<16xf32> to vector<1x16xf32>
      tpu.vector_store %arg15[%swap3A_2503, %swap3A_2504], %swap3A_2507 {strides = array<i32>} : memref<128x16xf32, #tpu.memory_space<vmem>>, vector<1x16xf32>,
      %get3A_2508 = arith.constant 74 : i32
      %get3A_2509 = arith.index_cast %get3A_2508 : i32 to index
      %get3A_2510 = arith.constant 0 : index
      %get3A_2511 = tpu.vector_load %arg13[%get3A_2509, %get3A_2510] {strides = array<i32>} : memref<128x128xf32, #tpu.memory_space<vmem>>, vector<1x16xf32>,
      %get3A_2512 = vector.shape_cast %get3A_2511 : vector<1x16xf32> to vector<16xf32>
      %sub3A_2513 = arith.subf %get3A_2512, %get3A_2387 : vector<16xf32>
      %swap3A_2514 = arith.constant 74 : i32
      %swap3A_2515 = arith.index_cast %swap3A_2514 : i32 to index
      %swap3A_2516 = arith.constant 0 : index
      %swap3A_2517 = tpu.vector_load %arg15[%swap3A_2515, %swap3A_2516] {strides = array<i32>} : memref<128x16xf32, #tpu.memory_space<vmem>>, vector<1x16xf32>,
      %swap3A_2518 = vector.shape_cast %swap3A_2517 : vector<1x16xf32> to vector<16xf32>
      %swap3A_2519 = vector.shape_cast %sub3A_2513 : vector<16xf32> to vector<1x16xf32>
      tpu.vector_store %arg15[%swap3A_2515, %swap3A_2516], %swap3A_2519 {strides = array<i32>} : memref<128x16xf32, #tpu.memory_space<vmem>>, vector<1x16xf32>,
      %get3A_2520 = arith.constant 75 : i32
      %get3A_2521 = arith.index_cast %get3A_2520 : i32 to index
      %get3A_2522 = arith.constant 0 : index
      %get3A_2523 = tpu.vector_load %arg13[%get3A_2521, %get3A_2522] {strides = array<i32>} : memref<128x128xf32, #tpu.memory_space<vmem>>, vector<1x16xf32>,
      %get3A_2524 = vector.shape_cast %get3A_2523 : vector<1x16xf32> to vector<16xf32>
      %sub3A_2525 = arith.subf %get3A_2524, %get3A_2387 : vector<16xf32>
      %swap3A_2526 = arith.constant 75 : i32
      %swap3A_2527 = arith.index_cast %swap3A_2526 : i32 to index
      %swap3A_2528 = arith.constant 0 : index
      %swap3A_2529 = tpu.vector_load %arg15[%swap3A_2527, %swap3A_2528] {strides = array<i32>} : memref<128x16xf32, #tpu.memory_space<vmem>>, vector<1x16xf32>,
      %swap3A_2530 = vector.shape_cast %swap3A_2529 : vector<1x16xf32> to vector<16xf32>
      %swap3A_2531 = vector.shape_cast %sub3A_2525 : vector<16xf32> to vector<1x16xf32>
      tpu.vector_store %arg15[%swap3A_2527, %swap3A_2528], %swap3A_2531 {strides = array<i32>} : memref<128x16xf32, #tpu.memory_space<vmem>>, vector<1x16xf32>,
      %get3A_2532 = arith.constant 76 : i32
      %get3A_2533 = arith.index_cast %get3A_2532 : i32 to index
      %get3A_2534 = arith.constant 0 : index
      %get3A_2535 = tpu.vector_load %arg13[%get3A_2533, %get3A_2534] {strides = array<i32>} : memref<128x128xf32, #tpu.memory_space<vmem>>, vector<1x16xf32>,
      %get3A_2536 = vector.shape_cast %get3A_2535 : vector<1x16xf32> to vector<16xf32>
      %sub3A_2537 = arith.subf %get3A_2536, %get3A_2387 : vector<16xf32>
      %swap3A_2538 = arith.constant 76 : i32
      %swap3A_2539 = arith.index_cast %swap3A_2538 : i32 to index
      %swap3A_2540 = arith.constant 0 : index
      %swap3A_2541 = tpu.vector_load %arg15[%swap3A_2539, %swap3A_2540] {strides = array<i32>} : memref<128x16xf32, #tpu.memory_space<vmem>>, vector<1x16xf32>,
      %swap3A_2542 = vector.shape_cast %swap3A_2541 : vector<1x16xf32> to vector<16xf32>
      %swap3A_2543 = vector.shape_cast %sub3A_2537 : vector<16xf32> to vector<1x16xf32>
      tpu.vector_store %arg15[%swap3A_2539, %swap3A_2540], %swap3A_2543 {strides = array<i32>} : memref<128x16xf32, #tpu.memory_space<vmem>>, vector<1x16xf32>,
      %get3A_2544 = arith.constant 77 : i32
      %get3A_2545 = arith.index_cast %get3A_2544 : i32 to index
      %get3A_2546 = arith.constant 0 : index
      %get3A_2547 = tpu.vector_load %arg13[%get3A_2545, %get3A_2546] {strides = array<i32>} : memref<128x128xf32, #tpu.memory_space<vmem>>, vector<1x16xf32>,
      %get3A_2548 = vector.shape_cast %get3A_2547 : vector<1x16xf32> to vector<16xf32>
      %sub3A_2549 = arith.subf %get3A_2548, %get3A_2387 : vector<16xf32>
      %swap3A_2550 = arith.constant 77 : i32
      %swap3A_2551 = arith.index_cast %swap3A_2550 : i32 to index
      %swap3A_2552 = arith.constant 0 : index
      %swap3A_2553 = tpu.vector_load %arg15[%swap3A_2551, %swap3A_2552] {strides = array<i32>} : memref<128x16xf32, #tpu.memory_space<vmem>>, vector<1x16xf32>,
      %swap3A_2554 = vector.shape_cast %swap3A_2553 : vector<1x16xf32> to vector<16xf32>
      %swap3A_2555 = vector.shape_cast %sub3A_2549 : vector<16xf32> to vector<1x16xf32>
      tpu.vector_store %arg15[%swap3A_2551, %swap3A_2552], %swap3A_2555 {strides = array<i32>} : memref<128x16xf32, #tpu.memory_space<vmem>>, vector<1x16xf32>,
      %get3A_2556 = arith.constant 78 : i32
      %get3A_2557 = arith.index_cast %get3A_2556 : i32 to index
      %get3A_2558 = arith.constant 0 : index
      %get3A_2559 = tpu.vector_load %arg13[%get3A_2557, %get3A_2558] {strides = array<i32>} : memref<128x128xf32, #tpu.memory_space<vmem>>, vector<1x16xf32>,
      %get3A_2560 = vector.shape_cast %get3A_2559 : vector<1x16xf32> to vector<16xf32>
      %sub3A_2561 = arith.subf %get3A_2560, %get3A_2387 : vector<16xf32>
      %swap3A_2562 = arith.constant 78 : i32
      %swap3A_2563 = arith.index_cast %swap3A_2562 : i32 to index
      %swap3A_2564 = arith.constant 0 : index
      %swap3A_2565 = tpu.vector_load %arg15[%swap3A_2563, %swap3A_2564] {strides = array<i32>} : memref<128x16xf32, #tpu.memory_space<vmem>>, vector<1x16xf32>,
      %swap3A_2566 = vector.shape_cast %swap3A_2565 : vector<1x16xf32> to vector<16xf32>
      %swap3A_2567 = vector.shape_cast %sub3A_2561 : vector<16xf32> to vector<1x16xf32>
      tpu.vector_store %arg15[%swap3A_2563, %swap3A_2564], %swap3A_2567 {strides = array<i32>} : memref<128x16xf32, #tpu.memory_space<vmem>>, vector<1x16xf32>,
      %get3A_2568 = arith.constant 79 : i32
      %get3A_2569 = arith.index_cast %get3A_2568 : i32 to index
      %get3A_2570 = arith.constant 0 : index
      %get3A_2571 = tpu.vector_load %arg13[%get3A_2569, %get3A_2570] {strides = array<i32>} : memref<128x128xf32, #tpu.memory_space<vmem>>, vector<1x16xf32>,
      %get3A_2572 = vector.shape_cast %get3A_2571 : vector<1x16xf32> to vector<16xf32>
      %sub3A_2573 = arith.subf %get3A_2572, %get3A_2387 : vector<16xf32>
      %swap3A_2574 = arith.constant 79 : i32
      %swap3A_2575 = arith.index_cast %swap3A_2574 : i32 to index
      %swap3A_2576 = arith.constant 0 : index
      %swap3A_2577 = tpu.vector_load %arg15[%swap3A_2575, %swap3A_2576] {strides = array<i32>} : memref<128x16xf32, #tpu.memory_space<vmem>>, vector<1x16xf32>,
      %swap3A_2578 = vector.shape_cast %swap3A_2577 : vector<1x16xf32> to vector<16xf32>
      %swap3A_2579 = vector.shape_cast %sub3A_2573 : vector<16xf32> to vector<1x16xf32>
      tpu.vector_store %arg15[%swap3A_2575, %swap3A_2576], %swap3A_2579 {strides = array<i32>} : memref<128x16xf32, #tpu.memory_space<vmem>>, vector<1x16xf32>,
      %get3A_2580 = arith.constant 80 : i32
      %get3A_2581 = arith.index_cast %get3A_2580 : i32 to index
      %get3A_2582 = arith.constant 0 : index
      %get3A_2583 = tpu.vector_load %arg13[%get3A_2581, %get3A_2582] {strides = array<i32>} : memref<128x128xf32, #tpu.memory_space<vmem>>, vector<1x16xf32>,
      %get3A_2584 = vector.shape_cast %get3A_2583 : vector<1x16xf32> to vector<16xf32>
      %sub3A_2585 = arith.subf %get3A_2584, %get3A_2387 : vector<16xf32>
      %swap3A_2586 = arith.constant 80 : i32
      %swap3A_2587 = arith.index_cast %swap3A_2586 : i32 to index
      %swap3A_2588 = arith.constant 0 : index
      %swap3A_2589 = tpu.vector_load %arg15[%swap3A_2587, %swap3A_2588] {strides = array<i32>} : memref<128x16xf32, #tpu.memory_space<vmem>>, vector<1x16xf32>,
      %swap3A_2590 = vector.shape_cast %swap3A_2589 : vector<1x16xf32> to vector<16xf32>
      %swap3A_2591 = vector.shape_cast %sub3A_2585 : vector<16xf32> to vector<1x16xf32>
      tpu.vector_store %arg15[%swap3A_2587, %swap3A_2588], %swap3A_2591 {strides = array<i32>} : memref<128x16xf32, #tpu.memory_space<vmem>>, vector<1x16xf32>,
      %get3A_2592 = arith.constant 81 : i32
      %get3A_2593 = arith.index_cast %get3A_2592 : i32 to index
      %get3A_2594 = arith.constant 0 : index
      %get3A_2595 = tpu.vector_load %arg13[%get3A_2593, %get3A_2594] {strides = array<i32>} : memref<128x128xf32, #tpu.memory_space<vmem>>, vector<1x16xf32>,
      %get3A_2596 = vector.shape_cast %get3A_2595 : vector<1x16xf32> to vector<16xf32>
      %sub3A_2597 = arith.subf %get3A_2596, %get3A_2387 : vector<16xf32>
      %swap3A_2598 = arith.constant 81 : i32
      %swap3A_2599 = arith.index_cast %swap3A_2598 : i32 to index
      %swap3A_2600 = arith.constant 0 : index
      %swap3A_2601 = tpu.vector_load %arg15[%swap3A_2599, %swap3A_2600] {strides = array<i32>} : memref<128x16xf32, #tpu.memory_space<vmem>>, vector<1x16xf32>,
      %swap3A_2602 = vector.shape_cast %swap3A_2601 : vector<1x16xf32> to vector<16xf32>
      %swap3A_2603 = vector.shape_cast %sub3A_2597 : vector<16xf32> to vector<1x16xf32>
      tpu.vector_store %arg15[%swap3A_2599, %swap3A_2600], %swap3A_2603 {strides = array<i32>} : memref<128x16xf32, #tpu.memory_space<vmem>>, vector<1x16xf32>,
      %get3A_2604 = arith.constant 82 : i32
      %get3A_2605 = arith.index_cast %get3A_2604 : i32 to index
      %get3A_2606 = arith.constant 0 : index
      %get3A_2607 = tpu.vector_load %arg13[%get3A_2605, %get3A_2606] {strides = array<i32>} : memref<128x128xf32, #tpu.memory_space<vmem>>, vector<1x16xf32>,
      %get3A_2608 = vector.shape_cast %get3A_2607 : vector<1x16xf32> to vector<16xf32>
      %sub3A_2609 = arith.subf %get3A_2608, %get3A_2387 : vector<16xf32>
      %swap3A_2610 = arith.constant 82 : i32
      %swap3A_2611 = arith.index_cast %swap3A_2610 : i32 to index
      %swap3A_2612 = arith.constant 0 : index
      %swap3A_2613 = tpu.vector_load %arg15[%swap3A_2611, %swap3A_2612] {strides = array<i32>} : memref<128x16xf32, #tpu.memory_space<vmem>>, vector<1x16xf32>,
      %swap3A_2614 = vector.shape_cast %swap3A_2613 : vector<1x16xf32> to vector<16xf32>
      %swap3A_2615 = vector.shape_cast %sub3A_2609 : vector<16xf32> to vector<1x16xf32>
      tpu.vector_store %arg15[%swap3A_2611, %swap3A_2612], %swap3A_2615 {strides = array<i32>} : memref<128x16xf32, #tpu.memory_space<vmem>>, vector<1x16xf32>,
      %get3A_2616 = arith.constant 83 : i32
      %get3A_2617 = arith.index_cast %get3A_2616 : i32 to index
      %get3A_2618 = arith.constant 0 : index
      %get3A_2619 = tpu.vector_load %arg13[%get3A_2617, %get3A_2618] {strides = array<i32>} : memref<128x128xf32, #tpu.memory_space<vmem>>, vector<1x16xf32>,
      %get3A_2620 = vector.shape_cast %get3A_2619 : vector<1x16xf32> to vector<16xf32>
      %sub3A_2621 = arith.subf %get3A_2620, %get3A_2387 : vector<16xf32>
      %swap3A_2622 = arith.constant 83 : i32
      %swap3A_2623 = arith.index_cast %swap3A_2622 : i32 to index
      %swap3A_2624 = arith.constant 0 : index
      %swap3A_2625 = tpu.vector_load %arg15[%swap3A_2623, %swap3A_2624] {strides = array<i32>} : memref<128x16xf32, #tpu.memory_space<vmem>>, vector<1x16xf32>,
      %swap3A_2626 = vector.shape_cast %swap3A_2625 : vector<1x16xf32> to vector<16xf32>
      %swap3A_2627 = vector.shape_cast %sub3A_2621 : vector<16xf32> to vector<1x16xf32>
      tpu.vector_store %arg15[%swap3A_2623, %swap3A_2624], %swap3A_2627 {strides = array<i32>} : memref<128x16xf32, #tpu.memory_space<vmem>>, vector<1x16xf32>,
      %get3A_2628 = arith.constant 84 : i32
      %get3A_2629 = arith.index_cast %get3A_2628 : i32 to index
      %get3A_2630 = arith.constant 0 : index
      %get3A_2631 = tpu.vector_load %arg13[%get3A_2629, %get3A_2630] {strides = array<i32>} : memref<128x128xf32, #tpu.memory_space<vmem>>, vector<1x16xf32>,
      %get3A_2632 = vector.shape_cast %get3A_2631 : vector<1x16xf32> to vector<16xf32>
      %sub3A_2633 = arith.subf %get3A_2632, %get3A_2387 : vector<16xf32>
      %swap3A_2634 = arith.constant 84 : i32
      %swap3A_2635 = arith.index_cast %swap3A_2634 : i32 to index
      %swap3A_2636 = arith.constant 0 : index
      %swap3A_2637 = tpu.vector_load %arg15[%swap3A_2635, %swap3A_2636] {strides = array<i32>} : memref<128x16xf32, #tpu.memory_space<vmem>>, vector<1x16xf32>,
      %swap3A_2638 = vector.shape_cast %swap3A_2637 : vector<1x16xf32> to vector<16xf32>
      %swap3A_2639 = vector.shape_cast %sub3A_2633 : vector<16xf32> to vector<1x16xf32>
      tpu.vector_store %arg15[%swap3A_2635, %swap3A_2636], %swap3A_2639 {strides = array<i32>} : memref<128x16xf32, #tpu.memory_space<vmem>>, vector<1x16xf32>,
      %get3A_2640 = arith.constant 85 : i32
      %get3A_2641 = arith.index_cast %get3A_2640 : i32 to index
      %get3A_2642 = arith.constant 0 : index
      %get3A_2643 = tpu.vector_load %arg13[%get3A_2641, %get3A_2642] {strides = array<i32>} : memref<128x128xf32, #tpu.memory_space<vmem>>, vector<1x16xf32>,
      %get3A_2644 = vector.shape_cast %get3A_2643 : vector<1x16xf32> to vector<16xf32>
      %sub3A_2645 = arith.subf %get3A_2644, %get3A_2387 : vector<16xf32>
      %swap3A_2646 = arith.constant 85 : i32
      %swap3A_2647 = arith.index_cast %swap3A_2646 : i32 to index
      %swap3A_2648 = arith.constant 0 : index
      %swap3A_2649 = tpu.vector_load %arg15[%swap3A_2647, %swap3A_2648] {strides = array<i32>} : memref<128x16xf32, #tpu.memory_space<vmem>>, vector<1x16xf32>,
      %swap3A_2650 = vector.shape_cast %swap3A_2649 : vector<1x16xf32> to vector<16xf32>
      %swap3A_2651 = vector.shape_cast %sub3A_2645 : vector<16xf32> to vector<1x16xf32>
      tpu.vector_store %arg15[%swap3A_2647, %swap3A_2648], %swap3A_2651 {strides = array<i32>} : memref<128x16xf32, #tpu.memory_space<vmem>>, vector<1x16xf32>,
      %get3A_2652 = arith.constant 86 : i32
      %get3A_2653 = arith.index_cast %get3A_2652 : i32 to index
      %get3A_2654 = arith.constant 0 : index
      %get3A_2655 = tpu.vector_load %arg13[%get3A_2653, %get3A_2654] {strides = array<i32>} : memref<128x128xf32, #tpu.memory_space<vmem>>, vector<1x16xf32>,
      %get3A_2656 = vector.shape_cast %get3A_2655 : vector<1x16xf32> to vector<16xf32>
      %sub3A_2657 = arith.subf %get3A_2656, %get3A_2387 : vector<16xf32>
      %swap3A_2658 = arith.constant 86 : i32
      %swap3A_2659 = arith.index_cast %swap3A_2658 : i32 to index
      %swap3A_2660 = arith.constant 0 : index
      %swap3A_2661 = tpu.vector_load %arg15[%swap3A_2659, %swap3A_2660] {strides = array<i32>} : memref<128x16xf32, #tpu.memory_space<vmem>>, vector<1x16xf32>,
      %swap3A_2662 = vector.shape_cast %swap3A_2661 : vector<1x16xf32> to vector<16xf32>
      %swap3A_2663 = vector.shape_cast %sub3A_2657 : vector<16xf32> to vector<1x16xf32>
      tpu.vector_store %arg15[%swap3A_2659, %swap3A_2660], %swap3A_2663 {strides = array<i32>} : memref<128x16xf32, #tpu.memory_space<vmem>>, vector<1x16xf32>,
      %get3A_2664 = arith.constant 87 : i32
      %get3A_2665 = arith.index_cast %get3A_2664 : i32 to index
      %get3A_2666 = arith.constant 0 : index
      %get3A_2667 = tpu.vector_load %arg13[%get3A_2665, %get3A_2666] {strides = array<i32>} : memref<128x128xf32, #tpu.memory_space<vmem>>, vector<1x16xf32>,
      %get3A_2668 = vector.shape_cast %get3A_2667 : vector<1x16xf32> to vector<16xf32>
      %sub3A_2669 = arith.subf %get3A_2668, %get3A_2387 : vector<16xf32>
      %swap3A_2670 = arith.constant 87 : i32
      %swap3A_2671 = arith.index_cast %swap3A_2670 : i32 to index
      %swap3A_2672 = arith.constant 0 : index
      %swap3A_2673 = tpu.vector_load %arg15[%swap3A_2671, %swap3A_2672] {strides = array<i32>} : memref<128x16xf32, #tpu.memory_space<vmem>>, vector<1x16xf32>,
      %swap3A_2674 = vector.shape_cast %swap3A_2673 : vector<1x16xf32> to vector<16xf32>
      %swap3A_2675 = vector.shape_cast %sub3A_2669 : vector<16xf32> to vector<1x16xf32>
      tpu.vector_store %arg15[%swap3A_2671, %swap3A_2672], %swap3A_2675 {strides = array<i32>} : memref<128x16xf32, #tpu.memory_space<vmem>>, vector<1x16xf32>,
      %get3A_2676 = arith.constant 88 : i32
      %get3A_2677 = arith.index_cast %get3A_2676 : i32 to index
      %get3A_2678 = arith.constant 0 : index
      %get3A_2679 = tpu.vector_load %arg13[%get3A_2677, %get3A_2678] {strides = array<i32>} : memref<128x128xf32, #tpu.memory_space<vmem>>, vector<1x16xf32>,
      %get3A_2680 = vector.shape_cast %get3A_2679 : vector<1x16xf32> to vector<16xf32>
      %sub3A_2681 = arith.subf %get3A_2680, %get3A_2387 : vector<16xf32>
      %swap3A_2682 = arith.constant 88 : i32
      %swap3A_2683 = arith.index_cast %swap3A_2682 : i32 to index
      %swap3A_2684 = arith.constant 0 : index
      %swap3A_2685 = tpu.vector_load %arg15[%swap3A_2683, %swap3A_2684] {strides = array<i32>} : memref<128x16xf32, #tpu.memory_space<vmem>>, vector<1x16xf32>,
      %swap3A_2686 = vector.shape_cast %swap3A_2685 : vector<1x16xf32> to vector<16xf32>
      %swap3A_2687 = vector.shape_cast %sub3A_2681 : vector<16xf32> to vector<1x16xf32>
      tpu.vector_store %arg15[%swap3A_2683, %swap3A_2684], %swap3A_2687 {strides = array<i32>} : memref<128x16xf32, #tpu.memory_space<vmem>>, vector<1x16xf32>,
      %get3A_2688 = arith.constant 89 : i32
      %get3A_2689 = arith.index_cast %get3A_2688 : i32 to index
      %get3A_2690 = arith.constant 0 : index
      %get3A_2691 = tpu.vector_load %arg13[%get3A_2689, %get3A_2690] {strides = array<i32>} : memref<128x128xf32, #tpu.memory_space<vmem>>, vector<1x16xf32>,
      %get3A_2692 = vector.shape_cast %get3A_2691 : vector<1x16xf32> to vector<16xf32>
      %sub3A_2693 = arith.subf %get3A_2692, %get3A_2387 : vector<16xf32>
      %swap3A_2694 = arith.constant 89 : i32
      %swap3A_2695 = arith.index_cast %swap3A_2694 : i32 to index
      %swap3A_2696 = arith.constant 0 : index
      %swap3A_2697 = tpu.vector_load %arg15[%swap3A_2695, %swap3A_2696] {strides = array<i32>} : memref<128x16xf32, #tpu.memory_space<vmem>>, vector<1x16xf32>,
      %swap3A_2698 = vector.shape_cast %swap3A_2697 : vector<1x16xf32> to vector<16xf32>
      %swap3A_2699 = vector.shape_cast %sub3A_2693 : vector<16xf32> to vector<1x16xf32>
      tpu.vector_store %arg15[%swap3A_2695, %swap3A_2696], %swap3A_2699 {strides = array<i32>} : memref<128x16xf32, #tpu.memory_space<vmem>>, vector<1x16xf32>,
      %get3A_2700 = arith.constant 90 : i32
      %get3A_2701 = arith.index_cast %get3A_2700 : i32 to index
      %get3A_2702 = arith.constant 0 : index
      %get3A_2703 = tpu.vector_load %arg13[%get3A_2701, %get3A_2702] {strides = array<i32>} : memref<128x128xf32, #tpu.memory_space<vmem>>, vector<1x16xf32>,
      %get3A_2704 = vector.shape_cast %get3A_2703 : vector<1x16xf32> to vector<16xf32>
      %sub3A_2705 = arith.subf %get3A_2704, %get3A_2387 : vector<16xf32>
      %swap3A_2706 = arith.constant 90 : i32
      %swap3A_2707 = arith.index_cast %swap3A_2706 : i32 to index
      %swap3A_2708 = arith.constant 0 : index
      %swap3A_2709 = tpu.vector_load %arg15[%swap3A_2707, %swap3A_2708] {strides = array<i32>} : memref<128x16xf32, #tpu.memory_space<vmem>>, vector<1x16xf32>,
      %swap3A_2710 = vector.shape_cast %swap3A_2709 : vector<1x16xf32> to vector<16xf32>
      %swap3A_2711 = vector.shape_cast %sub3A_2705 : vector<16xf32> to vector<1x16xf32>
      tpu.vector_store %arg15[%swap3A_2707, %swap3A_2708], %swap3A_2711 {strides = array<i32>} : memref<128x16xf32, #tpu.memory_space<vmem>>, vector<1x16xf32>,
      %get3A_2712 = arith.constant 91 : i32
      %get3A_2713 = arith.index_cast %get3A_2712 : i32 to index
      %get3A_2714 = arith.constant 0 : index
      %get3A_2715 = tpu.vector_load %arg13[%get3A_2713, %get3A_2714] {strides = array<i32>} : memref<128x128xf32, #tpu.memory_space<vmem>>, vector<1x16xf32>,
      %get3A_2716 = vector.shape_cast %get3A_2715 : vector<1x16xf32> to vector<16xf32>
      %sub3A_2717 = arith.subf %get3A_2716, %get3A_2387 : vector<16xf32>
      %swap3A_2718 = arith.constant 91 : i32
      %swap3A_2719 = arith.index_cast %swap3A_2718 : i32 to index
      %swap3A_2720 = arith.constant 0 : index
      %swap3A_2721 = tpu.vector_load %arg15[%swap3A_2719, %swap3A_2720] {strides = array<i32>} : memref<128x16xf32, #tpu.memory_space<vmem>>, vector<1x16xf32>,
      %swap3A_2722 = vector.shape_cast %swap3A_2721 : vector<1x16xf32> to vector<16xf32>
      %swap3A_2723 = vector.shape_cast %sub3A_2717 : vector<16xf32> to vector<1x16xf32>
      tpu.vector_store %arg15[%swap3A_2719, %swap3A_2720], %swap3A_2723 {strides = array<i32>} : memref<128x16xf32, #tpu.memory_space<vmem>>, vector<1x16xf32>,
      %get3A_2724 = arith.constant 92 : i32
      %get3A_2725 = arith.index_cast %get3A_2724 : i32 to index
      %get3A_2726 = arith.constant 0 : index
      %get3A_2727 = tpu.vector_load %arg13[%get3A_2725, %get3A_2726] {strides = array<i32>} : memref<128x128xf32, #tpu.memory_space<vmem>>, vector<1x16xf32>,
      %get3A_2728 = vector.shape_cast %get3A_2727 : vector<1x16xf32> to vector<16xf32>
      %sub3A_2729 = arith.subf %get3A_2728, %get3A_2387 : vector<16xf32>
      %swap3A_2730 = arith.constant 92 : i32
      %swap3A_2731 = arith.index_cast %swap3A_2730 : i32 to index
      %swap3A_2732 = arith.constant 0 : index
      %swap3A_2733 = tpu.vector_load %arg15[%swap3A_2731, %swap3A_2732] {strides = array<i32>} : memref<128x16xf32, #tpu.memory_space<vmem>>, vector<1x16xf32>,
      %swap3A_2734 = vector.shape_cast %swap3A_2733 : vector<1x16xf32> to vector<16xf32>
      %swap3A_2735 = vector.shape_cast %sub3A_2729 : vector<16xf32> to vector<1x16xf32>
      tpu.vector_store %arg15[%swap3A_2731, %swap3A_2732], %swap3A_2735 {strides = array<i32>} : memref<128x16xf32, #tpu.memory_space<vmem>>, vector<1x16xf32>,
      %get3A_2736 = arith.constant 93 : i32
      %get3A_2737 = arith.index_cast %get3A_2736 : i32 to index
      %get3A_2738 = arith.constant 0 : index
      %get3A_2739 = tpu.vector_load %arg13[%get3A_2737, %get3A_2738] {strides = array<i32>} : memref<128x128xf32, #tpu.memory_space<vmem>>, vector<1x16xf32>,
      %get3A_2740 = vector.shape_cast %get3A_2739 : vector<1x16xf32> to vector<16xf32>
      %sub3A_2741 = arith.subf %get3A_2740, %get3A_2387 : vector<16xf32>
      %swap3A_2742 = arith.constant 93 : i32
      %swap3A_2743 = arith.index_cast %swap3A_2742 : i32 to index
      %swap3A_2744 = arith.constant 0 : index
      %swap3A_2745 = tpu.vector_load %arg15[%swap3A_2743, %swap3A_2744] {strides = array<i32>} : memref<128x16xf32, #tpu.memory_space<vmem>>, vector<1x16xf32>,
      %swap3A_2746 = vector.shape_cast %swap3A_2745 : vector<1x16xf32> to vector<16xf32>
      %swap3A_2747 = vector.shape_cast %sub3A_2741 : vector<16xf32> to vector<1x16xf32>
      tpu.vector_store %arg15[%swap3A_2743, %swap3A_2744], %swap3A_2747 {strides = array<i32>} : memref<128x16xf32, #tpu.memory_space<vmem>>, vector<1x16xf32>,
      %get3A_2748 = arith.constant 94 : i32
      %get3A_2749 = arith.index_cast %get3A_2748 : i32 to index
      %get3A_2750 = arith.constant 0 : index
      %get3A_2751 = tpu.vector_load %arg13[%get3A_2749, %get3A_2750] {strides = array<i32>} : memref<128x128xf32, #tpu.memory_space<vmem>>, vector<1x16xf32>,
      %get3A_2752 = vector.shape_cast %get3A_2751 : vector<1x16xf32> to vector<16xf32>
      %sub3A_2753 = arith.subf %get3A_2752, %get3A_2387 : vector<16xf32>
      %swap3A_2754 = arith.constant 94 : i32
      %swap3A_2755 = arith.index_cast %swap3A_2754 : i32 to index
      %swap3A_2756 = arith.constant 0 : index
      %swap3A_2757 = tpu.vector_load %arg15[%swap3A_2755, %swap3A_2756] {strides = array<i32>} : memref<128x16xf32, #tpu.memory_space<vmem>>, vector<1x16xf32>,
      %swap3A_2758 = vector.shape_cast %swap3A_2757 : vector<1x16xf32> to vector<16xf32>
      %swap3A_2759 = vector.shape_cast %sub3A_2753 : vector<16xf32> to vector<1x16xf32>
      tpu.vector_store %arg15[%swap3A_2755, %swap3A_2756], %swap3A_2759 {strides = array<i32>} : memref<128x16xf32, #tpu.memory_space<vmem>>, vector<1x16xf32>,
      %get3A_2760 = arith.constant 95 : i32
      %get3A_2761 = arith.index_cast %get3A_2760 : i32 to index
      %get3A_2762 = arith.constant 0 : index
      %get3A_2763 = tpu.vector_load %arg13[%get3A_2761, %get3A_2762] {strides = array<i32>} : memref<128x128xf32, #tpu.memory_space<vmem>>, vector<1x16xf32>,
      %get3A_2764 = vector.shape_cast %get3A_2763 : vector<1x16xf32> to vector<16xf32>
      %sub3A_2765 = arith.subf %get3A_2764, %get3A_2387 : vector<16xf32>
      %swap3A_2766 = arith.constant 95 : i32
      %swap3A_2767 = arith.index_cast %swap3A_2766 : i32 to index
      %swap3A_2768 = arith.constant 0 : index
      %swap3A_2769 = tpu.vector_load %arg15[%swap3A_2767, %swap3A_2768] {strides = array<i32>} : memref<128x16xf32, #tpu.memory_space<vmem>>, vector<1x16xf32>,
      %swap3A_2770 = vector.shape_cast %swap3A_2769 : vector<1x16xf32> to vector<16xf32>
      %swap3A_2771 = vector.shape_cast %sub3A_2765 : vector<16xf32> to vector<1x16xf32>
      tpu.vector_store %arg15[%swap3A_2767, %swap3A_2768], %swap3A_2771 {strides = array<i32>} : memref<128x16xf32, #tpu.memory_space<vmem>>, vector<1x16xf32>,
      %get3A_2772 = arith.constant 7 : i32
      %get3A_2773 = arith.index_cast %get3A_2772 : i32 to index
      %get3A_2774 = arith.constant 0 : index
      %get3A_2775 = tpu.vector_load %arg14[%get3A_2773, %get3A_2774] {strides = array<i32>} : memref<8x128xf32, #tpu.memory_space<vmem>>, vector<1x16xf32>,
      %get3A_2776 = vector.shape_cast %get3A_2775 : vector<1x16xf32> to vector<16xf32>
      %get3A_2777 = arith.constant 96 : i32
      %get3A_2778 = arith.index_cast %get3A_2777 : i32 to index
      %get3A_2779 = arith.constant 0 : index
      %get3A_2780 = tpu.vector_load %arg13[%get3A_2778, %get3A_2779] {strides = array<i32>} : memref<128x128xf32, #tpu.memory_space<vmem>>, vector<1x16xf32>,
      %get3A_2781 = vector.shape_cast %get3A_2780 : vector<1x16xf32> to vector<16xf32>
      %sub3A_2782 = arith.subf %get3A_2781, %get3A_2776 : vector<16xf32>
      %swap3A_2783 = arith.constant 96 : i32
      %swap3A_2784 = arith.index_cast %swap3A_2783 : i32 to index
      %swap3A_2785 = arith.constant 0 : index
      %swap3A_2786 = tpu.vector_load %arg15[%swap3A_2784, %swap3A_2785] {strides = array<i32>} : memref<128x16xf32, #tpu.memory_space<vmem>>, vector<1x16xf32>,
      %swap3A_2787 = vector.shape_cast %swap3A_2786 : vector<1x16xf32> to vector<16xf32>
      %swap3A_2788 = vector.shape_cast %sub3A_2782 : vector<16xf32> to vector<1x16xf32>
      tpu.vector_store %arg15[%swap3A_2784, %swap3A_2785], %swap3A_2788 {strides = array<i32>} : memref<128x16xf32, #tpu.memory_space<vmem>>, vector<1x16xf32>,
      %get3A_2789 = arith.constant 97 : i32
      %get3A_2790 = arith.index_cast %get3A_2789 : i32 to index
      %get3A_2791 = arith.constant 0 : index
      %get3A_2792 = tpu.vector_load %arg13[%get3A_2790, %get3A_2791] {strides = array<i32>} : memref<128x128xf32, #tpu.memory_space<vmem>>, vector<1x16xf32>,
      %get3A_2793 = vector.shape_cast %get3A_2792 : vector<1x16xf32> to vector<16xf32>
      %sub3A_2794 = arith.subf %get3A_2793, %get3A_2776 : vector<16xf32>
      %swap3A_2795 = arith.constant 97 : i32
      %swap3A_2796 = arith.index_cast %swap3A_2795 : i32 to index
      %swap3A_2797 = arith.constant 0 : index
      %swap3A_2798 = tpu.vector_load %arg15[%swap3A_2796, %swap3A_2797] {strides = array<i32>} : memref<128x16xf32, #tpu.memory_space<vmem>>, vector<1x16xf32>,
      %swap3A_2799 = vector.shape_cast %swap3A_2798 : vector<1x16xf32> to vector<16xf32>
      %swap3A_2800 = vector.shape_cast %sub3A_2794 : vector<16xf32> to vector<1x16xf32>
      tpu.vector_store %arg15[%swap3A_2796, %swap3A_2797], %swap3A_2800 {strides = array<i32>} : memref<128x16xf32, #tpu.memory_space<vmem>>, vector<1x16xf32>,
      %get3A_2801 = arith.constant 98 : i32
      %get3A_2802 = arith.index_cast %get3A_2801 : i32 to index
      %get3A_2803 = arith.constant 0 : index
      %get3A_2804 = tpu.vector_load %arg13[%get3A_2802, %get3A_2803] {strides = array<i32>} : memref<128x128xf32, #tpu.memory_space<vmem>>, vector<1x16xf32>,
      %get3A_2805 = vector.shape_cast %get3A_2804 : vector<1x16xf32> to vector<16xf32>
      %sub3A_2806 = arith.subf %get3A_2805, %get3A_2776 : vector<16xf32>
      %swap3A_2807 = arith.constant 98 : i32
      %swap3A_2808 = arith.index_cast %swap3A_2807 : i32 to index
      %swap3A_2809 = arith.constant 0 : index
      %swap3A_2810 = tpu.vector_load %arg15[%swap3A_2808, %swap3A_2809] {strides = array<i32>} : memref<128x16xf32, #tpu.memory_space<vmem>>, vector<1x16xf32>,
      %swap3A_2811 = vector.shape_cast %swap3A_2810 : vector<1x16xf32> to vector<16xf32>
      %swap3A_2812 = vector.shape_cast %sub3A_2806 : vector<16xf32> to vector<1x16xf32>
      tpu.vector_store %arg15[%swap3A_2808, %swap3A_2809], %swap3A_2812 {strides = array<i32>} : memref<128x16xf32, #tpu.memory_space<vmem>>, vector<1x16xf32>,
      %get3A_2813 = arith.constant 99 : i32
      %get3A_2814 = arith.index_cast %get3A_2813 : i32 to index
      %get3A_2815 = arith.constant 0 : index
      %get3A_2816 = tpu.vector_load %arg13[%get3A_2814, %get3A_2815] {strides = array<i32>} : memref<128x128xf32, #tpu.memory_space<vmem>>, vector<1x16xf32>,
      %get3A_2817 = vector.shape_cast %get3A_2816 : vector<1x16xf32> to vector<16xf32>
      %sub3A_2818 = arith.subf %get3A_2817, %get3A_2776 : vector<16xf32>
      %swap3A_2819 = arith.constant 99 : i32
      %swap3A_2820 = arith.index_cast %swap3A_2819 : i32 to index
      %swap3A_2821 = arith.constant 0 : index
      %swap3A_2822 = tpu.vector_load %arg15[%swap3A_2820, %swap3A_2821] {strides = array<i32>} : memref<128x16xf32, #tpu.memory_space<vmem>>, vector<1x16xf32>,
      %swap3A_2823 = vector.shape_cast %swap3A_2822 : vector<1x16xf32> to vector<16xf32>
      %swap3A_2824 = vector.shape_cast %sub3A_2818 : vector<16xf32> to vector<1x16xf32>
      tpu.vector_store %arg15[%swap3A_2820, %swap3A_2821], %swap3A_2824 {strides = array<i32>} : memref<128x16xf32, #tpu.memory_space<vmem>>, vector<1x16xf32>,
      %get3A_2825 = arith.constant 100 : i32
      %get3A_2826 = arith.index_cast %get3A_2825 : i32 to index
      %get3A_2827 = arith.constant 0 : index
      %get3A_2828 = tpu.vector_load %arg13[%get3A_2826, %get3A_2827] {strides = array<i32>} : memref<128x128xf32, #tpu.memory_space<vmem>>, vector<1x16xf32>,
      %get3A_2829 = vector.shape_cast %get3A_2828 : vector<1x16xf32> to vector<16xf32>
      %sub3A_2830 = arith.subf %get3A_2829, %get3A_2776 : vector<16xf32>
      %swap3A_2831 = arith.constant 100 : i32
      %swap3A_2832 = arith.index_cast %swap3A_2831 : i32 to index
      %swap3A_2833 = arith.constant 0 : index
      %swap3A_2834 = tpu.vector_load %arg15[%swap3A_2832, %swap3A_2833] {strides = array<i32>} : memref<128x16xf32, #tpu.memory_space<vmem>>, vector<1x16xf32>,
      %swap3A_2835 = vector.shape_cast %swap3A_2834 : vector<1x16xf32> to vector<16xf32>
      %swap3A_2836 = vector.shape_cast %sub3A_2830 : vector<16xf32> to vector<1x16xf32>
      tpu.vector_store %arg15[%swap3A_2832, %swap3A_2833], %swap3A_2836 {strides = array<i32>} : memref<128x16xf32, #tpu.memory_space<vmem>>, vector<1x16xf32>,
      %get3A_2837 = arith.constant 101 : i32
      %get3A_2838 = arith.index_cast %get3A_2837 : i32 to index
      %get3A_2839 = arith.constant 0 : index
      %get3A_2840 = tpu.vector_load %arg13[%get3A_2838, %get3A_2839] {strides = array<i32>} : memref<128x128xf32, #tpu.memory_space<vmem>>, vector<1x16xf32>,
      %get3A_2841 = vector.shape_cast %get3A_2840 : vector<1x16xf32> to vector<16xf32>
      %sub3A_2842 = arith.subf %get3A_2841, %get3A_2776 : vector<16xf32>
      %swap3A_2843 = arith.constant 101 : i32
      %swap3A_2844 = arith.index_cast %swap3A_2843 : i32 to index
      %swap3A_2845 = arith.constant 0 : index
      %swap3A_2846 = tpu.vector_load %arg15[%swap3A_2844, %swap3A_2845] {strides = array<i32>} : memref<128x16xf32, #tpu.memory_space<vmem>>, vector<1x16xf32>,
      %swap3A_2847 = vector.shape_cast %swap3A_2846 : vector<1x16xf32> to vector<16xf32>
      %swap3A_2848 = vector.shape_cast %sub3A_2842 : vector<16xf32> to vector<1x16xf32>
      tpu.vector_store %arg15[%swap3A_2844, %swap3A_2845], %swap3A_2848 {strides = array<i32>} : memref<128x16xf32, #tpu.memory_space<vmem>>, vector<1x16xf32>,
      %get3A_2849 = arith.constant 102 : i32
      %get3A_2850 = arith.index_cast %get3A_2849 : i32 to index
      %get3A_2851 = arith.constant 0 : index
      %get3A_2852 = tpu.vector_load %arg13[%get3A_2850, %get3A_2851] {strides = array<i32>} : memref<128x128xf32, #tpu.memory_space<vmem>>, vector<1x16xf32>,
      %get3A_2853 = vector.shape_cast %get3A_2852 : vector<1x16xf32> to vector<16xf32>
      %sub3A_2854 = arith.subf %get3A_2853, %get3A_2776 : vector<16xf32>
      %swap3A_2855 = arith.constant 102 : i32
      %swap3A_2856 = arith.index_cast %swap3A_2855 : i32 to index
      %swap3A_2857 = arith.constant 0 : index
      %swap3A_2858 = tpu.vector_load %arg15[%swap3A_2856, %swap3A_2857] {strides = array<i32>} : memref<128x16xf32, #tpu.memory_space<vmem>>, vector<1x16xf32>,
      %swap3A_2859 = vector.shape_cast %swap3A_2858 : vector<1x16xf32> to vector<16xf32>
      %swap3A_2860 = vector.shape_cast %sub3A_2854 : vector<16xf32> to vector<1x16xf32>
      tpu.vector_store %arg15[%swap3A_2856, %swap3A_2857], %swap3A_2860 {strides = array<i32>} : memref<128x16xf32, #tpu.memory_space<vmem>>, vector<1x16xf32>,
      %get3A_2861 = arith.constant 103 : i32
      %get3A_2862 = arith.index_cast %get3A_2861 : i32 to index
      %get3A_2863 = arith.constant 0 : index
      %get3A_2864 = tpu.vector_load %arg13[%get3A_2862, %get3A_2863] {strides = array<i32>} : memref<128x128xf32, #tpu.memory_space<vmem>>, vector<1x16xf32>,
      %get3A_2865 = vector.shape_cast %get3A_2864 : vector<1x16xf32> to vector<16xf32>
      %sub3A_2866 = arith.subf %get3A_2865, %get3A_2776 : vector<16xf32>
      %swap3A_2867 = arith.constant 103 : i32
      %swap3A_2868 = arith.index_cast %swap3A_2867 : i32 to index
      %swap3A_2869 = arith.constant 0 : index
      %swap3A_2870 = tpu.vector_load %arg15[%swap3A_2868, %swap3A_2869] {strides = array<i32>} : memref<128x16xf32, #tpu.memory_space<vmem>>, vector<1x16xf32>,
      %swap3A_2871 = vector.shape_cast %swap3A_2870 : vector<1x16xf32> to vector<16xf32>
      %swap3A_2872 = vector.shape_cast %sub3A_2866 : vector<16xf32> to vector<1x16xf32>
      tpu.vector_store %arg15[%swap3A_2868, %swap3A_2869], %swap3A_2872 {strides = array<i32>} : memref<128x16xf32, #tpu.memory_space<vmem>>, vector<1x16xf32>,
      %get3A_2873 = arith.constant 104 : i32
      %get3A_2874 = arith.index_cast %get3A_2873 : i32 to index
      %get3A_2875 = arith.constant 0 : index
      %get3A_2876 = tpu.vector_load %arg13[%get3A_2874, %get3A_2875] {strides = array<i32>} : memref<128x128xf32, #tpu.memory_space<vmem>>, vector<1x16xf32>,
      %get3A_2877 = vector.shape_cast %get3A_2876 : vector<1x16xf32> to vector<16xf32>
      %sub3A_2878 = arith.subf %get3A_2877, %get3A_2776 : vector<16xf32>
      %swap3A_2879 = arith.constant 104 : i32
      %swap3A_2880 = arith.index_cast %swap3A_2879 : i32 to index
      %swap3A_2881 = arith.constant 0 : index
      %swap3A_2882 = tpu.vector_load %arg15[%swap3A_2880, %swap3A_2881] {strides = array<i32>} : memref<128x16xf32, #tpu.memory_space<vmem>>, vector<1x16xf32>,
      %swap3A_2883 = vector.shape_cast %swap3A_2882 : vector<1x16xf32> to vector<16xf32>
      %swap3A_2884 = vector.shape_cast %sub3A_2878 : vector<16xf32> to vector<1x16xf32>
      tpu.vector_store %arg15[%swap3A_2880, %swap3A_2881], %swap3A_2884 {strides = array<i32>} : memref<128x16xf32, #tpu.memory_space<vmem>>, vector<1x16xf32>,
      %get3A_2885 = arith.constant 105 : i32
      %get3A_2886 = arith.index_cast %get3A_2885 : i32 to index
      %get3A_2887 = arith.constant 0 : index
      %get3A_2888 = tpu.vector_load %arg13[%get3A_2886, %get3A_2887] {strides = array<i32>} : memref<128x128xf32, #tpu.memory_space<vmem>>, vector<1x16xf32>,
      %get3A_2889 = vector.shape_cast %get3A_2888 : vector<1x16xf32> to vector<16xf32>
      %sub3A_2890 = arith.subf %get3A_2889, %get3A_2776 : vector<16xf32>
      %swap3A_2891 = arith.constant 105 : i32
      %swap3A_2892 = arith.index_cast %swap3A_2891 : i32 to index
      %swap3A_2893 = arith.constant 0 : index
      %swap3A_2894 = tpu.vector_load %arg15[%swap3A_2892, %swap3A_2893] {strides = array<i32>} : memref<128x16xf32, #tpu.memory_space<vmem>>, vector<1x16xf32>,
      %swap3A_2895 = vector.shape_cast %swap3A_2894 : vector<1x16xf32> to vector<16xf32>
      %swap3A_2896 = vector.shape_cast %sub3A_2890 : vector<16xf32> to vector<1x16xf32>
      tpu.vector_store %arg15[%swap3A_2892, %swap3A_2893], %swap3A_2896 {strides = array<i32>} : memref<128x16xf32, #tpu.memory_space<vmem>>, vector<1x16xf32>,
      %get3A_2897 = arith.constant 106 : i32
      %get3A_2898 = arith.index_cast %get3A_2897 : i32 to index
      %get3A_2899 = arith.constant 0 : index
      %get3A_2900 = tpu.vector_load %arg13[%get3A_2898, %get3A_2899] {strides = array<i32>} : memref<128x128xf32, #tpu.memory_space<vmem>>, vector<1x16xf32>,
      %get3A_2901 = vector.shape_cast %get3A_2900 : vector<1x16xf32> to vector<16xf32>
      %sub3A_2902 = arith.subf %get3A_2901, %get3A_2776 : vector<16xf32>
      %swap3A_2903 = arith.constant 106 : i32
      %swap3A_2904 = arith.index_cast %swap3A_2903 : i32 to index
      %swap3A_2905 = arith.constant 0 : index
      %swap3A_2906 = tpu.vector_load %arg15[%swap3A_2904, %swap3A_2905] {strides = array<i32>} : memref<128x16xf32, #tpu.memory_space<vmem>>, vector<1x16xf32>,
      %swap3A_2907 = vector.shape_cast %swap3A_2906 : vector<1x16xf32> to vector<16xf32>
      %swap3A_2908 = vector.shape_cast %sub3A_2902 : vector<16xf32> to vector<1x16xf32>
      tpu.vector_store %arg15[%swap3A_2904, %swap3A_2905], %swap3A_2908 {strides = array<i32>} : memref<128x16xf32, #tpu.memory_space<vmem>>, vector<1x16xf32>,
      %get3A_2909 = arith.constant 107 : i32
      %get3A_2910 = arith.index_cast %get3A_2909 : i32 to index
      %get3A_2911 = arith.constant 0 : index
      %get3A_2912 = tpu.vector_load %arg13[%get3A_2910, %get3A_2911] {strides = array<i32>} : memref<128x128xf32, #tpu.memory_space<vmem>>, vector<1x16xf32>,
      %get3A_2913 = vector.shape_cast %get3A_2912 : vector<1x16xf32> to vector<16xf32>
      %sub3A_2914 = arith.subf %get3A_2913, %get3A_2776 : vector<16xf32>
      %swap3A_2915 = arith.constant 107 : i32
      %swap3A_2916 = arith.index_cast %swap3A_2915 : i32 to index
      %swap3A_2917 = arith.constant 0 : index
      %swap3A_2918 = tpu.vector_load %arg15[%swap3A_2916, %swap3A_2917] {strides = array<i32>} : memref<128x16xf32, #tpu.memory_space<vmem>>, vector<1x16xf32>,
      %swap3A_2919 = vector.shape_cast %swap3A_2918 : vector<1x16xf32> to vector<16xf32>
      %swap3A_2920 = vector.shape_cast %sub3A_2914 : vector<16xf32> to vector<1x16xf32>
      tpu.vector_store %arg15[%swap3A_2916, %swap3A_2917], %swap3A_2920 {strides = array<i32>} : memref<128x16xf32, #tpu.memory_space<vmem>>, vector<1x16xf32>,
      %get3A_2921 = arith.constant 108 : i32
      %get3A_2922 = arith.index_cast %get3A_2921 : i32 to index
      %get3A_2923 = arith.constant 0 : index
      %get3A_2924 = tpu.vector_load %arg13[%get3A_2922, %get3A_2923] {strides = array<i32>} : memref<128x128xf32, #tpu.memory_space<vmem>>, vector<1x16xf32>,
      %get3A_2925 = vector.shape_cast %get3A_2924 : vector<1x16xf32> to vector<16xf32>
      %sub3A_2926 = arith.subf %get3A_2925, %get3A_2776 : vector<16xf32>
      %swap3A_2927 = arith.constant 108 : i32
      %swap3A_2928 = arith.index_cast %swap3A_2927 : i32 to index
      %swap3A_2929 = arith.constant 0 : index
      %swap3A_2930 = tpu.vector_load %arg15[%swap3A_2928, %swap3A_2929] {strides = array<i32>} : memref<128x16xf32, #tpu.memory_space<vmem>>, vector<1x16xf32>,
      %swap3A_2931 = vector.shape_cast %swap3A_2930 : vector<1x16xf32> to vector<16xf32>
      %swap3A_2932 = vector.shape_cast %sub3A_2926 : vector<16xf32> to vector<1x16xf32>
      tpu.vector_store %arg15[%swap3A_2928, %swap3A_2929], %swap3A_2932 {strides = array<i32>} : memref<128x16xf32, #tpu.memory_space<vmem>>, vector<1x16xf32>,
      %get3A_2933 = arith.constant 109 : i32
      %get3A_2934 = arith.index_cast %get3A_2933 : i32 to index
      %get3A_2935 = arith.constant 0 : index
      %get3A_2936 = tpu.vector_load %arg13[%get3A_2934, %get3A_2935] {strides = array<i32>} : memref<128x128xf32, #tpu.memory_space<vmem>>, vector<1x16xf32>,
      %get3A_2937 = vector.shape_cast %get3A_2936 : vector<1x16xf32> to vector<16xf32>
      %sub3A_2938 = arith.subf %get3A_2937, %get3A_2776 : vector<16xf32>
      %swap3A_2939 = arith.constant 109 : i32
      %swap3A_2940 = arith.index_cast %swap3A_2939 : i32 to index
      %swap3A_2941 = arith.constant 0 : index
      %swap3A_2942 = tpu.vector_load %arg15[%swap3A_2940, %swap3A_2941] {strides = array<i32>} : memref<128x16xf32, #tpu.memory_space<vmem>>, vector<1x16xf32>,
      %swap3A_2943 = vector.shape_cast %swap3A_2942 : vector<1x16xf32> to vector<16xf32>
      %swap3A_2944 = vector.shape_cast %sub3A_2938 : vector<16xf32> to vector<1x16xf32>
      tpu.vector_store %arg15[%swap3A_2940, %swap3A_2941], %swap3A_2944 {strides = array<i32>} : memref<128x16xf32, #tpu.memory_space<vmem>>, vector<1x16xf32>,
      %get3A_2945 = arith.constant 110 : i32
      %get3A_2946 = arith.index_cast %get3A_2945 : i32 to index
      %get3A_2947 = arith.constant 0 : index
      %get3A_2948 = tpu.vector_load %arg13[%get3A_2946, %get3A_2947] {strides = array<i32>} : memref<128x128xf32, #tpu.memory_space<vmem>>, vector<1x16xf32>,
      %get3A_2949 = vector.shape_cast %get3A_2948 : vector<1x16xf32> to vector<16xf32>
      %sub3A_2950 = arith.subf %get3A_2949, %get3A_2776 : vector<16xf32>
      %swap3A_2951 = arith.constant 110 : i32
      %swap3A_2952 = arith.index_cast %swap3A_2951 : i32 to index
      %swap3A_2953 = arith.constant 0 : index
      %swap3A_2954 = tpu.vector_load %arg15[%swap3A_2952, %swap3A_2953] {strides = array<i32>} : memref<128x16xf32, #tpu.memory_space<vmem>>, vector<1x16xf32>,
      %swap3A_2955 = vector.shape_cast %swap3A_2954 : vector<1x16xf32> to vector<16xf32>
      %swap3A_2956 = vector.shape_cast %sub3A_2950 : vector<16xf32> to vector<1x16xf32>
      tpu.vector_store %arg15[%swap3A_2952, %swap3A_2953], %swap3A_2956 {strides = array<i32>} : memref<128x16xf32, #tpu.memory_space<vmem>>, vector<1x16xf32>,
      %get3A_2957 = arith.constant 111 : i32
      %get3A_2958 = arith.index_cast %get3A_2957 : i32 to index
      %get3A_2959 = arith.constant 0 : index
      %get3A_2960 = tpu.vector_load %arg13[%get3A_2958, %get3A_2959] {strides = array<i32>} : memref<128x128xf32, #tpu.memory_space<vmem>>, vector<1x16xf32>,
      %get3A_2961 = vector.shape_cast %get3A_2960 : vector<1x16xf32> to vector<16xf32>
      %sub3A_2962 = arith.subf %get3A_2961, %get3A_2776 : vector<16xf32>
      %swap3A_2963 = arith.constant 111 : i32
      %swap3A_2964 = arith.index_cast %swap3A_2963 : i32 to index
      %swap3A_2965 = arith.constant 0 : index
      %swap3A_2966 = tpu.vector_load %arg15[%swap3A_2964, %swap3A_2965] {strides = array<i32>} : memref<128x16xf32, #tpu.memory_space<vmem>>, vector<1x16xf32>,
      %swap3A_2967 = vector.shape_cast %swap3A_2966 : vector<1x16xf32> to vector<16xf32>
      %swap3A_2968 = vector.shape_cast %sub3A_2962 : vector<16xf32> to vector<1x16xf32>
      tpu.vector_store %arg15[%swap3A_2964, %swap3A_2965], %swap3A_2968 {strides = array<i32>} : memref<128x16xf32, #tpu.memory_space<vmem>>, vector<1x16xf32>,
      %get3A_2969 = arith.constant 112 : i32
      %get3A_2970 = arith.index_cast %get3A_2969 : i32 to index
      %get3A_2971 = arith.constant 0 : index
      %get3A_2972 = tpu.vector_load %arg13[%get3A_2970, %get3A_2971] {strides = array<i32>} : memref<128x128xf32, #tpu.memory_space<vmem>>, vector<1x16xf32>,
      %get3A_2973 = vector.shape_cast %get3A_2972 : vector<1x16xf32> to vector<16xf32>
      %sub3A_2974 = arith.subf %get3A_2973, %get3A_2776 : vector<16xf32>
      %swap3A_2975 = arith.constant 112 : i32
      %swap3A_2976 = arith.index_cast %swap3A_2975 : i32 to index
      %swap3A_2977 = arith.constant 0 : index
      %swap3A_2978 = tpu.vector_load %arg15[%swap3A_2976, %swap3A_2977] {strides = array<i32>} : memref<128x16xf32, #tpu.memory_space<vmem>>, vector<1x16xf32>,
      %swap3A_2979 = vector.shape_cast %swap3A_2978 : vector<1x16xf32> to vector<16xf32>
      %swap3A_2980 = vector.shape_cast %sub3A_2974 : vector<16xf32> to vector<1x16xf32>
      tpu.vector_store %arg15[%swap3A_2976, %swap3A_2977], %swap3A_2980 {strides = array<i32>} : memref<128x16xf32, #tpu.memory_space<vmem>>, vector<1x16xf32>,
      %get3A_2981 = arith.constant 113 : i32
      %get3A_2982 = arith.index_cast %get3A_2981 : i32 to index
      %get3A_2983 = arith.constant 0 : index
      %get3A_2984 = tpu.vector_load %arg13[%get3A_2982, %get3A_2983] {strides = array<i32>} : memref<128x128xf32, #tpu.memory_space<vmem>>, vector<1x16xf32>,
      %get3A_2985 = vector.shape_cast %get3A_2984 : vector<1x16xf32> to vector<16xf32>
      %sub3A_2986 = arith.subf %get3A_2985, %get3A_2776 : vector<16xf32>
      %swap3A_2987 = arith.constant 113 : i32
      %swap3A_2988 = arith.index_cast %swap3A_2987 : i32 to index
      %swap3A_2989 = arith.constant 0 : index
      %swap3A_2990 = tpu.vector_load %arg15[%swap3A_2988, %swap3A_2989] {strides = array<i32>} : memref<128x16xf32, #tpu.memory_space<vmem>>, vector<1x16xf32>,
      %swap3A_2991 = vector.shape_cast %swap3A_2990 : vector<1x16xf32> to vector<16xf32>
      %swap3A_2992 = vector.shape_cast %sub3A_2986 : vector<16xf32> to vector<1x16xf32>
      tpu.vector_store %arg15[%swap3A_2988, %swap3A_2989], %swap3A_2992 {strides = array<i32>} : memref<128x16xf32, #tpu.memory_space<vmem>>, vector<1x16xf32>,
      %get3A_2993 = arith.constant 114 : i32
      %get3A_2994 = arith.index_cast %get3A_2993 : i32 to index
      %get3A_2995 = arith.constant 0 : index
      %get3A_2996 = tpu.vector_load %arg13[%get3A_2994, %get3A_2995] {strides = array<i32>} : memref<128x128xf32, #tpu.memory_space<vmem>>, vector<1x16xf32>,
      %get3A_2997 = vector.shape_cast %get3A_2996 : vector<1x16xf32> to vector<16xf32>
      %sub3A_2998 = arith.subf %get3A_2997, %get3A_2776 : vector<16xf32>
      %swap3A_2999 = arith.constant 114 : i32
      %swap3A_3000 = arith.index_cast %swap3A_2999 : i32 to index
      %swap3A_3001 = arith.constant 0 : index
      %swap3A_3002 = tpu.vector_load %arg15[%swap3A_3000, %swap3A_3001] {strides = array<i32>} : memref<128x16xf32, #tpu.memory_space<vmem>>, vector<1x16xf32>,
      %swap3A_3003 = vector.shape_cast %swap3A_3002 : vector<1x16xf32> to vector<16xf32>
      %swap3A_3004 = vector.shape_cast %sub3A_2998 : vector<16xf32> to vector<1x16xf32>
      tpu.vector_store %arg15[%swap3A_3000, %swap3A_3001], %swap3A_3004 {strides = array<i32>} : memref<128x16xf32, #tpu.memory_space<vmem>>, vector<1x16xf32>,
      %get3A_3005 = arith.constant 115 : i32
      %get3A_3006 = arith.index_cast %get3A_3005 : i32 to index
      %get3A_3007 = arith.constant 0 : index
      %get3A_3008 = tpu.vector_load %arg13[%get3A_3006, %get3A_3007] {strides = array<i32>} : memref<128x128xf32, #tpu.memory_space<vmem>>, vector<1x16xf32>,
      %get3A_3009 = vector.shape_cast %get3A_3008 : vector<1x16xf32> to vector<16xf32>
      %sub3A_3010 = arith.subf %get3A_3009, %get3A_2776 : vector<16xf32>
      %swap3A_3011 = arith.constant 115 : i32
      %swap3A_3012 = arith.index_cast %swap3A_3011 : i32 to index
      %swap3A_3013 = arith.constant 0 : index
      %swap3A_3014 = tpu.vector_load %arg15[%swap3A_3012, %swap3A_3013] {strides = array<i32>} : memref<128x16xf32, #tpu.memory_space<vmem>>, vector<1x16xf32>,
      %swap3A_3015 = vector.shape_cast %swap3A_3014 : vector<1x16xf32> to vector<16xf32>
      %swap3A_3016 = vector.shape_cast %sub3A_3010 : vector<16xf32> to vector<1x16xf32>
      tpu.vector_store %arg15[%swap3A_3012, %swap3A_3013], %swap3A_3016 {strides = array<i32>} : memref<128x16xf32, #tpu.memory_space<vmem>>, vector<1x16xf32>,
      %get3A_3017 = arith.constant 116 : i32
      %get3A_3018 = arith.index_cast %get3A_3017 : i32 to index
      %get3A_3019 = arith.constant 0 : index
      %get3A_3020 = tpu.vector_load %arg13[%get3A_3018, %get3A_3019] {strides = array<i32>} : memref<128x128xf32, #tpu.memory_space<vmem>>, vector<1x16xf32>,
      %get3A_3021 = vector.shape_cast %get3A_3020 : vector<1x16xf32> to vector<16xf32>
      %sub3A_3022 = arith.subf %get3A_3021, %get3A_2776 : vector<16xf32>
      %swap3A_3023 = arith.constant 116 : i32
      %swap3A_3024 = arith.index_cast %swap3A_3023 : i32 to index
      %swap3A_3025 = arith.constant 0 : index
      %swap3A_3026 = tpu.vector_load %arg15[%swap3A_3024, %swap3A_3025] {strides = array<i32>} : memref<128x16xf32, #tpu.memory_space<vmem>>, vector<1x16xf32>,
      %swap3A_3027 = vector.shape_cast %swap3A_3026 : vector<1x16xf32> to vector<16xf32>
      %swap3A_3028 = vector.shape_cast %sub3A_3022 : vector<16xf32> to vector<1x16xf32>
      tpu.vector_store %arg15[%swap3A_3024, %swap3A_3025], %swap3A_3028 {strides = array<i32>} : memref<128x16xf32, #tpu.memory_space<vmem>>, vector<1x16xf32>,
      %get3A_3029 = arith.constant 117 : i32
      %get3A_3030 = arith.index_cast %get3A_3029 : i32 to index
      %get3A_3031 = arith.constant 0 : index
      %get3A_3032 = tpu.vector_load %arg13[%get3A_3030, %get3A_3031] {strides = array<i32>} : memref<128x128xf32, #tpu.memory_space<vmem>>, vector<1x16xf32>,
      %get3A_3033 = vector.shape_cast %get3A_3032 : vector<1x16xf32> to vector<16xf32>
      %sub3A_3034 = arith.subf %get3A_3033, %get3A_2776 : vector<16xf32>
      %swap3A_3035 = arith.constant 117 : i32
      %swap3A_3036 = arith.index_cast %swap3A_3035 : i32 to index
      %swap3A_3037 = arith.constant 0 : index
      %swap3A_3038 = tpu.vector_load %arg15[%swap3A_3036, %swap3A_3037] {strides = array<i32>} : memref<128x16xf32, #tpu.memory_space<vmem>>, vector<1x16xf32>,
      %swap3A_3039 = vector.shape_cast %swap3A_3038 : vector<1x16xf32> to vector<16xf32>
      %swap3A_3040 = vector.shape_cast %sub3A_3034 : vector<16xf32> to vector<1x16xf32>
      tpu.vector_store %arg15[%swap3A_3036, %swap3A_3037], %swap3A_3040 {strides = array<i32>} : memref<128x16xf32, #tpu.memory_space<vmem>>, vector<1x16xf32>,
      %get3A_3041 = arith.constant 118 : i32
      %get3A_3042 = arith.index_cast %get3A_3041 : i32 to index
      %get3A_3043 = arith.constant 0 : index
      %get3A_3044 = tpu.vector_load %arg13[%get3A_3042, %get3A_3043] {strides = array<i32>} : memref<128x128xf32, #tpu.memory_space<vmem>>, vector<1x16xf32>,
      %get3A_3045 = vector.shape_cast %get3A_3044 : vector<1x16xf32> to vector<16xf32>
      %sub3A_3046 = arith.subf %get3A_3045, %get3A_2776 : vector<16xf32>
      %swap3A_3047 = arith.constant 118 : i32
      %swap3A_3048 = arith.index_cast %swap3A_3047 : i32 to index
      %swap3A_3049 = arith.constant 0 : index
      %swap3A_3050 = tpu.vector_load %arg15[%swap3A_3048, %swap3A_3049] {strides = array<i32>} : memref<128x16xf32, #tpu.memory_space<vmem>>, vector<1x16xf32>,
      %swap3A_3051 = vector.shape_cast %swap3A_3050 : vector<1x16xf32> to vector<16xf32>
      %swap3A_3052 = vector.shape_cast %sub3A_3046 : vector<16xf32> to vector<1x16xf32>
      tpu.vector_store %arg15[%swap3A_3048, %swap3A_3049], %swap3A_3052 {strides = array<i32>} : memref<128x16xf32, #tpu.memory_space<vmem>>, vector<1x16xf32>,
      %get3A_3053 = arith.constant 119 : i32
      %get3A_3054 = arith.index_cast %get3A_3053 : i32 to index
      %get3A_3055 = arith.constant 0 : index
      %get3A_3056 = tpu.vector_load %arg13[%get3A_3054, %get3A_3055] {strides = array<i32>} : memref<128x128xf32, #tpu.memory_space<vmem>>, vector<1x16xf32>,
      %get3A_3057 = vector.shape_cast %get3A_3056 : vector<1x16xf32> to vector<16xf32>
      %sub3A_3058 = arith.subf %get3A_3057, %get3A_2776 : vector<16xf32>
      %swap3A_3059 = arith.constant 119 : i32
      %swap3A_3060 = arith.index_cast %swap3A_3059 : i32 to index
      %swap3A_3061 = arith.constant 0 : index
      %swap3A_3062 = tpu.vector_load %arg15[%swap3A_3060, %swap3A_3061] {strides = array<i32>} : memref<128x16xf32, #tpu.memory_space<vmem>>, vector<1x16xf32>,
      %swap3A_3063 = vector.shape_cast %swap3A_3062 : vector<1x16xf32> to vector<16xf32>
      %swap3A_3064 = vector.shape_cast %sub3A_3058 : vector<16xf32> to vector<1x16xf32>
      tpu.vector_store %arg15[%swap3A_3060, %swap3A_3061], %swap3A_3064 {strides = array<i32>} : memref<128x16xf32, #tpu.memory_space<vmem>>, vector<1x16xf32>,
      %get3A_3065 = arith.constant 120 : i32
      %get3A_3066 = arith.index_cast %get3A_3065 : i32 to index
      %get3A_3067 = arith.constant 0 : index
      %get3A_3068 = tpu.vector_load %arg13[%get3A_3066, %get3A_3067] {strides = array<i32>} : memref<128x128xf32, #tpu.memory_space<vmem>>, vector<1x16xf32>,
      %get3A_3069 = vector.shape_cast %get3A_3068 : vector<1x16xf32> to vector<16xf32>
      %sub3A_3070 = arith.subf %get3A_3069, %get3A_2776 : vector<16xf32>
      %swap3A_3071 = arith.constant 120 : i32
      %swap3A_3072 = arith.index_cast %swap3A_3071 : i32 to index
      %swap3A_3073 = arith.constant 0 : index
      %swap3A_3074 = tpu.vector_load %arg15[%swap3A_3072, %swap3A_3073] {strides = array<i32>} : memref<128x16xf32, #tpu.memory_space<vmem>>, vector<1x16xf32>,
      %swap3A_3075 = vector.shape_cast %swap3A_3074 : vector<1x16xf32> to vector<16xf32>
      %swap3A_3076 = vector.shape_cast %sub3A_3070 : vector<16xf32> to vector<1x16xf32>
      tpu.vector_store %arg15[%swap3A_3072, %swap3A_3073], %swap3A_3076 {strides = array<i32>} : memref<128x16xf32, #tpu.memory_space<vmem>>, vector<1x16xf32>,
      %get3A_3077 = arith.constant 121 : i32
      %get3A_3078 = arith.index_cast %get3A_3077 : i32 to index
      %get3A_3079 = arith.constant 0 : index
      %get3A_3080 = tpu.vector_load %arg13[%get3A_3078, %get3A_3079] {strides = array<i32>} : memref<128x128xf32, #tpu.memory_space<vmem>>, vector<1x16xf32>,
      %get3A_3081 = vector.shape_cast %get3A_3080 : vector<1x16xf32> to vector<16xf32>
      %sub3A_3082 = arith.subf %get3A_3081, %get3A_2776 : vector<16xf32>
      %swap3A_3083 = arith.constant 121 : i32
      %swap3A_3084 = arith.index_cast %swap3A_3083 : i32 to index
      %swap3A_3085 = arith.constant 0 : index
      %swap3A_3086 = tpu.vector_load %arg15[%swap3A_3084, %swap3A_3085] {strides = array<i32>} : memref<128x16xf32, #tpu.memory_space<vmem>>, vector<1x16xf32>,
      %swap3A_3087 = vector.shape_cast %swap3A_3086 : vector<1x16xf32> to vector<16xf32>
      %swap3A_3088 = vector.shape_cast %sub3A_3082 : vector<16xf32> to vector<1x16xf32>
      tpu.vector_store %arg15[%swap3A_3084, %swap3A_3085], %swap3A_3088 {strides = array<i32>} : memref<128x16xf32, #tpu.memory_space<vmem>>, vector<1x16xf32>,
      %get3A_3089 = arith.constant 122 : i32
      %get3A_3090 = arith.index_cast %get3A_3089 : i32 to index
      %get3A_3091 = arith.constant 0 : index
      %get3A_3092 = tpu.vector_load %arg13[%get3A_3090, %get3A_3091] {strides = array<i32>} : memref<128x128xf32, #tpu.memory_space<vmem>>, vector<1x16xf32>,
      %get3A_3093 = vector.shape_cast %get3A_3092 : vector<1x16xf32> to vector<16xf32>
      %sub3A_3094 = arith.subf %get3A_3093, %get3A_2776 : vector<16xf32>
      %swap3A_3095 = arith.constant 122 : i32
      %swap3A_3096 = arith.index_cast %swap3A_3095 : i32 to index
      %swap3A_3097 = arith.constant 0 : index
      %swap3A_3098 = tpu.vector_load %arg15[%swap3A_3096, %swap3A_3097] {strides = array<i32>} : memref<128x16xf32, #tpu.memory_space<vmem>>, vector<1x16xf32>,
      %swap3A_3099 = vector.shape_cast %swap3A_3098 : vector<1x16xf32> to vector<16xf32>
      %swap3A_3100 = vector.shape_cast %sub3A_3094 : vector<16xf32> to vector<1x16xf32>
      tpu.vector_store %arg15[%swap3A_3096, %swap3A_3097], %swap3A_3100 {strides = array<i32>} : memref<128x16xf32, #tpu.memory_space<vmem>>, vector<1x16xf32>,
      %get3A_3101 = arith.constant 123 : i32
      %get3A_3102 = arith.index_cast %get3A_3101 : i32 to index
      %get3A_3103 = arith.constant 0 : index
      %get3A_3104 = tpu.vector_load %arg13[%get3A_3102, %get3A_3103] {strides = array<i32>} : memref<128x128xf32, #tpu.memory_space<vmem>>, vector<1x16xf32>,
      %get3A_3105 = vector.shape_cast %get3A_3104 : vector<1x16xf32> to vector<16xf32>
      %sub3A_3106 = arith.subf %get3A_3105, %get3A_2776 : vector<16xf32>
      %swap3A_3107 = arith.constant 123 : i32
      %swap3A_3108 = arith.index_cast %swap3A_3107 : i32 to index
      %swap3A_3109 = arith.constant 0 : index
      %swap3A_3110 = tpu.vector_load %arg15[%swap3A_3108, %swap3A_3109] {strides = array<i32>} : memref<128x16xf32, #tpu.memory_space<vmem>>, vector<1x16xf32>,
      %swap3A_3111 = vector.shape_cast %swap3A_3110 : vector<1x16xf32> to vector<16xf32>
      %swap3A_3112 = vector.shape_cast %sub3A_3106 : vector<16xf32> to vector<1x16xf32>
      tpu.vector_store %arg15[%swap3A_3108, %swap3A_3109], %swap3A_3112 {strides = array<i32>} : memref<128x16xf32, #tpu.memory_space<vmem>>, vector<1x16xf32>,
      %get3A_3113 = arith.constant 124 : i32
      %get3A_3114 = arith.index_cast %get3A_3113 : i32 to index
      %get3A_3115 = arith.constant 0 : index
      %get3A_3116 = tpu.vector_load %arg13[%get3A_3114, %get3A_3115] {strides = array<i32>} : memref<128x128xf32, #tpu.memory_space<vmem>>, vector<1x16xf32>,
      %get3A_3117 = vector.shape_cast %get3A_3116 : vector<1x16xf32> to vector<16xf32>
      %sub3A_3118 = arith.subf %get3A_3117, %get3A_2776 : vector<16xf32>
      %swap3A_3119 = arith.constant 124 : i32
      %swap3A_3120 = arith.index_cast %swap3A_3119 : i32 to index
      %swap3A_3121 = arith.constant 0 : index
      %swap3A_3122 = tpu.vector_load %arg15[%swap3A_3120, %swap3A_3121] {strides = array<i32>} : memref<128x16xf32, #tpu.memory_space<vmem>>, vector<1x16xf32>,
      %swap3A_3123 = vector.shape_cast %swap3A_3122 : vector<1x16xf32> to vector<16xf32>
      %swap3A_3124 = vector.shape_cast %sub3A_3118 : vector<16xf32> to vector<1x16xf32>
      tpu.vector_store %arg15[%swap3A_3120, %swap3A_3121], %swap3A_3124 {strides = array<i32>} : memref<128x16xf32, #tpu.memory_space<vmem>>, vector<1x16xf32>,
      %get3A_3125 = arith.constant 125 : i32
      %get3A_3126 = arith.index_cast %get3A_3125 : i32 to index
      %get3A_3127 = arith.constant 0 : index
      %get3A_3128 = tpu.vector_load %arg13[%get3A_3126, %get3A_3127] {strides = array<i32>} : memref<128x128xf32, #tpu.memory_space<vmem>>, vector<1x16xf32>,
      %get3A_3129 = vector.shape_cast %get3A_3128 : vector<1x16xf32> to vector<16xf32>
      %sub3A_3130 = arith.subf %get3A_3129, %get3A_2776 : vector<16xf32>
      %swap3A_3131 = arith.constant 125 : i32
      %swap3A_3132 = arith.index_cast %swap3A_3131 : i32 to index
      %swap3A_3133 = arith.constant 0 : index
      %swap3A_3134 = tpu.vector_load %arg15[%swap3A_3132, %swap3A_3133] {strides = array<i32>} : memref<128x16xf32, #tpu.memory_space<vmem>>, vector<1x16xf32>,
      %swap3A_3135 = vector.shape_cast %swap3A_3134 : vector<1x16xf32> to vector<16xf32>
      %swap3A_3136 = vector.shape_cast %sub3A_3130 : vector<16xf32> to vector<1x16xf32>
      tpu.vector_store %arg15[%swap3A_3132, %swap3A_3133], %swap3A_3136 {strides = array<i32>} : memref<128x16xf32, #tpu.memory_space<vmem>>, vector<1x16xf32>,
      %get3A_3137 = arith.constant 126 : i32
      %get3A_3138 = arith.index_cast %get3A_3137 : i32 to index
      %get3A_3139 = arith.constant 0 : index
      %get3A_3140 = tpu.vector_load %arg13[%get3A_3138, %get3A_3139] {strides = array<i32>} : memref<128x128xf32, #tpu.memory_space<vmem>>, vector<1x16xf32>,
      %get3A_3141 = vector.shape_cast %get3A_3140 : vector<1x16xf32> to vector<16xf32>
      %sub3A_3142 = arith.subf %get3A_3141, %get3A_2776 : vector<16xf32>
      %swap3A_3143 = arith.constant 126 : i32
      %swap3A_3144 = arith.index_cast %swap3A_3143 : i32 to index
      %swap3A_3145 = arith.constant 0 : index
      %swap3A_3146 = tpu.vector_load %arg15[%swap3A_3144, %swap3A_3145] {strides = array<i32>} : memref<128x16xf32, #tpu.memory_space<vmem>>, vector<1x16xf32>,
      %swap3A_3147 = vector.shape_cast %swap3A_3146 : vector<1x16xf32> to vector<16xf32>
      %swap3A_3148 = vector.shape_cast %sub3A_3142 : vector<16xf32> to vector<1x16xf32>
      tpu.vector_store %arg15[%swap3A_3144, %swap3A_3145], %swap3A_3148 {strides = array<i32>} : memref<128x16xf32, #tpu.memory_space<vmem>>, vector<1x16xf32>,
      %get3A_3149 = arith.constant 127 : i32
      %get3A_3150 = arith.index_cast %get3A_3149 : i32 to index
      %get3A_3151 = arith.constant 0 : index
      %get3A_3152 = tpu.vector_load %arg13[%get3A_3150, %get3A_3151] {strides = array<i32>} : memref<128x128xf32, #tpu.memory_space<vmem>>, vector<1x16xf32>,
      %get3A_3153 = vector.shape_cast %get3A_3152 : vector<1x16xf32> to vector<16xf32>
      %sub3A_3154 = arith.subf %get3A_3153, %get3A_2776 : vector<16xf32>
      %swap3A_3155 = arith.constant 127 : i32
      %swap3A_3156 = arith.index_cast %swap3A_3155 : i32 to index
      %swap3A_3157 = arith.constant 0 : index
      %swap3A_3158 = tpu.vector_load %arg15[%swap3A_3156, %swap3A_3157] {strides = array<i32>} : memref<128x16xf32, #tpu.memory_space<vmem>>, vector<1x16xf32>,
      %swap3A_3159 = vector.shape_cast %swap3A_3158 : vector<1x16xf32> to vector<16xf32>
      %swap3A_3160 = vector.shape_cast %sub3A_3154 : vector<16xf32> to vector<1x16xf32>
      tpu.vector_store %arg15[%swap3A_3156, %swap3A_3157], %swap3A_3160 {strides = array<i32>} : memref<128x16xf32, #tpu.memory_space<vmem>>, vector<1x16xf32>,
      "tpu.region"() ({
        %run_scoped3A = tpu.sem_alloc : memref<!tpu.dma_semaphore, #tpu.memory_space<semaphore_mem>>
        %dma_start3A_3164 = arith.constant 0 : i32
        %dma_start3A_3165 = tpu.memref_slice %arg7[%add3A_1601, %dma_start3A_3164] : memref<131072x16xf32, #tpu.memory_space<hbm>> -> memref<128x16xf32, #tpu.memory_space<hbm>>
        %dma_start3A_3166 = arith.constant 0 : i32
        %dma_start3A_3167 = tpu.memref_slice %arg7[%add3A_1601, %dma_start3A_3166] : memref<131072x16xf32, #tpu.memory_space<hbm>> -> memref<128x16xf32, #tpu.memory_space<hbm>>
        tpu.enqueue_dma source(%arg15 : memref<128x16xf32, #tpu.memory_space<vmem>>) target(%dma_start3A_3167 : memref<128x16xf32, #tpu.memory_space<hbm>>) target_semaphore(%run_scoped3A : memref<!tpu.dma_semaphore, #tpu.memory_space<semaphore_mem>>)
        %dma_wait3A_3168 = arith.constant 0 : i32
        %dma_wait3A_3169 = tpu.memref_slice %arg7[%add3A_1601, %dma_wait3A_3168] : memref<131072x16xf32, #tpu.memory_space<hbm>> -> memref<128x16xf32, #tpu.memory_space<hbm>>
        %dma_wait3A_3170 = arith.constant 0 : i32
        %dma_wait3A_3171 = tpu.memref_slice %arg7[%add3A_1601, %dma_wait3A_3170] : memref<131072x16xf32, #tpu.memory_space<hbm>> -> memref<128x16xf32, #tpu.memory_space<hbm>>
        tpu.wait_dma2 semaphore(%run_scoped3A : memref<!tpu.dma_semaphore, #tpu.memory_space<semaphore_mem>>) src(%arg15 : memref<128x16xf32, #tpu.memory_space<vmem>>) dst(%dma_wait3A_3171 : memref<128x16xf32, #tpu.memory_space<hbm>>)
        tpu.yield
      }) : () -> ()
      %dma_wait3A_3161 = arith.constant 0 : i32
      %dma_wait3A_3162 = arith.constant 0 : i32
      %dma_wait3A_3163 = tpu.memref_slice %arg3[%dma_wait3A_3161, %dma_wait3A_3162] : memref<32768x128xf32, #tpu.memory_space<hbm>> -> memref<32768x128xf32, #tpu.memory_space<hbm>>
      tpu.wait_indirect_dma semaphore(%arg17 : memref<!tpu.dma_semaphore, #tpu.memory_space<semaphore_mem>>) src(%dma_wait3A_3163 : memref<32768x128xf32, #tpu.memory_space<hbm>>) dst(%arg11 : memref<128x128xf32, #tpu.memory_space<vmem>>)
      "tpu.region"() ({
        %run_scoped3A = tpu.sem_alloc : memref<!tpu.dma_semaphore, #tpu.memory_space<semaphore_mem>>
        %dma_start3A_3164 = arith.constant 0 : i32
        %dma_start3A_3165 = tpu.memref_slice %arg6[%add3A_1601, %dma_start3A_3164] : memref<131072x128xf32, #tpu.memory_space<hbm>> -> memref<128x128xf32, #tpu.memory_space<hbm>>
        %dma_start3A_3166 = arith.constant 0 : i32
        %dma_start3A_3167 = tpu.memref_slice %arg6[%add3A_1601, %dma_start3A_3166] : memref<131072x128xf32, #tpu.memory_space<hbm>> -> memref<128x128xf32, #tpu.memory_space<hbm>>
        tpu.enqueue_dma source(%arg11 : memref<128x128xf32, #tpu.memory_space<vmem>>) target(%dma_start3A_3167 : memref<128x128xf32, #tpu.memory_space<hbm>>) target_semaphore(%run_scoped3A : memref<!tpu.dma_semaphore, #tpu.memory_space<semaphore_mem>>)
        %dma_wait3A_3168 = arith.constant 0 : i32
        %dma_wait3A_3169 = tpu.memref_slice %arg6[%add3A_1601, %dma_wait3A_3168] : memref<131072x128xf32, #tpu.memory_space<hbm>> -> memref<128x128xf32, #tpu.memory_space<hbm>>
        %dma_wait3A_3170 = arith.constant 0 : i32
        %dma_wait3A_3171 = tpu.memref_slice %arg6[%add3A_1601, %dma_wait3A_3170] : memref<131072x128xf32, #tpu.memory_space<hbm>> -> memref<128x128xf32, #tpu.memory_space<hbm>>
        tpu.wait_dma2 semaphore(%run_scoped3A : memref<!tpu.dma_semaphore, #tpu.memory_space<semaphore_mem>>) src(%arg11 : memref<128x128xf32, #tpu.memory_space<vmem>>) dst(%dma_wait3A_3171 : memref<128x128xf32, #tpu.memory_space<hbm>>)
        tpu.yield
      }) : () -> ()
    }
    %scan3A_16 = arith.constant 16 : i32
    return
  }
}

module attributes {stable_mosaic.version = 14 : i64} {
  func.func @_knn_body(%arg0: i32, %arg1: memref<1x3x4096xf32, #tpu.memory_space<vmem>>, %arg2: memref<1x512x3xf32, #tpu.memory_space<vmem>>, %arg3: memref<1x512x32xi32, #tpu.memory_space<vmem>>) attributes {dimension_semantics = [#tpu.dimension_semantics<arbitrary>], iteration_bounds = array<i64: 8>, scalar_prefetch = 0 : i64, scratch_operands = 0 : i64, tpu.core_type = #tpu.core_type<tc>, window_params = [{transform_indices = @transform_0, window_bounds = array<i64: 1, 3, 4096>}, {transform_indices = @transform_1, window_bounds = array<i64: 1, 512, 3>}, {transform_indices = @transform_2, window_bounds = array<i64: 1, 512, 32>}]} {
    %get3A = arith.constant 0 : index
    %get3A_0 = arith.constant 0 : index
    %get3A_1 = arith.constant 0 : index
    %get3A_2 = vector.load %arg1[%get3A, %get3A_0, %get3A_1] : memref<1x3x4096xf32, #tpu.memory_space<vmem>>, vector<1x3x4096xf32>
    %get3A_3 = vector.shape_cast %get3A_2 : vector<1x3x4096xf32> to vector<3x4096xf32>
    %get3A_4 = arith.constant 0 : index
    %get3A_5 = arith.constant 0 : index
    %get3A_6 = arith.constant 0 : index
    %get3A_7 = vector.load %arg2[%get3A_4, %get3A_5, %get3A_6] : memref<1x512x3xf32, #tpu.memory_space<vmem>>, vector<1x512x3xf32>
    %get3A_8 = vector.shape_cast %get3A_7 : vector<1x512x3xf32> to vector<512x3xf32>
    %mul3A = arith.mulf %get3A_3, %get3A_3 : vector<3x4096xf32>
    %slice3A = vector.extract_strided_slice %mul3A {offsets = [0, 0], sizes = [1, 4096], strides = [1, 1]} : vector<3x4096xf32> to vector<1x4096xf32>
    %slice3A_9 = vector.extract_strided_slice %mul3A {offsets = [1, 0], sizes = [1, 4096], strides = [1, 1]} : vector<3x4096xf32> to vector<1x4096xf32>
    %add3A = arith.addf %slice3A, %slice3A_9 : vector<1x4096xf32>
    %slice3A_10 = vector.extract_strided_slice %mul3A {offsets = [2, 0], sizes = [1, 4096], strides = [1, 1]} : vector<3x4096xf32> to vector<1x4096xf32>
    %add3A_11 = arith.addf %add3A, %slice3A_10 : vector<1x4096xf32>
    %mul3A_12 = arith.mulf %get3A_8, %get3A_8 : vector<512x3xf32>
    %reduce_sum3A = arith.constant dense<0.000000e+00> : vector<512xf32>
    %reduce_sum3A_13 = vector.multi_reduction <add>, %mul3A_12, %reduce_sum3A [1] : vector<512x3xf32> to vector<512xf32>
    %broadcast_in_dim3A = vector.shape_cast %reduce_sum3A_13 : vector<512xf32> to vector<512x1xf32>
    %dot_general3A = arith.constant dense<0.000000e+00> : vector<512x4096xf32>
    %dot_general3A_14 = tpu.matmul %get3A_8, %get3A_3, %dot_general3A {dimension_numbers = #tpu.dot_dimension_numbers<[1], [0], [0], [1], [0, 0, 1, 1], [], []>, transpose_lhs_hint = false} : vector<512x3xf32>, vector<3x4096xf32>, vector<512x4096xf32> -> vector<512x4096xf32>
    %mul3A_15 = arith.constant -2.000000e+00 : f32
    %mul3A_16 = vector.broadcast %mul3A_15 : f32 to vector<512x4096xf32>
    %mul3A_17 = arith.mulf %mul3A_16, %dot_general3A_14 : vector<512x4096xf32>
    %add3A_18 = vector.broadcast %broadcast_in_dim3A : vector<512x1xf32> to vector<512x4096xf32>
    %add3A_19 = arith.addf %mul3A_17, %add3A_18 : vector<512x4096xf32>
    %add3A_20 = vector.broadcast %add3A_11 : vector<1x4096xf32> to vector<512x4096xf32>
    %add3A_21 = arith.addf %add3A_19, %add3A_20 : vector<512x4096xf32>
    %iota3A = tpu.iota {dimensions = array<i32: 1>} : vector<512x32xi32>
    %slice3A_22 = vector.extract_strided_slice %add3A_21 {offsets = [0, 0], sizes = [512, 128], strides = [1, 1]} : vector<512x4096xf32> to vector<512x128xf32>
    %slice3A_23 = vector.extract_strided_slice %add3A_21 {offsets = [0, 128], sizes = [512, 128], strides = [1, 1]} : vector<512x4096xf32> to vector<512x128xf32>
    %slice3A_24 = vector.extract_strided_slice %add3A_21 {offsets = [0, 256], sizes = [512, 128], strides = [1, 1]} : vector<512x4096xf32> to vector<512x128xf32>
    %slice3A_25 = vector.extract_strided_slice %add3A_21 {offsets = [0, 384], sizes = [512, 128], strides = [1, 1]} : vector<512x4096xf32> to vector<512x128xf32>
    %slice3A_26 = vector.extract_strided_slice %add3A_21 {offsets = [0, 512], sizes = [512, 128], strides = [1, 1]} : vector<512x4096xf32> to vector<512x128xf32>
    %slice3A_27 = vector.extract_strided_slice %add3A_21 {offsets = [0, 640], sizes = [512, 128], strides = [1, 1]} : vector<512x4096xf32> to vector<512x128xf32>
    %slice3A_28 = vector.extract_strided_slice %add3A_21 {offsets = [0, 768], sizes = [512, 128], strides = [1, 1]} : vector<512x4096xf32> to vector<512x128xf32>
    %slice3A_29 = vector.extract_strided_slice %add3A_21 {offsets = [0, 896], sizes = [512, 128], strides = [1, 1]} : vector<512x4096xf32> to vector<512x128xf32>
    %slice3A_30 = vector.extract_strided_slice %add3A_21 {offsets = [0, 1024], sizes = [512, 128], strides = [1, 1]} : vector<512x4096xf32> to vector<512x128xf32>
    %slice3A_31 = vector.extract_strided_slice %add3A_21 {offsets = [0, 1152], sizes = [512, 128], strides = [1, 1]} : vector<512x4096xf32> to vector<512x128xf32>
    %slice3A_32 = vector.extract_strided_slice %add3A_21 {offsets = [0, 1280], sizes = [512, 128], strides = [1, 1]} : vector<512x4096xf32> to vector<512x128xf32>
    %slice3A_33 = vector.extract_strided_slice %add3A_21 {offsets = [0, 1408], sizes = [512, 128], strides = [1, 1]} : vector<512x4096xf32> to vector<512x128xf32>
    %slice3A_34 = vector.extract_strided_slice %add3A_21 {offsets = [0, 1536], sizes = [512, 128], strides = [1, 1]} : vector<512x4096xf32> to vector<512x128xf32>
    %slice3A_35 = vector.extract_strided_slice %add3A_21 {offsets = [0, 1664], sizes = [512, 128], strides = [1, 1]} : vector<512x4096xf32> to vector<512x128xf32>
    %slice3A_36 = vector.extract_strided_slice %add3A_21 {offsets = [0, 1792], sizes = [512, 128], strides = [1, 1]} : vector<512x4096xf32> to vector<512x128xf32>
    %slice3A_37 = vector.extract_strided_slice %add3A_21 {offsets = [0, 1920], sizes = [512, 128], strides = [1, 1]} : vector<512x4096xf32> to vector<512x128xf32>
    %slice3A_38 = vector.extract_strided_slice %add3A_21 {offsets = [0, 2048], sizes = [512, 128], strides = [1, 1]} : vector<512x4096xf32> to vector<512x128xf32>
    %slice3A_39 = vector.extract_strided_slice %add3A_21 {offsets = [0, 2176], sizes = [512, 128], strides = [1, 1]} : vector<512x4096xf32> to vector<512x128xf32>
    %slice3A_40 = vector.extract_strided_slice %add3A_21 {offsets = [0, 2304], sizes = [512, 128], strides = [1, 1]} : vector<512x4096xf32> to vector<512x128xf32>
    %slice3A_41 = vector.extract_strided_slice %add3A_21 {offsets = [0, 2432], sizes = [512, 128], strides = [1, 1]} : vector<512x4096xf32> to vector<512x128xf32>
    %slice3A_42 = vector.extract_strided_slice %add3A_21 {offsets = [0, 2560], sizes = [512, 128], strides = [1, 1]} : vector<512x4096xf32> to vector<512x128xf32>
    %slice3A_43 = vector.extract_strided_slice %add3A_21 {offsets = [0, 2688], sizes = [512, 128], strides = [1, 1]} : vector<512x4096xf32> to vector<512x128xf32>
    %slice3A_44 = vector.extract_strided_slice %add3A_21 {offsets = [0, 2816], sizes = [512, 128], strides = [1, 1]} : vector<512x4096xf32> to vector<512x128xf32>
    %slice3A_45 = vector.extract_strided_slice %add3A_21 {offsets = [0, 2944], sizes = [512, 128], strides = [1, 1]} : vector<512x4096xf32> to vector<512x128xf32>
    %slice3A_46 = vector.extract_strided_slice %add3A_21 {offsets = [0, 3072], sizes = [512, 128], strides = [1, 1]} : vector<512x4096xf32> to vector<512x128xf32>
    %slice3A_47 = vector.extract_strided_slice %add3A_21 {offsets = [0, 3200], sizes = [512, 128], strides = [1, 1]} : vector<512x4096xf32> to vector<512x128xf32>
    %slice3A_48 = vector.extract_strided_slice %add3A_21 {offsets = [0, 3328], sizes = [512, 128], strides = [1, 1]} : vector<512x4096xf32> to vector<512x128xf32>
    %slice3A_49 = vector.extract_strided_slice %add3A_21 {offsets = [0, 3456], sizes = [512, 128], strides = [1, 1]} : vector<512x4096xf32> to vector<512x128xf32>
    %slice3A_50 = vector.extract_strided_slice %add3A_21 {offsets = [0, 3584], sizes = [512, 128], strides = [1, 1]} : vector<512x4096xf32> to vector<512x128xf32>
    %slice3A_51 = vector.extract_strided_slice %add3A_21 {offsets = [0, 3712], sizes = [512, 128], strides = [1, 1]} : vector<512x4096xf32> to vector<512x128xf32>
    %slice3A_52 = vector.extract_strided_slice %add3A_21 {offsets = [0, 3840], sizes = [512, 128], strides = [1, 1]} : vector<512x4096xf32> to vector<512x128xf32>
    %slice3A_53 = vector.extract_strided_slice %add3A_21 {offsets = [0, 3968], sizes = [512, 128], strides = [1, 1]} : vector<512x4096xf32> to vector<512x128xf32>
    %iota3A_54 = tpu.iota {dimensions = array<i32: 1>} : vector<512x128xi32>
    %iota3A_55 = tpu.iota {dimensions = array<i32: 1>} : vector<512x32xi32>
    %broadcast_in_dim3A_56 = arith.constant 0x7F800000 : f32
    %broadcast_in_dim3A_57 = vector.broadcast %broadcast_in_dim3A_56 : f32 to vector<512x32xf32>
    %eq3A = arith.constant 0 : i32
    %eq3A_58 = vector.broadcast %eq3A : i32 to vector<512x32xi32>
    %eq3A_59 = arith.cmpi eq, %iota3A_55, %eq3A_58 : vector<512x32xi32>
    %reduce_min3A = arith.constant dense<0x7F800000> : vector<512xf32>
    %reduce_min3A_60 = vector.multi_reduction <minimumf>, %slice3A_22, %reduce_min3A [1] : vector<512x128xf32> to vector<512xf32>
    %broadcast_in_dim3A_61 = vector.shape_cast %reduce_min3A_60 : vector<512xf32> to vector<512x1xf32>
    %broadcast_in_dim3A_62 = vector.shape_cast %broadcast_in_dim3A_61 : vector<512x1xf32> to vector<512x1xf32>
    %broadcast_in_dim3A_63 = vector.broadcast %broadcast_in_dim3A_62 : vector<512x1xf32> to vector<512x32xf32>
    %select_n3A = arith.select %eq3A_59, %broadcast_in_dim3A_63, %broadcast_in_dim3A_57 : vector<512x32xi1>, vector<512x32xf32>
    %eq3A_64 = arith.constant 1 : i32
    %eq3A_65 = vector.broadcast %eq3A_64 : i32 to vector<512x32xi32>
    %eq3A_66 = arith.cmpi eq, %iota3A_55, %eq3A_65 : vector<512x32xi32>
    %reduce_min3A_67 = arith.constant dense<0x7F800000> : vector<512xf32>
    %reduce_min3A_68 = vector.multi_reduction <minimumf>, %slice3A_23, %reduce_min3A_67 [1] : vector<512x128xf32> to vector<512xf32>
    %broadcast_in_dim3A_69 = vector.shape_cast %reduce_min3A_68 : vector<512xf32> to vector<512x1xf32>
    %broadcast_in_dim3A_70 = vector.shape_cast %broadcast_in_dim3A_69 : vector<512x1xf32> to vector<512x1xf32>
    %broadcast_in_dim3A_71 = vector.broadcast %broadcast_in_dim3A_70 : vector<512x1xf32> to vector<512x32xf32>
    %select_n3A_72 = arith.select %eq3A_66, %broadcast_in_dim3A_71, %select_n3A : vector<512x32xi1>, vector<512x32xf32>
    %eq3A_73 = arith.constant 2 : i32
    %eq3A_74 = vector.broadcast %eq3A_73 : i32 to vector<512x32xi32>
    %eq3A_75 = arith.cmpi eq, %iota3A_55, %eq3A_74 : vector<512x32xi32>
    %reduce_min3A_76 = arith.constant dense<0x7F800000> : vector<512xf32>
    %reduce_min3A_77 = vector.multi_reduction <minimumf>, %slice3A_24, %reduce_min3A_76 [1] : vector<512x128xf32> to vector<512xf32>
    %broadcast_in_dim3A_78 = vector.shape_cast %reduce_min3A_77 : vector<512xf32> to vector<512x1xf32>
    %broadcast_in_dim3A_79 = vector.shape_cast %broadcast_in_dim3A_78 : vector<512x1xf32> to vector<512x1xf32>
    %broadcast_in_dim3A_80 = vector.broadcast %broadcast_in_dim3A_79 : vector<512x1xf32> to vector<512x32xf32>
    %select_n3A_81 = arith.select %eq3A_75, %broadcast_in_dim3A_80, %select_n3A_72 : vector<512x32xi1>, vector<512x32xf32>
    %eq3A_82 = arith.constant 3 : i32
    %eq3A_83 = vector.broadcast %eq3A_82 : i32 to vector<512x32xi32>
    %eq3A_84 = arith.cmpi eq, %iota3A_55, %eq3A_83 : vector<512x32xi32>
    %reduce_min3A_85 = arith.constant dense<0x7F800000> : vector<512xf32>
    %reduce_min3A_86 = vector.multi_reduction <minimumf>, %slice3A_25, %reduce_min3A_85 [1] : vector<512x128xf32> to vector<512xf32>
    %broadcast_in_dim3A_87 = vector.shape_cast %reduce_min3A_86 : vector<512xf32> to vector<512x1xf32>
    %broadcast_in_dim3A_88 = vector.shape_cast %broadcast_in_dim3A_87 : vector<512x1xf32> to vector<512x1xf32>
    %broadcast_in_dim3A_89 = vector.broadcast %broadcast_in_dim3A_88 : vector<512x1xf32> to vector<512x32xf32>
    %select_n3A_90 = arith.select %eq3A_84, %broadcast_in_dim3A_89, %select_n3A_81 : vector<512x32xi1>, vector<512x32xf32>
    %eq3A_91 = arith.constant 4 : i32
    %eq3A_92 = vector.broadcast %eq3A_91 : i32 to vector<512x32xi32>
    %eq3A_93 = arith.cmpi eq, %iota3A_55, %eq3A_92 : vector<512x32xi32>
    %reduce_min3A_94 = arith.constant dense<0x7F800000> : vector<512xf32>
    %reduce_min3A_95 = vector.multi_reduction <minimumf>, %slice3A_26, %reduce_min3A_94 [1] : vector<512x128xf32> to vector<512xf32>
    %broadcast_in_dim3A_96 = vector.shape_cast %reduce_min3A_95 : vector<512xf32> to vector<512x1xf32>
    %broadcast_in_dim3A_97 = vector.shape_cast %broadcast_in_dim3A_96 : vector<512x1xf32> to vector<512x1xf32>
    %broadcast_in_dim3A_98 = vector.broadcast %broadcast_in_dim3A_97 : vector<512x1xf32> to vector<512x32xf32>
    %select_n3A_99 = arith.select %eq3A_93, %broadcast_in_dim3A_98, %select_n3A_90 : vector<512x32xi1>, vector<512x32xf32>
    %eq3A_100 = arith.constant 5 : i32
    %eq3A_101 = vector.broadcast %eq3A_100 : i32 to vector<512x32xi32>
    %eq3A_102 = arith.cmpi eq, %iota3A_55, %eq3A_101 : vector<512x32xi32>
    %reduce_min3A_103 = arith.constant dense<0x7F800000> : vector<512xf32>
    %reduce_min3A_104 = vector.multi_reduction <minimumf>, %slice3A_27, %reduce_min3A_103 [1] : vector<512x128xf32> to vector<512xf32>
    %broadcast_in_dim3A_105 = vector.shape_cast %reduce_min3A_104 : vector<512xf32> to vector<512x1xf32>
    %broadcast_in_dim3A_106 = vector.shape_cast %broadcast_in_dim3A_105 : vector<512x1xf32> to vector<512x1xf32>
    %broadcast_in_dim3A_107 = vector.broadcast %broadcast_in_dim3A_106 : vector<512x1xf32> to vector<512x32xf32>
    %select_n3A_108 = arith.select %eq3A_102, %broadcast_in_dim3A_107, %select_n3A_99 : vector<512x32xi1>, vector<512x32xf32>
    %eq3A_109 = arith.constant 6 : i32
    %eq3A_110 = vector.broadcast %eq3A_109 : i32 to vector<512x32xi32>
    %eq3A_111 = arith.cmpi eq, %iota3A_55, %eq3A_110 : vector<512x32xi32>
    %reduce_min3A_112 = arith.constant dense<0x7F800000> : vector<512xf32>
    %reduce_min3A_113 = vector.multi_reduction <minimumf>, %slice3A_28, %reduce_min3A_112 [1] : vector<512x128xf32> to vector<512xf32>
    %broadcast_in_dim3A_114 = vector.shape_cast %reduce_min3A_113 : vector<512xf32> to vector<512x1xf32>
    %broadcast_in_dim3A_115 = vector.shape_cast %broadcast_in_dim3A_114 : vector<512x1xf32> to vector<512x1xf32>
    %broadcast_in_dim3A_116 = vector.broadcast %broadcast_in_dim3A_115 : vector<512x1xf32> to vector<512x32xf32>
    %select_n3A_117 = arith.select %eq3A_111, %broadcast_in_dim3A_116, %select_n3A_108 : vector<512x32xi1>, vector<512x32xf32>
    %eq3A_118 = arith.constant 7 : i32
    %eq3A_119 = vector.broadcast %eq3A_118 : i32 to vector<512x32xi32>
    %eq3A_120 = arith.cmpi eq, %iota3A_55, %eq3A_119 : vector<512x32xi32>
    %reduce_min3A_121 = arith.constant dense<0x7F800000> : vector<512xf32>
    %reduce_min3A_122 = vector.multi_reduction <minimumf>, %slice3A_29, %reduce_min3A_121 [1] : vector<512x128xf32> to vector<512xf32>
    %broadcast_in_dim3A_123 = vector.shape_cast %reduce_min3A_122 : vector<512xf32> to vector<512x1xf32>
    %broadcast_in_dim3A_124 = vector.shape_cast %broadcast_in_dim3A_123 : vector<512x1xf32> to vector<512x1xf32>
    %broadcast_in_dim3A_125 = vector.broadcast %broadcast_in_dim3A_124 : vector<512x1xf32> to vector<512x32xf32>
    %select_n3A_126 = arith.select %eq3A_120, %broadcast_in_dim3A_125, %select_n3A_117 : vector<512x32xi1>, vector<512x32xf32>
    %eq3A_127 = arith.constant 8 : i32
    %eq3A_128 = vector.broadcast %eq3A_127 : i32 to vector<512x32xi32>
    %eq3A_129 = arith.cmpi eq, %iota3A_55, %eq3A_128 : vector<512x32xi32>
    %reduce_min3A_130 = arith.constant dense<0x7F800000> : vector<512xf32>
    %reduce_min3A_131 = vector.multi_reduction <minimumf>, %slice3A_30, %reduce_min3A_130 [1] : vector<512x128xf32> to vector<512xf32>
    %broadcast_in_dim3A_132 = vector.shape_cast %reduce_min3A_131 : vector<512xf32> to vector<512x1xf32>
    %broadcast_in_dim3A_133 = vector.shape_cast %broadcast_in_dim3A_132 : vector<512x1xf32> to vector<512x1xf32>
    %broadcast_in_dim3A_134 = vector.broadcast %broadcast_in_dim3A_133 : vector<512x1xf32> to vector<512x32xf32>
    %select_n3A_135 = arith.select %eq3A_129, %broadcast_in_dim3A_134, %select_n3A_126 : vector<512x32xi1>, vector<512x32xf32>
    %eq3A_136 = arith.constant 9 : i32
    %eq3A_137 = vector.broadcast %eq3A_136 : i32 to vector<512x32xi32>
    %eq3A_138 = arith.cmpi eq, %iota3A_55, %eq3A_137 : vector<512x32xi32>
    %reduce_min3A_139 = arith.constant dense<0x7F800000> : vector<512xf32>
    %reduce_min3A_140 = vector.multi_reduction <minimumf>, %slice3A_31, %reduce_min3A_139 [1] : vector<512x128xf32> to vector<512xf32>
    %broadcast_in_dim3A_141 = vector.shape_cast %reduce_min3A_140 : vector<512xf32> to vector<512x1xf32>
    %broadcast_in_dim3A_142 = vector.shape_cast %broadcast_in_dim3A_141 : vector<512x1xf32> to vector<512x1xf32>
    %broadcast_in_dim3A_143 = vector.broadcast %broadcast_in_dim3A_142 : vector<512x1xf32> to vector<512x32xf32>
    %select_n3A_144 = arith.select %eq3A_138, %broadcast_in_dim3A_143, %select_n3A_135 : vector<512x32xi1>, vector<512x32xf32>
    %eq3A_145 = arith.constant 10 : i32
    %eq3A_146 = vector.broadcast %eq3A_145 : i32 to vector<512x32xi32>
    %eq3A_147 = arith.cmpi eq, %iota3A_55, %eq3A_146 : vector<512x32xi32>
    %reduce_min3A_148 = arith.constant dense<0x7F800000> : vector<512xf32>
    %reduce_min3A_149 = vector.multi_reduction <minimumf>, %slice3A_32, %reduce_min3A_148 [1] : vector<512x128xf32> to vector<512xf32>
    %broadcast_in_dim3A_150 = vector.shape_cast %reduce_min3A_149 : vector<512xf32> to vector<512x1xf32>
    %broadcast_in_dim3A_151 = vector.shape_cast %broadcast_in_dim3A_150 : vector<512x1xf32> to vector<512x1xf32>
    %broadcast_in_dim3A_152 = vector.broadcast %broadcast_in_dim3A_151 : vector<512x1xf32> to vector<512x32xf32>
    %select_n3A_153 = arith.select %eq3A_147, %broadcast_in_dim3A_152, %select_n3A_144 : vector<512x32xi1>, vector<512x32xf32>
    %eq3A_154 = arith.constant 11 : i32
    %eq3A_155 = vector.broadcast %eq3A_154 : i32 to vector<512x32xi32>
    %eq3A_156 = arith.cmpi eq, %iota3A_55, %eq3A_155 : vector<512x32xi32>
    %reduce_min3A_157 = arith.constant dense<0x7F800000> : vector<512xf32>
    %reduce_min3A_158 = vector.multi_reduction <minimumf>, %slice3A_33, %reduce_min3A_157 [1] : vector<512x128xf32> to vector<512xf32>
    %broadcast_in_dim3A_159 = vector.shape_cast %reduce_min3A_158 : vector<512xf32> to vector<512x1xf32>
    %broadcast_in_dim3A_160 = vector.shape_cast %broadcast_in_dim3A_159 : vector<512x1xf32> to vector<512x1xf32>
    %broadcast_in_dim3A_161 = vector.broadcast %broadcast_in_dim3A_160 : vector<512x1xf32> to vector<512x32xf32>
    %select_n3A_162 = arith.select %eq3A_156, %broadcast_in_dim3A_161, %select_n3A_153 : vector<512x32xi1>, vector<512x32xf32>
    %eq3A_163 = arith.constant 12 : i32
    %eq3A_164 = vector.broadcast %eq3A_163 : i32 to vector<512x32xi32>
    %eq3A_165 = arith.cmpi eq, %iota3A_55, %eq3A_164 : vector<512x32xi32>
    %reduce_min3A_166 = arith.constant dense<0x7F800000> : vector<512xf32>
    %reduce_min3A_167 = vector.multi_reduction <minimumf>, %slice3A_34, %reduce_min3A_166 [1] : vector<512x128xf32> to vector<512xf32>
    %broadcast_in_dim3A_168 = vector.shape_cast %reduce_min3A_167 : vector<512xf32> to vector<512x1xf32>
    %broadcast_in_dim3A_169 = vector.shape_cast %broadcast_in_dim3A_168 : vector<512x1xf32> to vector<512x1xf32>
    %broadcast_in_dim3A_170 = vector.broadcast %broadcast_in_dim3A_169 : vector<512x1xf32> to vector<512x32xf32>
    %select_n3A_171 = arith.select %eq3A_165, %broadcast_in_dim3A_170, %select_n3A_162 : vector<512x32xi1>, vector<512x32xf32>
    %eq3A_172 = arith.constant 13 : i32
    %eq3A_173 = vector.broadcast %eq3A_172 : i32 to vector<512x32xi32>
    %eq3A_174 = arith.cmpi eq, %iota3A_55, %eq3A_173 : vector<512x32xi32>
    %reduce_min3A_175 = arith.constant dense<0x7F800000> : vector<512xf32>
    %reduce_min3A_176 = vector.multi_reduction <minimumf>, %slice3A_35, %reduce_min3A_175 [1] : vector<512x128xf32> to vector<512xf32>
    %broadcast_in_dim3A_177 = vector.shape_cast %reduce_min3A_176 : vector<512xf32> to vector<512x1xf32>
    %broadcast_in_dim3A_178 = vector.shape_cast %broadcast_in_dim3A_177 : vector<512x1xf32> to vector<512x1xf32>
    %broadcast_in_dim3A_179 = vector.broadcast %broadcast_in_dim3A_178 : vector<512x1xf32> to vector<512x32xf32>
    %select_n3A_180 = arith.select %eq3A_174, %broadcast_in_dim3A_179, %select_n3A_171 : vector<512x32xi1>, vector<512x32xf32>
    %eq3A_181 = arith.constant 14 : i32
    %eq3A_182 = vector.broadcast %eq3A_181 : i32 to vector<512x32xi32>
    %eq3A_183 = arith.cmpi eq, %iota3A_55, %eq3A_182 : vector<512x32xi32>
    %reduce_min3A_184 = arith.constant dense<0x7F800000> : vector<512xf32>
    %reduce_min3A_185 = vector.multi_reduction <minimumf>, %slice3A_36, %reduce_min3A_184 [1] : vector<512x128xf32> to vector<512xf32>
    %broadcast_in_dim3A_186 = vector.shape_cast %reduce_min3A_185 : vector<512xf32> to vector<512x1xf32>
    %broadcast_in_dim3A_187 = vector.shape_cast %broadcast_in_dim3A_186 : vector<512x1xf32> to vector<512x1xf32>
    %broadcast_in_dim3A_188 = vector.broadcast %broadcast_in_dim3A_187 : vector<512x1xf32> to vector<512x32xf32>
    %select_n3A_189 = arith.select %eq3A_183, %broadcast_in_dim3A_188, %select_n3A_180 : vector<512x32xi1>, vector<512x32xf32>
    %eq3A_190 = arith.constant 15 : i32
    %eq3A_191 = vector.broadcast %eq3A_190 : i32 to vector<512x32xi32>
    %eq3A_192 = arith.cmpi eq, %iota3A_55, %eq3A_191 : vector<512x32xi32>
    %reduce_min3A_193 = arith.constant dense<0x7F800000> : vector<512xf32>
    %reduce_min3A_194 = vector.multi_reduction <minimumf>, %slice3A_37, %reduce_min3A_193 [1] : vector<512x128xf32> to vector<512xf32>
    %broadcast_in_dim3A_195 = vector.shape_cast %reduce_min3A_194 : vector<512xf32> to vector<512x1xf32>
    %broadcast_in_dim3A_196 = vector.shape_cast %broadcast_in_dim3A_195 : vector<512x1xf32> to vector<512x1xf32>
    %broadcast_in_dim3A_197 = vector.broadcast %broadcast_in_dim3A_196 : vector<512x1xf32> to vector<512x32xf32>
    %select_n3A_198 = arith.select %eq3A_192, %broadcast_in_dim3A_197, %select_n3A_189 : vector<512x32xi1>, vector<512x32xf32>
    %eq3A_199 = arith.constant 16 : i32
    %eq3A_200 = vector.broadcast %eq3A_199 : i32 to vector<512x32xi32>
    %eq3A_201 = arith.cmpi eq, %iota3A_55, %eq3A_200 : vector<512x32xi32>
    %reduce_min3A_202 = arith.constant dense<0x7F800000> : vector<512xf32>
    %reduce_min3A_203 = vector.multi_reduction <minimumf>, %slice3A_38, %reduce_min3A_202 [1] : vector<512x128xf32> to vector<512xf32>
    %broadcast_in_dim3A_204 = vector.shape_cast %reduce_min3A_203 : vector<512xf32> to vector<512x1xf32>
    %broadcast_in_dim3A_205 = vector.shape_cast %broadcast_in_dim3A_204 : vector<512x1xf32> to vector<512x1xf32>
    %broadcast_in_dim3A_206 = vector.broadcast %broadcast_in_dim3A_205 : vector<512x1xf32> to vector<512x32xf32>
    %select_n3A_207 = arith.select %eq3A_201, %broadcast_in_dim3A_206, %select_n3A_198 : vector<512x32xi1>, vector<512x32xf32>
    %eq3A_208 = arith.constant 17 : i32
    %eq3A_209 = vector.broadcast %eq3A_208 : i32 to vector<512x32xi32>
    %eq3A_210 = arith.cmpi eq, %iota3A_55, %eq3A_209 : vector<512x32xi32>
    %reduce_min3A_211 = arith.constant dense<0x7F800000> : vector<512xf32>
    %reduce_min3A_212 = vector.multi_reduction <minimumf>, %slice3A_39, %reduce_min3A_211 [1] : vector<512x128xf32> to vector<512xf32>
    %broadcast_in_dim3A_213 = vector.shape_cast %reduce_min3A_212 : vector<512xf32> to vector<512x1xf32>
    %broadcast_in_dim3A_214 = vector.shape_cast %broadcast_in_dim3A_213 : vector<512x1xf32> to vector<512x1xf32>
    %broadcast_in_dim3A_215 = vector.broadcast %broadcast_in_dim3A_214 : vector<512x1xf32> to vector<512x32xf32>
    %select_n3A_216 = arith.select %eq3A_210, %broadcast_in_dim3A_215, %select_n3A_207 : vector<512x32xi1>, vector<512x32xf32>
    %eq3A_217 = arith.constant 18 : i32
    %eq3A_218 = vector.broadcast %eq3A_217 : i32 to vector<512x32xi32>
    %eq3A_219 = arith.cmpi eq, %iota3A_55, %eq3A_218 : vector<512x32xi32>
    %reduce_min3A_220 = arith.constant dense<0x7F800000> : vector<512xf32>
    %reduce_min3A_221 = vector.multi_reduction <minimumf>, %slice3A_40, %reduce_min3A_220 [1] : vector<512x128xf32> to vector<512xf32>
    %broadcast_in_dim3A_222 = vector.shape_cast %reduce_min3A_221 : vector<512xf32> to vector<512x1xf32>
    %broadcast_in_dim3A_223 = vector.shape_cast %broadcast_in_dim3A_222 : vector<512x1xf32> to vector<512x1xf32>
    %broadcast_in_dim3A_224 = vector.broadcast %broadcast_in_dim3A_223 : vector<512x1xf32> to vector<512x32xf32>
    %select_n3A_225 = arith.select %eq3A_219, %broadcast_in_dim3A_224, %select_n3A_216 : vector<512x32xi1>, vector<512x32xf32>
    %eq3A_226 = arith.constant 19 : i32
    %eq3A_227 = vector.broadcast %eq3A_226 : i32 to vector<512x32xi32>
    %eq3A_228 = arith.cmpi eq, %iota3A_55, %eq3A_227 : vector<512x32xi32>
    %reduce_min3A_229 = arith.constant dense<0x7F800000> : vector<512xf32>
    %reduce_min3A_230 = vector.multi_reduction <minimumf>, %slice3A_41, %reduce_min3A_229 [1] : vector<512x128xf32> to vector<512xf32>
    %broadcast_in_dim3A_231 = vector.shape_cast %reduce_min3A_230 : vector<512xf32> to vector<512x1xf32>
    %broadcast_in_dim3A_232 = vector.shape_cast %broadcast_in_dim3A_231 : vector<512x1xf32> to vector<512x1xf32>
    %broadcast_in_dim3A_233 = vector.broadcast %broadcast_in_dim3A_232 : vector<512x1xf32> to vector<512x32xf32>
    %select_n3A_234 = arith.select %eq3A_228, %broadcast_in_dim3A_233, %select_n3A_225 : vector<512x32xi1>, vector<512x32xf32>
    %eq3A_235 = arith.constant 20 : i32
    %eq3A_236 = vector.broadcast %eq3A_235 : i32 to vector<512x32xi32>
    %eq3A_237 = arith.cmpi eq, %iota3A_55, %eq3A_236 : vector<512x32xi32>
    %reduce_min3A_238 = arith.constant dense<0x7F800000> : vector<512xf32>
    %reduce_min3A_239 = vector.multi_reduction <minimumf>, %slice3A_42, %reduce_min3A_238 [1] : vector<512x128xf32> to vector<512xf32>
    %broadcast_in_dim3A_240 = vector.shape_cast %reduce_min3A_239 : vector<512xf32> to vector<512x1xf32>
    %broadcast_in_dim3A_241 = vector.shape_cast %broadcast_in_dim3A_240 : vector<512x1xf32> to vector<512x1xf32>
    %broadcast_in_dim3A_242 = vector.broadcast %broadcast_in_dim3A_241 : vector<512x1xf32> to vector<512x32xf32>
    %select_n3A_243 = arith.select %eq3A_237, %broadcast_in_dim3A_242, %select_n3A_234 : vector<512x32xi1>, vector<512x32xf32>
    %eq3A_244 = arith.constant 21 : i32
    %eq3A_245 = vector.broadcast %eq3A_244 : i32 to vector<512x32xi32>
    %eq3A_246 = arith.cmpi eq, %iota3A_55, %eq3A_245 : vector<512x32xi32>
    %reduce_min3A_247 = arith.constant dense<0x7F800000> : vector<512xf32>
    %reduce_min3A_248 = vector.multi_reduction <minimumf>, %slice3A_43, %reduce_min3A_247 [1] : vector<512x128xf32> to vector<512xf32>
    %broadcast_in_dim3A_249 = vector.shape_cast %reduce_min3A_248 : vector<512xf32> to vector<512x1xf32>
    %broadcast_in_dim3A_250 = vector.shape_cast %broadcast_in_dim3A_249 : vector<512x1xf32> to vector<512x1xf32>
    %broadcast_in_dim3A_251 = vector.broadcast %broadcast_in_dim3A_250 : vector<512x1xf32> to vector<512x32xf32>
    %select_n3A_252 = arith.select %eq3A_246, %broadcast_in_dim3A_251, %select_n3A_243 : vector<512x32xi1>, vector<512x32xf32>
    %eq3A_253 = arith.constant 22 : i32
    %eq3A_254 = vector.broadcast %eq3A_253 : i32 to vector<512x32xi32>
    %eq3A_255 = arith.cmpi eq, %iota3A_55, %eq3A_254 : vector<512x32xi32>
    %reduce_min3A_256 = arith.constant dense<0x7F800000> : vector<512xf32>
    %reduce_min3A_257 = vector.multi_reduction <minimumf>, %slice3A_44, %reduce_min3A_256 [1] : vector<512x128xf32> to vector<512xf32>
    %broadcast_in_dim3A_258 = vector.shape_cast %reduce_min3A_257 : vector<512xf32> to vector<512x1xf32>
    %broadcast_in_dim3A_259 = vector.shape_cast %broadcast_in_dim3A_258 : vector<512x1xf32> to vector<512x1xf32>
    %broadcast_in_dim3A_260 = vector.broadcast %broadcast_in_dim3A_259 : vector<512x1xf32> to vector<512x32xf32>
    %select_n3A_261 = arith.select %eq3A_255, %broadcast_in_dim3A_260, %select_n3A_252 : vector<512x32xi1>, vector<512x32xf32>
    %eq3A_262 = arith.constant 23 : i32
    %eq3A_263 = vector.broadcast %eq3A_262 : i32 to vector<512x32xi32>
    %eq3A_264 = arith.cmpi eq, %iota3A_55, %eq3A_263 : vector<512x32xi32>
    %reduce_min3A_265 = arith.constant dense<0x7F800000> : vector<512xf32>
    %reduce_min3A_266 = vector.multi_reduction <minimumf>, %slice3A_45, %reduce_min3A_265 [1] : vector<512x128xf32> to vector<512xf32>
    %broadcast_in_dim3A_267 = vector.shape_cast %reduce_min3A_266 : vector<512xf32> to vector<512x1xf32>
    %broadcast_in_dim3A_268 = vector.shape_cast %broadcast_in_dim3A_267 : vector<512x1xf32> to vector<512x1xf32>
    %broadcast_in_dim3A_269 = vector.broadcast %broadcast_in_dim3A_268 : vector<512x1xf32> to vector<512x32xf32>
    %select_n3A_270 = arith.select %eq3A_264, %broadcast_in_dim3A_269, %select_n3A_261 : vector<512x32xi1>, vector<512x32xf32>
    %eq3A_271 = arith.constant 24 : i32
    %eq3A_272 = vector.broadcast %eq3A_271 : i32 to vector<512x32xi32>
    %eq3A_273 = arith.cmpi eq, %iota3A_55, %eq3A_272 : vector<512x32xi32>
    %reduce_min3A_274 = arith.constant dense<0x7F800000> : vector<512xf32>
    %reduce_min3A_275 = vector.multi_reduction <minimumf>, %slice3A_46, %reduce_min3A_274 [1] : vector<512x128xf32> to vector<512xf32>
    %broadcast_in_dim3A_276 = vector.shape_cast %reduce_min3A_275 : vector<512xf32> to vector<512x1xf32>
    %broadcast_in_dim3A_277 = vector.shape_cast %broadcast_in_dim3A_276 : vector<512x1xf32> to vector<512x1xf32>
    %broadcast_in_dim3A_278 = vector.broadcast %broadcast_in_dim3A_277 : vector<512x1xf32> to vector<512x32xf32>
    %select_n3A_279 = arith.select %eq3A_273, %broadcast_in_dim3A_278, %select_n3A_270 : vector<512x32xi1>, vector<512x32xf32>
    %eq3A_280 = arith.constant 25 : i32
    %eq3A_281 = vector.broadcast %eq3A_280 : i32 to vector<512x32xi32>
    %eq3A_282 = arith.cmpi eq, %iota3A_55, %eq3A_281 : vector<512x32xi32>
    %reduce_min3A_283 = arith.constant dense<0x7F800000> : vector<512xf32>
    %reduce_min3A_284 = vector.multi_reduction <minimumf>, %slice3A_47, %reduce_min3A_283 [1] : vector<512x128xf32> to vector<512xf32>
    %broadcast_in_dim3A_285 = vector.shape_cast %reduce_min3A_284 : vector<512xf32> to vector<512x1xf32>
    %broadcast_in_dim3A_286 = vector.shape_cast %broadcast_in_dim3A_285 : vector<512x1xf32> to vector<512x1xf32>
    %broadcast_in_dim3A_287 = vector.broadcast %broadcast_in_dim3A_286 : vector<512x1xf32> to vector<512x32xf32>
    %select_n3A_288 = arith.select %eq3A_282, %broadcast_in_dim3A_287, %select_n3A_279 : vector<512x32xi1>, vector<512x32xf32>
    %eq3A_289 = arith.constant 26 : i32
    %eq3A_290 = vector.broadcast %eq3A_289 : i32 to vector<512x32xi32>
    %eq3A_291 = arith.cmpi eq, %iota3A_55, %eq3A_290 : vector<512x32xi32>
    %reduce_min3A_292 = arith.constant dense<0x7F800000> : vector<512xf32>
    %reduce_min3A_293 = vector.multi_reduction <minimumf>, %slice3A_48, %reduce_min3A_292 [1] : vector<512x128xf32> to vector<512xf32>
    %broadcast_in_dim3A_294 = vector.shape_cast %reduce_min3A_293 : vector<512xf32> to vector<512x1xf32>
    %broadcast_in_dim3A_295 = vector.shape_cast %broadcast_in_dim3A_294 : vector<512x1xf32> to vector<512x1xf32>
    %broadcast_in_dim3A_296 = vector.broadcast %broadcast_in_dim3A_295 : vector<512x1xf32> to vector<512x32xf32>
    %select_n3A_297 = arith.select %eq3A_291, %broadcast_in_dim3A_296, %select_n3A_288 : vector<512x32xi1>, vector<512x32xf32>
    %eq3A_298 = arith.constant 27 : i32
    %eq3A_299 = vector.broadcast %eq3A_298 : i32 to vector<512x32xi32>
    %eq3A_300 = arith.cmpi eq, %iota3A_55, %eq3A_299 : vector<512x32xi32>
    %reduce_min3A_301 = arith.constant dense<0x7F800000> : vector<512xf32>
    %reduce_min3A_302 = vector.multi_reduction <minimumf>, %slice3A_49, %reduce_min3A_301 [1] : vector<512x128xf32> to vector<512xf32>
    %broadcast_in_dim3A_303 = vector.shape_cast %reduce_min3A_302 : vector<512xf32> to vector<512x1xf32>
    %broadcast_in_dim3A_304 = vector.shape_cast %broadcast_in_dim3A_303 : vector<512x1xf32> to vector<512x1xf32>
    %broadcast_in_dim3A_305 = vector.broadcast %broadcast_in_dim3A_304 : vector<512x1xf32> to vector<512x32xf32>
    %select_n3A_306 = arith.select %eq3A_300, %broadcast_in_dim3A_305, %select_n3A_297 : vector<512x32xi1>, vector<512x32xf32>
    %eq3A_307 = arith.constant 28 : i32
    %eq3A_308 = vector.broadcast %eq3A_307 : i32 to vector<512x32xi32>
    %eq3A_309 = arith.cmpi eq, %iota3A_55, %eq3A_308 : vector<512x32xi32>
    %reduce_min3A_310 = arith.constant dense<0x7F800000> : vector<512xf32>
    %reduce_min3A_311 = vector.multi_reduction <minimumf>, %slice3A_50, %reduce_min3A_310 [1] : vector<512x128xf32> to vector<512xf32>
    %broadcast_in_dim3A_312 = vector.shape_cast %reduce_min3A_311 : vector<512xf32> to vector<512x1xf32>
    %broadcast_in_dim3A_313 = vector.shape_cast %broadcast_in_dim3A_312 : vector<512x1xf32> to vector<512x1xf32>
    %broadcast_in_dim3A_314 = vector.broadcast %broadcast_in_dim3A_313 : vector<512x1xf32> to vector<512x32xf32>
    %select_n3A_315 = arith.select %eq3A_309, %broadcast_in_dim3A_314, %select_n3A_306 : vector<512x32xi1>, vector<512x32xf32>
    %eq3A_316 = arith.constant 29 : i32
    %eq3A_317 = vector.broadcast %eq3A_316 : i32 to vector<512x32xi32>
    %eq3A_318 = arith.cmpi eq, %iota3A_55, %eq3A_317 : vector<512x32xi32>
    %reduce_min3A_319 = arith.constant dense<0x7F800000> : vector<512xf32>
    %reduce_min3A_320 = vector.multi_reduction <minimumf>, %slice3A_51, %reduce_min3A_319 [1] : vector<512x128xf32> to vector<512xf32>
    %broadcast_in_dim3A_321 = vector.shape_cast %reduce_min3A_320 : vector<512xf32> to vector<512x1xf32>
    %broadcast_in_dim3A_322 = vector.shape_cast %broadcast_in_dim3A_321 : vector<512x1xf32> to vector<512x1xf32>
    %broadcast_in_dim3A_323 = vector.broadcast %broadcast_in_dim3A_322 : vector<512x1xf32> to vector<512x32xf32>
    %select_n3A_324 = arith.select %eq3A_318, %broadcast_in_dim3A_323, %select_n3A_315 : vector<512x32xi1>, vector<512x32xf32>
    %eq3A_325 = arith.constant 30 : i32
    %eq3A_326 = vector.broadcast %eq3A_325 : i32 to vector<512x32xi32>
    %eq3A_327 = arith.cmpi eq, %iota3A_55, %eq3A_326 : vector<512x32xi32>
    %reduce_min3A_328 = arith.constant dense<0x7F800000> : vector<512xf32>
    %reduce_min3A_329 = vector.multi_reduction <minimumf>, %slice3A_52, %reduce_min3A_328 [1] : vector<512x128xf32> to vector<512xf32>
    %broadcast_in_dim3A_330 = vector.shape_cast %reduce_min3A_329 : vector<512xf32> to vector<512x1xf32>
    %broadcast_in_dim3A_331 = vector.shape_cast %broadcast_in_dim3A_330 : vector<512x1xf32> to vector<512x1xf32>
    %broadcast_in_dim3A_332 = vector.broadcast %broadcast_in_dim3A_331 : vector<512x1xf32> to vector<512x32xf32>
    %select_n3A_333 = arith.select %eq3A_327, %broadcast_in_dim3A_332, %select_n3A_324 : vector<512x32xi1>, vector<512x32xf32>
    %eq3A_334 = arith.constant 31 : i32
    %eq3A_335 = vector.broadcast %eq3A_334 : i32 to vector<512x32xi32>
    %eq3A_336 = arith.cmpi eq, %iota3A_55, %eq3A_335 : vector<512x32xi32>
    %reduce_min3A_337 = arith.constant dense<0x7F800000> : vector<512xf32>
    %reduce_min3A_338 = vector.multi_reduction <minimumf>, %slice3A_53, %reduce_min3A_337 [1] : vector<512x128xf32> to vector<512xf32>
    %broadcast_in_dim3A_339 = vector.shape_cast %reduce_min3A_338 : vector<512xf32> to vector<512x1xf32>
    %broadcast_in_dim3A_340 = vector.shape_cast %broadcast_in_dim3A_339 : vector<512x1xf32> to vector<512x1xf32>
    %broadcast_in_dim3A_341 = vector.broadcast %broadcast_in_dim3A_340 : vector<512x1xf32> to vector<512x32xf32>
    %select_n3A_342 = arith.select %eq3A_336, %broadcast_in_dim3A_341, %select_n3A_333 : vector<512x32xi1>, vector<512x32xf32>
    %broadcast_in_dim3A_343 = arith.constant 0 : i32
    %broadcast_in_dim3A_344 = vector.broadcast %broadcast_in_dim3A_343 : i32 to vector<512x32xi32>
    %broadcast_in_dim3A_345 = arith.constant 0xFF800000 : f32
    %broadcast_in_dim3A_346 = vector.broadcast %broadcast_in_dim3A_345 : f32 to vector<512x1xf32>
    %broadcast_in_dim3A_347 = arith.constant -1 : i32
    %broadcast_in_dim3A_348 = vector.broadcast %broadcast_in_dim3A_347 : i32 to vector<512x1xi32>
    %scan3A = arith.constant 0x7F800000 : f32
    %scan3A_349 = arith.constant 0 : i32
    %scan3A_350 = arith.constant 32 : i32
    %scan3A_351 = arith.addi %scan3A_349, %scan3A_350 : i32
    %scan3A_352 = arith.constant 1 : i32
    %scan3A_353:4 = scf.for %scan3A_364 = %scan3A_349 to %scan3A_351 step %scan3A_352 iter_args(%scan3A_365 = %select_n3A_342, %scan3A_366 = %broadcast_in_dim3A_346, %scan3A_367 = %broadcast_in_dim3A_348, %scan3A_368 = %broadcast_in_dim3A_344) -> (vector<512x32xf32>, vector<512x1xf32>, vector<512x1xi32>, vector<512x32xi32>)  : i32 {
      %reduce_min3A_369 = arith.constant dense<0x7F800000> : vector<512xf32>
      %reduce_min3A_370 = vector.multi_reduction <minimumf>, %scan3A_365, %reduce_min3A_369 [1] : vector<512x32xf32> to vector<512xf32>
      %broadcast_in_dim3A_371 = vector.shape_cast %reduce_min3A_370 : vector<512xf32> to vector<512x1xf32>
      %eq3A_372 = vector.broadcast %broadcast_in_dim3A_371 : vector<512x1xf32> to vector<512x32xf32>
      %eq3A_373 = arith.cmpf oeq, %scan3A_365, %eq3A_372 : vector<512x32xf32>
      %jit3A = arith.constant 32 : i32
      %broadcast_in_dim3A_374 = vector.broadcast %jit3A : i32 to vector<512x32xi32>
      %select_n3A_375 = arith.select %eq3A_373, %iota3A_55, %broadcast_in_dim3A_374 : vector<512x32xi1>, vector<512x32xi32>
      %reduce_min3A_376 = arith.constant dense<2147483647> : vector<512xi32>
      %reduce_min3A_377 = vector.multi_reduction <minsi>, %select_n3A_375, %reduce_min3A_376 [1] : vector<512x32xi32> to vector<512xi32>
      %broadcast_in_dim3A_378 = vector.shape_cast %reduce_min3A_377 : vector<512xi32> to vector<512x1xi32>
      %broadcast_in_dim3A_379 = vector.broadcast %scan3A : f32 to vector<512x128xf32>
      %eq3A_380 = arith.constant 0 : i32
      %eq3A_381 = vector.broadcast %eq3A_380 : i32 to vector<512x1xi32>
      %eq3A_382 = arith.cmpi eq, %broadcast_in_dim3A_378, %eq3A_381 : vector<512x1xi32>
      %broadcast_in_dim3A_383 = vector.shape_cast %eq3A_382 : vector<512x1xi1> to vector<512x1xi1>
      %broadcast_in_dim3A_384 = vector.broadcast %broadcast_in_dim3A_383 : vector<512x1xi1> to vector<512x128xi1>
      %select_n3A_385 = arith.select %broadcast_in_dim3A_384, %slice3A_22, %broadcast_in_dim3A_379 : vector<512x128xi1>, vector<512x128xf32>
      %eq3A_386 = arith.constant 1 : i32
      %eq3A_387 = vector.broadcast %eq3A_386 : i32 to vector<512x1xi32>
      %eq3A_388 = arith.cmpi eq, %broadcast_in_dim3A_378, %eq3A_387 : vector<512x1xi32>
      %broadcast_in_dim3A_389 = vector.shape_cast %eq3A_388 : vector<512x1xi1> to vector<512x1xi1>
      %broadcast_in_dim3A_390 = vector.broadcast %broadcast_in_dim3A_389 : vector<512x1xi1> to vector<512x128xi1>
      %select_n3A_391 = arith.select %broadcast_in_dim3A_390, %slice3A_23, %select_n3A_385 : vector<512x128xi1>, vector<512x128xf32>
      %eq3A_392 = arith.constant 2 : i32
      %eq3A_393 = vector.broadcast %eq3A_392 : i32 to vector<512x1xi32>
      %eq3A_394 = arith.cmpi eq, %broadcast_in_dim3A_378, %eq3A_393 : vector<512x1xi32>
      %broadcast_in_dim3A_395 = vector.shape_cast %eq3A_394 : vector<512x1xi1> to vector<512x1xi1>
      %broadcast_in_dim3A_396 = vector.broadcast %broadcast_in_dim3A_395 : vector<512x1xi1> to vector<512x128xi1>
      %select_n3A_397 = arith.select %broadcast_in_dim3A_396, %slice3A_24, %select_n3A_391 : vector<512x128xi1>, vector<512x128xf32>
      %eq3A_398 = arith.constant 3 : i32
      %eq3A_399 = vector.broadcast %eq3A_398 : i32 to vector<512x1xi32>
      %eq3A_400 = arith.cmpi eq, %broadcast_in_dim3A_378, %eq3A_399 : vector<512x1xi32>
      %broadcast_in_dim3A_401 = vector.shape_cast %eq3A_400 : vector<512x1xi1> to vector<512x1xi1>
      %broadcast_in_dim3A_402 = vector.broadcast %broadcast_in_dim3A_401 : vector<512x1xi1> to vector<512x128xi1>
      %select_n3A_403 = arith.select %broadcast_in_dim3A_402, %slice3A_25, %select_n3A_397 : vector<512x128xi1>, vector<512x128xf32>
      %eq3A_404 = arith.constant 4 : i32
      %eq3A_405 = vector.broadcast %eq3A_404 : i32 to vector<512x1xi32>
      %eq3A_406 = arith.cmpi eq, %broadcast_in_dim3A_378, %eq3A_405 : vector<512x1xi32>
      %broadcast_in_dim3A_407 = vector.shape_cast %eq3A_406 : vector<512x1xi1> to vector<512x1xi1>
      %broadcast_in_dim3A_408 = vector.broadcast %broadcast_in_dim3A_407 : vector<512x1xi1> to vector<512x128xi1>
      %select_n3A_409 = arith.select %broadcast_in_dim3A_408, %slice3A_26, %select_n3A_403 : vector<512x128xi1>, vector<512x128xf32>
      %eq3A_410 = arith.constant 5 : i32
      %eq3A_411 = vector.broadcast %eq3A_410 : i32 to vector<512x1xi32>
      %eq3A_412 = arith.cmpi eq, %broadcast_in_dim3A_378, %eq3A_411 : vector<512x1xi32>
      %broadcast_in_dim3A_413 = vector.shape_cast %eq3A_412 : vector<512x1xi1> to vector<512x1xi1>
      %broadcast_in_dim3A_414 = vector.broadcast %broadcast_in_dim3A_413 : vector<512x1xi1> to vector<512x128xi1>
      %select_n3A_415 = arith.select %broadcast_in_dim3A_414, %slice3A_27, %select_n3A_409 : vector<512x128xi1>, vector<512x128xf32>
      %eq3A_416 = arith.constant 6 : i32
      %eq3A_417 = vector.broadcast %eq3A_416 : i32 to vector<512x1xi32>
      %eq3A_418 = arith.cmpi eq, %broadcast_in_dim3A_378, %eq3A_417 : vector<512x1xi32>
      %broadcast_in_dim3A_419 = vector.shape_cast %eq3A_418 : vector<512x1xi1> to vector<512x1xi1>
      %broadcast_in_dim3A_420 = vector.broadcast %broadcast_in_dim3A_419 : vector<512x1xi1> to vector<512x128xi1>
      %select_n3A_421 = arith.select %broadcast_in_dim3A_420, %slice3A_28, %select_n3A_415 : vector<512x128xi1>, vector<512x128xf32>
      %eq3A_422 = arith.constant 7 : i32
      %eq3A_423 = vector.broadcast %eq3A_422 : i32 to vector<512x1xi32>
      %eq3A_424 = arith.cmpi eq, %broadcast_in_dim3A_378, %eq3A_423 : vector<512x1xi32>
      %broadcast_in_dim3A_425 = vector.shape_cast %eq3A_424 : vector<512x1xi1> to vector<512x1xi1>
      %broadcast_in_dim3A_426 = vector.broadcast %broadcast_in_dim3A_425 : vector<512x1xi1> to vector<512x128xi1>
      %select_n3A_427 = arith.select %broadcast_in_dim3A_426, %slice3A_29, %select_n3A_421 : vector<512x128xi1>, vector<512x128xf32>
      %eq3A_428 = arith.constant 8 : i32
      %eq3A_429 = vector.broadcast %eq3A_428 : i32 to vector<512x1xi32>
      %eq3A_430 = arith.cmpi eq, %broadcast_in_dim3A_378, %eq3A_429 : vector<512x1xi32>
      %broadcast_in_dim3A_431 = vector.shape_cast %eq3A_430 : vector<512x1xi1> to vector<512x1xi1>
      %broadcast_in_dim3A_432 = vector.broadcast %broadcast_in_dim3A_431 : vector<512x1xi1> to vector<512x128xi1>
      %select_n3A_433 = arith.select %broadcast_in_dim3A_432, %slice3A_30, %select_n3A_427 : vector<512x128xi1>, vector<512x128xf32>
      %eq3A_434 = arith.constant 9 : i32
      %eq3A_435 = vector.broadcast %eq3A_434 : i32 to vector<512x1xi32>
      %eq3A_436 = arith.cmpi eq, %broadcast_in_dim3A_378, %eq3A_435 : vector<512x1xi32>
      %broadcast_in_dim3A_437 = vector.shape_cast %eq3A_436 : vector<512x1xi1> to vector<512x1xi1>
      %broadcast_in_dim3A_438 = vector.broadcast %broadcast_in_dim3A_437 : vector<512x1xi1> to vector<512x128xi1>
      %select_n3A_439 = arith.select %broadcast_in_dim3A_438, %slice3A_31, %select_n3A_433 : vector<512x128xi1>, vector<512x128xf32>
      %eq3A_440 = arith.constant 10 : i32
      %eq3A_441 = vector.broadcast %eq3A_440 : i32 to vector<512x1xi32>
      %eq3A_442 = arith.cmpi eq, %broadcast_in_dim3A_378, %eq3A_441 : vector<512x1xi32>
      %broadcast_in_dim3A_443 = vector.shape_cast %eq3A_442 : vector<512x1xi1> to vector<512x1xi1>
      %broadcast_in_dim3A_444 = vector.broadcast %broadcast_in_dim3A_443 : vector<512x1xi1> to vector<512x128xi1>
      %select_n3A_445 = arith.select %broadcast_in_dim3A_444, %slice3A_32, %select_n3A_439 : vector<512x128xi1>, vector<512x128xf32>
      %eq3A_446 = arith.constant 11 : i32
      %eq3A_447 = vector.broadcast %eq3A_446 : i32 to vector<512x1xi32>
      %eq3A_448 = arith.cmpi eq, %broadcast_in_dim3A_378, %eq3A_447 : vector<512x1xi32>
      %broadcast_in_dim3A_449 = vector.shape_cast %eq3A_448 : vector<512x1xi1> to vector<512x1xi1>
      %broadcast_in_dim3A_450 = vector.broadcast %broadcast_in_dim3A_449 : vector<512x1xi1> to vector<512x128xi1>
      %select_n3A_451 = arith.select %broadcast_in_dim3A_450, %slice3A_33, %select_n3A_445 : vector<512x128xi1>, vector<512x128xf32>
      %eq3A_452 = arith.constant 12 : i32
      %eq3A_453 = vector.broadcast %eq3A_452 : i32 to vector<512x1xi32>
      %eq3A_454 = arith.cmpi eq, %broadcast_in_dim3A_378, %eq3A_453 : vector<512x1xi32>
      %broadcast_in_dim3A_455 = vector.shape_cast %eq3A_454 : vector<512x1xi1> to vector<512x1xi1>
      %broadcast_in_dim3A_456 = vector.broadcast %broadcast_in_dim3A_455 : vector<512x1xi1> to vector<512x128xi1>
      %select_n3A_457 = arith.select %broadcast_in_dim3A_456, %slice3A_34, %select_n3A_451 : vector<512x128xi1>, vector<512x128xf32>
      %eq3A_458 = arith.constant 13 : i32
      %eq3A_459 = vector.broadcast %eq3A_458 : i32 to vector<512x1xi32>
      %eq3A_460 = arith.cmpi eq, %broadcast_in_dim3A_378, %eq3A_459 : vector<512x1xi32>
      %broadcast_in_dim3A_461 = vector.shape_cast %eq3A_460 : vector<512x1xi1> to vector<512x1xi1>
      %broadcast_in_dim3A_462 = vector.broadcast %broadcast_in_dim3A_461 : vector<512x1xi1> to vector<512x128xi1>
      %select_n3A_463 = arith.select %broadcast_in_dim3A_462, %slice3A_35, %select_n3A_457 : vector<512x128xi1>, vector<512x128xf32>
      %eq3A_464 = arith.constant 14 : i32
      %eq3A_465 = vector.broadcast %eq3A_464 : i32 to vector<512x1xi32>
      %eq3A_466 = arith.cmpi eq, %broadcast_in_dim3A_378, %eq3A_465 : vector<512x1xi32>
      %broadcast_in_dim3A_467 = vector.shape_cast %eq3A_466 : vector<512x1xi1> to vector<512x1xi1>
      %broadcast_in_dim3A_468 = vector.broadcast %broadcast_in_dim3A_467 : vector<512x1xi1> to vector<512x128xi1>
      %select_n3A_469 = arith.select %broadcast_in_dim3A_468, %slice3A_36, %select_n3A_463 : vector<512x128xi1>, vector<512x128xf32>
      %eq3A_470 = arith.constant 15 : i32
      %eq3A_471 = vector.broadcast %eq3A_470 : i32 to vector<512x1xi32>
      %eq3A_472 = arith.cmpi eq, %broadcast_in_dim3A_378, %eq3A_471 : vector<512x1xi32>
      %broadcast_in_dim3A_473 = vector.shape_cast %eq3A_472 : vector<512x1xi1> to vector<512x1xi1>
      %broadcast_in_dim3A_474 = vector.broadcast %broadcast_in_dim3A_473 : vector<512x1xi1> to vector<512x128xi1>
      %select_n3A_475 = arith.select %broadcast_in_dim3A_474, %slice3A_37, %select_n3A_469 : vector<512x128xi1>, vector<512x128xf32>
      %eq3A_476 = arith.constant 16 : i32
      %eq3A_477 = vector.broadcast %eq3A_476 : i32 to vector<512x1xi32>
      %eq3A_478 = arith.cmpi eq, %broadcast_in_dim3A_378, %eq3A_477 : vector<512x1xi32>
      %broadcast_in_dim3A_479 = vector.shape_cast %eq3A_478 : vector<512x1xi1> to vector<512x1xi1>
      %broadcast_in_dim3A_480 = vector.broadcast %broadcast_in_dim3A_479 : vector<512x1xi1> to vector<512x128xi1>
      %select_n3A_481 = arith.select %broadcast_in_dim3A_480, %slice3A_38, %select_n3A_475 : vector<512x128xi1>, vector<512x128xf32>
      %eq3A_482 = arith.constant 17 : i32
      %eq3A_483 = vector.broadcast %eq3A_482 : i32 to vector<512x1xi32>
      %eq3A_484 = arith.cmpi eq, %broadcast_in_dim3A_378, %eq3A_483 : vector<512x1xi32>
      %broadcast_in_dim3A_485 = vector.shape_cast %eq3A_484 : vector<512x1xi1> to vector<512x1xi1>
      %broadcast_in_dim3A_486 = vector.broadcast %broadcast_in_dim3A_485 : vector<512x1xi1> to vector<512x128xi1>
      %select_n3A_487 = arith.select %broadcast_in_dim3A_486, %slice3A_39, %select_n3A_481 : vector<512x128xi1>, vector<512x128xf32>
      %eq3A_488 = arith.constant 18 : i32
      %eq3A_489 = vector.broadcast %eq3A_488 : i32 to vector<512x1xi32>
      %eq3A_490 = arith.cmpi eq, %broadcast_in_dim3A_378, %eq3A_489 : vector<512x1xi32>
      %broadcast_in_dim3A_491 = vector.shape_cast %eq3A_490 : vector<512x1xi1> to vector<512x1xi1>
      %broadcast_in_dim3A_492 = vector.broadcast %broadcast_in_dim3A_491 : vector<512x1xi1> to vector<512x128xi1>
      %select_n3A_493 = arith.select %broadcast_in_dim3A_492, %slice3A_40, %select_n3A_487 : vector<512x128xi1>, vector<512x128xf32>
      %eq3A_494 = arith.constant 19 : i32
      %eq3A_495 = vector.broadcast %eq3A_494 : i32 to vector<512x1xi32>
      %eq3A_496 = arith.cmpi eq, %broadcast_in_dim3A_378, %eq3A_495 : vector<512x1xi32>
      %broadcast_in_dim3A_497 = vector.shape_cast %eq3A_496 : vector<512x1xi1> to vector<512x1xi1>
      %broadcast_in_dim3A_498 = vector.broadcast %broadcast_in_dim3A_497 : vector<512x1xi1> to vector<512x128xi1>
      %select_n3A_499 = arith.select %broadcast_in_dim3A_498, %slice3A_41, %select_n3A_493 : vector<512x128xi1>, vector<512x128xf32>
      %eq3A_500 = arith.constant 20 : i32
      %eq3A_501 = vector.broadcast %eq3A_500 : i32 to vector<512x1xi32>
      %eq3A_502 = arith.cmpi eq, %broadcast_in_dim3A_378, %eq3A_501 : vector<512x1xi32>
      %broadcast_in_dim3A_503 = vector.shape_cast %eq3A_502 : vector<512x1xi1> to vector<512x1xi1>
      %broadcast_in_dim3A_504 = vector.broadcast %broadcast_in_dim3A_503 : vector<512x1xi1> to vector<512x128xi1>
      %select_n3A_505 = arith.select %broadcast_in_dim3A_504, %slice3A_42, %select_n3A_499 : vector<512x128xi1>, vector<512x128xf32>
      %eq3A_506 = arith.constant 21 : i32
      %eq3A_507 = vector.broadcast %eq3A_506 : i32 to vector<512x1xi32>
      %eq3A_508 = arith.cmpi eq, %broadcast_in_dim3A_378, %eq3A_507 : vector<512x1xi32>
      %broadcast_in_dim3A_509 = vector.shape_cast %eq3A_508 : vector<512x1xi1> to vector<512x1xi1>
      %broadcast_in_dim3A_510 = vector.broadcast %broadcast_in_dim3A_509 : vector<512x1xi1> to vector<512x128xi1>
      %select_n3A_511 = arith.select %broadcast_in_dim3A_510, %slice3A_43, %select_n3A_505 : vector<512x128xi1>, vector<512x128xf32>
      %eq3A_512 = arith.constant 22 : i32
      %eq3A_513 = vector.broadcast %eq3A_512 : i32 to vector<512x1xi32>
      %eq3A_514 = arith.cmpi eq, %broadcast_in_dim3A_378, %eq3A_513 : vector<512x1xi32>
      %broadcast_in_dim3A_515 = vector.shape_cast %eq3A_514 : vector<512x1xi1> to vector<512x1xi1>
      %broadcast_in_dim3A_516 = vector.broadcast %broadcast_in_dim3A_515 : vector<512x1xi1> to vector<512x128xi1>
      %select_n3A_517 = arith.select %broadcast_in_dim3A_516, %slice3A_44, %select_n3A_511 : vector<512x128xi1>, vector<512x128xf32>
      %eq3A_518 = arith.constant 23 : i32
      %eq3A_519 = vector.broadcast %eq3A_518 : i32 to vector<512x1xi32>
      %eq3A_520 = arith.cmpi eq, %broadcast_in_dim3A_378, %eq3A_519 : vector<512x1xi32>
      %broadcast_in_dim3A_521 = vector.shape_cast %eq3A_520 : vector<512x1xi1> to vector<512x1xi1>
      %broadcast_in_dim3A_522 = vector.broadcast %broadcast_in_dim3A_521 : vector<512x1xi1> to vector<512x128xi1>
      %select_n3A_523 = arith.select %broadcast_in_dim3A_522, %slice3A_45, %select_n3A_517 : vector<512x128xi1>, vector<512x128xf32>
      %eq3A_524 = arith.constant 24 : i32
      %eq3A_525 = vector.broadcast %eq3A_524 : i32 to vector<512x1xi32>
      %eq3A_526 = arith.cmpi eq, %broadcast_in_dim3A_378, %eq3A_525 : vector<512x1xi32>
      %broadcast_in_dim3A_527 = vector.shape_cast %eq3A_526 : vector<512x1xi1> to vector<512x1xi1>
      %broadcast_in_dim3A_528 = vector.broadcast %broadcast_in_dim3A_527 : vector<512x1xi1> to vector<512x128xi1>
      %select_n3A_529 = arith.select %broadcast_in_dim3A_528, %slice3A_46, %select_n3A_523 : vector<512x128xi1>, vector<512x128xf32>
      %eq3A_530 = arith.constant 25 : i32
      %eq3A_531 = vector.broadcast %eq3A_530 : i32 to vector<512x1xi32>
      %eq3A_532 = arith.cmpi eq, %broadcast_in_dim3A_378, %eq3A_531 : vector<512x1xi32>
      %broadcast_in_dim3A_533 = vector.shape_cast %eq3A_532 : vector<512x1xi1> to vector<512x1xi1>
      %broadcast_in_dim3A_534 = vector.broadcast %broadcast_in_dim3A_533 : vector<512x1xi1> to vector<512x128xi1>
      %select_n3A_535 = arith.select %broadcast_in_dim3A_534, %slice3A_47, %select_n3A_529 : vector<512x128xi1>, vector<512x128xf32>
      %eq3A_536 = arith.constant 26 : i32
      %eq3A_537 = vector.broadcast %eq3A_536 : i32 to vector<512x1xi32>
      %eq3A_538 = arith.cmpi eq, %broadcast_in_dim3A_378, %eq3A_537 : vector<512x1xi32>
      %broadcast_in_dim3A_539 = vector.shape_cast %eq3A_538 : vector<512x1xi1> to vector<512x1xi1>
      %broadcast_in_dim3A_540 = vector.broadcast %broadcast_in_dim3A_539 : vector<512x1xi1> to vector<512x128xi1>
      %select_n3A_541 = arith.select %broadcast_in_dim3A_540, %slice3A_48, %select_n3A_535 : vector<512x128xi1>, vector<512x128xf32>
      %eq3A_542 = arith.constant 27 : i32
      %eq3A_543 = vector.broadcast %eq3A_542 : i32 to vector<512x1xi32>
      %eq3A_544 = arith.cmpi eq, %broadcast_in_dim3A_378, %eq3A_543 : vector<512x1xi32>
      %broadcast_in_dim3A_545 = vector.shape_cast %eq3A_544 : vector<512x1xi1> to vector<512x1xi1>
      %broadcast_in_dim3A_546 = vector.broadcast %broadcast_in_dim3A_545 : vector<512x1xi1> to vector<512x128xi1>
      %select_n3A_547 = arith.select %broadcast_in_dim3A_546, %slice3A_49, %select_n3A_541 : vector<512x128xi1>, vector<512x128xf32>
      %eq3A_548 = arith.constant 28 : i32
      %eq3A_549 = vector.broadcast %eq3A_548 : i32 to vector<512x1xi32>
      %eq3A_550 = arith.cmpi eq, %broadcast_in_dim3A_378, %eq3A_549 : vector<512x1xi32>
      %broadcast_in_dim3A_551 = vector.shape_cast %eq3A_550 : vector<512x1xi1> to vector<512x1xi1>
      %broadcast_in_dim3A_552 = vector.broadcast %broadcast_in_dim3A_551 : vector<512x1xi1> to vector<512x128xi1>
      %select_n3A_553 = arith.select %broadcast_in_dim3A_552, %slice3A_50, %select_n3A_547 : vector<512x128xi1>, vector<512x128xf32>
      %eq3A_554 = arith.constant 29 : i32
      %eq3A_555 = vector.broadcast %eq3A_554 : i32 to vector<512x1xi32>
      %eq3A_556 = arith.cmpi eq, %broadcast_in_dim3A_378, %eq3A_555 : vector<512x1xi32>
      %broadcast_in_dim3A_557 = vector.shape_cast %eq3A_556 : vector<512x1xi1> to vector<512x1xi1>
      %broadcast_in_dim3A_558 = vector.broadcast %broadcast_in_dim3A_557 : vector<512x1xi1> to vector<512x128xi1>
      %select_n3A_559 = arith.select %broadcast_in_dim3A_558, %slice3A_51, %select_n3A_553 : vector<512x128xi1>, vector<512x128xf32>
      %eq3A_560 = arith.constant 30 : i32
      %eq3A_561 = vector.broadcast %eq3A_560 : i32 to vector<512x1xi32>
      %eq3A_562 = arith.cmpi eq, %broadcast_in_dim3A_378, %eq3A_561 : vector<512x1xi32>
      %broadcast_in_dim3A_563 = vector.shape_cast %eq3A_562 : vector<512x1xi1> to vector<512x1xi1>
      %broadcast_in_dim3A_564 = vector.broadcast %broadcast_in_dim3A_563 : vector<512x1xi1> to vector<512x128xi1>
      %select_n3A_565 = arith.select %broadcast_in_dim3A_564, %slice3A_52, %select_n3A_559 : vector<512x128xi1>, vector<512x128xf32>
      %eq3A_566 = arith.constant 31 : i32
      %eq3A_567 = vector.broadcast %eq3A_566 : i32 to vector<512x1xi32>
      %eq3A_568 = arith.cmpi eq, %broadcast_in_dim3A_378, %eq3A_567 : vector<512x1xi32>
      %broadcast_in_dim3A_569 = vector.shape_cast %eq3A_568 : vector<512x1xi1> to vector<512x1xi1>
      %broadcast_in_dim3A_570 = vector.broadcast %broadcast_in_dim3A_569 : vector<512x1xi1> to vector<512x128xi1>
      %select_n3A_571 = arith.select %broadcast_in_dim3A_570, %slice3A_53, %select_n3A_565 : vector<512x128xi1>, vector<512x128xf32>
      %mul3A_572 = arith.constant 128 : i32
      %mul3A_573 = vector.broadcast %mul3A_572 : i32 to vector<512x1xi32>
      %mul3A_574 = arith.muli %broadcast_in_dim3A_378, %mul3A_573 : vector<512x1xi32>
      %add3A_575 = vector.broadcast %mul3A_574 : vector<512x1xi32> to vector<512x128xi32>
      %add3A_576 = arith.addi %add3A_575, %iota3A_54 : vector<512x128xi32>
      %lt3A = vector.broadcast %scan3A_366 : vector<512x1xf32> to vector<512x128xf32>
      %lt3A_577 = arith.cmpf olt, %select_n3A_571, %lt3A : vector<512x128xf32>
      %eq3A_578 = vector.broadcast %scan3A_366 : vector<512x1xf32> to vector<512x128xf32>
      %eq3A_579 = arith.cmpf oeq, %select_n3A_571, %eq3A_578 : vector<512x128xf32>
      %le3A = vector.broadcast %scan3A_367 : vector<512x1xi32> to vector<512x128xi32>
      %le3A_580 = arith.cmpi sle, %add3A_576, %le3A : vector<512x128xi32>
      %and3A = arith.andi %eq3A_579, %le3A_580 : vector<512x128xi1>
      %or3A = arith.ori %lt3A_577, %and3A : vector<512x128xi1>
      %broadcast_in_dim3A_581 = vector.broadcast %scan3A : f32 to vector<512x128xf32>
      %select_n3A_582 = arith.select %or3A, %broadcast_in_dim3A_581, %select_n3A_571 : vector<512x128xi1>, vector<512x128xf32>
      %reduce_min3A_583 = arith.constant dense<0x7F800000> : vector<512xf32>
      %reduce_min3A_584 = vector.multi_reduction <minimumf>, %select_n3A_582, %reduce_min3A_583 [1] : vector<512x128xf32> to vector<512xf32>
      %broadcast_in_dim3A_585 = vector.shape_cast %reduce_min3A_584 : vector<512xf32> to vector<512x1xf32>
      %eq3A_586 = vector.broadcast %broadcast_in_dim3A_585 : vector<512x1xf32> to vector<512x128xf32>
      %eq3A_587 = arith.cmpf oeq, %select_n3A_582, %eq3A_586 : vector<512x128xf32>
      %jit3A_588 = arith.constant 128 : i32
      %broadcast_in_dim3A_589 = vector.broadcast %jit3A_588 : i32 to vector<512x128xi32>
      %select_n3A_590 = arith.select %eq3A_587, %iota3A_54, %broadcast_in_dim3A_589 : vector<512x128xi1>, vector<512x128xi32>
      %reduce_min3A_591 = arith.constant dense<2147483647> : vector<512xi32>
      %reduce_min3A_592 = vector.multi_reduction <minsi>, %select_n3A_590, %reduce_min3A_591 [1] : vector<512x128xi32> to vector<512xi32>
      %broadcast_in_dim3A_593 = vector.shape_cast %reduce_min3A_592 : vector<512xi32> to vector<512x1xi32>
      %add3A_594 = arith.addi %mul3A_574, %broadcast_in_dim3A_593 : vector<512x1xi32>
      %eq3A_595 = vector.broadcast %scan3A_364 : i32 to vector<512x32xi32>
      %eq3A_596 = arith.cmpi eq, %iota3A, %eq3A_595 : vector<512x32xi32>
      %broadcast_in_dim3A_597 = vector.shape_cast %add3A_594 : vector<512x1xi32> to vector<512x1xi32>
      %broadcast_in_dim3A_598 = vector.broadcast %broadcast_in_dim3A_597 : vector<512x1xi32> to vector<512x32xi32>
      %select_n3A_599 = arith.select %eq3A_596, %broadcast_in_dim3A_598, %scan3A_368 : vector<512x32xi1>, vector<512x32xi32>
      %eq3A_600 = vector.broadcast %broadcast_in_dim3A_593 : vector<512x1xi32> to vector<512x128xi32>
      %eq3A_601 = arith.cmpi eq, %iota3A_54, %eq3A_600 : vector<512x128xi32>
      %broadcast_in_dim3A_602 = vector.broadcast %scan3A : f32 to vector<512x128xf32>
      %select_n3A_603 = arith.select %eq3A_601, %broadcast_in_dim3A_602, %select_n3A_582 : vector<512x128xi1>, vector<512x128xf32>
      %reduce_min3A_604 = arith.constant dense<0x7F800000> : vector<512xf32>
      %reduce_min3A_605 = vector.multi_reduction <minimumf>, %select_n3A_603, %reduce_min3A_604 [1] : vector<512x128xf32> to vector<512xf32>
      %broadcast_in_dim3A_606 = vector.shape_cast %reduce_min3A_605 : vector<512xf32> to vector<512x1xf32>
      %eq3A_607 = vector.broadcast %broadcast_in_dim3A_378 : vector<512x1xi32> to vector<512x32xi32>
      %eq3A_608 = arith.cmpi eq, %iota3A_55, %eq3A_607 : vector<512x32xi32>
      %broadcast_in_dim3A_609 = vector.shape_cast %broadcast_in_dim3A_606 : vector<512x1xf32> to vector<512x1xf32>
      %broadcast_in_dim3A_610 = vector.broadcast %broadcast_in_dim3A_609 : vector<512x1xf32> to vector<512x32xf32>
      %select_n3A_611 = arith.select %eq3A_608, %broadcast_in_dim3A_610, %scan3A_365 : vector<512x32xi1>, vector<512x32xf32>
      scf.yield %select_n3A_611, %broadcast_in_dim3A_585, %add3A_594, %select_n3A_599 : vector<512x32xf32>, vector<512x1xf32>, vector<512x1xi32>, vector<512x32xi32>
    }
    %scan3A_354 = arith.constant 32 : i32
    %mul3A_355 = arith.constant 4096 : i32
    %mul3A_356 = arith.muli %arg0, %mul3A_355 : i32
    %add3A_357 = vector.broadcast %mul3A_356 : i32 to vector<512x32xi32>
    %add3A_358 = arith.addi %scan3A_353#3, %add3A_357 : vector<512x32xi32>
    %swap3A = arith.constant 0 : index
    %swap3A_359 = arith.constant 0 : index
    %swap3A_360 = arith.constant 0 : index
    %swap3A_361 = vector.load %arg3[%swap3A, %swap3A_359, %swap3A_360] : memref<1x512x32xi32, #tpu.memory_space<vmem>>, vector<1x512x32xi32>
    %swap3A_362 = vector.shape_cast %swap3A_361 : vector<1x512x32xi32> to vector<512x32xi32>
    %swap3A_363 = vector.shape_cast %add3A_358 : vector<512x32xi32> to vector<1x512x32xi32>
    tpu.vector_store %arg3[%swap3A, %swap3A_359, %swap3A_360], %swap3A_363 {strides = array<i32>} : memref<1x512x32xi32, #tpu.memory_space<vmem>>, vector<1x512x32xi32>,
    return
  }
  func.func @transform_0(%arg0: i32) -> (i32, i32, i32) {
    %c0_i32 = arith.constant 0 : i32
    %c0_i32_0 = arith.constant 0 : i32
    %c0_i32_1 = arith.constant 0 : i32
    return %arg0, %c0_i32, %c0_i32_0 : i32, i32, i32
  }
  func.func @transform_1(%arg0: i32) -> (i32, i32, i32) {
    %c0_i32 = arith.constant 0 : i32
    %c0_i32_0 = arith.constant 0 : i32
    %c0_i32_1 = arith.constant 0 : i32
    return %arg0, %c0_i32, %c0_i32_0 : i32, i32, i32
  }
  func.func @transform_2(%arg0: i32) -> (i32, i32, i32) {
    %c0_i32 = arith.constant 0 : i32
    %c0_i32_0 = arith.constant 0 : i32
    %c0_i32_1 = arith.constant 0 : i32
    return %arg0, %c0_i32, %c0_i32_0 : i32, i32, i32
  }
}

module attributes {stable_mosaic.version = 14 : i64} {
  func.func @_fps_body(%arg0: memref<8x1xi32, #tpu.memory_space<vmem>>, %arg1: memref<3x8x4096xf32, #tpu.memory_space<vmem>>, %arg2: memref<3x8x512xf32, #tpu.memory_space<vmem>>) attributes {dimension_semantics = [], scalar_prefetch = 0 : i64, scratch_operands = 0 : i64, tpu.core_type = #tpu.core_type<tc>} {
    %get3A = arith.constant 0 : index
    %get3A_0 = arith.constant 0 : index
    %get3A_1 = arith.constant 0 : index
    %get3A_2 = vector.load %arg1[%get3A, %get3A_0, %get3A_1] : memref<3x8x4096xf32, #tpu.memory_space<vmem>>, vector<1x8x1024xf32>
    %get3A_3 = vector.shape_cast %get3A_2 : vector<1x8x1024xf32> to vector<8x1024xf32>
    %get3A_4 = arith.constant 0 : index
    %get3A_5 = arith.constant 0 : index
    %get3A_6 = arith.constant 1024 : index
    %get3A_7 = vector.load %arg1[%get3A_4, %get3A_5, %get3A_6] : memref<3x8x4096xf32, #tpu.memory_space<vmem>>, vector<1x8x1024xf32>
    %get3A_8 = vector.shape_cast %get3A_7 : vector<1x8x1024xf32> to vector<8x1024xf32>
    %get3A_9 = arith.constant 0 : index
    %get3A_10 = arith.constant 0 : index
    %get3A_11 = arith.constant 2048 : index
    %get3A_12 = vector.load %arg1[%get3A_9, %get3A_10, %get3A_11] : memref<3x8x4096xf32, #tpu.memory_space<vmem>>, vector<1x8x1024xf32>
    %get3A_13 = vector.shape_cast %get3A_12 : vector<1x8x1024xf32> to vector<8x1024xf32>
    %get3A_14 = arith.constant 0 : index
    %get3A_15 = arith.constant 0 : index
    %get3A_16 = arith.constant 3072 : index
    %get3A_17 = vector.load %arg1[%get3A_14, %get3A_15, %get3A_16] : memref<3x8x4096xf32, #tpu.memory_space<vmem>>, vector<1x8x1024xf32>
    %get3A_18 = vector.shape_cast %get3A_17 : vector<1x8x1024xf32> to vector<8x1024xf32>
    %get3A_19 = arith.constant 1 : index
    %get3A_20 = arith.constant 0 : index
    %get3A_21 = arith.constant 0 : index
    %get3A_22 = vector.load %arg1[%get3A_19, %get3A_20, %get3A_21] : memref<3x8x4096xf32, #tpu.memory_space<vmem>>, vector<1x8x1024xf32>
    %get3A_23 = vector.shape_cast %get3A_22 : vector<1x8x1024xf32> to vector<8x1024xf32>
    %get3A_24 = arith.constant 1 : index
    %get3A_25 = arith.constant 0 : index
    %get3A_26 = arith.constant 1024 : index
    %get3A_27 = vector.load %arg1[%get3A_24, %get3A_25, %get3A_26] : memref<3x8x4096xf32, #tpu.memory_space<vmem>>, vector<1x8x1024xf32>
    %get3A_28 = vector.shape_cast %get3A_27 : vector<1x8x1024xf32> to vector<8x1024xf32>
    %get3A_29 = arith.constant 1 : index
    %get3A_30 = arith.constant 0 : index
    %get3A_31 = arith.constant 2048 : index
    %get3A_32 = vector.load %arg1[%get3A_29, %get3A_30, %get3A_31] : memref<3x8x4096xf32, #tpu.memory_space<vmem>>, vector<1x8x1024xf32>
    %get3A_33 = vector.shape_cast %get3A_32 : vector<1x8x1024xf32> to vector<8x1024xf32>
    %get3A_34 = arith.constant 1 : index
    %get3A_35 = arith.constant 0 : index
    %get3A_36 = arith.constant 3072 : index
    %get3A_37 = vector.load %arg1[%get3A_34, %get3A_35, %get3A_36] : memref<3x8x4096xf32, #tpu.memory_space<vmem>>, vector<1x8x1024xf32>
    %get3A_38 = vector.shape_cast %get3A_37 : vector<1x8x1024xf32> to vector<8x1024xf32>
    %get3A_39 = arith.constant 2 : index
    %get3A_40 = arith.constant 0 : index
    %get3A_41 = arith.constant 0 : index
    %get3A_42 = vector.load %arg1[%get3A_39, %get3A_40, %get3A_41] : memref<3x8x4096xf32, #tpu.memory_space<vmem>>, vector<1x8x1024xf32>
    %get3A_43 = vector.shape_cast %get3A_42 : vector<1x8x1024xf32> to vector<8x1024xf32>
    %get3A_44 = arith.constant 2 : index
    %get3A_45 = arith.constant 0 : index
    %get3A_46 = arith.constant 1024 : index
    %get3A_47 = vector.load %arg1[%get3A_44, %get3A_45, %get3A_46] : memref<3x8x4096xf32, #tpu.memory_space<vmem>>, vector<1x8x1024xf32>
    %get3A_48 = vector.shape_cast %get3A_47 : vector<1x8x1024xf32> to vector<8x1024xf32>
    %get3A_49 = arith.constant 2 : index
    %get3A_50 = arith.constant 0 : index
    %get3A_51 = arith.constant 2048 : index
    %get3A_52 = vector.load %arg1[%get3A_49, %get3A_50, %get3A_51] : memref<3x8x4096xf32, #tpu.memory_space<vmem>>, vector<1x8x1024xf32>
    %get3A_53 = vector.shape_cast %get3A_52 : vector<1x8x1024xf32> to vector<8x1024xf32>
    %get3A_54 = arith.constant 2 : index
    %get3A_55 = arith.constant 0 : index
    %get3A_56 = arith.constant 3072 : index
    %get3A_57 = vector.load %arg1[%get3A_54, %get3A_55, %get3A_56] : memref<3x8x4096xf32, #tpu.memory_space<vmem>>, vector<1x8x1024xf32>
    %get3A_58 = vector.shape_cast %get3A_57 : vector<1x8x1024xf32> to vector<8x1024xf32>
    %iota3A = tpu.iota {dimensions = array<i32: 1>} : vector<8x1024xi32>
    %add3A = arith.constant 0 : i32
    %add3A_59 = vector.broadcast %add3A : i32 to vector<8x1024xi32>
    %add3A_60 = arith.addi %iota3A, %add3A_59 : vector<8x1024xi32>
    %iota3A_61 = tpu.iota {dimensions = array<i32: 1>} : vector<8x1024xi32>
    %add3A_62 = arith.constant 1024 : i32
    %add3A_63 = vector.broadcast %add3A_62 : i32 to vector<8x1024xi32>
    %add3A_64 = arith.addi %iota3A_61, %add3A_63 : vector<8x1024xi32>
    %iota3A_65 = tpu.iota {dimensions = array<i32: 1>} : vector<8x1024xi32>
    %add3A_66 = arith.constant 2048 : i32
    %add3A_67 = vector.broadcast %add3A_66 : i32 to vector<8x1024xi32>
    %add3A_68 = arith.addi %iota3A_65, %add3A_67 : vector<8x1024xi32>
    %iota3A_69 = tpu.iota {dimensions = array<i32: 1>} : vector<8x1024xi32>
    %add3A_70 = arith.constant 3072 : i32
    %add3A_71 = vector.broadcast %add3A_70 : i32 to vector<8x1024xi32>
    %add3A_72 = arith.addi %iota3A_69, %add3A_71 : vector<8x1024xi32>
    %iota3A_73 = tpu.iota {dimensions = array<i32: 1>} : vector<8x512xi32>
    %broadcast_in_dim3A = arith.constant 1.000000e+10 : f32
    %broadcast_in_dim3A_74 = vector.broadcast %broadcast_in_dim3A : f32 to vector<8x1024xf32>
    %broadcast_in_dim3A_75 = arith.constant 1.000000e+10 : f32
    %broadcast_in_dim3A_76 = vector.broadcast %broadcast_in_dim3A_75 : f32 to vector<8x1024xf32>
    %broadcast_in_dim3A_77 = arith.constant 1.000000e+10 : f32
    %broadcast_in_dim3A_78 = vector.broadcast %broadcast_in_dim3A_77 : f32 to vector<8x1024xf32>
    %broadcast_in_dim3A_79 = arith.constant 1.000000e+10 : f32
    %broadcast_in_dim3A_80 = vector.broadcast %broadcast_in_dim3A_79 : f32 to vector<8x1024xf32>
    %broadcast_in_dim3A_81 = arith.constant 0.000000e+00 : f32
    %broadcast_in_dim3A_82 = vector.broadcast %broadcast_in_dim3A_81 : f32 to vector<8x512xf32>
    %get3A_83 = arith.constant 0 : index
    %get3A_84 = arith.constant 0 : index
    %get3A_85 = vector.load %arg0[%get3A_83, %get3A_84] : memref<8x1xi32, #tpu.memory_space<vmem>>, vector<8x1xi32>
    %scan3A = arith.constant 0 : i32
    %scan3A_86 = arith.constant 512 : i32
    %scan3A_87 = arith.addi %scan3A, %scan3A_86 : i32
    %scan3A_88 = arith.constant 1 : i32
    %scan3A_89:8 = scf.for %scan3A_108 = %scan3A to %scan3A_87 step %scan3A_88 iter_args(%scan3A_109 = %broadcast_in_dim3A_74, %scan3A_110 = %broadcast_in_dim3A_76, %scan3A_111 = %broadcast_in_dim3A_78, %scan3A_112 = %broadcast_in_dim3A_80, %scan3A_113 = %get3A_85, %scan3A_114 = %broadcast_in_dim3A_82, %scan3A_115 = %broadcast_in_dim3A_82, %scan3A_116 = %broadcast_in_dim3A_82) -> (vector<8x1024xf32>, vector<8x1024xf32>, vector<8x1024xf32>, vector<8x1024xf32>, vector<8x1xi32>, vector<8x512xf32>, vector<8x512xf32>, vector<8x512xf32>)  : i32 {
      %eq3A = vector.broadcast %scan3A_113 : vector<8x1xi32> to vector<8x1024xi32>
      %eq3A_117 = arith.cmpi eq, %add3A_60, %eq3A : vector<8x1024xi32>
      %convert_element_type3A = arith.extui %eq3A_117 : vector<8x1024xi1> to vector<8x1024xi32>
      %convert_element_type3A_118 = arith.sitofp %convert_element_type3A : vector<8x1024xi32> to vector<8x1024xf32>
      %eq3A_119 = vector.broadcast %scan3A_113 : vector<8x1xi32> to vector<8x1024xi32>
      %eq3A_120 = arith.cmpi eq, %add3A_64, %eq3A_119 : vector<8x1024xi32>
      %convert_element_type3A_121 = arith.extui %eq3A_120 : vector<8x1024xi1> to vector<8x1024xi32>
      %convert_element_type3A_122 = arith.sitofp %convert_element_type3A_121 : vector<8x1024xi32> to vector<8x1024xf32>
      %eq3A_123 = vector.broadcast %scan3A_113 : vector<8x1xi32> to vector<8x1024xi32>
      %eq3A_124 = arith.cmpi eq, %add3A_68, %eq3A_123 : vector<8x1024xi32>
      %convert_element_type3A_125 = arith.extui %eq3A_124 : vector<8x1024xi1> to vector<8x1024xi32>
      %convert_element_type3A_126 = arith.sitofp %convert_element_type3A_125 : vector<8x1024xi32> to vector<8x1024xf32>
      %eq3A_127 = vector.broadcast %scan3A_113 : vector<8x1xi32> to vector<8x1024xi32>
      %eq3A_128 = arith.cmpi eq, %add3A_72, %eq3A_127 : vector<8x1024xi32>
      %convert_element_type3A_129 = arith.extui %eq3A_128 : vector<8x1024xi1> to vector<8x1024xi32>
      %convert_element_type3A_130 = arith.sitofp %convert_element_type3A_129 : vector<8x1024xi32> to vector<8x1024xf32>
      %mul3A = arith.mulf %get3A_3, %convert_element_type3A_118 : vector<8x1024xf32>
      %reduce_sum3A = arith.constant dense<0.000000e+00> : vector<8xf32>
      %reduce_sum3A_131 = vector.multi_reduction <add>, %mul3A, %reduce_sum3A [1] : vector<8x1024xf32> to vector<8xf32>
      %broadcast_in_dim3A_132 = vector.shape_cast %reduce_sum3A_131 : vector<8xf32> to vector<8x1xf32>
      %mul3A_133 = arith.mulf %get3A_8, %convert_element_type3A_122 : vector<8x1024xf32>
      %reduce_sum3A_134 = arith.constant dense<0.000000e+00> : vector<8xf32>
      %reduce_sum3A_135 = vector.multi_reduction <add>, %mul3A_133, %reduce_sum3A_134 [1] : vector<8x1024xf32> to vector<8xf32>
      %broadcast_in_dim3A_136 = vector.shape_cast %reduce_sum3A_135 : vector<8xf32> to vector<8x1xf32>
      %mul3A_137 = arith.mulf %get3A_13, %convert_element_type3A_126 : vector<8x1024xf32>
      %reduce_sum3A_138 = arith.constant dense<0.000000e+00> : vector<8xf32>
      %reduce_sum3A_139 = vector.multi_reduction <add>, %mul3A_137, %reduce_sum3A_138 [1] : vector<8x1024xf32> to vector<8xf32>
      %broadcast_in_dim3A_140 = vector.shape_cast %reduce_sum3A_139 : vector<8xf32> to vector<8x1xf32>
      %mul3A_141 = arith.mulf %get3A_18, %convert_element_type3A_130 : vector<8x1024xf32>
      %reduce_sum3A_142 = arith.constant dense<0.000000e+00> : vector<8xf32>
      %reduce_sum3A_143 = vector.multi_reduction <add>, %mul3A_141, %reduce_sum3A_142 [1] : vector<8x1024xf32> to vector<8xf32>
      %broadcast_in_dim3A_144 = vector.shape_cast %reduce_sum3A_143 : vector<8xf32> to vector<8x1xf32>
      %add3A_145 = arith.addf %broadcast_in_dim3A_132, %broadcast_in_dim3A_136 : vector<8x1xf32>
      %add3A_146 = arith.addf %add3A_145, %broadcast_in_dim3A_140 : vector<8x1xf32>
      %add3A_147 = arith.addf %add3A_146, %broadcast_in_dim3A_144 : vector<8x1xf32>
      %mul3A_148 = arith.mulf %get3A_23, %convert_element_type3A_118 : vector<8x1024xf32>
      %reduce_sum3A_149 = arith.constant dense<0.000000e+00> : vector<8xf32>
      %reduce_sum3A_150 = vector.multi_reduction <add>, %mul3A_148, %reduce_sum3A_149 [1] : vector<8x1024xf32> to vector<8xf32>
      %broadcast_in_dim3A_151 = vector.shape_cast %reduce_sum3A_150 : vector<8xf32> to vector<8x1xf32>
      %mul3A_152 = arith.mulf %get3A_28, %convert_element_type3A_122 : vector<8x1024xf32>
      %reduce_sum3A_153 = arith.constant dense<0.000000e+00> : vector<8xf32>
      %reduce_sum3A_154 = vector.multi_reduction <add>, %mul3A_152, %reduce_sum3A_153 [1] : vector<8x1024xf32> to vector<8xf32>
      %broadcast_in_dim3A_155 = vector.shape_cast %reduce_sum3A_154 : vector<8xf32> to vector<8x1xf32>
      %mul3A_156 = arith.mulf %get3A_33, %convert_element_type3A_126 : vector<8x1024xf32>
      %reduce_sum3A_157 = arith.constant dense<0.000000e+00> : vector<8xf32>
      %reduce_sum3A_158 = vector.multi_reduction <add>, %mul3A_156, %reduce_sum3A_157 [1] : vector<8x1024xf32> to vector<8xf32>
      %broadcast_in_dim3A_159 = vector.shape_cast %reduce_sum3A_158 : vector<8xf32> to vector<8x1xf32>
      %mul3A_160 = arith.mulf %get3A_38, %convert_element_type3A_130 : vector<8x1024xf32>
      %reduce_sum3A_161 = arith.constant dense<0.000000e+00> : vector<8xf32>
      %reduce_sum3A_162 = vector.multi_reduction <add>, %mul3A_160, %reduce_sum3A_161 [1] : vector<8x1024xf32> to vector<8xf32>
      %broadcast_in_dim3A_163 = vector.shape_cast %reduce_sum3A_162 : vector<8xf32> to vector<8x1xf32>
      %add3A_164 = arith.addf %broadcast_in_dim3A_151, %broadcast_in_dim3A_155 : vector<8x1xf32>
      %add3A_165 = arith.addf %add3A_164, %broadcast_in_dim3A_159 : vector<8x1xf32>
      %add3A_166 = arith.addf %add3A_165, %broadcast_in_dim3A_163 : vector<8x1xf32>
      %mul3A_167 = arith.mulf %get3A_43, %convert_element_type3A_118 : vector<8x1024xf32>
      %reduce_sum3A_168 = arith.constant dense<0.000000e+00> : vector<8xf32>
      %reduce_sum3A_169 = vector.multi_reduction <add>, %mul3A_167, %reduce_sum3A_168 [1] : vector<8x1024xf32> to vector<8xf32>
      %broadcast_in_dim3A_170 = vector.shape_cast %reduce_sum3A_169 : vector<8xf32> to vector<8x1xf32>
      %mul3A_171 = arith.mulf %get3A_48, %convert_element_type3A_122 : vector<8x1024xf32>
      %reduce_sum3A_172 = arith.constant dense<0.000000e+00> : vector<8xf32>
      %reduce_sum3A_173 = vector.multi_reduction <add>, %mul3A_171, %reduce_sum3A_172 [1] : vector<8x1024xf32> to vector<8xf32>
      %broadcast_in_dim3A_174 = vector.shape_cast %reduce_sum3A_173 : vector<8xf32> to vector<8x1xf32>
      %mul3A_175 = arith.mulf %get3A_53, %convert_element_type3A_126 : vector<8x1024xf32>
      %reduce_sum3A_176 = arith.constant dense<0.000000e+00> : vector<8xf32>
      %reduce_sum3A_177 = vector.multi_reduction <add>, %mul3A_175, %reduce_sum3A_176 [1] : vector<8x1024xf32> to vector<8xf32>
      %broadcast_in_dim3A_178 = vector.shape_cast %reduce_sum3A_177 : vector<8xf32> to vector<8x1xf32>
      %mul3A_179 = arith.mulf %get3A_58, %convert_element_type3A_130 : vector<8x1024xf32>
      %reduce_sum3A_180 = arith.constant dense<0.000000e+00> : vector<8xf32>
      %reduce_sum3A_181 = vector.multi_reduction <add>, %mul3A_179, %reduce_sum3A_180 [1] : vector<8x1024xf32> to vector<8xf32>
      %broadcast_in_dim3A_182 = vector.shape_cast %reduce_sum3A_181 : vector<8xf32> to vector<8x1xf32>
      %add3A_183 = arith.addf %broadcast_in_dim3A_170, %broadcast_in_dim3A_174 : vector<8x1xf32>
      %add3A_184 = arith.addf %add3A_183, %broadcast_in_dim3A_178 : vector<8x1xf32>
      %add3A_185 = arith.addf %add3A_184, %broadcast_in_dim3A_182 : vector<8x1xf32>
      %eq3A_186 = vector.broadcast %scan3A_108 : i32 to vector<8x512xi32>
      %eq3A_187 = arith.cmpi eq, %iota3A_73, %eq3A_186 : vector<8x512xi32>
      %broadcast_in_dim3A_188 = vector.shape_cast %add3A_147 : vector<8x1xf32> to vector<8x1xf32>
      %broadcast_in_dim3A_189 = vector.broadcast %broadcast_in_dim3A_188 : vector<8x1xf32> to vector<8x512xf32>
      %select_n3A = arith.select %eq3A_187, %broadcast_in_dim3A_189, %scan3A_114 : vector<8x512xi1>, vector<8x512xf32>
      %broadcast_in_dim3A_190 = vector.shape_cast %add3A_166 : vector<8x1xf32> to vector<8x1xf32>
      %broadcast_in_dim3A_191 = vector.broadcast %broadcast_in_dim3A_190 : vector<8x1xf32> to vector<8x512xf32>
      %select_n3A_192 = arith.select %eq3A_187, %broadcast_in_dim3A_191, %scan3A_115 : vector<8x512xi1>, vector<8x512xf32>
      %broadcast_in_dim3A_193 = vector.shape_cast %add3A_185 : vector<8x1xf32> to vector<8x1xf32>
      %broadcast_in_dim3A_194 = vector.broadcast %broadcast_in_dim3A_193 : vector<8x1xf32> to vector<8x512xf32>
      %select_n3A_195 = arith.select %eq3A_187, %broadcast_in_dim3A_194, %scan3A_116 : vector<8x512xi1>, vector<8x512xf32>
      %sub3A = vector.broadcast %add3A_147 : vector<8x1xf32> to vector<8x1024xf32>
      %sub3A_196 = arith.subf %get3A_3, %sub3A : vector<8x1024xf32>
      %integer_pow3A = arith.mulf %sub3A_196, %sub3A_196 : vector<8x1024xf32>
      %sub3A_197 = vector.broadcast %add3A_166 : vector<8x1xf32> to vector<8x1024xf32>
      %sub3A_198 = arith.subf %get3A_23, %sub3A_197 : vector<8x1024xf32>
      %integer_pow3A_199 = arith.mulf %sub3A_198, %sub3A_198 : vector<8x1024xf32>
      %add3A_200 = arith.addf %integer_pow3A, %integer_pow3A_199 : vector<8x1024xf32>
      %sub3A_201 = vector.broadcast %add3A_185 : vector<8x1xf32> to vector<8x1024xf32>
      %sub3A_202 = arith.subf %get3A_43, %sub3A_201 : vector<8x1024xf32>
      %integer_pow3A_203 = arith.mulf %sub3A_202, %sub3A_202 : vector<8x1024xf32>
      %add3A_204 = arith.addf %add3A_200, %integer_pow3A_203 : vector<8x1024xf32>
      %min3A = arith.minimumf %scan3A_109, %add3A_204 : vector<8x1024xf32>
      %reduce_max3A = arith.constant dense<0xFF800000> : vector<8xf32>
      %reduce_max3A_205 = vector.multi_reduction <maximumf>, %min3A, %reduce_max3A [1] : vector<8x1024xf32> to vector<8xf32>
      %broadcast_in_dim3A_206 = vector.shape_cast %reduce_max3A_205 : vector<8xf32> to vector<8x1xf32>
      %sub3A_207 = vector.broadcast %add3A_147 : vector<8x1xf32> to vector<8x1024xf32>
      %sub3A_208 = arith.subf %get3A_8, %sub3A_207 : vector<8x1024xf32>
      %integer_pow3A_209 = arith.mulf %sub3A_208, %sub3A_208 : vector<8x1024xf32>
      %sub3A_210 = vector.broadcast %add3A_166 : vector<8x1xf32> to vector<8x1024xf32>
      %sub3A_211 = arith.subf %get3A_28, %sub3A_210 : vector<8x1024xf32>
      %integer_pow3A_212 = arith.mulf %sub3A_211, %sub3A_211 : vector<8x1024xf32>
      %add3A_213 = arith.addf %integer_pow3A_209, %integer_pow3A_212 : vector<8x1024xf32>
      %sub3A_214 = vector.broadcast %add3A_185 : vector<8x1xf32> to vector<8x1024xf32>
      %sub3A_215 = arith.subf %get3A_48, %sub3A_214 : vector<8x1024xf32>
      %integer_pow3A_216 = arith.mulf %sub3A_215, %sub3A_215 : vector<8x1024xf32>
      %add3A_217 = arith.addf %add3A_213, %integer_pow3A_216 : vector<8x1024xf32>
      %min3A_218 = arith.minimumf %scan3A_110, %add3A_217 : vector<8x1024xf32>
      %reduce_max3A_219 = arith.constant dense<0xFF800000> : vector<8xf32>
      %reduce_max3A_220 = vector.multi_reduction <maximumf>, %min3A_218, %reduce_max3A_219 [1] : vector<8x1024xf32> to vector<8xf32>
      %broadcast_in_dim3A_221 = vector.shape_cast %reduce_max3A_220 : vector<8xf32> to vector<8x1xf32>
      %sub3A_222 = vector.broadcast %add3A_147 : vector<8x1xf32> to vector<8x1024xf32>
      %sub3A_223 = arith.subf %get3A_13, %sub3A_222 : vector<8x1024xf32>
      %integer_pow3A_224 = arith.mulf %sub3A_223, %sub3A_223 : vector<8x1024xf32>
      %sub3A_225 = vector.broadcast %add3A_166 : vector<8x1xf32> to vector<8x1024xf32>
      %sub3A_226 = arith.subf %get3A_33, %sub3A_225 : vector<8x1024xf32>
      %integer_pow3A_227 = arith.mulf %sub3A_226, %sub3A_226 : vector<8x1024xf32>
      %add3A_228 = arith.addf %integer_pow3A_224, %integer_pow3A_227 : vector<8x1024xf32>
      %sub3A_229 = vector.broadcast %add3A_185 : vector<8x1xf32> to vector<8x1024xf32>
      %sub3A_230 = arith.subf %get3A_53, %sub3A_229 : vector<8x1024xf32>
      %integer_pow3A_231 = arith.mulf %sub3A_230, %sub3A_230 : vector<8x1024xf32>
      %add3A_232 = arith.addf %add3A_228, %integer_pow3A_231 : vector<8x1024xf32>
      %min3A_233 = arith.minimumf %scan3A_111, %add3A_232 : vector<8x1024xf32>
      %reduce_max3A_234 = arith.constant dense<0xFF800000> : vector<8xf32>
      %reduce_max3A_235 = vector.multi_reduction <maximumf>, %min3A_233, %reduce_max3A_234 [1] : vector<8x1024xf32> to vector<8xf32>
      %broadcast_in_dim3A_236 = vector.shape_cast %reduce_max3A_235 : vector<8xf32> to vector<8x1xf32>
      %sub3A_237 = vector.broadcast %add3A_147 : vector<8x1xf32> to vector<8x1024xf32>
      %sub3A_238 = arith.subf %get3A_18, %sub3A_237 : vector<8x1024xf32>
      %integer_pow3A_239 = arith.mulf %sub3A_238, %sub3A_238 : vector<8x1024xf32>
      %sub3A_240 = vector.broadcast %add3A_166 : vector<8x1xf32> to vector<8x1024xf32>
      %sub3A_241 = arith.subf %get3A_38, %sub3A_240 : vector<8x1024xf32>
      %integer_pow3A_242 = arith.mulf %sub3A_241, %sub3A_241 : vector<8x1024xf32>
      %add3A_243 = arith.addf %integer_pow3A_239, %integer_pow3A_242 : vector<8x1024xf32>
      %sub3A_244 = vector.broadcast %add3A_185 : vector<8x1xf32> to vector<8x1024xf32>
      %sub3A_245 = arith.subf %get3A_58, %sub3A_244 : vector<8x1024xf32>
      %integer_pow3A_246 = arith.mulf %sub3A_245, %sub3A_245 : vector<8x1024xf32>
      %add3A_247 = arith.addf %add3A_243, %integer_pow3A_246 : vector<8x1024xf32>
      %min3A_248 = arith.minimumf %scan3A_112, %add3A_247 : vector<8x1024xf32>
      %reduce_max3A_249 = arith.constant dense<0xFF800000> : vector<8xf32>
      %reduce_max3A_250 = vector.multi_reduction <maximumf>, %min3A_248, %reduce_max3A_249 [1] : vector<8x1024xf32> to vector<8xf32>
      %broadcast_in_dim3A_251 = vector.shape_cast %reduce_max3A_250 : vector<8xf32> to vector<8x1xf32>
      %max3A = arith.maximumf %broadcast_in_dim3A_206, %broadcast_in_dim3A_221 : vector<8x1xf32>
      %max3A_252 = arith.maximumf %max3A, %broadcast_in_dim3A_236 : vector<8x1xf32>
      %max3A_253 = arith.maximumf %max3A_252, %broadcast_in_dim3A_251 : vector<8x1xf32>
      %eq3A_254 = vector.broadcast %max3A_253 : vector<8x1xf32> to vector<8x1024xf32>
      %eq3A_255 = arith.cmpf oeq, %min3A, %eq3A_254 : vector<8x1024xf32>
      %jit3A = arith.constant 4096 : i32
      %broadcast_in_dim3A_256 = vector.broadcast %jit3A : i32 to vector<8x1024xi32>
      %select_n3A_257 = arith.select %eq3A_255, %add3A_60, %broadcast_in_dim3A_256 : vector<8x1024xi1>, vector<8x1024xi32>
      %reduce_min3A = arith.constant dense<2147483647> : vector<8xi32>
      %reduce_min3A_258 = vector.multi_reduction <minsi>, %select_n3A_257, %reduce_min3A [1] : vector<8x1024xi32> to vector<8xi32>
      %broadcast_in_dim3A_259 = vector.shape_cast %reduce_min3A_258 : vector<8xi32> to vector<8x1xi32>
      %eq3A_260 = vector.broadcast %max3A_253 : vector<8x1xf32> to vector<8x1024xf32>
      %eq3A_261 = arith.cmpf oeq, %min3A_218, %eq3A_260 : vector<8x1024xf32>
      %jit3A_262 = arith.constant 4096 : i32
      %broadcast_in_dim3A_263 = vector.broadcast %jit3A_262 : i32 to vector<8x1024xi32>
      %select_n3A_264 = arith.select %eq3A_261, %add3A_64, %broadcast_in_dim3A_263 : vector<8x1024xi1>, vector<8x1024xi32>
      %reduce_min3A_265 = arith.constant dense<2147483647> : vector<8xi32>
      %reduce_min3A_266 = vector.multi_reduction <minsi>, %select_n3A_264, %reduce_min3A_265 [1] : vector<8x1024xi32> to vector<8xi32>
      %broadcast_in_dim3A_267 = vector.shape_cast %reduce_min3A_266 : vector<8xi32> to vector<8x1xi32>
      %eq3A_268 = vector.broadcast %max3A_253 : vector<8x1xf32> to vector<8x1024xf32>
      %eq3A_269 = arith.cmpf oeq, %min3A_233, %eq3A_268 : vector<8x1024xf32>
      %jit3A_270 = arith.constant 4096 : i32
      %broadcast_in_dim3A_271 = vector.broadcast %jit3A_270 : i32 to vector<8x1024xi32>
      %select_n3A_272 = arith.select %eq3A_269, %add3A_68, %broadcast_in_dim3A_271 : vector<8x1024xi1>, vector<8x1024xi32>
      %reduce_min3A_273 = arith.constant dense<2147483647> : vector<8xi32>
      %reduce_min3A_274 = vector.multi_reduction <minsi>, %select_n3A_272, %reduce_min3A_273 [1] : vector<8x1024xi32> to vector<8xi32>
      %broadcast_in_dim3A_275 = vector.shape_cast %reduce_min3A_274 : vector<8xi32> to vector<8x1xi32>
      %eq3A_276 = vector.broadcast %max3A_253 : vector<8x1xf32> to vector<8x1024xf32>
      %eq3A_277 = arith.cmpf oeq, %min3A_248, %eq3A_276 : vector<8x1024xf32>
      %jit3A_278 = arith.constant 4096 : i32
      %broadcast_in_dim3A_279 = vector.broadcast %jit3A_278 : i32 to vector<8x1024xi32>
      %select_n3A_280 = arith.select %eq3A_277, %add3A_72, %broadcast_in_dim3A_279 : vector<8x1024xi1>, vector<8x1024xi32>
      %reduce_min3A_281 = arith.constant dense<2147483647> : vector<8xi32>
      %reduce_min3A_282 = vector.multi_reduction <minsi>, %select_n3A_280, %reduce_min3A_281 [1] : vector<8x1024xi32> to vector<8xi32>
      %broadcast_in_dim3A_283 = vector.shape_cast %reduce_min3A_282 : vector<8xi32> to vector<8x1xi32>
      %min3A_284 = arith.minsi %broadcast_in_dim3A_259, %broadcast_in_dim3A_267 : vector<8x1xi32>
      %min3A_285 = arith.minsi %min3A_284, %broadcast_in_dim3A_275 : vector<8x1xi32>
      %min3A_286 = arith.minsi %min3A_285, %broadcast_in_dim3A_283 : vector<8x1xi32>
      scf.yield %min3A, %min3A_218, %min3A_233, %min3A_248, %min3A_286, %select_n3A, %select_n3A_192, %select_n3A_195 : vector<8x1024xf32>, vector<8x1024xf32>, vector<8x1024xf32>, vector<8x1024xf32>, vector<8x1xi32>, vector<8x512xf32>, vector<8x512xf32>, vector<8x512xf32>
    }
    %scan3A_90 = arith.constant 512 : i32
    %swap3A = arith.constant 0 : index
    %swap3A_91 = arith.constant 0 : index
    %swap3A_92 = arith.constant 0 : index
    %swap3A_93 = vector.load %arg2[%swap3A, %swap3A_91, %swap3A_92] : memref<3x8x512xf32, #tpu.memory_space<vmem>>, vector<1x8x512xf32>
    %swap3A_94 = vector.shape_cast %swap3A_93 : vector<1x8x512xf32> to vector<8x512xf32>
    %swap3A_95 = vector.shape_cast %scan3A_89#5 : vector<8x512xf32> to vector<1x8x512xf32>
    tpu.vector_store %arg2[%swap3A, %swap3A_91, %swap3A_92], %swap3A_95 {strides = array<i32>} : memref<3x8x512xf32, #tpu.memory_space<vmem>>, vector<1x8x512xf32>,
    %swap3A_96 = arith.constant 1 : index
    %swap3A_97 = arith.constant 0 : index
    %swap3A_98 = arith.constant 0 : index
    %swap3A_99 = vector.load %arg2[%swap3A_96, %swap3A_97, %swap3A_98] : memref<3x8x512xf32, #tpu.memory_space<vmem>>, vector<1x8x512xf32>
    %swap3A_100 = vector.shape_cast %swap3A_99 : vector<1x8x512xf32> to vector<8x512xf32>
    %swap3A_101 = vector.shape_cast %scan3A_89#6 : vector<8x512xf32> to vector<1x8x512xf32>
    tpu.vector_store %arg2[%swap3A_96, %swap3A_97, %swap3A_98], %swap3A_101 {strides = array<i32>} : memref<3x8x512xf32, #tpu.memory_space<vmem>>, vector<1x8x512xf32>,
    %swap3A_102 = arith.constant 2 : index
    %swap3A_103 = arith.constant 0 : index
    %swap3A_104 = arith.constant 0 : index
    %swap3A_105 = vector.load %arg2[%swap3A_102, %swap3A_103, %swap3A_104] : memref<3x8x512xf32, #tpu.memory_space<vmem>>, vector<1x8x512xf32>
    %swap3A_106 = vector.shape_cast %swap3A_105 : vector<1x8x512xf32> to vector<8x512xf32>
    %swap3A_107 = vector.shape_cast %scan3A_89#7 : vector<8x512xf32> to vector<1x8x512xf32>
    tpu.vector_store %arg2[%swap3A_102, %swap3A_103, %swap3A_104], %swap3A_107 {strides = array<i32>} : memref<3x8x512xf32, #tpu.memory_space<vmem>>, vector<1x8x512xf32>,
    return
  }
}

</mosaic_0001>

<sc_bundles>
// kernel: kernel.5.cloned.1.call-start
scs
__scs_entry_jumppad:
0x0: {  	(pc) =	sbr.rel $0x88, $3  }
0x1: {  	(tag) =	ssettag $0x0;
	lr =	simm.s32 $0x1  }
0x2: {  	[smem:$0x3F9E] =	sst lr;
	_ =	strace $0xD0000000  }
0x3: {  	_ = 	snop  }
0x4: {  	_ = 	snop  }
0x5: {  	_ = 	snop  }
0x6: {  	_ = 	snop  }
0x7: {  	_ = 	snop  }
__scs_overlays_trampoline_lowered:
0x8: {  	[smem:$0x3FAD] =	sst s0  }
0x9: {  	[smem:$0x3FAE] =	sst s1  }
0xa: {  	[smem:$0x3FAF] =	sst s2  }
0xb: {  	[smem:$0x3FB0] =	sst s3  }
0xc: {  	[smem:$0x3FB1] =	sst s4  }
0xd: {  	[smem:$0x3FB2] =	sst s5  }
0xe: {  	[smem:$0x3FB3] =	sst s6  }
0xf: {  	[smem:$0x3FB4] =	sst s7  }
0x10: {  	[smem:$0x3FB5] =	sst s8  }
0x11: {  	[smem:$0x3FB6] =	sst s9;
	s0 =	simm.s32 @!p0 $0x0  }
0x12: {  	s1 =	sld [smem:$0x3F9C];
	s0 =	simm.s32 @p0 $0x1  }
0x13: {  	[smem:$0x3FB7] =	sst s0;
	s0 =	simm.s32 @!p1 $0x0  }
0x14: {  	s2 =	sld [smem:$0x3F9B];
	s0 =	simm.s32 @p1 $0x1  }
0x15: {  	[smem:$0x3FB8] =	sst s0;
	s0 =	simm.s32 @!p2 $0x0  }
0x16: {  	s3 =	sld [smem:$0x3FDB];
	s0 =	simm.s32 @p2 $0x1  }
0x17: {  	s4 =	simm.s32 $0x1BF5;
	[smem:$0x3FBA] =	sst s0  }
0x18: {  	s0 =	sld [smem:$0x3F9D];
	_ =	swait.ge [sflag:s4], $0x0  }
0x19: {  	s7 =	sld [smem:$0x3F9E]  }
0x1a: {  	s8 =	sadd.s32 $0xFFFFE003, lr  }
0x1b: {  	s9 =	sadd.s32 $0xFFFFFEF7, lr;
	s5 =	simm.s32 $0xFFFFFFFF;
	p2 =	slt.u32 s8, $0xFFFFF086  }
0x1c: {  	p1 =	slt.u32 s9, $0xF7A;
	s5 =	simm.s32 @!p2 $0x0  }
0x1d: {  	s5 =	simm.s32 @p1 $0x1;
	p0 =	seq.s32 s7, s2  }
0x1e: {  	s7 =	smul.u32 @!p0 $0xF7A, s2;
	p2 =	seq.s32 @!p0 s5, $0x0  }
0x1f: {  	s9 =	smul.u32 $0xF7A, s1;
	s8 =	simm.s32 @!p0 $0x1BF5;
	p2 =	por !p2, p0  }
0x20: {  	[sflag:s8] =	ssyncset.s32 @!p0 $0xFFFFF086;
	s6 =	sadd.s32 @!p0 s3, s7;
	s7 =	simm.s32 @!p0 $0x108  }
0x21: {  	s3 =	sadd.s32 s3, s9;
	s6 =	sadd.s32 @!p0 $0x88, s6;
	s7 =	simm.s32 @p2 $0x1082  }
0x22: {  	[simem:s7], [sflag:s8] =	dma.local @!p0 [hbm:s6], $0xF7A  }
0x23: {  	s9 =	sor.u32 $0xD0000000, s2;
	s6 =	simm.s32 $0x108;
	_ =	swait.ge @!p0 [sflag:s8], $0x0  }
0x24: {  	s3 =	sadd.s32 $0x88, s3;
	s6 =	simm.s32 @!p1 $0x1082;
	[sflag:s4] =	ssyncset.s32 $0xFFFFF086  }
0x25: {  	[simem:s6], [sflag:s4] =	dma.local [hbm:s3], $0xF7A  }
0x26: {  	[smem:$0x3F9E] =	sst s1;
	(tag) =	ssettag s2;
	_ =	strace s9  }
0x27: {  	s1 =	sld [smem:$0x3FAE]  }
0x28: {  	s2 =	sld [smem:$0x3FAF]  }
0x29: {  	s4 =	sld [smem:$0x3FB1]  }
0x2a: {  	p0 =	seq.s32 s5, $0x0;
	s5 =	sld [smem:$0x3FB2]  }
0x2b: {  	s6 =	sld [smem:$0x3FB3]  }
0x2c: {  	s7 =	sld [smem:$0x3FB4]  }
0x2d: {  	s3 =	simm.s32 $0x108;
	s8 =	sld [smem:$0x3FB5]  }
0x2e: {  	s3 =	simm.s32 @!p0 $0x1082;
	s9 =	sld [smem:$0x3FB6]  }
0x2f: {  	lr =	sadd.s32 s0, s3;
	s0 =	sld [smem:$0x3FAD]  }
0x30: {  	s3 =	sld [smem:$0x3FB0]  }
0x31: {  	[smem:$0x3FB9] =	sst s10  }
0x32: {  	s10 =	sld [smem:$0x3FB7];
	_ =	sdelay $0x3  }
0x33: {  	p0 =	seq.s32 s10, $0x1;
	s10 =	sld [smem:$0x3FB9];
	_ =	sdelay $0x3  }
0x34: {  	[smem:$0x3FB9] =	sst s10  }
0x35: {  	s10 =	sld [smem:$0x3FB8];
	_ =	sdelay $0x3  }
0x36: {  	p1 =	seq.s32 s10, $0x1;
	s10 =	sld [smem:$0x3FB9];
	_ =	sdelay $0x3  }
0x37: {  	[smem:$0x3FB9] =	sst s10  }
0x38: {  	s10 =	sld [smem:$0x3FBA]  }
0x39: {  	_ = 	snop;
	(pc) =	sbr.ind lr, $3  }
0x3a: {  	_ = 	snop  }
0x3b: {  	_ = 	snop  }
0x3c: {  	p2 =	seq.s32 s10, $0x1;
	s10 =	sld [smem:$0x3FB9]  }
0x3d: {  	_ =	shalt  }
0x3e: {  	_ =	shalt  }
0x3f: {  	_ =	shalt  }
0x40: {  	_ =	shalt  }
0x41: {  	_ =	shalt  }
0x42: {  	_ =	shalt  }
0x43: {  	_ =	shalt  }
0x44: {  	_ =	shalt  }
0x45: {  	_ =	shalt  }
0x46: {  	_ =	shalt  }
0x47: {  	_ =	shalt  }
0x48: {  	_ =	shalt  }
0x49: {  	_ =	shalt  }
0x4a: {  	_ =	shalt  }
0x4b: {  	_ =	shalt  }
0x4c: {  	_ =	shalt  }
0x4d: {  	_ =	shalt  }
0x4e: {  	_ =	shalt  }
0x4f: {  	_ =	shalt  }
0x50: {  	_ =	shalt  }
0x51: {  	_ =	shalt  }
0x52: {  	_ =	shalt  }
0x53: {  	_ =	shalt  }
0x54: {  	_ =	shalt  }
0x55: {  	_ =	shalt  }
0x56: {  	_ =	shalt  }
0x57: {  	_ =	shalt  }
0x58: {  	_ =	shalt  }
0x59: {  	_ =	shalt  }
0x5a: {  	_ =	shalt  }
0x5b: {  	_ =	shalt  }
0x5c: {  	_ =	shalt  }
0x5d: {  	_ =	shalt  }
0x5e: {  	_ =	shalt  }
0x5f: {  	_ =	shalt  }
0x60: {  	_ =	shalt  }
0x61: {  	_ =	shalt  }
0x62: {  	_ =	shalt  }
0x63: {  	_ =	shalt  }
0x64: {  	_ =	shalt  }
0x65: {  	_ =	shalt  }
0x66: {  	_ =	shalt  }
0x67: {  	_ =	shalt  }
0x68: {  	_ =	shalt  }
0x69: {  	_ =	shalt  }
0x6a: {  	_ =	shalt  }
0x6b: {  	_ =	shalt  }
0x6c: {  	_ =	shalt  }
0x6d: {  	_ =	shalt  }
0x6e: {  	_ =	shalt  }
0x6f: {  	_ =	shalt  }
0x70: {  	_ =	shalt  }
0x71: {  	_ =	shalt  }
0x72: {  	_ =	shalt  }
0x73: {  	_ =	shalt  }
0x74: {  	_ =	shalt  }
0x75: {  	_ =	shalt  }
0x76: {  	_ =	shalt  }
0x77: {  	_ =	shalt  }
0x78: {  	_ =	shalt  }
0x79: {  	_ =	shalt  }
0x7a: {  	_ =	shalt  }
0x7b: {  	_ =	shalt  }
0x7c: {  	_ =	shalt  }
0x7d: {  	_ =	shalt  }
0x7e: {  	_ =	shalt  }
0x7f: {  	_ =	shalt  }
0x80: {  	_ =	shalt  }
0x81: {  	_ =	shalt  }
0x82: {  	_ =	shalt  }
0x83: {  	_ =	shalt  }
0x84: {  	_ =	shalt  }
0x85: {  	_ =	shalt  }
0x86: {  	_ =	shalt  }
0x87: {  	_ =	shalt  }
.Lfunc_end0:
.L_simem_size_0:
called_computation.1_lowered:
.L_overlay_start_0:
0x88: {  	s2 =	sld [smem:$0x3FD9]  }
0x89: {  	s3 =	sld [smem:$0x3FFE];
	_ =	sdelay $0x1  }
0x8a: {  	s1 =	srdreg.scid  }
0x8b: {  	s0 =	sand.u32 $0x1, s1  }
0x8c: {  	s17 =	sshll.u32 s0, $0xA;
	s2 =	sadd.s32 s3, s2  }
0x8d: {  	s2 =	sadd.s32 s2, s17  }
0x8e: {  	[smem:$0x3FC5] =	sst s2  }
0x8f: {  	_ = 	snop  }
0x90: {  	s2 =	sld [smem:$0x3FC8]  }
0x91: {  	s18 =	sld [smem:$0x3FD0];
	(tm) =	ssettm $0x1  }
0x92: {  	s4 =	sld [smem:$0x3FFB];
	_ =	sdelay $0x3  }
0x93: {  	_ =	strace s4  }
0x94: {  	s4 =	sld [smem:$0x3FFC];
	_ =	sdelay $0x3  }
0x95: {  	_ =	strace s4  }
0x96: {  	s4 =	sld [smem:$0x3FFD];
	_ =	sdelay $0x3  }
0x97: {  	_ =	strace s4  }
0x98: {  	_ =	strace $0x8FFFFFFF  }
0x99: {  	s19 =	sld [smem:$0x3FDB];
	_ =	sdelay $0x1  }
0x9a: {  	s5 =	simm.s32 $_scs_section_size  }
0x9b: {  	s6 =	simm.s32 $_size__tile_overlayer_lowered;
	s7 =	simm.s32 $_tile_overlayer_lowered  }
0x9c: {  	s22 =	simm.s32 $0x1BFF;
	s21 =	sshll.u32 s7, $0x1;
	s4 =	sadd.s32 s5, s19  }
0x9d: {  	s8 =	simm.s32 $0x0;
	s20 =	sshll.u32 s6, $0x1;
	s6 =	sadd.s32 s21, s4  }
0x9e: {  	[timem:s8], [sflag:s22] =	dma.local [hbm:s6], s20  }
0x9f: {  	_ =	swait.ge [sflag:s22], s20  }
0xa0: {  	s5 =	ssub.s32 $0x0, s20;
	[sflag:s22] =	ssyncset.done $0x0  }
0xa1: {  	[sflag:s22] =	ssyncadd.s32 s5;
	_ =	sdelay $0x1  }
0xa2: {  	s23 =	simm.s32 $0x1B8B  }
0xa3: {  	_ =	swait.ge [sflag:s23], $0x1  }
0xa4: {  	[sflag:s23] =	ssyncset.done $0x0  }
0xa5: {  	s25 =	simm.s32 $0x1B8E;
	s24 =	sld [smem:$0x3FFE];
	[sflag:s23] =	ssyncadd.s32 $0xFFFFFFFF  }
0xa6: {  	s26 =	simm.s32 $execute0_lowered;
	[smem:$0x3FD2] =	sst s25  }
0xa7: {  	s6 =	sshll.u32 s26, $0x1;
	_ =	strace $0x80000046;
	[dreg:$0x1] =	wrdreg $0xFFFFFFFF  }
0xa8: {  	s28 =	simm.s32 $_size_execute0_lowered;
	s4 =	sadd.s32 s4, s6;
	[dreg:$0x0] =	wrdreg $0x0  }
0xa9: {  	s6 =	sshll.u32 s28, $0x1;
	[dreg:$0x2] =	wrdreg s4  }
0xaa: {  	[dreg:$0x3] =	wrdreg s6  }
0xab: {  	[dreg:$0x4] =	wrdreg $0xC0  }
0xac: {  	_ =	task [dreg:s8], $0x5FFFF  }
0xad: {  	[dreg:$0x1] =	wrdreg $0xFFFFFFFF  }
0xae: {  	[dreg:$0x0] =	wrdreg $0x60  }
0xaf: {  	[dreg:$0x2] =	wrdreg s24  }
0xb0: {  	[dreg:$0x3] =	wrdreg s2  }
0xb1: {  	[dreg:$0x4] =	wrdreg s18  }
0xb2: {  	[dreg:$0x5] =	wrdreg $0x9  }
0xb3: {  	_ =	task.clear_ibuf [dreg:s8], $0x6FFFF;
	_ =	strace $0x90000046  }
0xb4: {  	s29 =	simm.s32 $0x9;
	_ =	strace $0x80000048  }
0xb5: {  	_ =	swait.ge [sflag:s29], $0x1  }
0xb6: {  	[sflag:s29] =	ssyncadd.s32 $0xFFFFFFFF  }
0xb7: {  	_ =	strace $0x90000048  }
0xb8: {  	_ =	sfence  }
0xb9: {  	s30 =	sld [smem:$0x0];
	_ =	sdelay $0x2  }
0xba: {  	s31 =	sshll.u32 s1, $0xD;
	s1 =	sshrl.u32 s1, $0x2  }
0xbb: {  	s3 =	sand.u32 $0x4000, s31;
	s1 =	sadd.s32 s1, s30  }
0xbc: {  	s0 =	sor.u32 s3, s0;
	s1 =	sshll.u32 s1, $0x11  }
0xbd: {  	s0 =	sor.u32 s1, s0  }
0xbe: {  	s0 =	sadd.s32 $0x8F2B, s0  }
0xbf: {  	[sflag:s0] =	ssyncadd.remote.s32 $0x1  }
0xc0: {  	_ =	sfence.sel $0xFFFF  }
0xc1: {  	[dreg:$0x0] =	wrdreg $0xFFFFFFFF;
	(pc) =	sbr.abs _section_cstart, $3  }
0xc2: {  	[dreg:$0x1] =	wrdreg $0xFFFFFFFF  }
0xc3: {  	_ =	task.clear_ibuf [dreg:s8], $0x2FFFF;
	_ =	strace $0x9FFFFFFF  }
0xc4: {  	(tm) =	ssettm $0x7FFFFFFF  }
0xc5: {  	_ =	shalt  }
tec
execute0_lowered:
.L_overlay_start_1:
0x0: {  	(tag) =	ssettag $0x1  }
0x1: {  	s5 =	rddreg [dreg:$0x0]  }
0x2: {  	s1 =	rddreg [dreg:$0x1]  }
0x3: {  	s7 =	rddreg [dreg:$0x2]  }
0x4: {  	s3 =	simm.s32 $0x0;
	s0 =	stileid.u32;
	s6 =	srdreg.scid  }
0x5: {  	s16 =	simm.s32 $0x10100;
	s17 =	simm.s32 $0xC100;
	s18 =	simm.s32 $0x3  }
0x6: {  	s19 =	simm.s32 $0x10500;
	s20 =	simm.s32 $0x1;
	s21 =	simm.s32 $0x4  }
0x7: {  	s22 =	simm.s32 $0x2;
	s23 =	simm.s32 $0x0;
	[smem:$0x7FF] =	sst s3  }
0x8: {  	s10 =	sadd.s32 $0xE00, s5;
	s4 =	sadd.s32 $0x14E00, s5;
	s8 =	sshll.u32 s0, $0xC  }
0x9: {  	s9 =	sand.u32 $0x1, s6;
	s25 =	sshll.u32 s0, $0x11;
	s13 =	sshll.u32 s0, $0xA  }
0xa: {  	s29 =	sshll.u32 s0, $0xD;
	_ =	strace $0x80000047;
	s11 =	sadd.s32 s8, s5  }
0xb: {  	s6 =	ssub.s32 $0x2, s9;
	s14 =	sshll.u32 s9, $0x9;
	s15 =	sadd.s32 s25, s5  }
0xc: {  	s7 =	sadd.s32 s25, s7;
	s28 =	sshll.u32 s9, $0x10;
	s30 =	sshll.u32 s9, $0xC  }
0xd: {  	s31 =	sshll.u32 s9, $0xB;
	[dreg:$0x4] =	wrdreg s16;
	s16 =	simm.s32 $0x4100  }
0xe: {  	s12 =	sshrl.u32 s6, $0x1;
	s26 =	sor.u32 s14, s13;
	s7 =	sadd.s32 s28, s7  }
0xf: {  	s8 =	sadd.s32 s28, s15;
	s11 =	sadd.s32 s31, s11;
	s14 =	simm.s32 $0x100  }
0x10: {  	s15 =	simm.s32 $0x8100;
	s6 =	ssub.s32 s6, s12;
	s12 =	sor.u32 s30, s29  }
0x11: {  	s5 =	sadd.s32 s10, s26;
	s8 =	sadd.s32 $0x94E00, s8;
	s13 =	sor.u32 $0x80, s12  }
0x12: {  	s11 =	sadd.s32 $0x4E00, s11;
	s12 =	sor.u32 $0x100, s12;
	s13 =	sshrl.u32 s13, $0x3  }
0x13: {  	s6 =	smax.u32 s6, $0x1;
	s12 =	sshrl.u32 s12, $0x3;
	s9 =	sadd.s32 s13, s10  }
0x14: {  	s10 =	sadd.s32 s12, s10;
	s12 =	simm.s32 $0x5;
	s13 =	simm.s32 $0x80  }
.LBB2_1:
0x15: {  	[tilespmem:s3], [sflag:$0x5] =	stream.linear.gather [hbm4b:s5+s3], $0x80, $0x38;
	[tilespmem:$0x14500] =	vst v63  }
0x16: {  	_ =	swait.ge [sflag:s12], $0x80  }
0x17: {  	[sflag:s12] =	ssyncset.done $0x0  }
0x18: {  	s24 =	smov.u32 s11;
	[sflag:s12] =	ssyncadd.s32 $0xFFFFFF80  }
0x19: {  	[tilespmem:s14], [sflag:$0x1] =	stream.indirect.gather [hbm4b:s1+s13], $0x80, s3, s13, $0xb8;
	[tilespmem:$0x14500] =	vst v63  }
0x1a: {  	s25 =	smov.u32 s10;
	s26 =	smov.u32 s9;
	s28 =	simm.s32 $0x0  }
0x1b: {  	[tilespmem:s15], [sflag:$0x3] =	stream.indirect.gather [hbm4b:s4+s13], $0x80, s3, s13, $0xb8;
	[tilespmem:$0x14500] =	vst v63  }
.LBB2_2:
0x1c: {  	s29 =	rddreg [dreg:$0x4]  }
0x1d: {  	[tilespmem:s29], [sflag:$0x5] =	stream.linear.gather [hbm4b:s24+s3], $0x400, $0x38;
	[tilespmem:$0x14500] =	vst v63  }
0x1e: {  	_ =	swait.ge [sflag:s12], $0x400  }
0x1f: {  	[sflag:s12] =	ssyncset.done $0x0  }
0x20: {  	[sflag:s12] =	ssyncadd.s32 $0xFFFFFC00  }
0x21: {  	[tilespmem:s13], [sflag:$0x5] =	stream.linear.gather [hbm4b:s26+s3], $0x80, $0x38;
	[tilespmem:$0x14500] =	vst v63  }
0x22: {  	_ =	swait.ge [sflag:s12], $0x80  }
0x23: {  	[sflag:s12] =	ssyncset.done $0x0  }
0x24: {  	[sflag:s12] =	ssyncadd.s32 $0xFFFFFF80  }
0x25: {  	[tilespmem:s16], [sflag:$0x2] =	stream.indirect.gather [hbm4b:s1+s13], $0x80, s13, s13, $0xb8;
	[tilespmem:$0x14500] =	vst v63  }
0x26: {  	_ = 	snop  }
0x27: {  	[tilespmem:s17], [sflag:$0x4] =	stream.indirect.gather [hbm4b:s4+s13], $0x80, s13, s13, $0xb8;
	[tilespmem:$0x14500] =	vst v63  }
0x28: {  	_ =	swait.ge [sflag:s18], $0x4000  }
0x29: {  	[sflag:s18] =	ssyncset.done $0x0  }
0x2a: {  	[sflag:s18] =	ssyncadd.s32 $0xFFFFC000  }
0x2b: {  	v0 =	vld [tilespmem:$0x10100]  }
0x2c: {  	v1 =	vld [tilespmem:$0x8100]  }
0x2d: {  	v2 =	vld [tilespmem:$0x8180]  }
0x2e: {  	v3 =	vld [tilespmem:$0x8200]  }
0x2f: {  	v4 =	vld [tilespmem:$0x8280]  }
0x30: {  	v5 =	vld [tilespmem:$0x8300]  }
0x31: {  	v6 =	vld [tilespmem:$0x8380];
	v1 =	vsub.f32 v1, v0  }
0x32: {  	v7 =	vld [tilespmem:$0x8400];
	v2 =	vsub.f32 v2, v0  }
0x33: {  	v55 =	vld [tilespmem:$0x8480];
	v54 =	vsub.f32 v3, v0;
	[tilespmem:$0x10500] =	vst v1  }
0x34: {  	v57 =	vld [tilespmem:$0x8500];
	v56 =	vsub.f32 v4, v0;
	[tilespmem:$0x10580] =	vst v2  }
0x35: {  	v59 =	vld [tilespmem:$0x8580];
	v58 =	vsub.f32 v5, v0;
	[tilespmem:$0x10600] =	vst v54  }
0x36: {  	v61 =	vld [tilespmem:$0x8600];
	v60 =	vsub.f32 v6, v0;
	[tilespmem:$0x10680] =	vst v56  }
0x37: {  	v63 =	vld [tilespmem:$0x8680];
	v62 =	vsub.f32 v7, v0;
	[tilespmem:$0x10700] =	vst v58  }
0x38: {  	v10 =	vld [tilespmem:$0x8700];
	v9 =	vsub.f32 v55, v0;
	[tilespmem:$0x10780] =	vst v60  }
0x39: {  	v12 =	vld [tilespmem:$0x8780];
	v11 =	vsub.f32 v57, v0;
	[tilespmem:$0x10800] =	vst v62  }
0x3a: {  	v14 =	vld [tilespmem:$0x8800];
	v13 =	vsub.f32 v59, v0;
	[tilespmem:$0x10880] =	vst v9  }
0x3b: {  	v16 =	vld [tilespmem:$0x8880];
	v15 =	vsub.f32 v61, v0;
	[tilespmem:$0x10900] =	vst v11  }
0x3c: {  	v18 =	vld [tilespmem:$0x8900];
	v17 =	vsub.f32 v63, v0;
	[tilespmem:$0x10980] =	vst v13  }
0x3d: {  	v20 =	vld [tilespmem:$0x8980];
	v19 =	vsub.f32 v10, v0;
	[tilespmem:$0x10A00] =	vst v15  }
0x3e: {  	v22 =	vld [tilespmem:$0x8A00];
	v21 =	vsub.f32 v12, v0;
	[tilespmem:$0x10A80] =	vst v17  }
0x3f: {  	v24 =	vld [tilespmem:$0x8A80];
	v23 =	vsub.f32 v14, v0;
	[tilespmem:$0x10B00] =	vst v19  }
0x40: {  	v26 =	vld [tilespmem:$0x8B00];
	v25 =	vsub.f32 v16, v0;
	[tilespmem:$0x10B80] =	vst v21  }
0x41: {  	v27 =	vsub.f32 v18, v0;
	[tilespmem:$0x10C00] =	vst v23  }
0x42: {  	v28 =	vsub.f32 v20, v0;
	[tilespmem:$0x10C80] =	vst v25  }
0x43: {  	v29 =	vsub.f32 v22, v0;
	[tilespmem:$0x10D00] =	vst v27  }
0x44: {  	v30 =	vsub.f32 v24, v0;
	[tilespmem:$0x10D80] =	vst v28  }
0x45: {  	v31 =	vsub.f32 v26, v0;
	[tilespmem:$0x10E00] =	vst v29  }
0x46: {  	[tilespmem:$0x10E80] =	vst v30  }
0x47: {  	[tilespmem:$0x10F00] =	vst v31  }
0x48: {  	v1 =	vld [tilespmem:$0x8B80]  }
0x49: {  	v32 =	vld [tilespmem:$0x8C00]  }
0x4a: {  	v33 =	vld [tilespmem:$0x8C80]  }
0x4b: {  	v34 =	vld [tilespmem:$0x8D00]  }
0x4c: {  	v35 =	vld [tilespmem:$0x8D80]  }
0x4d: {  	v36 =	vld [tilespmem:$0x8E00]  }
0x4e: {  	v37 =	vld [tilespmem:$0x8E80]  }
0x4f: {  	v8 =	vld [tilespmem:$0x8F00]  }
0x50: {  	v9 =	vld [tilespmem:$0x8F80];
	v1 =	vsub.f32 v1, v0  }
0x51: {  	v10 =	vld [tilespmem:$0x9000];
	v2 =	vsub.f32 v32, v0  }
0x52: {  	v39 =	vld [tilespmem:$0x9080];
	v38 =	vsub.f32 v33, v0;
	[tilespmem:$0x10F80] =	vst v1  }
0x53: {  	v4 =	vld [tilespmem:$0x10180];
	v40 =	vsub.f32 v34, v0;
	[tilespmem:$0x11000] =	vst v2  }
0x54: {  	v42 =	vld [tilespmem:$0x9100];
	v41 =	vsub.f32 v35, v0;
	[tilespmem:$0x11080] =	vst v38  }
0x55: {  	v44 =	vld [tilespmem:$0x9180];
	v43 =	vsub.f32 v36, v0;
	[tilespmem:$0x11100] =	vst v40  }
0x56: {  	v46 =	vld [tilespmem:$0x9200];
	v45 =	vsub.f32 v37, v0;
	[tilespmem:$0x11180] =	vst v41  }
0x57: {  	v48 =	vld [tilespmem:$0x9280];
	v47 =	vsub.f32 v8, v0;
	[tilespmem:$0x11200] =	vst v43  }
0x58: {  	v50 =	vld [tilespmem:$0x9300];
	v49 =	vsub.f32 v9, v0;
	[tilespmem:$0x11280] =	vst v45  }
0x59: {  	v52 =	vld [tilespmem:$0x9380];
	v51 =	vsub.f32 v10, v0;
	[tilespmem:$0x11300] =	vst v47  }
0x5a: {  	v53 =	vld [tilespmem:$0x9400];
	v0 =	vsub.f32 v39, v0;
	[tilespmem:$0x11380] =	vst v49  }
0x5b: {  	v55 =	vld [tilespmem:$0x9480];
	v54 =	vsub.f32 v42, v4;
	[tilespmem:$0x11400] =	vst v51  }
0x5c: {  	v57 =	vld [tilespmem:$0x9500];
	v56 =	vsub.f32 v44, v4;
	[tilespmem:$0x11480] =	vst v0  }
0x5d: {  	v59 =	vld [tilespmem:$0x9580];
	v58 =	vsub.f32 v46, v4;
	[tilespmem:$0x11500] =	vst v54  }
0x5e: {  	v61 =	vld [tilespmem:$0x9600];
	v60 =	vsub.f32 v48, v4;
	[tilespmem:$0x11580] =	vst v56  }
0x5f: {  	v63 =	vld [tilespmem:$0x9680];
	v62 =	vsub.f32 v50, v4;
	[tilespmem:$0x11600] =	vst v58  }
0x60: {  	v13 =	vld [tilespmem:$0x9700];
	v12 =	vsub.f32 v52, v4;
	[tilespmem:$0x11680] =	vst v60  }
0x61: {  	v14 =	vld [tilespmem:$0x9780];
	v15 =	vsub.f32 v55, v4;
	[tilespmem:$0x11700] =	vst v62  }
0x62: {  	v16 =	vld [tilespmem:$0x9800];
	v17 =	vsub.f32 v57, v4;
	[tilespmem:$0x11780] =	vst v12  }
0x63: {  	v18 =	vld [tilespmem:$0x9880];
	v19 =	vsub.f32 v59, v4;
	[tilespmem:$0x11880] =	vst v15  }
0x64: {  	v20 =	vld [tilespmem:$0x9900];
	v21 =	vsub.f32 v61, v4;
	[tilespmem:$0x11900] =	vst v17  }
0x65: {  	v22 =	vld [tilespmem:$0x9980];
	v23 =	vsub.f32 v63, v4;
	[tilespmem:$0x11980] =	vst v19  }
0x66: {  	v24 =	vld [tilespmem:$0x9A00];
	v25 =	vsub.f32 v13, v4;
	[tilespmem:$0x11A00] =	vst v21  }
0x67: {  	v26 =	vld [tilespmem:$0x9A80];
	v27 =	vsub.f32 v14, v4;
	[tilespmem:$0x11A80] =	vst v23  }
0x68: {  	v28 =	vld [tilespmem:$0x9B00];
	v29 =	vsub.f32 v16, v4;
	[tilespmem:$0x11B00] =	vst v25  }
0x69: {  	v30 =	vld [tilespmem:$0x9B80];
	v31 =	vsub.f32 v18, v4;
	[tilespmem:$0x11B80] =	vst v27  }
0x6a: {  	v11 =	vld [tilespmem:$0xA400];
	v33 =	vsub.f32 v20, v4;
	[tilespmem:$0x11C00] =	vst v29  }
0x6b: {  	v32 =	vld [tilespmem:$0x9C00];
	v35 =	vsub.f32 v22, v4;
	[tilespmem:$0x11C80] =	vst v31  }
0x6c: {  	v34 =	vld [tilespmem:$0x9C80];
	v37 =	vsub.f32 v24, v4;
	[tilespmem:$0x11D00] =	vst v33  }
0x6d: {  	v36 =	vld [tilespmem:$0x9D00];
	v39 =	vsub.f32 v26, v4;
	[tilespmem:$0x11D80] =	vst v35  }
0x6e: {  	v42 =	vld [tilespmem:$0x9E80];
	v1 =	vsub.f32 v53, v4;
	[tilespmem:$0x11E00] =	vst v37  }
0x6f: {  	v44 =	vld [tilespmem:$0x9F00];
	v41 =	vsub.f32 v28, v4;
	[tilespmem:$0x11E80] =	vst v39  }
0x70: {  	v46 =	vld [tilespmem:$0x9F80];
	v43 =	vsub.f32 v30, v4;
	[tilespmem:$0x11800] =	vst v1  }
0x71: {  	v48 =	vld [tilespmem:$0xA000];
	[tilespmem:$0x11F00] =	vst v41;
	v45 =	vsub.f32 v32, v4  }
0x72: {  	v50 =	vld [tilespmem:$0xA080];
	[tilespmem:$0x11F80] =	vst v43;
	v47 =	vsub.f32 v34, v4  }
0x73: {  	v8 =	vld [tilespmem:$0x10200];
	v49 =	vsub.f32 v36, v4;
	[tilespmem:$0x12000] =	vst v45  }
0x74: {  	v55 =	vld [tilespmem:$0xA180];
	v54 =	vsub.f32 v42, v4;
	[tilespmem:$0x12080] =	vst v47  }
0x75: {  	v57 =	vld [tilespmem:$0xA200];
	v56 =	vsub.f32 v44, v4;
	[tilespmem:$0x12100] =	vst v49  }
0x76: {  	v59 =	vld [tilespmem:$0xA280];
	v58 =	vsub.f32 v46, v4;
	[tilespmem:$0x12280] =	vst v54  }
0x77: {  	v61 =	vld [tilespmem:$0xA300];
	v60 =	vsub.f32 v48, v4;
	[tilespmem:$0x12300] =	vst v56  }
0x78: {  	v63 =	vld [tilespmem:$0xA380];
	v62 =	vsub.f32 v50, v4;
	[tilespmem:$0x12380] =	vst v58  }
0x79: {  	v3 =	vld [tilespmem:$0x10280];
	v12 =	vsub.f32 v55, v8;
	[tilespmem:$0x12400] =	vst v60  }
0x7a: {  	v13 =	vld [tilespmem:$0xA480];
	v14 =	vsub.f32 v57, v8;
	[tilespmem:$0x12480] =	vst v62  }
0x7b: {  	v38 =	vld [tilespmem:$0x9D80];
	v16 =	vsub.f32 v59, v8;
	[tilespmem:$0x12580] =	vst v12  }
0x7c: {  	v40 =	vld [tilespmem:$0x9E00];
	v18 =	vsub.f32 v61, v8;
	[tilespmem:$0x12600] =	vst v14  }
0x7d: {  	v53 =	vld [tilespmem:$0xA100];
	v20 =	vsub.f32 v63, v8;
	[tilespmem:$0x12680] =	vst v16  }
0x7e: {  	v15 =	vld [tilespmem:$0xA500];
	v22 =	vsub.f32 v11, v8;
	[tilespmem:$0x12700] =	vst v18  }
0x7f: {  	v17 =	vld [tilespmem:$0xA580];
	v24 =	vsub.f32 v13, v8;
	[tilespmem:$0x12780] =	vst v20  }
0x80: {  	v19 =	vld [tilespmem:$0xA600];
	v51 =	vsub.f32 v38, v4;
	[tilespmem:$0x12800] =	vst v22  }
0x81: {  	v21 =	vld [tilespmem:$0xA680];
	v52 =	vsub.f32 v40, v4;
	[tilespmem:$0x12880] =	vst v24  }
0x82: {  	v23 =	vld [tilespmem:$0xA700];
	v10 =	vsub.f32 v53, v8;
	[tilespmem:$0x12180] =	vst v51  }
0x83: {  	v25 =	vld [tilespmem:$0xA780];
	v26 =	vsub.f32 v15, v8;
	[tilespmem:$0x12200] =	vst v52  }
0x84: {  	v27 =	vld [tilespmem:$0xA800];
	v28 =	vsub.f32 v17, v8;
	[tilespmem:$0x12500] =	vst v10  }
0x85: {  	v29 =	vld [tilespmem:$0xA880];
	v30 =	vsub.f32 v19, v8;
	[tilespmem:$0x12900] =	vst v26  }
0x86: {  	v31 =	vld [tilespmem:$0xA900];
	v32 =	vsub.f32 v21, v8;
	[tilespmem:$0x12980] =	vst v28  }
0x87: {  	v33 =	vld [tilespmem:$0xA980];
	v34 =	vsub.f32 v23, v8;
	[tilespmem:$0x12A00] =	vst v30  }
0x88: {  	v35 =	vld [tilespmem:$0xAA00];
	v36 =	vsub.f32 v25, v8;
	[tilespmem:$0x12A80] =	vst v32  }
0x89: {  	v37 =	vld [tilespmem:$0xAA80];
	v38 =	vsub.f32 v27, v8;
	[tilespmem:$0x12B00] =	vst v34  }
0x8a: {  	v39 =	vld [tilespmem:$0xAB00];
	v40 =	vsub.f32 v29, v8;
	[tilespmem:$0x12B80] =	vst v36  }
0x8b: {  	v9 =	vld [tilespmem:$0xB100];
	v42 =	vsub.f32 v31, v8;
	[tilespmem:$0x12C00] =	vst v38  }
0x8c: {  	v41 =	vld [tilespmem:$0xAB80];
	v44 =	vsub.f32 v33, v8;
	[tilespmem:$0x12C80] =	vst v40  }
0x8d: {  	v43 =	vld [tilespmem:$0xAC00];
	v46 =	vsub.f32 v35, v8;
	[tilespmem:$0x12D00] =	vst v42  }
0x8e: {  	v55 =	vld [tilespmem:$0xAF00];
	v48 =	vsub.f32 v37, v8;
	[tilespmem:$0x12D80] =	vst v44  }
0x8f: {  	v57 =	vld [tilespmem:$0xAF80];
	v50 =	vsub.f32 v39, v8;
	[tilespmem:$0x12E00] =	vst v46  }
0x90: {  	v59 =	vld [tilespmem:$0xB000];
	v18 =	vsub.f32 v9, v3;
	[tilespmem:$0x12E80] =	vst v48  }
0x91: {  	v61 =	vld [tilespmem:$0xB080];
	v52 =	vsub.f32 v41, v8;
	[tilespmem:$0x12F00] =	vst v50  }
0x92: {  	v11 =	vld [tilespmem:$0xB180];
	v54 =	vsub.f32 v43, v8;
	[tilespmem:$0x13500] =	vst v18  }
0x93: {  	v13 =	vld [tilespmem:$0xB200];
	v10 =	vsub.f32 v55, v8;
	[tilespmem:$0x12F80] =	vst v52  }
0x94: {  	v45 =	vld [tilespmem:$0xAC80];
	v12 =	vsub.f32 v57, v8;
	[tilespmem:$0x13000] =	vst v54  }
0x95: {  	v47 =	vld [tilespmem:$0xAD00];
	v14 =	vsub.f32 v59, v8;
	[tilespmem:$0x13300] =	vst v10  }
0x96: {  	v49 =	vld [tilespmem:$0xAD80];
	v16 =	vsub.f32 v61, v8;
	[tilespmem:$0x13380] =	vst v12  }
0x97: {  	v53 =	vld [tilespmem:$0xAE80];
	v20 =	vsub.f32 v11, v3;
	[tilespmem:$0x13400] =	vst v14  }
0x98: {  	v15 =	vld [tilespmem:$0xB280];
	v22 =	vsub.f32 v13, v3;
	[tilespmem:$0x13480] =	vst v16  }
0x99: {  	v17 =	vld [tilespmem:$0xB300];
	v56 =	vsub.f32 v45, v8;
	[tilespmem:$0x13580] =	vst v20  }
0x9a: {  	v19 =	vld [tilespmem:$0xB380];
	v58 =	vsub.f32 v47, v8;
	[tilespmem:$0x13600] =	vst v22  }
0x9b: {  	v21 =	vld [tilespmem:$0xB400];
	v60 =	vsub.f32 v49, v8;
	[tilespmem:$0x13080] =	vst v56  }
0x9c: {  	v23 =	vld [tilespmem:$0xB480];
	v63 =	vsub.f32 v53, v8;
	[tilespmem:$0x13100] =	vst v58  }
0x9d: {  	v25 =	vld [tilespmem:$0xB500];
	v24 =	vsub.f32 v15, v3;
	[tilespmem:$0x13180] =	vst v60  }
0x9e: {  	v27 =	vld [tilespmem:$0xB580];
	v26 =	vsub.f32 v17, v3;
	[tilespmem:$0x13280] =	vst v63  }
0x9f: {  	v29 =	vld [tilespmem:$0xB600];
	v28 =	vsub.f32 v19, v3;
	[tilespmem:$0x13680] =	vst v24  }
0xa0: {  	v31 =	vld [tilespmem:$0xB680];
	v30 =	vsub.f32 v21, v3;
	[tilespmem:$0x13700] =	vst v26  }
0xa1: {  	v33 =	vld [tilespmem:$0xB700];
	v32 =	vsub.f32 v23, v3;
	[tilespmem:$0x13780] =	vst v28  }
0xa2: {  	v35 =	vld [tilespmem:$0xB780];
	v34 =	vsub.f32 v25, v3;
	[tilespmem:$0x13800] =	vst v30  }
0xa3: {  	v37 =	vld [tilespmem:$0xB800];
	v36 =	vsub.f32 v27, v3;
	[tilespmem:$0x13880] =	vst v32  }
0xa4: {  	v39 =	vld [tilespmem:$0xB880];
	v38 =	vsub.f32 v29, v3;
	[tilespmem:$0x13900] =	vst v34  }
0xa5: {  	v51 =	vld [tilespmem:$0xAE00];
	v40 =	vsub.f32 v31, v3;
	[tilespmem:$0x13980] =	vst v36  }
0xa6: {  	v41 =	vld [tilespmem:$0xB900];
	v42 =	vsub.f32 v33, v3;
	[tilespmem:$0x13A00] =	vst v38  }
0xa7: {  	v43 =	vld [tilespmem:$0xB980];
	v44 =	vsub.f32 v35, v3;
	[tilespmem:$0x13A80] =	vst v40  }
0xa8: {  	v55 =	vld [tilespmem:$0xBC80];
	v46 =	vsub.f32 v37, v3;
	[tilespmem:$0x13B00] =	vst v42  }
0xa9: {  	v57 =	vld [tilespmem:$0xBD00];
	v48 =	vsub.f32 v39, v3;
	[tilespmem:$0x13B80] =	vst v44  }
0xaa: {  	v59 =	vld [tilespmem:$0xBD80];
	v62 =	vsub.f32 v51, v8;
	[tilespmem:$0x13C00] =	vst v46  }
0xab: {  	v61 =	vld [tilespmem:$0xBE00];
	v50 =	vsub.f32 v41, v3;
	[tilespmem:$0x13C80] =	vst v48  }
0xac: {  	v45 =	vld [tilespmem:$0xBA00];
	v52 =	vsub.f32 v43, v3;
	[tilespmem:$0x13200] =	vst v62  }
0xad: {  	v47 =	vld [tilespmem:$0xBA80];
	v9 =	vsub.f32 v55, v3;
	[tilespmem:$0x13D00] =	vst v50  }
0xae: {  	v49 =	vld [tilespmem:$0xBB00];
	v11 =	vsub.f32 v57, v3;
	[tilespmem:$0x13D80] =	vst v52  }
0xaf: {  	v53 =	vld [tilespmem:$0xBC00];
	v13 =	vsub.f32 v59, v3;
	[tilespmem:$0x14080] =	vst v9  }
0xb0: {  	v10 =	vld [tilespmem:$0xBF00];
	v15 =	vsub.f32 v61, v3;
	[tilespmem:$0x14100] =	vst v11  }
0xb1: {  	v12 =	vld [tilespmem:$0xBF80];
	v54 =	vsub.f32 v45, v3;
	[tilespmem:$0x14180] =	vst v13  }
0xb2: {  	v14 =	vld [tilespmem:$0xC000];
	v56 =	vsub.f32 v47, v3;
	[tilespmem:$0x14200] =	vst v15  }
0xb3: {  	v16 =	vld [tilespmem:$0xC080];
	v58 =	vsub.f32 v49, v3;
	[tilespmem:$0x13E00] =	vst v54  }
0xb4: {  	v51 =	vld [tilespmem:$0xBB80];
	v62 =	vsub.f32 v53, v3;
	[tilespmem:$0x13E80] =	vst v56  }
0xb5: {  	v63 =	vld [tilespmem:$0xBE80];
	v18 =	vsub.f32 v10, v3;
	[tilespmem:$0x13F00] =	vst v58  }
0xb6: {  	v19 =	vsub.f32 v12, v3;
	[tilespmem:$0x14000] =	vst v62  }
0xb7: {  	v20 =	vsub.f32 v14, v3;
	[tilespmem:$0x14300] =	vst v18  }
0xb8: {  	v21 =	vsub.f32 v16, v3;
	[tilespmem:$0x14380] =	vst v19  }
0xb9: {  	v60 =	vsub.f32 v51, v3;
	[tilespmem:$0x14400] =	vst v20  }
0xba: {  	v17 =	vsub.f32 v63, v3;
	[tilespmem:$0x14480] =	vst v21  }
0xbb: {  	[tilespmem:$0x13F80] =	vst v60  }
0xbc: {  	s29 =	sadd.s32 s28, s8;
	[tilespmem:$0x14280] =	vst v17  }
0xbd: {  	[hbm4b:s29+s3] =	stream.linear.scatter [tilespmem:s19], [sflag:$0x5], $0x4000, $0x38;
	[tilespmem:$0x14500] =	vst v63  }
0xbe: {  	_ =	swait.ge [sflag:s12], $0x4000  }
0xbf: {  	[sflag:s12] =	ssyncset.done $0x0  }
0xc0: {  	[sflag:s12] =	ssyncadd.s32 $0xFFFFC000  }
0xc1: {  	_ =	swait.ge [sflag:s20], $0x4000  }
0xc2: {  	[sflag:s20] =	ssyncset.done $0x0  }
0xc3: {  	s30 =	sadd.s32 s28, s7;
	[sflag:s20] =	ssyncadd.s32 $0xFFFFC000  }
0xc4: {  	[hbm4b:s30+s3] =	stream.linear.scatter [tilespmem:s14], [sflag:$0x5], $0x4000, $0x38;
	[tilespmem:$0x14500] =	vst v63  }
0xc5: {  	_ =	swait.ge [sflag:s12], $0x4000  }
0xc6: {  	p0 =	seq.s32 s28, $0xF000;
	[sflag:s12] =	ssyncset.done $0x0  }
0xc7: {  	s31 =	simm.s32 @!p0 $0x0;
	s0 =	simm.s32 @!p0 $0x5;
	[sflag:s12] =	ssyncadd.s32 $0xFFFFC000  }
0xc8: {  	[tilespmem:s31], [sflag:$0x5] =	stream.linear.gather @!p0 [hbm4b:s25+s31], $0x80, $0x38;
	[tilespmem:$0x14500] =	vst v63  }
0xc9: {  	_ =	swait.ge @!p0 [sflag:s0], $0x80  }
0xca: {  	[sflag:s0] =	ssyncset.done @!p0 $0x0  }
0xcb: {  	s2 =	simm.s32 @!p0 $0x100;
	[sflag:s0] =	ssyncadd.s32 @!p0 $0xFFFFFF80;
	s0 =	simm.s32 @!p0 $0x80  }
0xcc: {  	[tilespmem:s2], [sflag:$0x1] =	stream.indirect.gather @!p0 [hbm4b:s1+s0], $0x80, s31, s0, $0xb8;
	[tilespmem:$0x14500] =	vst v63  }
0xcd: {  	s2 =	simm.s32 @!p0 $0x8100  }
0xce: {  	[tilespmem:s2], [sflag:$0x3] =	stream.indirect.gather @!p0 [hbm4b:s4+s0], $0x80, s31, s0, $0xb8;
	[tilespmem:$0x14500] =	vst v63  }
0xcf: {  	_ =	swait.ge [sflag:s21], $0x4000  }
0xd0: {  	[sflag:s21] =	ssyncset.done $0x0  }
0xd1: {  	[sflag:s21] =	ssyncadd.s32 $0xFFFFC000  }
0xd2: {  	v0 =	vld [tilespmem:$0x10300]  }
0xd3: {  	v22 =	vld [tilespmem:$0xC100]  }
0xd4: {  	v23 =	vld [tilespmem:$0xC180]  }
0xd5: {  	v24 =	vld [tilespmem:$0xC200]  }
0xd6: {  	v25 =	vld [tilespmem:$0xC280]  }
0xd7: {  	v26 =	vld [tilespmem:$0xC300]  }
0xd8: {  	v27 =	vld [tilespmem:$0xC380]  }
0xd9: {  	v28 =	vld [tilespmem:$0xC400]  }
0xda: {  	v29 =	vld [tilespmem:$0xC480]  }
0xdb: {  	v30 =	vld [tilespmem:$0xC500];
	v1 =	vsub.f32 v22, v0  }
0xdc: {  	v31 =	vld [tilespmem:$0xC580];
	v2 =	vsub.f32 v23, v0  }
0xdd: {  	v33 =	vld [tilespmem:$0xC600];
	v32 =	vsub.f32 v24, v0;
	[tilespmem:$0x10500] =	vst v1  }
0xde: {  	v35 =	vld [tilespmem:$0xC680];
	v34 =	vsub.f32 v25, v0;
	[tilespmem:$0x10580] =	vst v2  }
0xdf: {  	v37 =	vld [tilespmem:$0xC700];
	v36 =	vsub.f32 v26, v0;
	[tilespmem:$0x10600] =	vst v32  }
0xe0: {  	v39 =	vld [tilespmem:$0xC780];
	v38 =	vsub.f32 v27, v0;
	[tilespmem:$0x10680] =	vst v34  }
0xe1: {  	v41 =	vld [tilespmem:$0xC800];
	v40 =	vsub.f32 v28, v0;
	[tilespmem:$0x10700] =	vst v36  }
0xe2: {  	v43 =	vld [tilespmem:$0xC880];
	v42 =	vsub.f32 v29, v0;
	[tilespmem:$0x10780] =	vst v38  }
0xe3: {  	v45 =	vld [tilespmem:$0xC900];
	v44 =	vsub.f32 v30, v0;
	[tilespmem:$0x10800] =	vst v40  }
0xe4: {  	v47 =	vld [tilespmem:$0xC980];
	v46 =	vsub.f32 v31, v0;
	[tilespmem:$0x10880] =	vst v42  }
0xe5: {  	v49 =	vld [tilespmem:$0xCA00];
	v48 =	vsub.f32 v33, v0;
	[tilespmem:$0x10900] =	vst v44  }
0xe6: {  	v51 =	vld [tilespmem:$0xCA80];
	v50 =	vsub.f32 v35, v0;
	[tilespmem:$0x10980] =	vst v46  }
0xe7: {  	v53 =	vld [tilespmem:$0xCB00];
	v52 =	vsub.f32 v37, v0;
	[tilespmem:$0x10A00] =	vst v48  }
0xe8: {  	v55 =	vld [tilespmem:$0xCB80];
	v54 =	vsub.f32 v39, v0;
	[tilespmem:$0x10A80] =	vst v50  }
0xe9: {  	v57 =	vld [tilespmem:$0xCC00];
	v56 =	vsub.f32 v41, v0;
	[tilespmem:$0x10B00] =	vst v52  }
0xea: {  	v59 =	vld [tilespmem:$0xCC80];
	v58 =	vsub.f32 v43, v0;
	[tilespmem:$0x10B80] =	vst v54  }
0xeb: {  	v61 =	vld [tilespmem:$0xCD00];
	v60 =	vsub.f32 v45, v0;
	[tilespmem:$0x10C00] =	vst v56  }
0xec: {  	v63 =	vld [tilespmem:$0xCD80];
	v62 =	vsub.f32 v47, v0;
	[tilespmem:$0x10C80] =	vst v58  }
0xed: {  	v13 =	vld [tilespmem:$0xCE00];
	v12 =	vsub.f32 v49, v0;
	[tilespmem:$0x10D00] =	vst v60  }
0xee: {  	v15 =	vld [tilespmem:$0xCE80];
	v14 =	vsub.f32 v51, v0;
	[tilespmem:$0x10D80] =	vst v62  }
0xef: {  	v17 =	vld [tilespmem:$0xCF00];
	v16 =	vsub.f32 v53, v0;
	[tilespmem:$0x10E00] =	vst v12  }
0xf0: {  	v19 =	vld [tilespmem:$0xCF80];
	v18 =	vsub.f32 v55, v0;
	[tilespmem:$0x10E80] =	vst v14  }
0xf1: {  	v21 =	vld [tilespmem:$0xD000];
	v20 =	vsub.f32 v57, v0;
	[tilespmem:$0x10F00] =	vst v16  }
0xf2: {  	v9 =	vld [tilespmem:$0x10380];
	v22 =	vsub.f32 v59, v0;
	[tilespmem:$0x10F80] =	vst v18  }
0xf3: {  	v6 =	vld [tilespmem:$0x10400];
	v24 =	vsub.f32 v61, v0;
	[tilespmem:$0x11000] =	vst v20  }
0xf4: {  	v8 =	vld [tilespmem:$0x10480];
	v25 =	vsub.f32 v63, v0;
	[tilespmem:$0x11080] =	vst v22  }
0xf5: {  	v23 =	vld [tilespmem:$0xD080];
	v27 =	vsub.f32 v13, v0;
	[tilespmem:$0x11100] =	vst v24  }
0xf6: {  	v26 =	vld [tilespmem:$0xD100];
	v29 =	vsub.f32 v15, v0;
	[tilespmem:$0x11180] =	vst v25  }
0xf7: {  	v28 =	vld [tilespmem:$0xD180];
	v31 =	vsub.f32 v17, v0;
	[tilespmem:$0x11200] =	vst v27  }
0xf8: {  	v30 =	vld [tilespmem:$0xD200];
	v33 =	vsub.f32 v19, v0;
	[tilespmem:$0x11280] =	vst v29  }
0xf9: {  	v35 =	vsub.f32 v21, v0;
	v37 =	vld [tilespmem:$0xD400];
	[tilespmem:$0x11300] =	vst v31  }
0xfa: {  	v39 =	vld [tilespmem:$0xD480];
	[tilespmem:$0x11380] =	vst v33;
	v0 =	vsub.f32 v23, v0  }
0xfb: {  	v41 =	vld [tilespmem:$0xD500];
	[tilespmem:$0x11400] =	vst v35;
	v38 =	vsub.f32 v26, v9  }
0xfc: {  	v43 =	vld [tilespmem:$0xD580];
	v40 =	vsub.f32 v28, v9;
	[tilespmem:$0x11480] =	vst v0  }
0xfd: {  	v45 =	vld [tilespmem:$0xD600];
	v42 =	vsub.f32 v30, v9;
	[tilespmem:$0x11500] =	vst v38  }
0xfe: {  	v47 =	vld [tilespmem:$0xD680];
	v50 =	vsub.f32 v37, v9;
	[tilespmem:$0x11580] =	vst v40  }
0xff: {  	v49 =	vld [tilespmem:$0xD700];
	v52 =	vsub.f32 v39, v9;
	[tilespmem:$0x11600] =	vst v42  }
0x100: {  	v51 =	vld [tilespmem:$0xD780];
	v54 =	vsub.f32 v41, v9;
	[tilespmem:$0x11800] =	vst v50  }
0x101: {  	v53 =	vld [tilespmem:$0xD800];
	v56 =	vsub.f32 v43, v9;
	[tilespmem:$0x11880] =	vst v52  }
0x102: {  	v55 =	vld [tilespmem:$0xD880];
	v58 =	vsub.f32 v45, v9;
	[tilespmem:$0x11900] =	vst v54  }
0x103: {  	v57 =	vld [tilespmem:$0xD900];
	v60 =	vsub.f32 v47, v9;
	[tilespmem:$0x11980] =	vst v56  }
0x104: {  	v59 =	vld [tilespmem:$0xD980];
	v62 =	vsub.f32 v49, v9;
	[tilespmem:$0x11A00] =	vst v58  }
0x105: {  	v61 =	vld [tilespmem:$0xDA00];
	v12 =	vsub.f32 v51, v9;
	[tilespmem:$0x11A80] =	vst v60  }
0x106: {  	v63 =	vld [tilespmem:$0xDA80];
	v14 =	vsub.f32 v53, v9;
	[tilespmem:$0x11B00] =	vst v62  }
0x107: {  	v13 =	vld [tilespmem:$0xDB00];
	v16 =	vsub.f32 v55, v9;
	[tilespmem:$0x11B80] =	vst v12  }
0x108: {  	v15 =	vld [tilespmem:$0xDB80];
	v18 =	vsub.f32 v57, v9;
	[tilespmem:$0x11C00] =	vst v14  }
0x109: {  	v17 =	vld [tilespmem:$0xDC00];
	v20 =	vsub.f32 v59, v9;
	[tilespmem:$0x11C80] =	vst v16  }
0x10a: {  	v32 =	vld [tilespmem:$0xD280];
	v22 =	vsub.f32 v61, v9;
	[tilespmem:$0x11D00] =	vst v18  }
0x10b: {  	v34 =	vld [tilespmem:$0xD300];
	v24 =	vsub.f32 v63, v9;
	[tilespmem:$0x11D80] =	vst v20  }
0x10c: {  	v36 =	vld [tilespmem:$0xD380];
	v26 =	vsub.f32 v13, v9;
	[tilespmem:$0x11E00] =	vst v22  }
0x10d: {  	v19 =	vld [tilespmem:$0xDC80];
	v28 =	vsub.f32 v15, v9;
	[tilespmem:$0x11E80] =	vst v24  }
0x10e: {  	v21 =	vld [tilespmem:$0xDD00];
	v30 =	vsub.f32 v17, v9;
	[tilespmem:$0x11F00] =	vst v26  }
0x10f: {  	v25 =	vld [tilespmem:$0xDE00];
	v44 =	vsub.f32 v32, v9;
	[tilespmem:$0x11F80] =	vst v28  }
0x110: {  	v27 =	vld [tilespmem:$0xDE80];
	v46 =	vsub.f32 v34, v9;
	[tilespmem:$0x12000] =	vst v30  }
0x111: {  	v29 =	vld [tilespmem:$0xDF00];
	v48 =	vsub.f32 v36, v9;
	[tilespmem:$0x11680] =	vst v44  }
0x112: {  	v31 =	vld [tilespmem:$0xDF80];
	v32 =	vsub.f32 v19, v9;
	[tilespmem:$0x11700] =	vst v46  }
0x113: {  	v33 =	vld [tilespmem:$0xE000];
	v34 =	vsub.f32 v21, v9;
	[tilespmem:$0x11780] =	vst v48  }
0x114: {  	v35 =	vld [tilespmem:$0xE080];
	v37 =	vsub.f32 v25, v9;
	[tilespmem:$0x12080] =	vst v32  }
0x115: {  	v23 =	vld [tilespmem:$0xDD80];
	v39 =	vsub.f32 v27, v9;
	[tilespmem:$0x12100] =	vst v34  }
0x116: {  	v38 =	vld [tilespmem:$0xE100];
	v41 =	vsub.f32 v29, v9;
	[tilespmem:$0x12200] =	vst v37  }
0x117: {  	v40 =	vld [tilespmem:$0xE180];
	v43 =	vsub.f32 v31, v9;
	[tilespmem:$0x12280] =	vst v39  }
0x118: {  	v42 =	vld [tilespmem:$0xE200];
	v45 =	vsub.f32 v33, v9;
	[tilespmem:$0x12300] =	vst v41  }
0x119: {  	v47 =	vsub.f32 v35, v9;
	v50 =	vld [tilespmem:$0xE400];
	[tilespmem:$0x12380] =	vst v43  }
0x11a: {  	v52 =	vld [tilespmem:$0xE480];
	[tilespmem:$0x12400] =	vst v45;
	v36 =	vsub.f32 v23, v9  }
0x11b: {  	v54 =	vld [tilespmem:$0xE500];
	[tilespmem:$0x12480] =	vst v47;
	v49 =	vsub.f32 v38, v6  }
0x11c: {  	v56 =	vld [tilespmem:$0xE580];
	[tilespmem:$0x12180] =	vst v36;
	v51 =	vsub.f32 v40, v6  }
0x11d: {  	v58 =	vld [tilespmem:$0xE600];
	v53 =	vsub.f32 v42, v6;
	[tilespmem:$0x12500] =	vst v49  }
0x11e: {  	v60 =	vld [tilespmem:$0xE680];
	v61 =	vsub.f32 v50, v6;
	[tilespmem:$0x12580] =	vst v51  }
0x11f: {  	v62 =	vld [tilespmem:$0xE700];
	v63 =	vsub.f32 v52, v6;
	[tilespmem:$0x12600] =	vst v53  }
0x120: {  	v12 =	vld [tilespmem:$0xE780];
	v13 =	vsub.f32 v54, v6;
	[tilespmem:$0x12800] =	vst v61  }
0x121: {  	v14 =	vld [tilespmem:$0xE800];
	v15 =	vsub.f32 v56, v6;
	[tilespmem:$0x12880] =	vst v63  }
0x122: {  	v16 =	vld [tilespmem:$0xE880];
	v17 =	vsub.f32 v58, v6;
	[tilespmem:$0x12900] =	vst v13  }
0x123: {  	v18 =	vld [tilespmem:$0xE900];
	v19 =	vsub.f32 v60, v6;
	[tilespmem:$0x12980] =	vst v15  }
0x124: {  	v20 =	vld [tilespmem:$0xE980];
	v21 =	vsub.f32 v62, v6;
	[tilespmem:$0x12A00] =	vst v17  }
0x125: {  	v22 =	vld [tilespmem:$0xEA00];
	v23 =	vsub.f32 v12, v6;
	[tilespmem:$0x12A80] =	vst v19  }
0x126: {  	v24 =	vld [tilespmem:$0xEA80];
	v25 =	vsub.f32 v14, v6;
	[tilespmem:$0x12B00] =	vst v21  }
0x127: {  	v26 =	vld [tilespmem:$0xEB00];
	v27 =	vsub.f32 v16, v6;
	[tilespmem:$0x12B80] =	vst v23  }
0x128: {  	v28 =	vld [tilespmem:$0xEB80];
	v29 =	vsub.f32 v18, v6;
	[tilespmem:$0x12C00] =	vst v25  }
0x129: {  	v30 =	vld [tilespmem:$0xEC00];
	v31 =	vsub.f32 v20, v6;
	[tilespmem:$0x12C80] =	vst v27  }
0x12a: {  	v44 =	vld [tilespmem:$0xE280];
	v33 =	vsub.f32 v22, v6;
	[tilespmem:$0x12D00] =	vst v29  }
0x12b: {  	v46 =	vld [tilespmem:$0xE300];
	v35 =	vsub.f32 v24, v6;
	[tilespmem:$0x12D80] =	vst v31  }
0x12c: {  	v48 =	vld [tilespmem:$0xE380];
	v37 =	vsub.f32 v26, v6;
	[tilespmem:$0x12E00] =	vst v33  }
0x12d: {  	v32 =	vld [tilespmem:$0xEC80];
	v39 =	vsub.f32 v28, v6;
	[tilespmem:$0x12E80] =	vst v35  }
0x12e: {  	v34 =	vld [tilespmem:$0xED00];
	v41 =	vsub.f32 v30, v6;
	[tilespmem:$0x12F00] =	vst v37  }
0x12f: {  	v10 =	vld [tilespmem:$0xF480];
	v55 =	vsub.f32 v44, v6;
	[tilespmem:$0x12F80] =	vst v39  }
0x130: {  	v36 =	vld [tilespmem:$0xED80];
	v57 =	vsub.f32 v46, v6;
	[tilespmem:$0x13000] =	vst v41  }
0x131: {  	v38 =	vld [tilespmem:$0xEE00];
	v59 =	vsub.f32 v48, v6;
	[tilespmem:$0x12680] =	vst v55  }
0x132: {  	v40 =	vld [tilespmem:$0xEE80];
	v43 =	vsub.f32 v32, v6;
	[tilespmem:$0x12700] =	vst v57  }
0x133: {  	v42 =	vld [tilespmem:$0xEF00];
	v45 =	vsub.f32 v34, v6;
	[tilespmem:$0x12780] =	vst v59  }
0x134: {  	v12 =	vld [tilespmem:$0xF500];
	v19 =	vsub.f32 v10, v8;
	[tilespmem:$0x13080] =	vst v43  }
0x135: {  	v14 =	vld [tilespmem:$0xF580];
	[tilespmem:$0x13100] =	vst v45;
	v47 =	vsub.f32 v36, v6  }
0x136: {  	v16 =	vld [tilespmem:$0xF600];
	[tilespmem:$0x13880] =	vst v19;
	v49 =	vsub.f32 v38, v6  }
0x137: {  	v18 =	vld [tilespmem:$0xF680];
	v50 =	vsub.f32 v40, v6;
	[tilespmem:$0x13180] =	vst v47  }
0x138: {  	v20 =	vld [tilespmem:$0xF700];
	v52 =	vsub.f32 v42, v6;
	[tilespmem:$0x13200] =	vst v49  }
0x139: {  	v22 =	vld [tilespmem:$0xF780];
	v21 =	vsub.f32 v12, v8;
	[tilespmem:$0x13280] =	vst v50  }
0x13a: {  	v24 =	vld [tilespmem:$0xF800];
	v23 =	vsub.f32 v14, v8;
	[tilespmem:$0x13300] =	vst v52  }
0x13b: {  	v26 =	vld [tilespmem:$0xF880];
	v25 =	vsub.f32 v16, v8;
	[tilespmem:$0x13900] =	vst v21  }
0x13c: {  	v28 =	vld [tilespmem:$0xF900];
	v27 =	vsub.f32 v18, v8;
	[tilespmem:$0x13980] =	vst v23  }
0x13d: {  	v30 =	vld [tilespmem:$0xF980];
	v29 =	vsub.f32 v20, v8;
	[tilespmem:$0x13A00] =	vst v25  }
0x13e: {  	v44 =	vld [tilespmem:$0xEF80];
	v31 =	vsub.f32 v22, v8;
	[tilespmem:$0x13A80] =	vst v27  }
0x13f: {  	v46 =	vld [tilespmem:$0xF000];
	v33 =	vsub.f32 v24, v8;
	[tilespmem:$0x13B00] =	vst v29  }
0x140: {  	v48 =	vld [tilespmem:$0xF080];
	v35 =	vsub.f32 v26, v8;
	[tilespmem:$0x13B80] =	vst v31  }
0x141: {  	v51 =	vld [tilespmem:$0xF100];
	v37 =	vsub.f32 v28, v8;
	[tilespmem:$0x13C00] =	vst v33  }
0x142: {  	v53 =	vld [tilespmem:$0xF180];
	v39 =	vsub.f32 v30, v8;
	[tilespmem:$0x13C80] =	vst v35  }
0x143: {  	v61 =	vld [tilespmem:$0xF380];
	v54 =	vsub.f32 v44, v6;
	[tilespmem:$0x13D00] =	vst v37  }
0x144: {  	v63 =	vld [tilespmem:$0xF400];
	v56 =	vsub.f32 v46, v6;
	[tilespmem:$0x13D80] =	vst v39  }
0x145: {  	v32 =	vld [tilespmem:$0xFA00];
	v58 =	vsub.f32 v48, v6;
	[tilespmem:$0x13380] =	vst v54  }
0x146: {  	v34 =	vld [tilespmem:$0xFA80];
	v60 =	vsub.f32 v51, v8;
	[tilespmem:$0x13400] =	vst v56  }
0x147: {  	v55 =	vld [tilespmem:$0xF200];
	v62 =	vsub.f32 v53, v8;
	[tilespmem:$0x13480] =	vst v58  }
0x148: {  	v57 =	vld [tilespmem:$0xF280];
	v15 =	vsub.f32 v61, v8;
	[tilespmem:$0x13500] =	vst v60  }
0x149: {  	v59 =	vld [tilespmem:$0xF300];
	v17 =	vsub.f32 v63, v8;
	[tilespmem:$0x13580] =	vst v62  }
0x14a: {  	v36 =	vld [tilespmem:$0xFB00];
	v41 =	vsub.f32 v32, v8;
	[tilespmem:$0x13780] =	vst v15  }
0x14b: {  	v38 =	vld [tilespmem:$0xFB80];
	v43 =	vsub.f32 v34, v8;
	[tilespmem:$0x13800] =	vst v17  }
0x14c: {  	v40 =	vld [tilespmem:$0xFC00];
	v9 =	vsub.f32 v55, v8;
	[tilespmem:$0x13E00] =	vst v41  }
0x14d: {  	v42 =	vld [tilespmem:$0xFC80];
	v11 =	vsub.f32 v57, v8;
	[tilespmem:$0x13E80] =	vst v43  }
0x14e: {  	v44 =	vld [tilespmem:$0xFD00];
	v13 =	vsub.f32 v59, v8;
	[tilespmem:$0x13600] =	vst v9  }
0x14f: {  	v46 =	vld [tilespmem:$0xFD80];
	v45 =	vsub.f32 v36, v8;
	[tilespmem:$0x13680] =	vst v11  }
0x150: {  	v48 =	vld [tilespmem:$0xFE00];
	v47 =	vsub.f32 v38, v8;
	[tilespmem:$0x13700] =	vst v13  }
0x151: {  	v50 =	vld [tilespmem:$0xFE80];
	v49 =	vsub.f32 v40, v8;
	[tilespmem:$0x13F00] =	vst v45  }
0x152: {  	v52 =	vld [tilespmem:$0xFF00];
	v51 =	vsub.f32 v42, v8;
	[tilespmem:$0x13F80] =	vst v47  }
0x153: {  	v54 =	vld [tilespmem:$0xFF80];
	[tilespmem:$0x14000] =	vst v49;
	v53 =	vsub.f32 v44, v8  }
0x154: {  	v56 =	vld [tilespmem:$0x10000];
	[tilespmem:$0x14080] =	vst v51;
	v55 =	vsub.f32 v46, v8  }
0x155: {  	v58 =	vld [tilespmem:$0x10080];
	v57 =	vsub.f32 v48, v8;
	[tilespmem:$0x14100] =	vst v53  }
0x156: {  	v59 =	vsub.f32 v50, v8;
	[tilespmem:$0x14180] =	vst v55  }
0x157: {  	v60 =	vsub.f32 v52, v8;
	[tilespmem:$0x14200] =	vst v57  }
0x158: {  	[tilespmem:$0x14280] =	vst v59;
	v61 =	vsub.f32 v54, v8  }
0x159: {  	[tilespmem:$0x14300] =	vst v60;
	v62 =	vsub.f32 v56, v8  }
0x15a: {  	v63 =	vsub.f32 v58, v8;
	[tilespmem:$0x14380] =	vst v61  }
0x15b: {  	[tilespmem:$0x14400] =	vst v62  }
0x15c: {  	s29 =	sadd.s32 $0x800, s29;
	[tilespmem:$0x14480] =	vst v63  }
0x15d: {  	[hbm4b:s29+s3] =	stream.linear.scatter [tilespmem:s19], [sflag:$0x5], $0x4000, $0x38;
	[tilespmem:$0x14500] =	vst v63  }
0x15e: {  	_ =	swait.ge [sflag:s12], $0x4000  }
0x15f: {  	[sflag:s12] =	ssyncset.done $0x0  }
0x160: {  	[sflag:s12] =	ssyncadd.s32 $0xFFFFC000  }
0x161: {  	s28 =	sadd.s32 $0x1000, s28;
	_ =	swait.ge [sflag:s22], $0x4000  }
0x162: {  	p0 =	sne.s32 s28, $0x10000;
	[sflag:s22] =	ssyncset.done $0x0  }
.Ltmp0:
0x163: {  	s31 =	sadd.s32 $0x800, s30;
	[sflag:s22] =	ssyncadd.s32 $0xFFFFC000;
	(pc) =	sbr.rel @p0 .LBB2_2-.Ltmp0, $4  }
0x164: {  	[hbm4b:s31+s3] =	stream.linear.scatter [tilespmem:s16], [sflag:$0x5], $0x4000, $0x38;
	[tilespmem:$0x14500] =	vst v63  }
0x165: {  	_ =	swait.ge [sflag:s12], $0x4000  }
0x166: {  	s24 =	sadd.s32 $0x80, s24;
	[sflag:s12] =	ssyncset.done $0x0  }
0x167: {  	s26 =	sadd.s32 $0x20, s26;
	s25 =	sadd.s32 $0x20, s25;
	[sflag:s12] =	ssyncadd.s32 $0xFFFFC000  }
0x168: {  	s23 =	sadd.s32 $0x1, s23  }
0x169: {  	p0 =	sne.s32 s23, s6  }
.Ltmp1:
0x16a: {  	_ = 	snop;
	(pc) =	sbr.rel @p0 .LBB2_1-.Ltmp1, $1  }
0x16b: {  	_ =	sdelay $0x3  }
0x16c: {  	_ =	sfence.sel $0x180000  }
0x16d: {  	[bflag:$0x0] =	sbarrier.arrive $0xFFFF  }
0x16e: {  	_ =	strace $0x90000047  }
0x16f: {  	s0 =	stileid.u32;
	[bflag:$0x2] =	sbarrier.arrive $0xFFFF  }
0x170: {  	p0 =	sne.s32 s0, $0x0;
	s0 =	rddreg [dreg:$0x3]  }
0x171: {  	s0 =	sadd.s32 @!p0 $0x100000, s0  }
0x172: {  	[sflag:s0] =	ssyncadd.tile.s32 @!p0 $0x1;
	_ =	shalt  }
.Lfunc_end2:
_tile_overlayer_lowered:
.L_overlay_start_2:
0x173: {  	(tag) =	ssettag $0x2  }
0x174: {  	s0 =	rddreg [dreg:$0x0];
	s2 =	stileid.u32  }
0x175: {  	s1 =	rddreg [dreg:$0x1];
	p0 =	sne.s32 s2, $0x0  }
0x176: {  	s3 =	rddreg [dreg:$0x2];
	[bflag:$0x3] =	sbarrier.arrive $0xFFFF;
	s2 =	simm.s32 @!p0 $0x1C05  }
0x177: {  	[timem:s3], [sflag:s2] =	dma.local @!p0 [hbm:s0], s1  }
0x178: {  	s0 =	simm.s32 @!p0 $0x5  }
0x179: {  	_ =	swait.ge @!p0 [sflag:s0], s1  }
0x17a: {  	s1 =	ssub.s32 @!p0 $0x0, s1;
	[sflag:s0] =	ssyncset.done @!p0 $0x0  }
0x17b: {  	[sflag:s0] =	ssyncadd.s32 @!p0 s1  }
0x17c: {  	[bflag:$0x3] =	sbarrier.arrive $0xFFFF  }
0x17d: {  	_ =	shalt  }

// kernel: sparse-core-data-format-call.cloned.1.call-start
scs
called_computation_lowered:
.L_overlay_start_0:
0x0: {  	s2 =	sld [smem:$0x3FD9]  }
0x1: {  	s3 =	sld [smem:$0x3FFE];
	_ =	sdelay $0x1  }
0x2: {  	s1 =	srdreg.scid  }
0x3: {  	s0 =	sand.u32 $0x1, s1  }
0x4: {  	s18 =	sshll.u32 s0, $0xA;
	s2 =	sadd.s32 s3, s2  }
0x5: {  	s2 =	sadd.s32 s2, s18  }
0x6: {  	[smem:$0x3FC5] =	sst s2  }
0x7: {  	_ = 	snop  }
0x8: {  	s2 =	sld [smem:$0x3FD0];
	(tm) =	ssettm $0x1  }
0x9: {  	s19 =	sld [smem:$0x3FFB];
	_ =	sdelay $0x3  }
0xa: {  	_ =	strace s19  }
0xb: {  	s3 =	sld [smem:$0x3FFC];
	_ =	sdelay $0x3  }
0xc: {  	_ =	strace s3  }
0xd: {  	s3 =	sld [smem:$0x3FFD];
	_ =	sdelay $0x3  }
0xe: {  	_ =	strace s3  }
0xf: {  	_ =	strace $0x8FFFFFFF  }
0x10: {  	s20 =	sld [smem:$0x3FDB];
	_ =	sdelay $0x1  }
0x11: {  	s4 =	simm.s32 $_scs_section_size  }
0x12: {  	s5 =	simm.s32 $_size__tile_overlayer_lowered;
	s6 =	simm.s32 $_tile_overlayer_lowered  }
0x13: {  	s23 =	simm.s32 $0x1BFF;
	s22 =	sshll.u32 s6, $0x1;
	s3 =	sadd.s32 s4, s20  }
0x14: {  	s7 =	simm.s32 $0x0;
	s21 =	sshll.u32 s5, $0x1;
	s5 =	sadd.s32 s22, s3  }
0x15: {  	[timem:s7], [sflag:s23] =	dma.local [hbm:s5], s21  }
0x16: {  	_ =	swait.ge [sflag:s23], s21  }
0x17: {  	s4 =	ssub.s32 $0x0, s21;
	[sflag:s23] =	ssyncset.done $0x0  }
0x18: {  	[sflag:s23] =	ssyncadd.s32 s4;
	_ =	sdelay $0x1  }
0x19: {  	s24 =	simm.s32 $0x1B8B  }
0x1a: {  	_ =	swait.ge [sflag:s24], $0x1  }
0x1b: {  	[sflag:s24] =	ssyncset.done $0x0  }
0x1c: {  	s26 =	simm.s32 $0x1B8E;
	s25 =	sld [smem:$0x3FFE];
	[sflag:s24] =	ssyncadd.s32 $0xFFFFFFFF  }
0x1d: {  	s27 =	simm.s32 $execute0_lowered;
	[smem:$0x3FD2] =	sst s26  }
0x1e: {  	s5 =	sshll.u32 s27, $0x1;
	_ =	strace $0x80000049;
	[dreg:$0x1] =	wrdreg $0xFFFFFFFF  }
0x1f: {  	s28 =	simm.s32 $_size_execute0_lowered;
	s3 =	sadd.s32 s3, s5;
	[dreg:$0x0] =	wrdreg $0x0  }
0x20: {  	s5 =	sshll.u32 s28, $0x1;
	[dreg:$0x2] =	wrdreg s3  }
0x21: {  	[dreg:$0x3] =	wrdreg s5  }
0x22: {  	[dreg:$0x4] =	wrdreg $0xC0  }
0x23: {  	_ =	task [dreg:s7], $0x5FFFF  }
0x24: {  	[dreg:$0x1] =	wrdreg $0xFFFFFFFF  }
0x25: {  	[dreg:$0x0] =	wrdreg $0x60  }
0x26: {  	[dreg:$0x2] =	wrdreg s2  }
0x27: {  	[dreg:$0x3] =	wrdreg s25  }
0x28: {  	[dreg:$0x4] =	wrdreg $0x9  }
0x29: {  	_ =	task.clear_ibuf [dreg:s7], $0x5FFFF;
	_ =	strace $0x90000049  }
0x2a: {  	s29 =	simm.s32 $0x9;
	_ =	strace $0x8000004B  }
0x2b: {  	_ =	swait.ge [sflag:s29], $0x1  }
0x2c: {  	[sflag:s29] =	ssyncadd.s32 $0xFFFFFFFF  }
0x2d: {  	_ =	strace $0x9000004B  }
0x2e: {  	_ =	sfence  }
0x2f: {  	s30 =	sld [smem:$0x0];
	_ =	sdelay $0x2  }
0x30: {  	s31 =	sshll.u32 s1, $0xD;
	s1 =	sshrl.u32 s1, $0x2  }
0x31: {  	s3 =	sand.u32 $0x4000, s31;
	s1 =	sadd.s32 s1, s30  }
0x32: {  	s0 =	sor.u32 s3, s0;
	s1 =	sshll.u32 s1, $0x11  }
0x33: {  	s0 =	sor.u32 s1, s0  }
0x34: {  	s0 =	sadd.s32 $0x8F2B, s0  }
0x35: {  	[sflag:s0] =	ssyncadd.remote.s32 $0x1  }
0x36: {  	_ =	sfence.sel $0xFFFF  }
0x37: {  	[dreg:$0x0] =	wrdreg $0xFFFFFFFF;
	(pc) =	sbr.abs _section_cstart, $3  }
0x38: {  	[dreg:$0x1] =	wrdreg $0xFFFFFFFF  }
0x39: {  	_ =	task.clear_ibuf [dreg:s7], $0x2FFFF;
	_ =	strace $0x9FFFFFFF  }
0x3a: {  	(tm) =	ssettm $0x7FFFFFFF  }
0x3b: {  	_ =	shalt  }
tec
execute0_lowered:
.L_overlay_start_1:
0x0: {  	(tag) =	ssettag $0x1  }
0x1: {  	s0 =	stileid.u32;
	s1 =	srdreg.scid  }
0x2: {  	s4 =	rddreg [dreg:$0x1];
	s7 =	simm.s32 $0x1;
	s31 =	simm.s32 $0x2  }
0x3: {  	s16 =	simm.s32 $0x0;
	s2 =	sshll.u32 s0, $0x4;
	s1 =	sshll.u32 s1, $0x8  }
0x4: {  	s9 =	simm.s32 $0x4000;
	s14 =	simm.s32 $0x0;
	s1 =	sor.u32 s2, s1  }
0x5: {  	s15 =	simm.s32 $0x0;
	s10 =	simm.s32 $0x0;
	s3 =	sand.u32 $0x180, s1  }
0x6: {  	s13 =	simm.s32 $0x0;
	s2 =	rddreg [dreg:$0x0];
	s5 =	ssub.s32 $0x200, s3  }
0x7: {  	s4 =	sadd.s32 $0x294E00, s4;
	s1 =	rddreg [dreg:$0x2];
	s6 =	sand.u32 $0x180, s5  }
.Ltmp0:
0x8: {  	_ =	strace $0x8000004A;
	p0 =	sne.s32 s6, $0x0;
	(pc) =	sbr.rel .LBB1_1-.Ltmp0, $4  }
0x9: {  	s11 =	smov.u32 s3;
	s8 =	sshrl.u32 s5, $0x9;
	s7 =	simm.s32 @!p0 $0x0  }
0xa: {  	s5 =	sand.u32 $0x7, s0;
	s6 =	simm.s32 $0x1;
	s7 =	sadd.s32 s7, s8  }
0xb: {  	s12 =	smov.u32 s5;
	[sflag:s6] =	ssyncpa.u1 $0x0;
	s7 =	sshll.u32 s7, $0x5  }
0xc: {  	p0 =	por $0x0, $0x0;
	[sflag:s31] =	ssyncpa.u1 $0x0;
	s8 =	sor.u32 $0x1, s7  }
.LBB1_4:
0xd: {  	v5 =	vld [tilespmem:s19+$0xFFFFFFD0];
	[tilespmem:s20+$0x2040 ss:$0x81] =	vst.msk $0xffff, v1  }
0xe: {  	v58 =	vld [tilespmem:s19+$0xFFFFFFE0];
	[tilespmem:s20+$0x2850 ss:$0x81] =	vst.msk $0xffff, v2  }
0xf: {  	s21 =	sshra.s32 s21, $0x2;
	v59 =	vld [tilespmem:s19+$0xFFFFFFF0];
	[tilespmem:s20+$0x3060 ss:$0x81] =	vst.msk $0xffff, v3  }
0x10: {  	v60 =	vld [tilespmem:s19+$0x0];
	[tilespmem:s20+$0x0 ss:$0x81] =	vst.msk $0xffff, v0;
	s18 =	sadd.s32 s21, s18  }
0x11: {  	v61 =	vld [tilespmem:s19+$0x10];
	s25 =	sshll.u32 s16, $0x9;
	[tilespmem:s18+$0x3870 ss:$0x81] =	vst.msk $0xffff, v4  }
0x12: {  	s26 =	sshll.u32 s14, $0x3;
	v62 =	vld [tilespmem:s19+$0x20];
	s27 =	sshll.u32 s16, $0x7;
	s30 =	sand.u32 $0x78, s14;
	[tilespmem:s18+$0x810 ss:$0x81] =	vst.msk $0xffff, v5  }
0x13: {  	v63 =	vld [tilespmem:s19+$0xFFFFFFC0];
	s15 =	sshll.u32 s15, $0x12;
	s20 =	sand.u32 $0x3000, s25;
	s21 =	sand.u32 $0x3C00, s26;
	[tilespmem:s18+$0x1020 ss:$0x81] =	vst.msk $0xffff, v58  }
0x14: {  	s29 =	sand.u32 $0x200, s27;
	s16 =	sand.u32 $0x180, s27;
	s28 =	sadd.s32 s21, s20;
	[tilespmem:s18+$0x1830 ss:$0x81] =	vst.msk $0xffff, v59  }
0x15: {  	s31 =	sand.u32 $0x7, s14;
	s16 =	sor.u32 s30, s16;
	s19 =	sor.u32 s29, s28;
	[tilespmem:s18+$0x2040 ss:$0x81] =	vst.msk $0xffff, v60  }
0x16: {  	s15 =	sadd.s32 s4, s15;
	s16 =	sshrl.u32 s16, $0x3;
	s19 =	sshrl.u32 s19, $0x3;
	[tilespmem:s18+$0x2850 ss:$0x81] =	vst.msk $0xffff, v61  }
0x17: {  	s14 =	sshll.u32 s31, $0x12;
	s15 =	sadd.s32 s16, s15;
	[tilespmem:s18+$0x3060 ss:$0x81] =	vst.msk $0xffff, v62;
	s19 =	sand.u32 $0x7C0, s19  }
0x18: {  	s14 =	sor.u32 $0x80, s14;
	[tilespmem:s18+$0x0 ss:$0x81] =	vst.msk $0xffff, v63;
	s15 =	sadd.s32 s19, s15  }
0x19: {  	[hbm4b:s15+s14] =	stream.strided.scatter [tilespmem:s17], [sflag:$0x2], $0x4000, s9, s14, $0x20;
	[tilespmem:$0x10100] =	vst v63  }
.LBB1_5:
0x1a: {  	s17 =	sadd.s32 $0x1, s10  }
0x1b: {  	s14 =	sadd.s32 $0x200, s11;
	s18 =	smov.u32 s11;
	p2 =	sgt.s32 s17, $0x1F  }
0x1c: {  	s18 =	smov.u32 @p2 s14  }
0x1d: {  	s20 =	smov.u32 s12;
	s14 =	sadd.s32 $0x8, s12;
	p3 =	sgt.s32 s18, $0x1FF  }
0x1e: {  	s20 =	smov.u32 @p3 s14  }
0x1f: {  	s17 =	simm.s32 @p2 $0x0;
	p2 =	sgt.s32 s20, $0x7  }
0x20: {  	p1 =	slt.u32 s13, $0x2;
	s20 =	smov.u32 @p2 s5;
	p2 =	sne.s32 s13, s8  }
.Ltmp1:
0x21: {  	s19 =	simm.s32 @!p1 $0x2;
	(pc) =	sbr.rel @!p2 .LBB1_6-.Ltmp1, $4  }
0x22: {  	s16 =	smov.u32 s10;
	s15 =	smov.u32 s12;
	_ =	swait.ge @!p1 [sflag:s19], $0x4000  }
0x23: {  	p0 =	por !p0, !p0;
	[sflag:s19] =	ssyncset.done @!p1 $0x0;
	s10 =	smov.u32 s17  }
0x24: {  	s18 =	smov.u32 @p3 s3;
	s14 =	smov.u32 s11;
	[sflag:s19] =	ssyncadd.s32 @!p1 $0xFFFFC000  }
0x25: {  	s11 =	smov.u32 s18;
	s13 =	sadd.s32 $0x1, s13;
	s12 =	smov.u32 s20  }
.LBB1_1:
0x26: {  	p1 =	sge.u32 s13, s7;
	s31 =	sadd.s32 $0xFFFFFFFF, s13  }
0x27: {  	s17 =	sxor.u32 @!p1 $0xFFFFFFFF, s13;
	s18 =	sshll.u32 @!p1 s12, $0x12;
	s19 =	sshll.u32 @!p1 s11, $0x9  }
0x28: {  	s20 =	sshll.u32 @!p1 s10, $0x4;
	s17 =	sshll.u32 @!p1 s17, $0xE;
	s18 =	sadd.s32 @!p1 s2, s18  }
0x29: {  	s20 =	sand.u32 @!p1 $0x1F0, s20;
	s17 =	sand.u32 @!p1 $0x4000, s17;
	s18 =	sadd.s32 @!p1 s19, s18  }
0x2a: {  	s19 =	simm.s32 @!p1 $0x80;
	s18 =	sadd.s32 @!p1 s20, s18;
	s20 =	simm.s32 @!p1 $0x1000  }
0x2b: {  	[tilespmem:s17], [sflag:$0x1] =	stream.strided.gather @!p1 [hbm4b:s18+s19], $0x4000, s20, s19, $0x38;
	[tilespmem:$0x10100] =	vst v63  }
0x2c: {  	p1 =	sge.u32 s31, s7  }
.Ltmp2:
0x2d: {  	_ = 	snop;
	(pc) =	sbr.rel @p1 .LBB1_5-.Ltmp2, $1  }
0x2e: {  	_ =	sdelay $0x3  }
0x2f: {  	s17 =	simm.s32 $0x1  }
0x30: {  	_ =	swait.ge [sflag:s6], $0x4000;
	s17 =	simm.s32 @!p0 $0x0  }
0x31: {  	[sflag:s6] =	ssyncset.done $0x0;
	s18 =	sshll.u32 s17, $0xE  }
0x32: {  	[sflag:s6] =	ssyncadd.s32 $0xFFFFC000;
	s19 =	sor.u32 $0x40, s18  }
0x33: {  	s17 =	smul.u32 $0x10200, s17;
	v0 =	vld [tilespmem:s19+$0x30]  }
0x34: {  	v3 =	vld [tilespmem:s19+$0xFFFFFFD0]  }
0x35: {  	s17 =	sshrl.u32 s17, $0x2;
	v4 =	vld [tilespmem:s19+$0xFFFFFFE0]  }
0x36: {  	v5 =	vld [tilespmem:s19+$0xFFFFFFF0];
	s18 =	sor.u32 $0x8000, s17  }
0x37: {  	s31 =	sand.u32 $0x1, s13;
	v1 =	vld [tilespmem:s19+$0x0];
	s20 =	sadd.s32 $0x0, s18  }
0x38: {  	v2 =	vld [tilespmem:s19+$0x10];
	s17 =	smul.u32 $0x10200, s31;
	[tilespmem:s20+$0x3870 ss:$0x81] =	vst.msk $0xffff, v0  }
0x39: {  	[tilespmem:s20+$0x810 ss:$0x81] =	vst.msk $0xffff, v3;
	v3 =	vld [tilespmem:s19+$0x20]  }
0x3a: {  	s17 =	sshrl.u32 s17, $0x2;
	v0 =	vld [tilespmem:s19+$0xFFFFFFC0];
	[tilespmem:s20+$0x1020 ss:$0x81] =	vst.msk $0xffff, v4;
	s19 =	sadd.s32 $0x80, s19  }
0x3b: {  	s21 =	simm.s32 $0x4;
	s22 =	simm.s32 $0x8;
	s17 =	sor.u32 $0x8000, s17;
	[tilespmem:s20+$0x1830 ss:$0x81] =	vst.msk $0xffff, v5;
	v4 =	vld [tilespmem:s19+$0x30]  }
.LBB1_3:
0x3c: {  	p1 =	sne.s32 s22, $0x1FC;
	v5 =	vld [tilespmem:s19+$0xFFFFFFD0];
	[tilespmem:s20+$0x2040 ss:$0x81] =	vst.msk $0xffff, v1  }
0x3d: {  	v6 =	vld [tilespmem:s19+$0xFFFFFFE0];
	[tilespmem:s20+$0x2850 ss:$0x81] =	vst.msk $0xffff, v2  }
0x3e: {  	s23 =	sshra.s32 s21, $0x2;
	s21 =	smov.u32 s22;
	v7 =	vld [tilespmem:s19+$0xFFFFFFF0];
	[tilespmem:s20+$0x3060 ss:$0x81] =	vst.msk $0xffff, v3  }
.Ltmp3:
0x3f: {  	v1 =	vld [tilespmem:s19+$0x0];
	[tilespmem:s20+$0x0 ss:$0x81] =	vst.msk $0xffff, v0;
	s20 =	sadd.s32 s23, s18;
	(pc) =	sbr.rel @p1 .LBB1_3-.Ltmp3, $4  }
0x40: {  	v2 =	vld [tilespmem:s19+$0x10];
	[tilespmem:s20+$0x3870 ss:$0x81] =	vst.msk $0xffff, v4  }
0x41: {  	[tilespmem:s20+$0x810 ss:$0x81] =	vst.msk $0xffff, v5;
	v3 =	vld [tilespmem:s19+$0x20]  }
0x42: {  	v0 =	vld [tilespmem:s19+$0xFFFFFFC0];
	[tilespmem:s20+$0x1020 ss:$0x81] =	vst.msk $0xffff, v6;
	s19 =	sadd.s32 $0x80, s19  }
0x43: {  	s22 =	sadd.s32 $0x4, s22;
	v4 =	vld [tilespmem:s19+$0x30];
	[tilespmem:s20+$0x1830 ss:$0x81] =	vst.msk $0xffff, v7  }
.Ltmp4:
0x44: {  	_ = 	snop;
	(pc) =	sbr.rel .LBB1_4-.Ltmp4, $1  }
0x45: {  	_ =	sdelay $0x3  }
.LBB1_6:
0x46: {  	_ =	sfence.sel $0x180000  }
0x47: {  	s2 =	simm.s32 $0x1;
	[bflag:$0x0] =	sbarrier.arrive $0xFFFF  }
0x48: {  	s31 =	simm.s32 $0x2;
	[sflag:s2] =	ssyncpa.u1 $0x1  }
0x49: {  	[sflag:s31] =	ssyncpa.u1 $0x1  }
0x4a: {  	p0 =	sne.s32 s0, $0x0;
	_ =	strace $0x9000004A  }
0x4b: {  	s0 =	sadd.s32 @!p0 $0x100000, s1;
	[bflag:$0x2] =	sbarrier.arrive $0xFFFF  }
0x4c: {  	[sflag:s0] =	ssyncadd.tile.s32 @!p0 $0x1;
	_ =	shalt  }
.Lfunc_end1:
_tile_overlayer_lowered:
.L_overlay_start_2:
0x4d: {  	(tag) =	ssettag $0x2  }
0x4e: {  	s0 =	rddreg [dreg:$0x0];
	s2 =	stileid.u32  }
0x4f: {  	s1 =	rddreg [dreg:$0x1];
	p0 =	sne.s32 s2, $0x0  }
0x50: {  	s3 =	rddreg [dreg:$0x2];
	[bflag:$0x3] =	sbarrier.arrive $0xFFFF;
	s2 =	simm.s32 @!p0 $0x1C01  }
0x51: {  	[timem:s3], [sflag:s2] =	dma.local @!p0 [hbm:s0], s1  }
0x52: {  	s0 =	simm.s32 @!p0 $0x1  }
0x53: {  	_ =	swait.ge @!p0 [sflag:s0], s1  }
0x54: {  	s1 =	ssub.s32 @!p0 $0x0, s1;
	[sflag:s0] =	ssyncset.done @!p0 $0x0  }
0x55: {  	[sflag:s0] =	ssyncadd.s32 @!p0 s1  }
0x56: {  	[bflag:$0x3] =	sbarrier.arrive $0xFFFF  }
0x57: {  	_ =	shalt  }

</sc_bundles>
